<compile_context>
chip_gen: v7x
topology: tpu7x:2x2x1
jax: 0.10.2.dev20260603
libtpu: 0.0.44.dev20260713+nightly
codegen_flags: <defaults>
</compile_context>

<pallas_src>
import functools

import jax
import jax.numpy as jnp
from jax import lax
from jax.experimental import pallas as pl
from jax.experimental.pallas import tpu as pltpu
from jax.experimental.pallas import tpu_sc as plsc

NUM_CORES = 2
NUM_SUBCORES = 16
LANES = 16
NUM_WORKERS = NUM_CORES * NUM_SUBCORES

_B = 8192
_T = 2048
K_SC = 4096
ROWS_PER_WORKER = K_SC // NUM_WORKERS
GROUP = 16
NUM_GROUPS = ROWS_PER_WORKER // GROUP
VECS_PER_ROW = _T // LANES

TC_BLOCK = 1024


def _sc_body(x_hbm, w_hbm, out_hbm, buf_a, buf_b, wv, outv, sem_a, sem_b):
    cid = lax.axis_index("c")
    sid = lax.axis_index("s")
    wid = cid * NUM_SUBCORES + sid
    base_row = wid * ROWS_PER_WORKER

    pltpu.sync_copy(w_hbm, wv)

    bufs = (buf_a, buf_b)
    sems = (sem_a, sem_b)

    handles = [None, None]
    handles[0] = pltpu.async_copy(
        x_hbm.at[pl.ds(base_row * _T, GROUP * _T)], bufs[0], sems[0])

    iota = lax.iota(jnp.int32, LANES)
    inv_t = jnp.full((LANES,), 1.0 / _T, jnp.float32)
    one = jnp.full((LANES,), 1.0, jnp.float32)
    t_f = jnp.full((LANES,), float(_T), jnp.float32)
    lo = jnp.full((LANES,), 1e-07, jnp.float32)
    hi = jnp.full((LANES,), 1.0 - 1e-07, jnp.float32)
    aw = wv[0]
    ew = wv[1]
    yw = wv[2]

    for g in range(NUM_GROUPS):
        par = g % 2
        handles[par].wait()
        if g + 1 < NUM_GROUPS:
            handles[1 - par] = pltpu.async_copy(
                x_hbm.at[pl.ds((base_row + (g + 1) * GROUP) * _T, GROUP * _T)],
                bufs[1 - par], sems[1 - par])
        buf = bufs[par]

        zero = jnp.zeros((LANES,), jnp.int32)
        carry0 = (zero,) * (2 * GROUP)

        def body(j, carry, buf=buf):
            off = j * LANES
            accs = list(carry)
            for r in range(GROUP):
                v = buf[pl.ds(off + r * _T, LANES)]
                accs[r] = accs[r] + v
                accs[GROUP + r] = accs[GROUP + r] + (v >> 1)
            return tuple(accs)

        accs = lax.fori_loop(0, VECS_PER_ROW, body, carry0)

        s_tot = jnp.zeros((LANES,), jnp.int32)
        c2_tot = jnp.zeros((LANES,), jnp.int32)
        for r in range(GROUP):
            lane_is_r = iota == r
            s_tot = jnp.where(lane_is_r, jnp.sum(accs[r]), s_tot)
            c2_tot = jnp.where(lane_is_r, jnp.sum(accs[GROUP + r]), c2_tot)

        s_f = s_tot.astype(jnp.float32)
        c2_f = c2_tot.astype(jnp.float32)
        c1_f = s_f - c2_f - c2_f
        c0_f = t_f - s_f + c2_f
        f0 = c0_f * inv_t
        f1 = c1_f * inv_t
        f2 = c2_f * inv_t
        contrib = f0 * aw + f1 * ew + f2 * yw
        mult = one / (one + jnp.exp(-(f0 + f0)))
        z = contrib * (one + mult)
        d = one / (one + jnp.exp(-z))
        d = jnp.minimum(jnp.maximum(d, lo), hi)
        outv[pl.ds(g * GROUP, GROUP)] = d

    pltpu.sync_copy(outv, out_hbm.at[pl.ds(base_row, ROWS_PER_WORKER)])


def _tc_block_result(x_flat, w_ref):
    x = jnp.reshape(x_flat, (TC_BLOCK, _T))
    s = jnp.sum(x, axis=1)
    c2 = jnp.sum(x >> 1, axis=1)
    s_f = s.astype(jnp.float32)
    c2_f = c2.astype(jnp.float32)
    c1_f = s_f - c2_f - c2_f
    c0_f = float(_T) - s_f + c2_f
    inv_t = 1.0 / _T
    f0 = c0_f * inv_t
    f1 = c1_f * inv_t
    f2 = c2_f * inv_t
    aw = w_ref[0, 0]
    ew = w_ref[1, 0]
    yw = w_ref[2, 0]
    contrib = f0 * aw + f1 * ew + f2 * yw
    mult = 1.0 / (1.0 + jnp.exp(-(f0 + f0)))
    z = contrib * (1.0 + mult)
    d = 1.0 / (1.0 + jnp.exp(-z))
    return jnp.clip(d, 1e-07, 1.0 - 1e-07)


def _tc_body(x_ref, w_ref, o_ref):
    o_ref[...] = _tc_block_result(x_ref[...], w_ref)


@jax.jit
def _drowsiness_hybrid(x1d, w):
    mesh = plsc.VectorSubcoreMesh(
        core_axis_name="c", subcore_axis_name="s",
        num_cores=NUM_CORES, num_subcores=NUM_SUBCORES)
    sc_out = pl.kernel(
        _sc_body,
        out_type=jax.ShapeDtypeStruct((K_SC,), jnp.float32),
        mesh=mesh,
        compiler_params=pltpu.CompilerParams(
            needs_layout_passes=False, use_tc_tiling_on_sc=True,
            skip_device_barrier=True),
        scratch_types=[
            pltpu.VMEM((GROUP * _T,), jnp.int32),
            pltpu.VMEM((GROUP * _T,), jnp.int32),
            pltpu.VMEM((3, LANES), jnp.float32),
            pltpu.VMEM((ROWS_PER_WORKER,), jnp.float32),
            pltpu.SemaphoreType.DMA,
            pltpu.SemaphoreType.DMA,
        ],
    )(x1d, w)

    n_tc = _B - K_SC
    tc_out = pl.pallas_call(
        _tc_body,
        grid=(n_tc // TC_BLOCK,),
        in_specs=[
            pl.BlockSpec((TC_BLOCK * _T,),
                         lambda i: (i + K_SC // TC_BLOCK,)),
            pl.BlockSpec((3, LANES), lambda i: (0, 0)),
        ],
        out_specs=pl.BlockSpec((TC_BLOCK,), lambda i: (i,)),
        out_shape=jax.ShapeDtypeStruct((n_tc,), jnp.float32),
    )(x1d, w)

    return jnp.concatenate([sc_out, tc_out])


def kernel(inputs, attention_weight, eyesclosed_weight, yawning_weight):
    x1d = jnp.reshape(inputs, (_B * _T,))
    w = jnp.stack([
        jnp.broadcast_to(attention_weight.astype(jnp.float32), (LANES,)),
        jnp.broadcast_to(eyesclosed_weight.astype(jnp.float32), (LANES,)),
        jnp.broadcast_to(yawning_weight.astype(jnp.float32), (LANES,)),
    ])
    out = _drowsiness_hybrid(x1d, w)
    return jnp.reshape(out, (-1, 1))

# --- scband reference (transcript-rebuilt; emitter-appended) ---
"""Pipeline reference for scband-drowsiness-index-layer-42580305772645 (READ-ONLY COPY).

The authoritative reference and input builder live on the scoring server;
editing this copy changes nothing except your own understanding.
"""

import jax, jax.numpy as jnp
import numpy as np

NUM_GESTURES = 3
B = 8192
T = 2048

def setup_inputs(seed: int = 0) -> dict:
    key = jax.random.key(seed)
    k1, k2, k3, k4 = jax.random.split(key, 4)
    inputs = jax.random.randint(k1, (B, T, 1), 0, NUM_GESTURES, dtype=jnp.int32)
    # attention_weight initialized uniform in [-2.0, -0.1]
    attention_weight = -(jax.random.uniform(k2, (1,), dtype=jnp.float32) * 1.9 + 0.1)
    # eyesclosed_weight uniform in [0.0, 1.5], constrained min 0.1
    eyesclosed_weight = jnp.maximum(jax.random.uniform(k3, (1,), dtype=jnp.float32) * 1.5, 0.1)
    # yawning_weight uniform in [0.0, 1.0], constrained min 0.1
    yawning_weight = jnp.maximum(jax.random.uniform(k4, (1,), dtype=jnp.float32), 0.1)
    return {
        "inputs": inputs,
        "attention_weight": attention_weight,
        "eyesclosed_weight": eyesclosed_weight,
        "yawning_weight": yawning_weight,
    }

def reference(inputs, attention_weight, eyesclosed_weight, yawning_weight):
    # tf.cast(tf.squeeze(inputs, axis=-1), tf.int32)
    inputs_int = jnp.squeeze(inputs, axis=-1).astype(jnp.int32)  # [B, T]
    # tf.one_hot(inputs_int, depth=num_gestures)
    one_hot = jax.nn.one_hot(inputs_int, NUM_GESTURES, dtype=jnp.float32)  # [B, T, 3]
    # tf.reduce_sum(one_hot, axis=1, keepdims=True)
    gesture_counts = jnp.sum(one_hot, axis=1, keepdims=True)  # [B, 1, 3]
    # tf.maximum(tf.reduce_sum(gesture_counts, axis=2, keepdims=True), 1.0)
    total_gestures = jnp.maximum(jnp.sum(gesture_counts, axis=2, keepdims=True), 1.0)  # [B, 1, 1]
    gesture_freqs = gesture_counts / total_gestures  # [B, 1, 3]
    attention_freq = gesture_freqs[:, :, 0]  # [B, 1]
    eyesclosed_freq = gesture_freqs[:, :, 1]
    yawning_freq = gesture_freqs[:, :, 2]
    drowsiness_contribution = (attention_freq * attention_weight
                               + eyesclosed_freq * eyesclosed_weight
                               + yawning_freq * yawning_weight)
    attention_effect_multiplier = jax.nn.sigmoid(attention_freq * 2.0)
    drowsiness_index = jax.nn.sigmoid(drowsiness_contribution * (1.0 + attention_effect_multiplier))
    drowsiness_index = jnp.clip(drowsiness_index, 1e-07, 1.0 - 1e-07)
    return jnp.reshape(drowsiness_index, (-1, 1))

if __name__ == "__main__":
    import jax
    _d = setup_inputs()
    print(jax.jit(kernel)(*tuple(_d.values())))

</pallas_src>

<mosaic_0001>
#map = affine_map<(d0, d1) -> (0)>
#map1 = affine_map<(d0, d1) -> (0, 0)>
module attributes {stable_mosaic.version = 14 : i64} {
  func.func @_sc_body(%arg0: i32, %arg1: i32, %arg2: memref<16777216xi32, #tpu.memory_space<hbm>>, %arg3: memref<3x16xf32, #tpu.memory_space<hbm>>, %arg4: memref<4096xf32, #tpu.memory_space<hbm>>, %arg5: memref<32768xi32, #tpu.memory_space<vmem>>, %arg6: memref<32768xi32, #tpu.memory_space<vmem>>, %arg7: memref<3x16xf32, #tpu.memory_space<vmem>>, %arg8: memref<128xf32, #tpu.memory_space<vmem>>, %arg9: memref<!tpu.dma_semaphore, #tpu.memory_space<semaphore_mem>>, %arg10: memref<!tpu.dma_semaphore, #tpu.memory_space<semaphore_mem>>) attributes {dimension_semantics = [#tpu.dimension_semantics<core_parallel>, #tpu.dimension_semantics<subcore_parallel>], iteration_bounds = array<i64: 2, 16>, scalar_prefetch = 0 : i64, scratch_operands = 6 : i64, tpu.core_type = #tpu.core_type<sc_vector_subcore>, window_params = [{transform_indices = #map}, {transform_indices = #map1}, {transform_indices = #map}]} {
    %mul3A = arith.constant 16 : i32
    %mul3A_0 = arith.muli %arg0, %mul3A : i32
    %add3A = arith.addi %mul3A_0, %arg1 : i32
    %mul3A_1 = arith.constant 128 : i32
    %mul3A_2 = arith.muli %add3A, %mul3A_1 : i32
    "tpu.region"() ({
      %run_scoped3A = tpu.sem_alloc : memref<!tpu.dma_semaphore, #tpu.memory_space<semaphore_mem>>
      tpu.enqueue_dma source(%arg3 : memref<3x16xf32, #tpu.memory_space<hbm>>) target(%arg7 : memref<3x16xf32, #tpu.memory_space<vmem>>) target_semaphore(%run_scoped3A : memref<!tpu.dma_semaphore, #tpu.memory_space<semaphore_mem>>)
      tpu.wait_dma2 semaphore(%run_scoped3A : memref<!tpu.dma_semaphore, #tpu.memory_space<semaphore_mem>>) src(%arg3 : memref<3x16xf32, #tpu.memory_space<hbm>>) dst(%arg7 : memref<3x16xf32, #tpu.memory_space<vmem>>)
      tpu.yield
    }) : () -> ()
    %mul3A_3 = arith.constant 2048 : i32
    %mul3A_4 = arith.muli %mul3A_2, %mul3A_3 : i32
    %dma_start3A = tpu.memref_slice %arg2[%mul3A_4] : memref<16777216xi32, #tpu.memory_space<hbm>> -> memref<32768xi32, #tpu.memory_space<hbm>>
    %dma_start3A_5 = tpu.memref_slice %arg2[%mul3A_4] : memref<16777216xi32, #tpu.memory_space<hbm>> -> memref<32768xi32, #tpu.memory_space<hbm>>
    tpu.enqueue_dma source(%dma_start3A_5 : memref<32768xi32, #tpu.memory_space<hbm>>) target(%arg5 : memref<32768xi32, #tpu.memory_space<vmem>>) target_semaphore(%arg9 : memref<!tpu.dma_semaphore, #tpu.memory_space<semaphore_mem>>)
    %iota3A = tpu.iota {dimensions = array<i32: 0>} : vector<16xi32>
    %broadcast_in_dim3A = arith.constant 4.8828125E-4 : f32
    %broadcast_in_dim3A_6 = vector.broadcast %broadcast_in_dim3A : f32 to vector<16xf32>
    %broadcast_in_dim3A_7 = arith.constant 1.000000e+00 : f32
    %broadcast_in_dim3A_8 = vector.broadcast %broadcast_in_dim3A_7 : f32 to vector<16xf32>
    %broadcast_in_dim3A_9 = arith.constant 2.048000e+03 : f32
    %broadcast_in_dim3A_10 = vector.broadcast %broadcast_in_dim3A_9 : f32 to vector<16xf32>
    %broadcast_in_dim3A_11 = arith.constant 1.000000e-07 : f32
    %broadcast_in_dim3A_12 = vector.broadcast %broadcast_in_dim3A_11 : f32 to vector<16xf32>
    %broadcast_in_dim3A_13 = arith.constant 0.99999988 : f32
    %broadcast_in_dim3A_14 = vector.broadcast %broadcast_in_dim3A_13 : f32 to vector<16xf32>
    %get3A = arith.constant 0 : i32
    %get3A_15 = arith.index_cast %get3A : i32 to index
    %get3A_16 = arith.constant 0 : index
    %get3A_17 = tpu.vector_load %arg7[%get3A_15, %get3A_16] {strides = array<i32>} : memref<3x16xf32, #tpu.memory_space<vmem>>, vector<16xf32>,
    %get3A_18 = arith.constant 1 : i32
    %get3A_19 = arith.index_cast %get3A_18 : i32 to index
    %get3A_20 = arith.constant 0 : index
    %get3A_21 = tpu.vector_load %arg7[%get3A_19, %get3A_20] {strides = array<i32>} : memref<3x16xf32, #tpu.memory_space<vmem>>, vector<16xf32>,
    %get3A_22 = arith.constant 2 : i32
    %get3A_23 = arith.index_cast %get3A_22 : i32 to index
    %get3A_24 = arith.constant 0 : index
    %get3A_25 = tpu.vector_load %arg7[%get3A_23, %get3A_24] {strides = array<i32>} : memref<3x16xf32, #tpu.memory_space<vmem>>, vector<16xf32>,
    %dma_wait3A = tpu.memref_slice %arg2[%mul3A_4] : memref<16777216xi32, #tpu.memory_space<hbm>> -> memref<32768xi32, #tpu.memory_space<hbm>>
    %dma_wait3A_26 = tpu.memref_slice %arg2[%mul3A_4] : memref<16777216xi32, #tpu.memory_space<hbm>> -> memref<32768xi32, #tpu.memory_space<hbm>>
    tpu.wait_dma2 semaphore(%arg9 : memref<!tpu.dma_semaphore, #tpu.memory_space<semaphore_mem>>) src(%dma_wait3A_26 : memref<32768xi32, #tpu.memory_space<hbm>>) dst(%arg5 : memref<32768xi32, #tpu.memory_space<vmem>>)
    %add3A_27 = arith.constant 16 : i32
    %add3A_28 = arith.addi %mul3A_2, %add3A_27 : i32
    %mul3A_29 = arith.constant 2048 : i32
    %mul3A_30 = arith.muli %add3A_28, %mul3A_29 : i32
    %dma_start3A_31 = tpu.memref_slice %arg2[%mul3A_30] : memref<16777216xi32, #tpu.memory_space<hbm>> -> memref<32768xi32, #tpu.memory_space<hbm>>
    %dma_start3A_32 = tpu.memref_slice %arg2[%mul3A_30] : memref<16777216xi32, #tpu.memory_space<hbm>> -> memref<32768xi32, #tpu.memory_space<hbm>>
    tpu.enqueue_dma source(%dma_start3A_32 : memref<32768xi32, #tpu.memory_space<hbm>>) target(%arg6 : memref<32768xi32, #tpu.memory_space<vmem>>) target_semaphore(%arg10 : memref<!tpu.dma_semaphore, #tpu.memory_space<semaphore_mem>>)
    %broadcast_in_dim3A_33 = arith.constant 0 : i32
    %broadcast_in_dim3A_34 = vector.broadcast %broadcast_in_dim3A_33 : i32 to vector<16xi32>
    %scan3A = arith.constant 0 : i32
    %scan3A_35 = arith.constant 128 : i32
    %scan3A_36 = arith.addi %scan3A, %scan3A_35 : i32
    %scan3A_37 = arith.constant 1 : i32
    %scan3A_38:32 = scf.for %scan3A_2351 = %scan3A to %scan3A_36 step %scan3A_37 iter_args(%scan3A_2352 = %broadcast_in_dim3A_34, %scan3A_2353 = %broadcast_in_dim3A_34, %scan3A_2354 = %broadcast_in_dim3A_34, %scan3A_2355 = %broadcast_in_dim3A_34, %scan3A_2356 = %broadcast_in_dim3A_34, %scan3A_2357 = %broadcast_in_dim3A_34, %scan3A_2358 = %broadcast_in_dim3A_34, %scan3A_2359 = %broadcast_in_dim3A_34, %scan3A_2360 = %broadcast_in_dim3A_34, %scan3A_2361 = %broadcast_in_dim3A_34, %scan3A_2362 = %broadcast_in_dim3A_34, %scan3A_2363 = %broadcast_in_dim3A_34, %scan3A_2364 = %broadcast_in_dim3A_34, %scan3A_2365 = %broadcast_in_dim3A_34, %scan3A_2366 = %broadcast_in_dim3A_34, %scan3A_2367 = %broadcast_in_dim3A_34, %scan3A_2368 = %broadcast_in_dim3A_34, %scan3A_2369 = %broadcast_in_dim3A_34, %scan3A_2370 = %broadcast_in_dim3A_34, %scan3A_2371 = %broadcast_in_dim3A_34, %scan3A_2372 = %broadcast_in_dim3A_34, %scan3A_2373 = %broadcast_in_dim3A_34, %scan3A_2374 = %broadcast_in_dim3A_34, %scan3A_2375 = %broadcast_in_dim3A_34, %scan3A_2376 = %broadcast_in_dim3A_34, %scan3A_2377 = %broadcast_in_dim3A_34, %scan3A_2378 = %broadcast_in_dim3A_34, %scan3A_2379 = %broadcast_in_dim3A_34, %scan3A_2380 = %broadcast_in_dim3A_34, %scan3A_2381 = %broadcast_in_dim3A_34, %scan3A_2382 = %broadcast_in_dim3A_34, %scan3A_2383 = %broadcast_in_dim3A_34) -> (vector<16xi32>, vector<16xi32>, vector<16xi32>, vector<16xi32>, vector<16xi32>, vector<16xi32>, vector<16xi32>, vector<16xi32>, vector<16xi32>, vector<16xi32>, vector<16xi32>, vector<16xi32>, vector<16xi32>, vector<16xi32>, vector<16xi32>, vector<16xi32>, vector<16xi32>, vector<16xi32>, vector<16xi32>, vector<16xi32>, vector<16xi32>, vector<16xi32>, vector<16xi32>, vector<16xi32>, vector<16xi32>, vector<16xi32>, vector<16xi32>, vector<16xi32>, vector<16xi32>, vector<16xi32>, vector<16xi32>, vector<16xi32>)  : i32 {
      %mul3A_2384 = arith.constant 16 : i32
      %mul3A_2385 = arith.muli %scan3A_2351, %mul3A_2384 : i32
      %add3A_2386 = arith.constant 0 : i32
      %add3A_2387 = arith.addi %mul3A_2385, %add3A_2386 : i32
      %get3A_2388 = arith.index_cast %add3A_2387 : i32 to index
      %get3A_2389 = tpu.vector_load %arg5[%get3A_2388] {strides = array<i32>} : memref<32768xi32, #tpu.memory_space<vmem>>, vector<16xi32>,
      %add3A_2390 = arith.addi %scan3A_2352, %get3A_2389 : vector<16xi32>
      %shift_right_arithmetic3A = arith.constant 1 : i32
      %shift_right_arithmetic3A_2391 = vector.broadcast %shift_right_arithmetic3A : i32 to vector<16xi32>
      %shift_right_arithmetic3A_2392 = arith.shrsi %get3A_2389, %shift_right_arithmetic3A_2391 : vector<16xi32>
      %add3A_2393 = arith.addi %scan3A_2368, %shift_right_arithmetic3A_2392 : vector<16xi32>
      %add3A_2394 = arith.constant 2048 : i32
      %add3A_2395 = arith.addi %mul3A_2385, %add3A_2394 : i32
      %get3A_2396 = arith.index_cast %add3A_2395 : i32 to index
      %get3A_2397 = tpu.vector_load %arg5[%get3A_2396] {strides = array<i32>} : memref<32768xi32, #tpu.memory_space<vmem>>, vector<16xi32>,
      %add3A_2398 = arith.addi %scan3A_2353, %get3A_2397 : vector<16xi32>
      %shift_right_arithmetic3A_2399 = arith.constant 1 : i32
      %shift_right_arithmetic3A_2400 = vector.broadcast %shift_right_arithmetic3A_2399 : i32 to vector<16xi32>
      %shift_right_arithmetic3A_2401 = arith.shrsi %get3A_2397, %shift_right_arithmetic3A_2400 : vector<16xi32>
      %add3A_2402 = arith.addi %scan3A_2369, %shift_right_arithmetic3A_2401 : vector<16xi32>
      %add3A_2403 = arith.constant 4096 : i32
      %add3A_2404 = arith.addi %mul3A_2385, %add3A_2403 : i32
      %get3A_2405 = arith.index_cast %add3A_2404 : i32 to index
      %get3A_2406 = tpu.vector_load %arg5[%get3A_2405] {strides = array<i32>} : memref<32768xi32, #tpu.memory_space<vmem>>, vector<16xi32>,
      %add3A_2407 = arith.addi %scan3A_2354, %get3A_2406 : vector<16xi32>
      %shift_right_arithmetic3A_2408 = arith.constant 1 : i32
      %shift_right_arithmetic3A_2409 = vector.broadcast %shift_right_arithmetic3A_2408 : i32 to vector<16xi32>
      %shift_right_arithmetic3A_2410 = arith.shrsi %get3A_2406, %shift_right_arithmetic3A_2409 : vector<16xi32>
      %add3A_2411 = arith.addi %scan3A_2370, %shift_right_arithmetic3A_2410 : vector<16xi32>
      %add3A_2412 = arith.constant 6144 : i32
      %add3A_2413 = arith.addi %mul3A_2385, %add3A_2412 : i32
      %get3A_2414 = arith.index_cast %add3A_2413 : i32 to index
      %get3A_2415 = tpu.vector_load %arg5[%get3A_2414] {strides = array<i32>} : memref<32768xi32, #tpu.memory_space<vmem>>, vector<16xi32>,
      %add3A_2416 = arith.addi %scan3A_2355, %get3A_2415 : vector<16xi32>
      %shift_right_arithmetic3A_2417 = arith.constant 1 : i32
      %shift_right_arithmetic3A_2418 = vector.broadcast %shift_right_arithmetic3A_2417 : i32 to vector<16xi32>
      %shift_right_arithmetic3A_2419 = arith.shrsi %get3A_2415, %shift_right_arithmetic3A_2418 : vector<16xi32>
      %add3A_2420 = arith.addi %scan3A_2371, %shift_right_arithmetic3A_2419 : vector<16xi32>
      %add3A_2421 = arith.constant 8192 : i32
      %add3A_2422 = arith.addi %mul3A_2385, %add3A_2421 : i32
      %get3A_2423 = arith.index_cast %add3A_2422 : i32 to index
      %get3A_2424 = tpu.vector_load %arg5[%get3A_2423] {strides = array<i32>} : memref<32768xi32, #tpu.memory_space<vmem>>, vector<16xi32>,
      %add3A_2425 = arith.addi %scan3A_2356, %get3A_2424 : vector<16xi32>
      %shift_right_arithmetic3A_2426 = arith.constant 1 : i32
      %shift_right_arithmetic3A_2427 = vector.broadcast %shift_right_arithmetic3A_2426 : i32 to vector<16xi32>
      %shift_right_arithmetic3A_2428 = arith.shrsi %get3A_2424, %shift_right_arithmetic3A_2427 : vector<16xi32>
      %add3A_2429 = arith.addi %scan3A_2372, %shift_right_arithmetic3A_2428 : vector<16xi32>
      %add3A_2430 = arith.constant 10240 : i32
      %add3A_2431 = arith.addi %mul3A_2385, %add3A_2430 : i32
      %get3A_2432 = arith.index_cast %add3A_2431 : i32 to index
      %get3A_2433 = tpu.vector_load %arg5[%get3A_2432] {strides = array<i32>} : memref<32768xi32, #tpu.memory_space<vmem>>, vector<16xi32>,
      %add3A_2434 = arith.addi %scan3A_2357, %get3A_2433 : vector<16xi32>
      %shift_right_arithmetic3A_2435 = arith.constant 1 : i32
      %shift_right_arithmetic3A_2436 = vector.broadcast %shift_right_arithmetic3A_2435 : i32 to vector<16xi32>
      %shift_right_arithmetic3A_2437 = arith.shrsi %get3A_2433, %shift_right_arithmetic3A_2436 : vector<16xi32>
      %add3A_2438 = arith.addi %scan3A_2373, %shift_right_arithmetic3A_2437 : vector<16xi32>
      %add3A_2439 = arith.constant 12288 : i32
      %add3A_2440 = arith.addi %mul3A_2385, %add3A_2439 : i32
      %get3A_2441 = arith.index_cast %add3A_2440 : i32 to index
      %get3A_2442 = tpu.vector_load %arg5[%get3A_2441] {strides = array<i32>} : memref<32768xi32, #tpu.memory_space<vmem>>, vector<16xi32>,
      %add3A_2443 = arith.addi %scan3A_2358, %get3A_2442 : vector<16xi32>
      %shift_right_arithmetic3A_2444 = arith.constant 1 : i32
      %shift_right_arithmetic3A_2445 = vector.broadcast %shift_right_arithmetic3A_2444 : i32 to vector<16xi32>
      %shift_right_arithmetic3A_2446 = arith.shrsi %get3A_2442, %shift_right_arithmetic3A_2445 : vector<16xi32>
      %add3A_2447 = arith.addi %scan3A_2374, %shift_right_arithmetic3A_2446 : vector<16xi32>
      %add3A_2448 = arith.constant 14336 : i32
      %add3A_2449 = arith.addi %mul3A_2385, %add3A_2448 : i32
      %get3A_2450 = arith.index_cast %add3A_2449 : i32 to index
      %get3A_2451 = tpu.vector_load %arg5[%get3A_2450] {strides = array<i32>} : memref<32768xi32, #tpu.memory_space<vmem>>, vector<16xi32>,
      %add3A_2452 = arith.addi %scan3A_2359, %get3A_2451 : vector<16xi32>
      %shift_right_arithmetic3A_2453 = arith.constant 1 : i32
      %shift_right_arithmetic3A_2454 = vector.broadcast %shift_right_arithmetic3A_2453 : i32 to vector<16xi32>
      %shift_right_arithmetic3A_2455 = arith.shrsi %get3A_2451, %shift_right_arithmetic3A_2454 : vector<16xi32>
      %add3A_2456 = arith.addi %scan3A_2375, %shift_right_arithmetic3A_2455 : vector<16xi32>
      %add3A_2457 = arith.constant 16384 : i32
      %add3A_2458 = arith.addi %mul3A_2385, %add3A_2457 : i32
      %get3A_2459 = arith.index_cast %add3A_2458 : i32 to index
      %get3A_2460 = tpu.vector_load %arg5[%get3A_2459] {strides = array<i32>} : memref<32768xi32, #tpu.memory_space<vmem>>, vector<16xi32>,
      %add3A_2461 = arith.addi %scan3A_2360, %get3A_2460 : vector<16xi32>
      %shift_right_arithmetic3A_2462 = arith.constant 1 : i32
      %shift_right_arithmetic3A_2463 = vector.broadcast %shift_right_arithmetic3A_2462 : i32 to vector<16xi32>
      %shift_right_arithmetic3A_2464 = arith.shrsi %get3A_2460, %shift_right_arithmetic3A_2463 : vector<16xi32>
      %add3A_2465 = arith.addi %scan3A_2376, %shift_right_arithmetic3A_2464 : vector<16xi32>
      %add3A_2466 = arith.constant 18432 : i32
      %add3A_2467 = arith.addi %mul3A_2385, %add3A_2466 : i32
      %get3A_2468 = arith.index_cast %add3A_2467 : i32 to index
      %get3A_2469 = tpu.vector_load %arg5[%get3A_2468] {strides = array<i32>} : memref<32768xi32, #tpu.memory_space<vmem>>, vector<16xi32>,
      %add3A_2470 = arith.addi %scan3A_2361, %get3A_2469 : vector<16xi32>
      %shift_right_arithmetic3A_2471 = arith.constant 1 : i32
      %shift_right_arithmetic3A_2472 = vector.broadcast %shift_right_arithmetic3A_2471 : i32 to vector<16xi32>
      %shift_right_arithmetic3A_2473 = arith.shrsi %get3A_2469, %shift_right_arithmetic3A_2472 : vector<16xi32>
      %add3A_2474 = arith.addi %scan3A_2377, %shift_right_arithmetic3A_2473 : vector<16xi32>
      %add3A_2475 = arith.constant 20480 : i32
      %add3A_2476 = arith.addi %mul3A_2385, %add3A_2475 : i32
      %get3A_2477 = arith.index_cast %add3A_2476 : i32 to index
      %get3A_2478 = tpu.vector_load %arg5[%get3A_2477] {strides = array<i32>} : memref<32768xi32, #tpu.memory_space<vmem>>, vector<16xi32>,
      %add3A_2479 = arith.addi %scan3A_2362, %get3A_2478 : vector<16xi32>
      %shift_right_arithmetic3A_2480 = arith.constant 1 : i32
      %shift_right_arithmetic3A_2481 = vector.broadcast %shift_right_arithmetic3A_2480 : i32 to vector<16xi32>
      %shift_right_arithmetic3A_2482 = arith.shrsi %get3A_2478, %shift_right_arithmetic3A_2481 : vector<16xi32>
      %add3A_2483 = arith.addi %scan3A_2378, %shift_right_arithmetic3A_2482 : vector<16xi32>
      %add3A_2484 = arith.constant 22528 : i32
      %add3A_2485 = arith.addi %mul3A_2385, %add3A_2484 : i32
      %get3A_2486 = arith.index_cast %add3A_2485 : i32 to index
      %get3A_2487 = tpu.vector_load %arg5[%get3A_2486] {strides = array<i32>} : memref<32768xi32, #tpu.memory_space<vmem>>, vector<16xi32>,
      %add3A_2488 = arith.addi %scan3A_2363, %get3A_2487 : vector<16xi32>
      %shift_right_arithmetic3A_2489 = arith.constant 1 : i32
      %shift_right_arithmetic3A_2490 = vector.broadcast %shift_right_arithmetic3A_2489 : i32 to vector<16xi32>
      %shift_right_arithmetic3A_2491 = arith.shrsi %get3A_2487, %shift_right_arithmetic3A_2490 : vector<16xi32>
      %add3A_2492 = arith.addi %scan3A_2379, %shift_right_arithmetic3A_2491 : vector<16xi32>
      %add3A_2493 = arith.constant 24576 : i32
      %add3A_2494 = arith.addi %mul3A_2385, %add3A_2493 : i32
      %get3A_2495 = arith.index_cast %add3A_2494 : i32 to index
      %get3A_2496 = tpu.vector_load %arg5[%get3A_2495] {strides = array<i32>} : memref<32768xi32, #tpu.memory_space<vmem>>, vector<16xi32>,
      %add3A_2497 = arith.addi %scan3A_2364, %get3A_2496 : vector<16xi32>
      %shift_right_arithmetic3A_2498 = arith.constant 1 : i32
      %shift_right_arithmetic3A_2499 = vector.broadcast %shift_right_arithmetic3A_2498 : i32 to vector<16xi32>
      %shift_right_arithmetic3A_2500 = arith.shrsi %get3A_2496, %shift_right_arithmetic3A_2499 : vector<16xi32>
      %add3A_2501 = arith.addi %scan3A_2380, %shift_right_arithmetic3A_2500 : vector<16xi32>
      %add3A_2502 = arith.constant 26624 : i32
      %add3A_2503 = arith.addi %mul3A_2385, %add3A_2502 : i32
      %get3A_2504 = arith.index_cast %add3A_2503 : i32 to index
      %get3A_2505 = tpu.vector_load %arg5[%get3A_2504] {strides = array<i32>} : memref<32768xi32, #tpu.memory_space<vmem>>, vector<16xi32>,
      %add3A_2506 = arith.addi %scan3A_2365, %get3A_2505 : vector<16xi32>
      %shift_right_arithmetic3A_2507 = arith.constant 1 : i32
      %shift_right_arithmetic3A_2508 = vector.broadcast %shift_right_arithmetic3A_2507 : i32 to vector<16xi32>
      %shift_right_arithmetic3A_2509 = arith.shrsi %get3A_2505, %shift_right_arithmetic3A_2508 : vector<16xi32>
      %add3A_2510 = arith.addi %scan3A_2381, %shift_right_arithmetic3A_2509 : vector<16xi32>
      %add3A_2511 = arith.constant 28672 : i32
      %add3A_2512 = arith.addi %mul3A_2385, %add3A_2511 : i32
      %get3A_2513 = arith.index_cast %add3A_2512 : i32 to index
      %get3A_2514 = tpu.vector_load %arg5[%get3A_2513] {strides = array<i32>} : memref<32768xi32, #tpu.memory_space<vmem>>, vector<16xi32>,
      %add3A_2515 = arith.addi %scan3A_2366, %get3A_2514 : vector<16xi32>
      %shift_right_arithmetic3A_2516 = arith.constant 1 : i32
      %shift_right_arithmetic3A_2517 = vector.broadcast %shift_right_arithmetic3A_2516 : i32 to vector<16xi32>
      %shift_right_arithmetic3A_2518 = arith.shrsi %get3A_2514, %shift_right_arithmetic3A_2517 : vector<16xi32>
      %add3A_2519 = arith.addi %scan3A_2382, %shift_right_arithmetic3A_2518 : vector<16xi32>
      %add3A_2520 = arith.constant 30720 : i32
      %add3A_2521 = arith.addi %mul3A_2385, %add3A_2520 : i32
      %get3A_2522 = arith.index_cast %add3A_2521 : i32 to index
      %get3A_2523 = tpu.vector_load %arg5[%get3A_2522] {strides = array<i32>} : memref<32768xi32, #tpu.memory_space<vmem>>, vector<16xi32>,
      %add3A_2524 = arith.addi %scan3A_2367, %get3A_2523 : vector<16xi32>
      %shift_right_arithmetic3A_2525 = arith.constant 1 : i32
      %shift_right_arithmetic3A_2526 = vector.broadcast %shift_right_arithmetic3A_2525 : i32 to vector<16xi32>
      %shift_right_arithmetic3A_2527 = arith.shrsi %get3A_2523, %shift_right_arithmetic3A_2526 : vector<16xi32>
      %add3A_2528 = arith.addi %scan3A_2383, %shift_right_arithmetic3A_2527 : vector<16xi32>
      scf.yield %add3A_2390, %add3A_2398, %add3A_2407, %add3A_2416, %add3A_2425, %add3A_2434, %add3A_2443, %add3A_2452, %add3A_2461, %add3A_2470, %add3A_2479, %add3A_2488, %add3A_2497, %add3A_2506, %add3A_2515, %add3A_2524, %add3A_2393, %add3A_2402, %add3A_2411, %add3A_2420, %add3A_2429, %add3A_2438, %add3A_2447, %add3A_2456, %add3A_2465, %add3A_2474, %add3A_2483, %add3A_2492, %add3A_2501, %add3A_2510, %add3A_2519, %add3A_2528 : vector<16xi32>, vector<16xi32>, vector<16xi32>, vector<16xi32>, vector<16xi32>, vector<16xi32>, vector<16xi32>, vector<16xi32>, vector<16xi32>, vector<16xi32>, vector<16xi32>, vector<16xi32>, vector<16xi32>, vector<16xi32>, vector<16xi32>, vector<16xi32>, vector<16xi32>, vector<16xi32>, vector<16xi32>, vector<16xi32>, vector<16xi32>, vector<16xi32>, vector<16xi32>, vector<16xi32>, vector<16xi32>, vector<16xi32>, vector<16xi32>, vector<16xi32>, vector<16xi32>, vector<16xi32>, vector<16xi32>, vector<16xi32>
    }
    %scan3A_39 = arith.constant 128 : i32
    %broadcast_in_dim3A_40 = arith.constant 0 : i32
    %broadcast_in_dim3A_41 = vector.broadcast %broadcast_in_dim3A_40 : i32 to vector<16xi32>
    %broadcast_in_dim3A_42 = arith.constant 0 : i32
    %broadcast_in_dim3A_43 = vector.broadcast %broadcast_in_dim3A_42 : i32 to vector<16xi32>
    %eq3A = arith.constant 0 : i32
    %eq3A_44 = vector.broadcast %eq3A : i32 to vector<16xi32>
    %eq3A_45 = arith.cmpi eq, %iota3A, %eq3A_44 : vector<16xi32>
    %reduce_sum3A = arith.constant true
    %reduce_sum3A_46 = vector.broadcast %reduce_sum3A : i1 to vector<16xi1>
    %reduce_sum3A_47 = tpu.scan <sum>, %scan3A_38#0 masked %reduce_sum3A_46 : vector<16xi32>, vector<16xi1> -> vector<16xi32>
    %reduce_sum3A_48 = vector.extract %reduce_sum3A_47[15] : i32 from vector<16xi32>
    %broadcast_in_dim3A_49 = vector.broadcast %reduce_sum3A_48 : i32 to vector<16xi32>
    %select_n3A = arith.select %eq3A_45, %broadcast_in_dim3A_49, %broadcast_in_dim3A_41 : vector<16xi1>, vector<16xi32>
    %reduce_sum3A_50 = arith.constant true
    %reduce_sum3A_51 = vector.broadcast %reduce_sum3A_50 : i1 to vector<16xi1>
    %reduce_sum3A_52 = tpu.scan <sum>, %scan3A_38#16 masked %reduce_sum3A_51 : vector<16xi32>, vector<16xi1> -> vector<16xi32>
    %reduce_sum3A_53 = vector.extract %reduce_sum3A_52[15] : i32 from vector<16xi32>
    %broadcast_in_dim3A_54 = vector.broadcast %reduce_sum3A_53 : i32 to vector<16xi32>
    %select_n3A_55 = arith.select %eq3A_45, %broadcast_in_dim3A_54, %broadcast_in_dim3A_43 : vector<16xi1>, vector<16xi32>
    %eq3A_56 = arith.constant 1 : i32
    %eq3A_57 = vector.broadcast %eq3A_56 : i32 to vector<16xi32>
    %eq3A_58 = arith.cmpi eq, %iota3A, %eq3A_57 : vector<16xi32>
    %reduce_sum3A_59 = arith.constant true
    %reduce_sum3A_60 = vector.broadcast %reduce_sum3A_59 : i1 to vector<16xi1>
    %reduce_sum3A_61 = tpu.scan <sum>, %scan3A_38#1 masked %reduce_sum3A_60 : vector<16xi32>, vector<16xi1> -> vector<16xi32>
    %reduce_sum3A_62 = vector.extract %reduce_sum3A_61[15] : i32 from vector<16xi32>
    %broadcast_in_dim3A_63 = vector.broadcast %reduce_sum3A_62 : i32 to vector<16xi32>
    %select_n3A_64 = arith.select %eq3A_58, %broadcast_in_dim3A_63, %select_n3A : vector<16xi1>, vector<16xi32>
    %reduce_sum3A_65 = arith.constant true
    %reduce_sum3A_66 = vector.broadcast %reduce_sum3A_65 : i1 to vector<16xi1>
    %reduce_sum3A_67 = tpu.scan <sum>, %scan3A_38#17 masked %reduce_sum3A_66 : vector<16xi32>, vector<16xi1> -> vector<16xi32>
    %reduce_sum3A_68 = vector.extract %reduce_sum3A_67[15] : i32 from vector<16xi32>
    %broadcast_in_dim3A_69 = vector.broadcast %reduce_sum3A_68 : i32 to vector<16xi32>
    %select_n3A_70 = arith.select %eq3A_58, %broadcast_in_dim3A_69, %select_n3A_55 : vector<16xi1>, vector<16xi32>
    %eq3A_71 = arith.constant 2 : i32
    %eq3A_72 = vector.broadcast %eq3A_71 : i32 to vector<16xi32>
    %eq3A_73 = arith.cmpi eq, %iota3A, %eq3A_72 : vector<16xi32>
    %reduce_sum3A_74 = arith.constant true
    %reduce_sum3A_75 = vector.broadcast %reduce_sum3A_74 : i1 to vector<16xi1>
    %reduce_sum3A_76 = tpu.scan <sum>, %scan3A_38#2 masked %reduce_sum3A_75 : vector<16xi32>, vector<16xi1> -> vector<16xi32>
    %reduce_sum3A_77 = vector.extract %reduce_sum3A_76[15] : i32 from vector<16xi32>
    %broadcast_in_dim3A_78 = vector.broadcast %reduce_sum3A_77 : i32 to vector<16xi32>
    %select_n3A_79 = arith.select %eq3A_73, %broadcast_in_dim3A_78, %select_n3A_64 : vector<16xi1>, vector<16xi32>
    %reduce_sum3A_80 = arith.constant true
    %reduce_sum3A_81 = vector.broadcast %reduce_sum3A_80 : i1 to vector<16xi1>
    %reduce_sum3A_82 = tpu.scan <sum>, %scan3A_38#18 masked %reduce_sum3A_81 : vector<16xi32>, vector<16xi1> -> vector<16xi32>
    %reduce_sum3A_83 = vector.extract %reduce_sum3A_82[15] : i32 from vector<16xi32>
    %broadcast_in_dim3A_84 = vector.broadcast %reduce_sum3A_83 : i32 to vector<16xi32>
    %select_n3A_85 = arith.select %eq3A_73, %broadcast_in_dim3A_84, %select_n3A_70 : vector<16xi1>, vector<16xi32>
    %eq3A_86 = arith.constant 3 : i32
    %eq3A_87 = vector.broadcast %eq3A_86 : i32 to vector<16xi32>
    %eq3A_88 = arith.cmpi eq, %iota3A, %eq3A_87 : vector<16xi32>
    %reduce_sum3A_89 = arith.constant true
    %reduce_sum3A_90 = vector.broadcast %reduce_sum3A_89 : i1 to vector<16xi1>
    %reduce_sum3A_91 = tpu.scan <sum>, %scan3A_38#3 masked %reduce_sum3A_90 : vector<16xi32>, vector<16xi1> -> vector<16xi32>
    %reduce_sum3A_92 = vector.extract %reduce_sum3A_91[15] : i32 from vector<16xi32>
    %broadcast_in_dim3A_93 = vector.broadcast %reduce_sum3A_92 : i32 to vector<16xi32>
    %select_n3A_94 = arith.select %eq3A_88, %broadcast_in_dim3A_93, %select_n3A_79 : vector<16xi1>, vector<16xi32>
    %reduce_sum3A_95 = arith.constant true
    %reduce_sum3A_96 = vector.broadcast %reduce_sum3A_95 : i1 to vector<16xi1>
    %reduce_sum3A_97 = tpu.scan <sum>, %scan3A_38#19 masked %reduce_sum3A_96 : vector<16xi32>, vector<16xi1> -> vector<16xi32>
    %reduce_sum3A_98 = vector.extract %reduce_sum3A_97[15] : i32 from vector<16xi32>
    %broadcast_in_dim3A_99 = vector.broadcast %reduce_sum3A_98 : i32 to vector<16xi32>
    %select_n3A_100 = arith.select %eq3A_88, %broadcast_in_dim3A_99, %select_n3A_85 : vector<16xi1>, vector<16xi32>
    %eq3A_101 = arith.constant 4 : i32
    %eq3A_102 = vector.broadcast %eq3A_101 : i32 to vector<16xi32>
    %eq3A_103 = arith.cmpi eq, %iota3A, %eq3A_102 : vector<16xi32>
    %reduce_sum3A_104 = arith.constant true
    %reduce_sum3A_105 = vector.broadcast %reduce_sum3A_104 : i1 to vector<16xi1>
    %reduce_sum3A_106 = tpu.scan <sum>, %scan3A_38#4 masked %reduce_sum3A_105 : vector<16xi32>, vector<16xi1> -> vector<16xi32>
    %reduce_sum3A_107 = vector.extract %reduce_sum3A_106[15] : i32 from vector<16xi32>
    %broadcast_in_dim3A_108 = vector.broadcast %reduce_sum3A_107 : i32 to vector<16xi32>
    %select_n3A_109 = arith.select %eq3A_103, %broadcast_in_dim3A_108, %select_n3A_94 : vector<16xi1>, vector<16xi32>
    %reduce_sum3A_110 = arith.constant true
    %reduce_sum3A_111 = vector.broadcast %reduce_sum3A_110 : i1 to vector<16xi1>
    %reduce_sum3A_112 = tpu.scan <sum>, %scan3A_38#20 masked %reduce_sum3A_111 : vector<16xi32>, vector<16xi1> -> vector<16xi32>
    %reduce_sum3A_113 = vector.extract %reduce_sum3A_112[15] : i32 from vector<16xi32>
    %broadcast_in_dim3A_114 = vector.broadcast %reduce_sum3A_113 : i32 to vector<16xi32>
    %select_n3A_115 = arith.select %eq3A_103, %broadcast_in_dim3A_114, %select_n3A_100 : vector<16xi1>, vector<16xi32>
    %eq3A_116 = arith.constant 5 : i32
    %eq3A_117 = vector.broadcast %eq3A_116 : i32 to vector<16xi32>
    %eq3A_118 = arith.cmpi eq, %iota3A, %eq3A_117 : vector<16xi32>
    %reduce_sum3A_119 = arith.constant true
    %reduce_sum3A_120 = vector.broadcast %reduce_sum3A_119 : i1 to vector<16xi1>
    %reduce_sum3A_121 = tpu.scan <sum>, %scan3A_38#5 masked %reduce_sum3A_120 : vector<16xi32>, vector<16xi1> -> vector<16xi32>
    %reduce_sum3A_122 = vector.extract %reduce_sum3A_121[15] : i32 from vector<16xi32>
    %broadcast_in_dim3A_123 = vector.broadcast %reduce_sum3A_122 : i32 to vector<16xi32>
    %select_n3A_124 = arith.select %eq3A_118, %broadcast_in_dim3A_123, %select_n3A_109 : vector<16xi1>, vector<16xi32>
    %reduce_sum3A_125 = arith.constant true
    %reduce_sum3A_126 = vector.broadcast %reduce_sum3A_125 : i1 to vector<16xi1>
    %reduce_sum3A_127 = tpu.scan <sum>, %scan3A_38#21 masked %reduce_sum3A_126 : vector<16xi32>, vector<16xi1> -> vector<16xi32>
    %reduce_sum3A_128 = vector.extract %reduce_sum3A_127[15] : i32 from vector<16xi32>
    %broadcast_in_dim3A_129 = vector.broadcast %reduce_sum3A_128 : i32 to vector<16xi32>
    %select_n3A_130 = arith.select %eq3A_118, %broadcast_in_dim3A_129, %select_n3A_115 : vector<16xi1>, vector<16xi32>
    %eq3A_131 = arith.constant 6 : i32
    %eq3A_132 = vector.broadcast %eq3A_131 : i32 to vector<16xi32>
    %eq3A_133 = arith.cmpi eq, %iota3A, %eq3A_132 : vector<16xi32>
    %reduce_sum3A_134 = arith.constant true
    %reduce_sum3A_135 = vector.broadcast %reduce_sum3A_134 : i1 to vector<16xi1>
    %reduce_sum3A_136 = tpu.scan <sum>, %scan3A_38#6 masked %reduce_sum3A_135 : vector<16xi32>, vector<16xi1> -> vector<16xi32>
    %reduce_sum3A_137 = vector.extract %reduce_sum3A_136[15] : i32 from vector<16xi32>
    %broadcast_in_dim3A_138 = vector.broadcast %reduce_sum3A_137 : i32 to vector<16xi32>
    %select_n3A_139 = arith.select %eq3A_133, %broadcast_in_dim3A_138, %select_n3A_124 : vector<16xi1>, vector<16xi32>
    %reduce_sum3A_140 = arith.constant true
    %reduce_sum3A_141 = vector.broadcast %reduce_sum3A_140 : i1 to vector<16xi1>
    %reduce_sum3A_142 = tpu.scan <sum>, %scan3A_38#22 masked %reduce_sum3A_141 : vector<16xi32>, vector<16xi1> -> vector<16xi32>
    %reduce_sum3A_143 = vector.extract %reduce_sum3A_142[15] : i32 from vector<16xi32>
    %broadcast_in_dim3A_144 = vector.broadcast %reduce_sum3A_143 : i32 to vector<16xi32>
    %select_n3A_145 = arith.select %eq3A_133, %broadcast_in_dim3A_144, %select_n3A_130 : vector<16xi1>, vector<16xi32>
    %eq3A_146 = arith.constant 7 : i32
    %eq3A_147 = vector.broadcast %eq3A_146 : i32 to vector<16xi32>
    %eq3A_148 = arith.cmpi eq, %iota3A, %eq3A_147 : vector<16xi32>
    %reduce_sum3A_149 = arith.constant true
    %reduce_sum3A_150 = vector.broadcast %reduce_sum3A_149 : i1 to vector<16xi1>
    %reduce_sum3A_151 = tpu.scan <sum>, %scan3A_38#7 masked %reduce_sum3A_150 : vector<16xi32>, vector<16xi1> -> vector<16xi32>
    %reduce_sum3A_152 = vector.extract %reduce_sum3A_151[15] : i32 from vector<16xi32>
    %broadcast_in_dim3A_153 = vector.broadcast %reduce_sum3A_152 : i32 to vector<16xi32>
    %select_n3A_154 = arith.select %eq3A_148, %broadcast_in_dim3A_153, %select_n3A_139 : vector<16xi1>, vector<16xi32>
    %reduce_sum3A_155 = arith.constant true
    %reduce_sum3A_156 = vector.broadcast %reduce_sum3A_155 : i1 to vector<16xi1>
    %reduce_sum3A_157 = tpu.scan <sum>, %scan3A_38#23 masked %reduce_sum3A_156 : vector<16xi32>, vector<16xi1> -> vector<16xi32>
    %reduce_sum3A_158 = vector.extract %reduce_sum3A_157[15] : i32 from vector<16xi32>
    %broadcast_in_dim3A_159 = vector.broadcast %reduce_sum3A_158 : i32 to vector<16xi32>
    %select_n3A_160 = arith.select %eq3A_148, %broadcast_in_dim3A_159, %select_n3A_145 : vector<16xi1>, vector<16xi32>
    %eq3A_161 = arith.constant 8 : i32
    %eq3A_162 = vector.broadcast %eq3A_161 : i32 to vector<16xi32>
    %eq3A_163 = arith.cmpi eq, %iota3A, %eq3A_162 : vector<16xi32>
    %reduce_sum3A_164 = arith.constant true
    %reduce_sum3A_165 = vector.broadcast %reduce_sum3A_164 : i1 to vector<16xi1>
    %reduce_sum3A_166 = tpu.scan <sum>, %scan3A_38#8 masked %reduce_sum3A_165 : vector<16xi32>, vector<16xi1> -> vector<16xi32>
    %reduce_sum3A_167 = vector.extract %reduce_sum3A_166[15] : i32 from vector<16xi32>
    %broadcast_in_dim3A_168 = vector.broadcast %reduce_sum3A_167 : i32 to vector<16xi32>
    %select_n3A_169 = arith.select %eq3A_163, %broadcast_in_dim3A_168, %select_n3A_154 : vector<16xi1>, vector<16xi32>
    %reduce_sum3A_170 = arith.constant true
    %reduce_sum3A_171 = vector.broadcast %reduce_sum3A_170 : i1 to vector<16xi1>
    %reduce_sum3A_172 = tpu.scan <sum>, %scan3A_38#24 masked %reduce_sum3A_171 : vector<16xi32>, vector<16xi1> -> vector<16xi32>
    %reduce_sum3A_173 = vector.extract %reduce_sum3A_172[15] : i32 from vector<16xi32>
    %broadcast_in_dim3A_174 = vector.broadcast %reduce_sum3A_173 : i32 to vector<16xi32>
    %select_n3A_175 = arith.select %eq3A_163, %broadcast_in_dim3A_174, %select_n3A_160 : vector<16xi1>, vector<16xi32>
    %eq3A_176 = arith.constant 9 : i32
    %eq3A_177 = vector.broadcast %eq3A_176 : i32 to vector<16xi32>
    %eq3A_178 = arith.cmpi eq, %iota3A, %eq3A_177 : vector<16xi32>
    %reduce_sum3A_179 = arith.constant true
    %reduce_sum3A_180 = vector.broadcast %reduce_sum3A_179 : i1 to vector<16xi1>
    %reduce_sum3A_181 = tpu.scan <sum>, %scan3A_38#9 masked %reduce_sum3A_180 : vector<16xi32>, vector<16xi1> -> vector<16xi32>
    %reduce_sum3A_182 = vector.extract %reduce_sum3A_181[15] : i32 from vector<16xi32>
    %broadcast_in_dim3A_183 = vector.broadcast %reduce_sum3A_182 : i32 to vector<16xi32>
    %select_n3A_184 = arith.select %eq3A_178, %broadcast_in_dim3A_183, %select_n3A_169 : vector<16xi1>, vector<16xi32>
    %reduce_sum3A_185 = arith.constant true
    %reduce_sum3A_186 = vector.broadcast %reduce_sum3A_185 : i1 to vector<16xi1>
    %reduce_sum3A_187 = tpu.scan <sum>, %scan3A_38#25 masked %reduce_sum3A_186 : vector<16xi32>, vector<16xi1> -> vector<16xi32>
    %reduce_sum3A_188 = vector.extract %reduce_sum3A_187[15] : i32 from vector<16xi32>
    %broadcast_in_dim3A_189 = vector.broadcast %reduce_sum3A_188 : i32 to vector<16xi32>
    %select_n3A_190 = arith.select %eq3A_178, %broadcast_in_dim3A_189, %select_n3A_175 : vector<16xi1>, vector<16xi32>
    %eq3A_191 = arith.constant 10 : i32
    %eq3A_192 = vector.broadcast %eq3A_191 : i32 to vector<16xi32>
    %eq3A_193 = arith.cmpi eq, %iota3A, %eq3A_192 : vector<16xi32>
    %reduce_sum3A_194 = arith.constant true
    %reduce_sum3A_195 = vector.broadcast %reduce_sum3A_194 : i1 to vector<16xi1>
    %reduce_sum3A_196 = tpu.scan <sum>, %scan3A_38#10 masked %reduce_sum3A_195 : vector<16xi32>, vector<16xi1> -> vector<16xi32>
    %reduce_sum3A_197 = vector.extract %reduce_sum3A_196[15] : i32 from vector<16xi32>
    %broadcast_in_dim3A_198 = vector.broadcast %reduce_sum3A_197 : i32 to vector<16xi32>
    %select_n3A_199 = arith.select %eq3A_193, %broadcast_in_dim3A_198, %select_n3A_184 : vector<16xi1>, vector<16xi32>
    %reduce_sum3A_200 = arith.constant true
    %reduce_sum3A_201 = vector.broadcast %reduce_sum3A_200 : i1 to vector<16xi1>
    %reduce_sum3A_202 = tpu.scan <sum>, %scan3A_38#26 masked %reduce_sum3A_201 : vector<16xi32>, vector<16xi1> -> vector<16xi32>
    %reduce_sum3A_203 = vector.extract %reduce_sum3A_202[15] : i32 from vector<16xi32>
    %broadcast_in_dim3A_204 = vector.broadcast %reduce_sum3A_203 : i32 to vector<16xi32>
    %select_n3A_205 = arith.select %eq3A_193, %broadcast_in_dim3A_204, %select_n3A_190 : vector<16xi1>, vector<16xi32>
    %eq3A_206 = arith.constant 11 : i32
    %eq3A_207 = vector.broadcast %eq3A_206 : i32 to vector<16xi32>
    %eq3A_208 = arith.cmpi eq, %iota3A, %eq3A_207 : vector<16xi32>
    %reduce_sum3A_209 = arith.constant true
    %reduce_sum3A_210 = vector.broadcast %reduce_sum3A_209 : i1 to vector<16xi1>
    %reduce_sum3A_211 = tpu.scan <sum>, %scan3A_38#11 masked %reduce_sum3A_210 : vector<16xi32>, vector<16xi1> -> vector<16xi32>
    %reduce_sum3A_212 = vector.extract %reduce_sum3A_211[15] : i32 from vector<16xi32>
    %broadcast_in_dim3A_213 = vector.broadcast %reduce_sum3A_212 : i32 to vector<16xi32>
    %select_n3A_214 = arith.select %eq3A_208, %broadcast_in_dim3A_213, %select_n3A_199 : vector<16xi1>, vector<16xi32>
    %reduce_sum3A_215 = arith.constant true
    %reduce_sum3A_216 = vector.broadcast %reduce_sum3A_215 : i1 to vector<16xi1>
    %reduce_sum3A_217 = tpu.scan <sum>, %scan3A_38#27 masked %reduce_sum3A_216 : vector<16xi32>, vector<16xi1> -> vector<16xi32>
    %reduce_sum3A_218 = vector.extract %reduce_sum3A_217[15] : i32 from vector<16xi32>
    %broadcast_in_dim3A_219 = vector.broadcast %reduce_sum3A_218 : i32 to vector<16xi32>
    %select_n3A_220 = arith.select %eq3A_208, %broadcast_in_dim3A_219, %select_n3A_205 : vector<16xi1>, vector<16xi32>
    %eq3A_221 = arith.constant 12 : i32
    %eq3A_222 = vector.broadcast %eq3A_221 : i32 to vector<16xi32>
    %eq3A_223 = arith.cmpi eq, %iota3A, %eq3A_222 : vector<16xi32>
    %reduce_sum3A_224 = arith.constant true
    %reduce_sum3A_225 = vector.broadcast %reduce_sum3A_224 : i1 to vector<16xi1>
    %reduce_sum3A_226 = tpu.scan <sum>, %scan3A_38#12 masked %reduce_sum3A_225 : vector<16xi32>, vector<16xi1> -> vector<16xi32>
    %reduce_sum3A_227 = vector.extract %reduce_sum3A_226[15] : i32 from vector<16xi32>
    %broadcast_in_dim3A_228 = vector.broadcast %reduce_sum3A_227 : i32 to vector<16xi32>
    %select_n3A_229 = arith.select %eq3A_223, %broadcast_in_dim3A_228, %select_n3A_214 : vector<16xi1>, vector<16xi32>
    %reduce_sum3A_230 = arith.constant true
    %reduce_sum3A_231 = vector.broadcast %reduce_sum3A_230 : i1 to vector<16xi1>
    %reduce_sum3A_232 = tpu.scan <sum>, %scan3A_38#28 masked %reduce_sum3A_231 : vector<16xi32>, vector<16xi1> -> vector<16xi32>
    %reduce_sum3A_233 = vector.extract %reduce_sum3A_232[15] : i32 from vector<16xi32>
    %broadcast_in_dim3A_234 = vector.broadcast %reduce_sum3A_233 : i32 to vector<16xi32>
    %select_n3A_235 = arith.select %eq3A_223, %broadcast_in_dim3A_234, %select_n3A_220 : vector<16xi1>, vector<16xi32>
    %eq3A_236 = arith.constant 13 : i32
    %eq3A_237 = vector.broadcast %eq3A_236 : i32 to vector<16xi32>
    %eq3A_238 = arith.cmpi eq, %iota3A, %eq3A_237 : vector<16xi32>
    %reduce_sum3A_239 = arith.constant true
    %reduce_sum3A_240 = vector.broadcast %reduce_sum3A_239 : i1 to vector<16xi1>
    %reduce_sum3A_241 = tpu.scan <sum>, %scan3A_38#13 masked %reduce_sum3A_240 : vector<16xi32>, vector<16xi1> -> vector<16xi32>
    %reduce_sum3A_242 = vector.extract %reduce_sum3A_241[15] : i32 from vector<16xi32>
    %broadcast_in_dim3A_243 = vector.broadcast %reduce_sum3A_242 : i32 to vector<16xi32>
    %select_n3A_244 = arith.select %eq3A_238, %broadcast_in_dim3A_243, %select_n3A_229 : vector<16xi1>, vector<16xi32>
    %reduce_sum3A_245 = arith.constant true
    %reduce_sum3A_246 = vector.broadcast %reduce_sum3A_245 : i1 to vector<16xi1>
    %reduce_sum3A_247 = tpu.scan <sum>, %scan3A_38#29 masked %reduce_sum3A_246 : vector<16xi32>, vector<16xi1> -> vector<16xi32>
    %reduce_sum3A_248 = vector.extract %reduce_sum3A_247[15] : i32 from vector<16xi32>
    %broadcast_in_dim3A_249 = vector.broadcast %reduce_sum3A_248 : i32 to vector<16xi32>
    %select_n3A_250 = arith.select %eq3A_238, %broadcast_in_dim3A_249, %select_n3A_235 : vector<16xi1>, vector<16xi32>
    %eq3A_251 = arith.constant 14 : i32
    %eq3A_252 = vector.broadcast %eq3A_251 : i32 to vector<16xi32>
    %eq3A_253 = arith.cmpi eq, %iota3A, %eq3A_252 : vector<16xi32>
    %reduce_sum3A_254 = arith.constant true
    %reduce_sum3A_255 = vector.broadcast %reduce_sum3A_254 : i1 to vector<16xi1>
    %reduce_sum3A_256 = tpu.scan <sum>, %scan3A_38#14 masked %reduce_sum3A_255 : vector<16xi32>, vector<16xi1> -> vector<16xi32>
    %reduce_sum3A_257 = vector.extract %reduce_sum3A_256[15] : i32 from vector<16xi32>
    %broadcast_in_dim3A_258 = vector.broadcast %reduce_sum3A_257 : i32 to vector<16xi32>
    %select_n3A_259 = arith.select %eq3A_253, %broadcast_in_dim3A_258, %select_n3A_244 : vector<16xi1>, vector<16xi32>
    %reduce_sum3A_260 = arith.constant true
    %reduce_sum3A_261 = vector.broadcast %reduce_sum3A_260 : i1 to vector<16xi1>
    %reduce_sum3A_262 = tpu.scan <sum>, %scan3A_38#30 masked %reduce_sum3A_261 : vector<16xi32>, vector<16xi1> -> vector<16xi32>
    %reduce_sum3A_263 = vector.extract %reduce_sum3A_262[15] : i32 from vector<16xi32>
    %broadcast_in_dim3A_264 = vector.broadcast %reduce_sum3A_263 : i32 to vector<16xi32>
    %select_n3A_265 = arith.select %eq3A_253, %broadcast_in_dim3A_264, %select_n3A_250 : vector<16xi1>, vector<16xi32>
    %eq3A_266 = arith.constant 15 : i32
    %eq3A_267 = vector.broadcast %eq3A_266 : i32 to vector<16xi32>
    %eq3A_268 = arith.cmpi eq, %iota3A, %eq3A_267 : vector<16xi32>
    %reduce_sum3A_269 = arith.constant true
    %reduce_sum3A_270 = vector.broadcast %reduce_sum3A_269 : i1 to vector<16xi1>
    %reduce_sum3A_271 = tpu.scan <sum>, %scan3A_38#15 masked %reduce_sum3A_270 : vector<16xi32>, vector<16xi1> -> vector<16xi32>
    %reduce_sum3A_272 = vector.extract %reduce_sum3A_271[15] : i32 from vector<16xi32>
    %broadcast_in_dim3A_273 = vector.broadcast %reduce_sum3A_272 : i32 to vector<16xi32>
    %select_n3A_274 = arith.select %eq3A_268, %broadcast_in_dim3A_273, %select_n3A_259 : vector<16xi1>, vector<16xi32>
    %reduce_sum3A_275 = arith.constant true
    %reduce_sum3A_276 = vector.broadcast %reduce_sum3A_275 : i1 to vector<16xi1>
    %reduce_sum3A_277 = tpu.scan <sum>, %scan3A_38#31 masked %reduce_sum3A_276 : vector<16xi32>, vector<16xi1> -> vector<16xi32>
    %reduce_sum3A_278 = vector.extract %reduce_sum3A_277[15] : i32 from vector<16xi32>
    %broadcast_in_dim3A_279 = vector.broadcast %reduce_sum3A_278 : i32 to vector<16xi32>
    %select_n3A_280 = arith.select %eq3A_268, %broadcast_in_dim3A_279, %select_n3A_265 : vector<16xi1>, vector<16xi32>
    %convert_element_type3A = arith.sitofp %select_n3A_274 : vector<16xi32> to vector<16xf32>
    %convert_element_type3A_281 = arith.sitofp %select_n3A_280 : vector<16xi32> to vector<16xf32>
    %sub3A = arith.subf %convert_element_type3A, %convert_element_type3A_281 : vector<16xf32>
    %sub3A_282 = arith.subf %sub3A, %convert_element_type3A_281 : vector<16xf32>
    %sub3A_283 = arith.subf %broadcast_in_dim3A_10, %convert_element_type3A : vector<16xf32>
    %add3A_284 = arith.addf %sub3A_283, %convert_element_type3A_281 : vector<16xf32>
    %mul3A_285 = arith.mulf %add3A_284, %broadcast_in_dim3A_6 : vector<16xf32>
    %mul3A_286 = arith.mulf %sub3A_282, %broadcast_in_dim3A_6 : vector<16xf32>
    %mul3A_287 = arith.mulf %convert_element_type3A_281, %broadcast_in_dim3A_6 : vector<16xf32>
    %mul3A_288 = arith.mulf %mul3A_285, %get3A_17 : vector<16xf32>
    %mul3A_289 = arith.mulf %mul3A_286, %get3A_21 : vector<16xf32>
    %add3A_290 = arith.addf %mul3A_288, %mul3A_289 : vector<16xf32>
    %mul3A_291 = arith.mulf %mul3A_287, %get3A_25 : vector<16xf32>
    %add3A_292 = arith.addf %add3A_290, %mul3A_291 : vector<16xf32>
    %add3A_293 = arith.addf %mul3A_285, %mul3A_285 : vector<16xf32>
    %neg3A = arith.constant 0.000000e+00 : f32
    %neg3A_294 = vector.broadcast %neg3A : f32 to vector<16xf32>
    %neg3A_295 = arith.subf %neg3A_294, %add3A_293 : vector<16xf32>
    %exp3A = math.exp %neg3A_295 : vector<16xf32>
    %add3A_296 = arith.addf %broadcast_in_dim3A_8, %exp3A : vector<16xf32>
    %div3A = arith.divf %broadcast_in_dim3A_8, %add3A_296 : vector<16xf32>
    %add3A_297 = arith.addf %broadcast_in_dim3A_8, %div3A : vector<16xf32>
    %mul3A_298 = arith.mulf %add3A_292, %add3A_297 : vector<16xf32>
    %neg3A_299 = arith.constant 0.000000e+00 : f32
    %neg3A_300 = vector.broadcast %neg3A_299 : f32 to vector<16xf32>
    %neg3A_301 = arith.subf %neg3A_300, %mul3A_298 : vector<16xf32>
    %exp3A_302 = math.exp %neg3A_301 : vector<16xf32>
    %add3A_303 = arith.addf %broadcast_in_dim3A_8, %exp3A_302 : vector<16xf32>
    %div3A_304 = arith.divf %broadcast_in_dim3A_8, %add3A_303 : vector<16xf32>
    %max3A = arith.maximumf %div3A_304, %broadcast_in_dim3A_12 : vector<16xf32>
    %min3A = arith.minimumf %max3A, %broadcast_in_dim3A_14 : vector<16xf32>
    %swap3A = arith.constant 0 : index
    %swap3A_305 = tpu.vector_load %arg8[%swap3A] {strides = array<i32>} : memref<128xf32, #tpu.memory_space<vmem>>, vector<16xf32>,
    tpu.vector_store %arg8[%swap3A], %min3A {strides = array<i32>} : memref<128xf32, #tpu.memory_space<vmem>>, vector<16xf32>,
    %dma_wait3A_306 = tpu.memref_slice %arg2[%mul3A_30] : memref<16777216xi32, #tpu.memory_space<hbm>> -> memref<32768xi32, #tpu.memory_space<hbm>>
    %dma_wait3A_307 = tpu.memref_slice %arg2[%mul3A_30] : memref<16777216xi32, #tpu.memory_space<hbm>> -> memref<32768xi32, #tpu.memory_space<hbm>>
    tpu.wait_dma2 semaphore(%arg10 : memref<!tpu.dma_semaphore, #tpu.memory_space<semaphore_mem>>) src(%dma_wait3A_307 : memref<32768xi32, #tpu.memory_space<hbm>>) dst(%arg6 : memref<32768xi32, #tpu.memory_space<vmem>>)
    %add3A_308 = arith.constant 32 : i32
    %add3A_309 = arith.addi %mul3A_2, %add3A_308 : i32
    %mul3A_310 = arith.constant 2048 : i32
    %mul3A_311 = arith.muli %add3A_309, %mul3A_310 : i32
    %dma_start3A_312 = tpu.memref_slice %arg2[%mul3A_311] : memref<16777216xi32, #tpu.memory_space<hbm>> -> memref<32768xi32, #tpu.memory_space<hbm>>
    %dma_start3A_313 = tpu.memref_slice %arg2[%mul3A_311] : memref<16777216xi32, #tpu.memory_space<hbm>> -> memref<32768xi32, #tpu.memory_space<hbm>>
    tpu.enqueue_dma source(%dma_start3A_313 : memref<32768xi32, #tpu.memory_space<hbm>>) target(%arg5 : memref<32768xi32, #tpu.memory_space<vmem>>) target_semaphore(%arg9 : memref<!tpu.dma_semaphore, #tpu.memory_space<semaphore_mem>>)
    %broadcast_in_dim3A_314 = arith.constant 0 : i32
    %broadcast_in_dim3A_315 = vector.broadcast %broadcast_in_dim3A_314 : i32 to vector<16xi32>
    %scan3A_316 = arith.constant 0 : i32
    %scan3A_317 = arith.constant 128 : i32
    %scan3A_318 = arith.addi %scan3A_316, %scan3A_317 : i32
    %scan3A_319 = arith.constant 1 : i32
    %scan3A_320:32 = scf.for %scan3A_2351 = %scan3A_316 to %scan3A_318 step %scan3A_319 iter_args(%scan3A_2352 = %broadcast_in_dim3A_315, %scan3A_2353 = %broadcast_in_dim3A_315, %scan3A_2354 = %broadcast_in_dim3A_315, %scan3A_2355 = %broadcast_in_dim3A_315, %scan3A_2356 = %broadcast_in_dim3A_315, %scan3A_2357 = %broadcast_in_dim3A_315, %scan3A_2358 = %broadcast_in_dim3A_315, %scan3A_2359 = %broadcast_in_dim3A_315, %scan3A_2360 = %broadcast_in_dim3A_315, %scan3A_2361 = %broadcast_in_dim3A_315, %scan3A_2362 = %broadcast_in_dim3A_315, %scan3A_2363 = %broadcast_in_dim3A_315, %scan3A_2364 = %broadcast_in_dim3A_315, %scan3A_2365 = %broadcast_in_dim3A_315, %scan3A_2366 = %broadcast_in_dim3A_315, %scan3A_2367 = %broadcast_in_dim3A_315, %scan3A_2368 = %broadcast_in_dim3A_315, %scan3A_2369 = %broadcast_in_dim3A_315, %scan3A_2370 = %broadcast_in_dim3A_315, %scan3A_2371 = %broadcast_in_dim3A_315, %scan3A_2372 = %broadcast_in_dim3A_315, %scan3A_2373 = %broadcast_in_dim3A_315, %scan3A_2374 = %broadcast_in_dim3A_315, %scan3A_2375 = %broadcast_in_dim3A_315, %scan3A_2376 = %broadcast_in_dim3A_315, %scan3A_2377 = %broadcast_in_dim3A_315, %scan3A_2378 = %broadcast_in_dim3A_315, %scan3A_2379 = %broadcast_in_dim3A_315, %scan3A_2380 = %broadcast_in_dim3A_315, %scan3A_2381 = %broadcast_in_dim3A_315, %scan3A_2382 = %broadcast_in_dim3A_315, %scan3A_2383 = %broadcast_in_dim3A_315) -> (vector<16xi32>, vector<16xi32>, vector<16xi32>, vector<16xi32>, vector<16xi32>, vector<16xi32>, vector<16xi32>, vector<16xi32>, vector<16xi32>, vector<16xi32>, vector<16xi32>, vector<16xi32>, vector<16xi32>, vector<16xi32>, vector<16xi32>, vector<16xi32>, vector<16xi32>, vector<16xi32>, vector<16xi32>, vector<16xi32>, vector<16xi32>, vector<16xi32>, vector<16xi32>, vector<16xi32>, vector<16xi32>, vector<16xi32>, vector<16xi32>, vector<16xi32>, vector<16xi32>, vector<16xi32>, vector<16xi32>, vector<16xi32>)  : i32 {
      %mul3A_2384 = arith.constant 16 : i32
      %mul3A_2385 = arith.muli %scan3A_2351, %mul3A_2384 : i32
      %add3A_2386 = arith.constant 0 : i32
      %add3A_2387 = arith.addi %mul3A_2385, %add3A_2386 : i32
      %get3A_2388 = arith.index_cast %add3A_2387 : i32 to index
      %get3A_2389 = tpu.vector_load %arg6[%get3A_2388] {strides = array<i32>} : memref<32768xi32, #tpu.memory_space<vmem>>, vector<16xi32>,
      %add3A_2390 = arith.addi %scan3A_2352, %get3A_2389 : vector<16xi32>
      %shift_right_arithmetic3A = arith.constant 1 : i32
      %shift_right_arithmetic3A_2391 = vector.broadcast %shift_right_arithmetic3A : i32 to vector<16xi32>
      %shift_right_arithmetic3A_2392 = arith.shrsi %get3A_2389, %shift_right_arithmetic3A_2391 : vector<16xi32>
      %add3A_2393 = arith.addi %scan3A_2368, %shift_right_arithmetic3A_2392 : vector<16xi32>
      %add3A_2394 = arith.constant 2048 : i32
      %add3A_2395 = arith.addi %mul3A_2385, %add3A_2394 : i32
      %get3A_2396 = arith.index_cast %add3A_2395 : i32 to index
      %get3A_2397 = tpu.vector_load %arg6[%get3A_2396] {strides = array<i32>} : memref<32768xi32, #tpu.memory_space<vmem>>, vector<16xi32>,
      %add3A_2398 = arith.addi %scan3A_2353, %get3A_2397 : vector<16xi32>
      %shift_right_arithmetic3A_2399 = arith.constant 1 : i32
      %shift_right_arithmetic3A_2400 = vector.broadcast %shift_right_arithmetic3A_2399 : i32 to vector<16xi32>
      %shift_right_arithmetic3A_2401 = arith.shrsi %get3A_2397, %shift_right_arithmetic3A_2400 : vector<16xi32>
      %add3A_2402 = arith.addi %scan3A_2369, %shift_right_arithmetic3A_2401 : vector<16xi32>
      %add3A_2403 = arith.constant 4096 : i32
      %add3A_2404 = arith.addi %mul3A_2385, %add3A_2403 : i32
      %get3A_2405 = arith.index_cast %add3A_2404 : i32 to index
      %get3A_2406 = tpu.vector_load %arg6[%get3A_2405] {strides = array<i32>} : memref<32768xi32, #tpu.memory_space<vmem>>, vector<16xi32>,
      %add3A_2407 = arith.addi %scan3A_2354, %get3A_2406 : vector<16xi32>
      %shift_right_arithmetic3A_2408 = arith.constant 1 : i32
      %shift_right_arithmetic3A_2409 = vector.broadcast %shift_right_arithmetic3A_2408 : i32 to vector<16xi32>
      %shift_right_arithmetic3A_2410 = arith.shrsi %get3A_2406, %shift_right_arithmetic3A_2409 : vector<16xi32>
      %add3A_2411 = arith.addi %scan3A_2370, %shift_right_arithmetic3A_2410 : vector<16xi32>
      %add3A_2412 = arith.constant 6144 : i32
      %add3A_2413 = arith.addi %mul3A_2385, %add3A_2412 : i32
      %get3A_2414 = arith.index_cast %add3A_2413 : i32 to index
      %get3A_2415 = tpu.vector_load %arg6[%get3A_2414] {strides = array<i32>} : memref<32768xi32, #tpu.memory_space<vmem>>, vector<16xi32>,
      %add3A_2416 = arith.addi %scan3A_2355, %get3A_2415 : vector<16xi32>
      %shift_right_arithmetic3A_2417 = arith.constant 1 : i32
      %shift_right_arithmetic3A_2418 = vector.broadcast %shift_right_arithmetic3A_2417 : i32 to vector<16xi32>
      %shift_right_arithmetic3A_2419 = arith.shrsi %get3A_2415, %shift_right_arithmetic3A_2418 : vector<16xi32>
      %add3A_2420 = arith.addi %scan3A_2371, %shift_right_arithmetic3A_2419 : vector<16xi32>
      %add3A_2421 = arith.constant 8192 : i32
      %add3A_2422 = arith.addi %mul3A_2385, %add3A_2421 : i32
      %get3A_2423 = arith.index_cast %add3A_2422 : i32 to index
      %get3A_2424 = tpu.vector_load %arg6[%get3A_2423] {strides = array<i32>} : memref<32768xi32, #tpu.memory_space<vmem>>, vector<16xi32>,
      %add3A_2425 = arith.addi %scan3A_2356, %get3A_2424 : vector<16xi32>
      %shift_right_arithmetic3A_2426 = arith.constant 1 : i32
      %shift_right_arithmetic3A_2427 = vector.broadcast %shift_right_arithmetic3A_2426 : i32 to vector<16xi32>
      %shift_right_arithmetic3A_2428 = arith.shrsi %get3A_2424, %shift_right_arithmetic3A_2427 : vector<16xi32>
      %add3A_2429 = arith.addi %scan3A_2372, %shift_right_arithmetic3A_2428 : vector<16xi32>
      %add3A_2430 = arith.constant 10240 : i32
      %add3A_2431 = arith.addi %mul3A_2385, %add3A_2430 : i32
      %get3A_2432 = arith.index_cast %add3A_2431 : i32 to index
      %get3A_2433 = tpu.vector_load %arg6[%get3A_2432] {strides = array<i32>} : memref<32768xi32, #tpu.memory_space<vmem>>, vector<16xi32>,
      %add3A_2434 = arith.addi %scan3A_2357, %get3A_2433 : vector<16xi32>
      %shift_right_arithmetic3A_2435 = arith.constant 1 : i32
      %shift_right_arithmetic3A_2436 = vector.broadcast %shift_right_arithmetic3A_2435 : i32 to vector<16xi32>
      %shift_right_arithmetic3A_2437 = arith.shrsi %get3A_2433, %shift_right_arithmetic3A_2436 : vector<16xi32>
      %add3A_2438 = arith.addi %scan3A_2373, %shift_right_arithmetic3A_2437 : vector<16xi32>
      %add3A_2439 = arith.constant 12288 : i32
      %add3A_2440 = arith.addi %mul3A_2385, %add3A_2439 : i32
      %get3A_2441 = arith.index_cast %add3A_2440 : i32 to index
      %get3A_2442 = tpu.vector_load %arg6[%get3A_2441] {strides = array<i32>} : memref<32768xi32, #tpu.memory_space<vmem>>, vector<16xi32>,
      %add3A_2443 = arith.addi %scan3A_2358, %get3A_2442 : vector<16xi32>
      %shift_right_arithmetic3A_2444 = arith.constant 1 : i32
      %shift_right_arithmetic3A_2445 = vector.broadcast %shift_right_arithmetic3A_2444 : i32 to vector<16xi32>
      %shift_right_arithmetic3A_2446 = arith.shrsi %get3A_2442, %shift_right_arithmetic3A_2445 : vector<16xi32>
      %add3A_2447 = arith.addi %scan3A_2374, %shift_right_arithmetic3A_2446 : vector<16xi32>
      %add3A_2448 = arith.constant 14336 : i32
      %add3A_2449 = arith.addi %mul3A_2385, %add3A_2448 : i32
      %get3A_2450 = arith.index_cast %add3A_2449 : i32 to index
      %get3A_2451 = tpu.vector_load %arg6[%get3A_2450] {strides = array<i32>} : memref<32768xi32, #tpu.memory_space<vmem>>, vector<16xi32>,
      %add3A_2452 = arith.addi %scan3A_2359, %get3A_2451 : vector<16xi32>
      %shift_right_arithmetic3A_2453 = arith.constant 1 : i32
      %shift_right_arithmetic3A_2454 = vector.broadcast %shift_right_arithmetic3A_2453 : i32 to vector<16xi32>
      %shift_right_arithmetic3A_2455 = arith.shrsi %get3A_2451, %shift_right_arithmetic3A_2454 : vector<16xi32>
      %add3A_2456 = arith.addi %scan3A_2375, %shift_right_arithmetic3A_2455 : vector<16xi32>
      %add3A_2457 = arith.constant 16384 : i32
      %add3A_2458 = arith.addi %mul3A_2385, %add3A_2457 : i32
      %get3A_2459 = arith.index_cast %add3A_2458 : i32 to index
      %get3A_2460 = tpu.vector_load %arg6[%get3A_2459] {strides = array<i32>} : memref<32768xi32, #tpu.memory_space<vmem>>, vector<16xi32>,
      %add3A_2461 = arith.addi %scan3A_2360, %get3A_2460 : vector<16xi32>
      %shift_right_arithmetic3A_2462 = arith.constant 1 : i32
      %shift_right_arithmetic3A_2463 = vector.broadcast %shift_right_arithmetic3A_2462 : i32 to vector<16xi32>
      %shift_right_arithmetic3A_2464 = arith.shrsi %get3A_2460, %shift_right_arithmetic3A_2463 : vector<16xi32>
      %add3A_2465 = arith.addi %scan3A_2376, %shift_right_arithmetic3A_2464 : vector<16xi32>
      %add3A_2466 = arith.constant 18432 : i32
      %add3A_2467 = arith.addi %mul3A_2385, %add3A_2466 : i32
      %get3A_2468 = arith.index_cast %add3A_2467 : i32 to index
      %get3A_2469 = tpu.vector_load %arg6[%get3A_2468] {strides = array<i32>} : memref<32768xi32, #tpu.memory_space<vmem>>, vector<16xi32>,
      %add3A_2470 = arith.addi %scan3A_2361, %get3A_2469 : vector<16xi32>
      %shift_right_arithmetic3A_2471 = arith.constant 1 : i32
      %shift_right_arithmetic3A_2472 = vector.broadcast %shift_right_arithmetic3A_2471 : i32 to vector<16xi32>
      %shift_right_arithmetic3A_2473 = arith.shrsi %get3A_2469, %shift_right_arithmetic3A_2472 : vector<16xi32>
      %add3A_2474 = arith.addi %scan3A_2377, %shift_right_arithmetic3A_2473 : vector<16xi32>
      %add3A_2475 = arith.constant 20480 : i32
      %add3A_2476 = arith.addi %mul3A_2385, %add3A_2475 : i32
      %get3A_2477 = arith.index_cast %add3A_2476 : i32 to index
      %get3A_2478 = tpu.vector_load %arg6[%get3A_2477] {strides = array<i32>} : memref<32768xi32, #tpu.memory_space<vmem>>, vector<16xi32>,
      %add3A_2479 = arith.addi %scan3A_2362, %get3A_2478 : vector<16xi32>
      %shift_right_arithmetic3A_2480 = arith.constant 1 : i32
      %shift_right_arithmetic3A_2481 = vector.broadcast %shift_right_arithmetic3A_2480 : i32 to vector<16xi32>
      %shift_right_arithmetic3A_2482 = arith.shrsi %get3A_2478, %shift_right_arithmetic3A_2481 : vector<16xi32>
      %add3A_2483 = arith.addi %scan3A_2378, %shift_right_arithmetic3A_2482 : vector<16xi32>
      %add3A_2484 = arith.constant 22528 : i32
      %add3A_2485 = arith.addi %mul3A_2385, %add3A_2484 : i32
      %get3A_2486 = arith.index_cast %add3A_2485 : i32 to index
      %get3A_2487 = tpu.vector_load %arg6[%get3A_2486] {strides = array<i32>} : memref<32768xi32, #tpu.memory_space<vmem>>, vector<16xi32>,
      %add3A_2488 = arith.addi %scan3A_2363, %get3A_2487 : vector<16xi32>
      %shift_right_arithmetic3A_2489 = arith.constant 1 : i32
      %shift_right_arithmetic3A_2490 = vector.broadcast %shift_right_arithmetic3A_2489 : i32 to vector<16xi32>
      %shift_right_arithmetic3A_2491 = arith.shrsi %get3A_2487, %shift_right_arithmetic3A_2490 : vector<16xi32>
      %add3A_2492 = arith.addi %scan3A_2379, %shift_right_arithmetic3A_2491 : vector<16xi32>
      %add3A_2493 = arith.constant 24576 : i32
      %add3A_2494 = arith.addi %mul3A_2385, %add3A_2493 : i32
      %get3A_2495 = arith.index_cast %add3A_2494 : i32 to index
      %get3A_2496 = tpu.vector_load %arg6[%get3A_2495] {strides = array<i32>} : memref<32768xi32, #tpu.memory_space<vmem>>, vector<16xi32>,
      %add3A_2497 = arith.addi %scan3A_2364, %get3A_2496 : vector<16xi32>
      %shift_right_arithmetic3A_2498 = arith.constant 1 : i32
      %shift_right_arithmetic3A_2499 = vector.broadcast %shift_right_arithmetic3A_2498 : i32 to vector<16xi32>
      %shift_right_arithmetic3A_2500 = arith.shrsi %get3A_2496, %shift_right_arithmetic3A_2499 : vector<16xi32>
      %add3A_2501 = arith.addi %scan3A_2380, %shift_right_arithmetic3A_2500 : vector<16xi32>
      %add3A_2502 = arith.constant 26624 : i32
      %add3A_2503 = arith.addi %mul3A_2385, %add3A_2502 : i32
      %get3A_2504 = arith.index_cast %add3A_2503 : i32 to index
      %get3A_2505 = tpu.vector_load %arg6[%get3A_2504] {strides = array<i32>} : memref<32768xi32, #tpu.memory_space<vmem>>, vector<16xi32>,
      %add3A_2506 = arith.addi %scan3A_2365, %get3A_2505 : vector<16xi32>
      %shift_right_arithmetic3A_2507 = arith.constant 1 : i32
      %shift_right_arithmetic3A_2508 = vector.broadcast %shift_right_arithmetic3A_2507 : i32 to vector<16xi32>
      %shift_right_arithmetic3A_2509 = arith.shrsi %get3A_2505, %shift_right_arithmetic3A_2508 : vector<16xi32>
      %add3A_2510 = arith.addi %scan3A_2381, %shift_right_arithmetic3A_2509 : vector<16xi32>
      %add3A_2511 = arith.constant 28672 : i32
      %add3A_2512 = arith.addi %mul3A_2385, %add3A_2511 : i32
      %get3A_2513 = arith.index_cast %add3A_2512 : i32 to index
      %get3A_2514 = tpu.vector_load %arg6[%get3A_2513] {strides = array<i32>} : memref<32768xi32, #tpu.memory_space<vmem>>, vector<16xi32>,
      %add3A_2515 = arith.addi %scan3A_2366, %get3A_2514 : vector<16xi32>
      %shift_right_arithmetic3A_2516 = arith.constant 1 : i32
      %shift_right_arithmetic3A_2517 = vector.broadcast %shift_right_arithmetic3A_2516 : i32 to vector<16xi32>
      %shift_right_arithmetic3A_2518 = arith.shrsi %get3A_2514, %shift_right_arithmetic3A_2517 : vector<16xi32>
      %add3A_2519 = arith.addi %scan3A_2382, %shift_right_arithmetic3A_2518 : vector<16xi32>
      %add3A_2520 = arith.constant 30720 : i32
      %add3A_2521 = arith.addi %mul3A_2385, %add3A_2520 : i32
      %get3A_2522 = arith.index_cast %add3A_2521 : i32 to index
      %get3A_2523 = tpu.vector_load %arg6[%get3A_2522] {strides = array<i32>} : memref<32768xi32, #tpu.memory_space<vmem>>, vector<16xi32>,
      %add3A_2524 = arith.addi %scan3A_2367, %get3A_2523 : vector<16xi32>
      %shift_right_arithmetic3A_2525 = arith.constant 1 : i32
      %shift_right_arithmetic3A_2526 = vector.broadcast %shift_right_arithmetic3A_2525 : i32 to vector<16xi32>
      %shift_right_arithmetic3A_2527 = arith.shrsi %get3A_2523, %shift_right_arithmetic3A_2526 : vector<16xi32>
      %add3A_2528 = arith.addi %scan3A_2383, %shift_right_arithmetic3A_2527 : vector<16xi32>
      scf.yield %add3A_2390, %add3A_2398, %add3A_2407, %add3A_2416, %add3A_2425, %add3A_2434, %add3A_2443, %add3A_2452, %add3A_2461, %add3A_2470, %add3A_2479, %add3A_2488, %add3A_2497, %add3A_2506, %add3A_2515, %add3A_2524, %add3A_2393, %add3A_2402, %add3A_2411, %add3A_2420, %add3A_2429, %add3A_2438, %add3A_2447, %add3A_2456, %add3A_2465, %add3A_2474, %add3A_2483, %add3A_2492, %add3A_2501, %add3A_2510, %add3A_2519, %add3A_2528 : vector<16xi32>, vector<16xi32>, vector<16xi32>, vector<16xi32>, vector<16xi32>, vector<16xi32>, vector<16xi32>, vector<16xi32>, vector<16xi32>, vector<16xi32>, vector<16xi32>, vector<16xi32>, vector<16xi32>, vector<16xi32>, vector<16xi32>, vector<16xi32>, vector<16xi32>, vector<16xi32>, vector<16xi32>, vector<16xi32>, vector<16xi32>, vector<16xi32>, vector<16xi32>, vector<16xi32>, vector<16xi32>, vector<16xi32>, vector<16xi32>, vector<16xi32>, vector<16xi32>, vector<16xi32>, vector<16xi32>, vector<16xi32>
    }
    %scan3A_321 = arith.constant 128 : i32
    %broadcast_in_dim3A_322 = arith.constant 0 : i32
    %broadcast_in_dim3A_323 = vector.broadcast %broadcast_in_dim3A_322 : i32 to vector<16xi32>
    %broadcast_in_dim3A_324 = arith.constant 0 : i32
    %broadcast_in_dim3A_325 = vector.broadcast %broadcast_in_dim3A_324 : i32 to vector<16xi32>
    %eq3A_326 = arith.constant 0 : i32
    %eq3A_327 = vector.broadcast %eq3A_326 : i32 to vector<16xi32>
    %eq3A_328 = arith.cmpi eq, %iota3A, %eq3A_327 : vector<16xi32>
    %reduce_sum3A_329 = arith.constant true
    %reduce_sum3A_330 = vector.broadcast %reduce_sum3A_329 : i1 to vector<16xi1>
    %reduce_sum3A_331 = tpu.scan <sum>, %scan3A_320#0 masked %reduce_sum3A_330 : vector<16xi32>, vector<16xi1> -> vector<16xi32>
    %reduce_sum3A_332 = vector.extract %reduce_sum3A_331[15] : i32 from vector<16xi32>
    %broadcast_in_dim3A_333 = vector.broadcast %reduce_sum3A_332 : i32 to vector<16xi32>
    %select_n3A_334 = arith.select %eq3A_328, %broadcast_in_dim3A_333, %broadcast_in_dim3A_323 : vector<16xi1>, vector<16xi32>
    %reduce_sum3A_335 = arith.constant true
    %reduce_sum3A_336 = vector.broadcast %reduce_sum3A_335 : i1 to vector<16xi1>
    %reduce_sum3A_337 = tpu.scan <sum>, %scan3A_320#16 masked %reduce_sum3A_336 : vector<16xi32>, vector<16xi1> -> vector<16xi32>
    %reduce_sum3A_338 = vector.extract %reduce_sum3A_337[15] : i32 from vector<16xi32>
    %broadcast_in_dim3A_339 = vector.broadcast %reduce_sum3A_338 : i32 to vector<16xi32>
    %select_n3A_340 = arith.select %eq3A_328, %broadcast_in_dim3A_339, %broadcast_in_dim3A_325 : vector<16xi1>, vector<16xi32>
    %eq3A_341 = arith.constant 1 : i32
    %eq3A_342 = vector.broadcast %eq3A_341 : i32 to vector<16xi32>
    %eq3A_343 = arith.cmpi eq, %iota3A, %eq3A_342 : vector<16xi32>
    %reduce_sum3A_344 = arith.constant true
    %reduce_sum3A_345 = vector.broadcast %reduce_sum3A_344 : i1 to vector<16xi1>
    %reduce_sum3A_346 = tpu.scan <sum>, %scan3A_320#1 masked %reduce_sum3A_345 : vector<16xi32>, vector<16xi1> -> vector<16xi32>
    %reduce_sum3A_347 = vector.extract %reduce_sum3A_346[15] : i32 from vector<16xi32>
    %broadcast_in_dim3A_348 = vector.broadcast %reduce_sum3A_347 : i32 to vector<16xi32>
    %select_n3A_349 = arith.select %eq3A_343, %broadcast_in_dim3A_348, %select_n3A_334 : vector<16xi1>, vector<16xi32>
    %reduce_sum3A_350 = arith.constant true
    %reduce_sum3A_351 = vector.broadcast %reduce_sum3A_350 : i1 to vector<16xi1>
    %reduce_sum3A_352 = tpu.scan <sum>, %scan3A_320#17 masked %reduce_sum3A_351 : vector<16xi32>, vector<16xi1> -> vector<16xi32>
    %reduce_sum3A_353 = vector.extract %reduce_sum3A_352[15] : i32 from vector<16xi32>
    %broadcast_in_dim3A_354 = vector.broadcast %reduce_sum3A_353 : i32 to vector<16xi32>
    %select_n3A_355 = arith.select %eq3A_343, %broadcast_in_dim3A_354, %select_n3A_340 : vector<16xi1>, vector<16xi32>
    %eq3A_356 = arith.constant 2 : i32
    %eq3A_357 = vector.broadcast %eq3A_356 : i32 to vector<16xi32>
    %eq3A_358 = arith.cmpi eq, %iota3A, %eq3A_357 : vector<16xi32>
    %reduce_sum3A_359 = arith.constant true
    %reduce_sum3A_360 = vector.broadcast %reduce_sum3A_359 : i1 to vector<16xi1>
    %reduce_sum3A_361 = tpu.scan <sum>, %scan3A_320#2 masked %reduce_sum3A_360 : vector<16xi32>, vector<16xi1> -> vector<16xi32>
    %reduce_sum3A_362 = vector.extract %reduce_sum3A_361[15] : i32 from vector<16xi32>
    %broadcast_in_dim3A_363 = vector.broadcast %reduce_sum3A_362 : i32 to vector<16xi32>
    %select_n3A_364 = arith.select %eq3A_358, %broadcast_in_dim3A_363, %select_n3A_349 : vector<16xi1>, vector<16xi32>
    %reduce_sum3A_365 = arith.constant true
    %reduce_sum3A_366 = vector.broadcast %reduce_sum3A_365 : i1 to vector<16xi1>
    %reduce_sum3A_367 = tpu.scan <sum>, %scan3A_320#18 masked %reduce_sum3A_366 : vector<16xi32>, vector<16xi1> -> vector<16xi32>
    %reduce_sum3A_368 = vector.extract %reduce_sum3A_367[15] : i32 from vector<16xi32>
    %broadcast_in_dim3A_369 = vector.broadcast %reduce_sum3A_368 : i32 to vector<16xi32>
    %select_n3A_370 = arith.select %eq3A_358, %broadcast_in_dim3A_369, %select_n3A_355 : vector<16xi1>, vector<16xi32>
    %eq3A_371 = arith.constant 3 : i32
    %eq3A_372 = vector.broadcast %eq3A_371 : i32 to vector<16xi32>
    %eq3A_373 = arith.cmpi eq, %iota3A, %eq3A_372 : vector<16xi32>
    %reduce_sum3A_374 = arith.constant true
    %reduce_sum3A_375 = vector.broadcast %reduce_sum3A_374 : i1 to vector<16xi1>
    %reduce_sum3A_376 = tpu.scan <sum>, %scan3A_320#3 masked %reduce_sum3A_375 : vector<16xi32>, vector<16xi1> -> vector<16xi32>
    %reduce_sum3A_377 = vector.extract %reduce_sum3A_376[15] : i32 from vector<16xi32>
    %broadcast_in_dim3A_378 = vector.broadcast %reduce_sum3A_377 : i32 to vector<16xi32>
    %select_n3A_379 = arith.select %eq3A_373, %broadcast_in_dim3A_378, %select_n3A_364 : vector<16xi1>, vector<16xi32>
    %reduce_sum3A_380 = arith.constant true
    %reduce_sum3A_381 = vector.broadcast %reduce_sum3A_380 : i1 to vector<16xi1>
    %reduce_sum3A_382 = tpu.scan <sum>, %scan3A_320#19 masked %reduce_sum3A_381 : vector<16xi32>, vector<16xi1> -> vector<16xi32>
    %reduce_sum3A_383 = vector.extract %reduce_sum3A_382[15] : i32 from vector<16xi32>
    %broadcast_in_dim3A_384 = vector.broadcast %reduce_sum3A_383 : i32 to vector<16xi32>
    %select_n3A_385 = arith.select %eq3A_373, %broadcast_in_dim3A_384, %select_n3A_370 : vector<16xi1>, vector<16xi32>
    %eq3A_386 = arith.constant 4 : i32
    %eq3A_387 = vector.broadcast %eq3A_386 : i32 to vector<16xi32>
    %eq3A_388 = arith.cmpi eq, %iota3A, %eq3A_387 : vector<16xi32>
    %reduce_sum3A_389 = arith.constant true
    %reduce_sum3A_390 = vector.broadcast %reduce_sum3A_389 : i1 to vector<16xi1>
    %reduce_sum3A_391 = tpu.scan <sum>, %scan3A_320#4 masked %reduce_sum3A_390 : vector<16xi32>, vector<16xi1> -> vector<16xi32>
    %reduce_sum3A_392 = vector.extract %reduce_sum3A_391[15] : i32 from vector<16xi32>
    %broadcast_in_dim3A_393 = vector.broadcast %reduce_sum3A_392 : i32 to vector<16xi32>
    %select_n3A_394 = arith.select %eq3A_388, %broadcast_in_dim3A_393, %select_n3A_379 : vector<16xi1>, vector<16xi32>
    %reduce_sum3A_395 = arith.constant true
    %reduce_sum3A_396 = vector.broadcast %reduce_sum3A_395 : i1 to vector<16xi1>
    %reduce_sum3A_397 = tpu.scan <sum>, %scan3A_320#20 masked %reduce_sum3A_396 : vector<16xi32>, vector<16xi1> -> vector<16xi32>
    %reduce_sum3A_398 = vector.extract %reduce_sum3A_397[15] : i32 from vector<16xi32>
    %broadcast_in_dim3A_399 = vector.broadcast %reduce_sum3A_398 : i32 to vector<16xi32>
    %select_n3A_400 = arith.select %eq3A_388, %broadcast_in_dim3A_399, %select_n3A_385 : vector<16xi1>, vector<16xi32>
    %eq3A_401 = arith.constant 5 : i32
    %eq3A_402 = vector.broadcast %eq3A_401 : i32 to vector<16xi32>
    %eq3A_403 = arith.cmpi eq, %iota3A, %eq3A_402 : vector<16xi32>
    %reduce_sum3A_404 = arith.constant true
    %reduce_sum3A_405 = vector.broadcast %reduce_sum3A_404 : i1 to vector<16xi1>
    %reduce_sum3A_406 = tpu.scan <sum>, %scan3A_320#5 masked %reduce_sum3A_405 : vector<16xi32>, vector<16xi1> -> vector<16xi32>
    %reduce_sum3A_407 = vector.extract %reduce_sum3A_406[15] : i32 from vector<16xi32>
    %broadcast_in_dim3A_408 = vector.broadcast %reduce_sum3A_407 : i32 to vector<16xi32>
    %select_n3A_409 = arith.select %eq3A_403, %broadcast_in_dim3A_408, %select_n3A_394 : vector<16xi1>, vector<16xi32>
    %reduce_sum3A_410 = arith.constant true
    %reduce_sum3A_411 = vector.broadcast %reduce_sum3A_410 : i1 to vector<16xi1>
    %reduce_sum3A_412 = tpu.scan <sum>, %scan3A_320#21 masked %reduce_sum3A_411 : vector<16xi32>, vector<16xi1> -> vector<16xi32>
    %reduce_sum3A_413 = vector.extract %reduce_sum3A_412[15] : i32 from vector<16xi32>
    %broadcast_in_dim3A_414 = vector.broadcast %reduce_sum3A_413 : i32 to vector<16xi32>
    %select_n3A_415 = arith.select %eq3A_403, %broadcast_in_dim3A_414, %select_n3A_400 : vector<16xi1>, vector<16xi32>
    %eq3A_416 = arith.constant 6 : i32
    %eq3A_417 = vector.broadcast %eq3A_416 : i32 to vector<16xi32>
    %eq3A_418 = arith.cmpi eq, %iota3A, %eq3A_417 : vector<16xi32>
    %reduce_sum3A_419 = arith.constant true
    %reduce_sum3A_420 = vector.broadcast %reduce_sum3A_419 : i1 to vector<16xi1>
    %reduce_sum3A_421 = tpu.scan <sum>, %scan3A_320#6 masked %reduce_sum3A_420 : vector<16xi32>, vector<16xi1> -> vector<16xi32>
    %reduce_sum3A_422 = vector.extract %reduce_sum3A_421[15] : i32 from vector<16xi32>
    %broadcast_in_dim3A_423 = vector.broadcast %reduce_sum3A_422 : i32 to vector<16xi32>
    %select_n3A_424 = arith.select %eq3A_418, %broadcast_in_dim3A_423, %select_n3A_409 : vector<16xi1>, vector<16xi32>
    %reduce_sum3A_425 = arith.constant true
    %reduce_sum3A_426 = vector.broadcast %reduce_sum3A_425 : i1 to vector<16xi1>
    %reduce_sum3A_427 = tpu.scan <sum>, %scan3A_320#22 masked %reduce_sum3A_426 : vector<16xi32>, vector<16xi1> -> vector<16xi32>
    %reduce_sum3A_428 = vector.extract %reduce_sum3A_427[15] : i32 from vector<16xi32>
    %broadcast_in_dim3A_429 = vector.broadcast %reduce_sum3A_428 : i32 to vector<16xi32>
    %select_n3A_430 = arith.select %eq3A_418, %broadcast_in_dim3A_429, %select_n3A_415 : vector<16xi1>, vector<16xi32>
    %eq3A_431 = arith.constant 7 : i32
    %eq3A_432 = vector.broadcast %eq3A_431 : i32 to vector<16xi32>
    %eq3A_433 = arith.cmpi eq, %iota3A, %eq3A_432 : vector<16xi32>
    %reduce_sum3A_434 = arith.constant true
    %reduce_sum3A_435 = vector.broadcast %reduce_sum3A_434 : i1 to vector<16xi1>
    %reduce_sum3A_436 = tpu.scan <sum>, %scan3A_320#7 masked %reduce_sum3A_435 : vector<16xi32>, vector<16xi1> -> vector<16xi32>
    %reduce_sum3A_437 = vector.extract %reduce_sum3A_436[15] : i32 from vector<16xi32>
    %broadcast_in_dim3A_438 = vector.broadcast %reduce_sum3A_437 : i32 to vector<16xi32>
    %select_n3A_439 = arith.select %eq3A_433, %broadcast_in_dim3A_438, %select_n3A_424 : vector<16xi1>, vector<16xi32>
    %reduce_sum3A_440 = arith.constant true
    %reduce_sum3A_441 = vector.broadcast %reduce_sum3A_440 : i1 to vector<16xi1>
    %reduce_sum3A_442 = tpu.scan <sum>, %scan3A_320#23 masked %reduce_sum3A_441 : vector<16xi32>, vector<16xi1> -> vector<16xi32>
    %reduce_sum3A_443 = vector.extract %reduce_sum3A_442[15] : i32 from vector<16xi32>
    %broadcast_in_dim3A_444 = vector.broadcast %reduce_sum3A_443 : i32 to vector<16xi32>
    %select_n3A_445 = arith.select %eq3A_433, %broadcast_in_dim3A_444, %select_n3A_430 : vector<16xi1>, vector<16xi32>
    %eq3A_446 = arith.constant 8 : i32
    %eq3A_447 = vector.broadcast %eq3A_446 : i32 to vector<16xi32>
    %eq3A_448 = arith.cmpi eq, %iota3A, %eq3A_447 : vector<16xi32>
    %reduce_sum3A_449 = arith.constant true
    %reduce_sum3A_450 = vector.broadcast %reduce_sum3A_449 : i1 to vector<16xi1>
    %reduce_sum3A_451 = tpu.scan <sum>, %scan3A_320#8 masked %reduce_sum3A_450 : vector<16xi32>, vector<16xi1> -> vector<16xi32>
    %reduce_sum3A_452 = vector.extract %reduce_sum3A_451[15] : i32 from vector<16xi32>
    %broadcast_in_dim3A_453 = vector.broadcast %reduce_sum3A_452 : i32 to vector<16xi32>
    %select_n3A_454 = arith.select %eq3A_448, %broadcast_in_dim3A_453, %select_n3A_439 : vector<16xi1>, vector<16xi32>
    %reduce_sum3A_455 = arith.constant true
    %reduce_sum3A_456 = vector.broadcast %reduce_sum3A_455 : i1 to vector<16xi1>
    %reduce_sum3A_457 = tpu.scan <sum>, %scan3A_320#24 masked %reduce_sum3A_456 : vector<16xi32>, vector<16xi1> -> vector<16xi32>
    %reduce_sum3A_458 = vector.extract %reduce_sum3A_457[15] : i32 from vector<16xi32>
    %broadcast_in_dim3A_459 = vector.broadcast %reduce_sum3A_458 : i32 to vector<16xi32>
    %select_n3A_460 = arith.select %eq3A_448, %broadcast_in_dim3A_459, %select_n3A_445 : vector<16xi1>, vector<16xi32>
    %eq3A_461 = arith.constant 9 : i32
    %eq3A_462 = vector.broadcast %eq3A_461 : i32 to vector<16xi32>
    %eq3A_463 = arith.cmpi eq, %iota3A, %eq3A_462 : vector<16xi32>
    %reduce_sum3A_464 = arith.constant true
    %reduce_sum3A_465 = vector.broadcast %reduce_sum3A_464 : i1 to vector<16xi1>
    %reduce_sum3A_466 = tpu.scan <sum>, %scan3A_320#9 masked %reduce_sum3A_465 : vector<16xi32>, vector<16xi1> -> vector<16xi32>
    %reduce_sum3A_467 = vector.extract %reduce_sum3A_466[15] : i32 from vector<16xi32>
    %broadcast_in_dim3A_468 = vector.broadcast %reduce_sum3A_467 : i32 to vector<16xi32>
    %select_n3A_469 = arith.select %eq3A_463, %broadcast_in_dim3A_468, %select_n3A_454 : vector<16xi1>, vector<16xi32>
    %reduce_sum3A_470 = arith.constant true
    %reduce_sum3A_471 = vector.broadcast %reduce_sum3A_470 : i1 to vector<16xi1>
    %reduce_sum3A_472 = tpu.scan <sum>, %scan3A_320#25 masked %reduce_sum3A_471 : vector<16xi32>, vector<16xi1> -> vector<16xi32>
    %reduce_sum3A_473 = vector.extract %reduce_sum3A_472[15] : i32 from vector<16xi32>
    %broadcast_in_dim3A_474 = vector.broadcast %reduce_sum3A_473 : i32 to vector<16xi32>
    %select_n3A_475 = arith.select %eq3A_463, %broadcast_in_dim3A_474, %select_n3A_460 : vector<16xi1>, vector<16xi32>
    %eq3A_476 = arith.constant 10 : i32
    %eq3A_477 = vector.broadcast %eq3A_476 : i32 to vector<16xi32>
    %eq3A_478 = arith.cmpi eq, %iota3A, %eq3A_477 : vector<16xi32>
    %reduce_sum3A_479 = arith.constant true
    %reduce_sum3A_480 = vector.broadcast %reduce_sum3A_479 : i1 to vector<16xi1>
    %reduce_sum3A_481 = tpu.scan <sum>, %scan3A_320#10 masked %reduce_sum3A_480 : vector<16xi32>, vector<16xi1> -> vector<16xi32>
    %reduce_sum3A_482 = vector.extract %reduce_sum3A_481[15] : i32 from vector<16xi32>
    %broadcast_in_dim3A_483 = vector.broadcast %reduce_sum3A_482 : i32 to vector<16xi32>
    %select_n3A_484 = arith.select %eq3A_478, %broadcast_in_dim3A_483, %select_n3A_469 : vector<16xi1>, vector<16xi32>
    %reduce_sum3A_485 = arith.constant true
    %reduce_sum3A_486 = vector.broadcast %reduce_sum3A_485 : i1 to vector<16xi1>
    %reduce_sum3A_487 = tpu.scan <sum>, %scan3A_320#26 masked %reduce_sum3A_486 : vector<16xi32>, vector<16xi1> -> vector<16xi32>
    %reduce_sum3A_488 = vector.extract %reduce_sum3A_487[15] : i32 from vector<16xi32>
    %broadcast_in_dim3A_489 = vector.broadcast %reduce_sum3A_488 : i32 to vector<16xi32>
    %select_n3A_490 = arith.select %eq3A_478, %broadcast_in_dim3A_489, %select_n3A_475 : vector<16xi1>, vector<16xi32>
    %eq3A_491 = arith.constant 11 : i32
    %eq3A_492 = vector.broadcast %eq3A_491 : i32 to vector<16xi32>
    %eq3A_493 = arith.cmpi eq, %iota3A, %eq3A_492 : vector<16xi32>
    %reduce_sum3A_494 = arith.constant true
    %reduce_sum3A_495 = vector.broadcast %reduce_sum3A_494 : i1 to vector<16xi1>
    %reduce_sum3A_496 = tpu.scan <sum>, %scan3A_320#11 masked %reduce_sum3A_495 : vector<16xi32>, vector<16xi1> -> vector<16xi32>
    %reduce_sum3A_497 = vector.extract %reduce_sum3A_496[15] : i32 from vector<16xi32>
    %broadcast_in_dim3A_498 = vector.broadcast %reduce_sum3A_497 : i32 to vector<16xi32>
    %select_n3A_499 = arith.select %eq3A_493, %broadcast_in_dim3A_498, %select_n3A_484 : vector<16xi1>, vector<16xi32>
    %reduce_sum3A_500 = arith.constant true
    %reduce_sum3A_501 = vector.broadcast %reduce_sum3A_500 : i1 to vector<16xi1>
    %reduce_sum3A_502 = tpu.scan <sum>, %scan3A_320#27 masked %reduce_sum3A_501 : vector<16xi32>, vector<16xi1> -> vector<16xi32>
    %reduce_sum3A_503 = vector.extract %reduce_sum3A_502[15] : i32 from vector<16xi32>
    %broadcast_in_dim3A_504 = vector.broadcast %reduce_sum3A_503 : i32 to vector<16xi32>
    %select_n3A_505 = arith.select %eq3A_493, %broadcast_in_dim3A_504, %select_n3A_490 : vector<16xi1>, vector<16xi32>
    %eq3A_506 = arith.constant 12 : i32
    %eq3A_507 = vector.broadcast %eq3A_506 : i32 to vector<16xi32>
    %eq3A_508 = arith.cmpi eq, %iota3A, %eq3A_507 : vector<16xi32>
    %reduce_sum3A_509 = arith.constant true
    %reduce_sum3A_510 = vector.broadcast %reduce_sum3A_509 : i1 to vector<16xi1>
    %reduce_sum3A_511 = tpu.scan <sum>, %scan3A_320#12 masked %reduce_sum3A_510 : vector<16xi32>, vector<16xi1> -> vector<16xi32>
    %reduce_sum3A_512 = vector.extract %reduce_sum3A_511[15] : i32 from vector<16xi32>
    %broadcast_in_dim3A_513 = vector.broadcast %reduce_sum3A_512 : i32 to vector<16xi32>
    %select_n3A_514 = arith.select %eq3A_508, %broadcast_in_dim3A_513, %select_n3A_499 : vector<16xi1>, vector<16xi32>
    %reduce_sum3A_515 = arith.constant true
    %reduce_sum3A_516 = vector.broadcast %reduce_sum3A_515 : i1 to vector<16xi1>
    %reduce_sum3A_517 = tpu.scan <sum>, %scan3A_320#28 masked %reduce_sum3A_516 : vector<16xi32>, vector<16xi1> -> vector<16xi32>
    %reduce_sum3A_518 = vector.extract %reduce_sum3A_517[15] : i32 from vector<16xi32>
    %broadcast_in_dim3A_519 = vector.broadcast %reduce_sum3A_518 : i32 to vector<16xi32>
    %select_n3A_520 = arith.select %eq3A_508, %broadcast_in_dim3A_519, %select_n3A_505 : vector<16xi1>, vector<16xi32>
    %eq3A_521 = arith.constant 13 : i32
    %eq3A_522 = vector.broadcast %eq3A_521 : i32 to vector<16xi32>
    %eq3A_523 = arith.cmpi eq, %iota3A, %eq3A_522 : vector<16xi32>
    %reduce_sum3A_524 = arith.constant true
    %reduce_sum3A_525 = vector.broadcast %reduce_sum3A_524 : i1 to vector<16xi1>
    %reduce_sum3A_526 = tpu.scan <sum>, %scan3A_320#13 masked %reduce_sum3A_525 : vector<16xi32>, vector<16xi1> -> vector<16xi32>
    %reduce_sum3A_527 = vector.extract %reduce_sum3A_526[15] : i32 from vector<16xi32>
    %broadcast_in_dim3A_528 = vector.broadcast %reduce_sum3A_527 : i32 to vector<16xi32>
    %select_n3A_529 = arith.select %eq3A_523, %broadcast_in_dim3A_528, %select_n3A_514 : vector<16xi1>, vector<16xi32>
    %reduce_sum3A_530 = arith.constant true
    %reduce_sum3A_531 = vector.broadcast %reduce_sum3A_530 : i1 to vector<16xi1>
    %reduce_sum3A_532 = tpu.scan <sum>, %scan3A_320#29 masked %reduce_sum3A_531 : vector<16xi32>, vector<16xi1> -> vector<16xi32>
    %reduce_sum3A_533 = vector.extract %reduce_sum3A_532[15] : i32 from vector<16xi32>
    %broadcast_in_dim3A_534 = vector.broadcast %reduce_sum3A_533 : i32 to vector<16xi32>
    %select_n3A_535 = arith.select %eq3A_523, %broadcast_in_dim3A_534, %select_n3A_520 : vector<16xi1>, vector<16xi32>
    %eq3A_536 = arith.constant 14 : i32
    %eq3A_537 = vector.broadcast %eq3A_536 : i32 to vector<16xi32>
    %eq3A_538 = arith.cmpi eq, %iota3A, %eq3A_537 : vector<16xi32>
    %reduce_sum3A_539 = arith.constant true
    %reduce_sum3A_540 = vector.broadcast %reduce_sum3A_539 : i1 to vector<16xi1>
    %reduce_sum3A_541 = tpu.scan <sum>, %scan3A_320#14 masked %reduce_sum3A_540 : vector<16xi32>, vector<16xi1> -> vector<16xi32>
    %reduce_sum3A_542 = vector.extract %reduce_sum3A_541[15] : i32 from vector<16xi32>
    %broadcast_in_dim3A_543 = vector.broadcast %reduce_sum3A_542 : i32 to vector<16xi32>
    %select_n3A_544 = arith.select %eq3A_538, %broadcast_in_dim3A_543, %select_n3A_529 : vector<16xi1>, vector<16xi32>
    %reduce_sum3A_545 = arith.constant true
    %reduce_sum3A_546 = vector.broadcast %reduce_sum3A_545 : i1 to vector<16xi1>
    %reduce_sum3A_547 = tpu.scan <sum>, %scan3A_320#30 masked %reduce_sum3A_546 : vector<16xi32>, vector<16xi1> -> vector<16xi32>
    %reduce_sum3A_548 = vector.extract %reduce_sum3A_547[15] : i32 from vector<16xi32>
    %broadcast_in_dim3A_549 = vector.broadcast %reduce_sum3A_548 : i32 to vector<16xi32>
    %select_n3A_550 = arith.select %eq3A_538, %broadcast_in_dim3A_549, %select_n3A_535 : vector<16xi1>, vector<16xi32>
    %eq3A_551 = arith.constant 15 : i32
    %eq3A_552 = vector.broadcast %eq3A_551 : i32 to vector<16xi32>
    %eq3A_553 = arith.cmpi eq, %iota3A, %eq3A_552 : vector<16xi32>
    %reduce_sum3A_554 = arith.constant true
    %reduce_sum3A_555 = vector.broadcast %reduce_sum3A_554 : i1 to vector<16xi1>
    %reduce_sum3A_556 = tpu.scan <sum>, %scan3A_320#15 masked %reduce_sum3A_555 : vector<16xi32>, vector<16xi1> -> vector<16xi32>
    %reduce_sum3A_557 = vector.extract %reduce_sum3A_556[15] : i32 from vector<16xi32>
    %broadcast_in_dim3A_558 = vector.broadcast %reduce_sum3A_557 : i32 to vector<16xi32>
    %select_n3A_559 = arith.select %eq3A_553, %broadcast_in_dim3A_558, %select_n3A_544 : vector<16xi1>, vector<16xi32>
    %reduce_sum3A_560 = arith.constant true
    %reduce_sum3A_561 = vector.broadcast %reduce_sum3A_560 : i1 to vector<16xi1>
    %reduce_sum3A_562 = tpu.scan <sum>, %scan3A_320#31 masked %reduce_sum3A_561 : vector<16xi32>, vector<16xi1> -> vector<16xi32>
    %reduce_sum3A_563 = vector.extract %reduce_sum3A_562[15] : i32 from vector<16xi32>
    %broadcast_in_dim3A_564 = vector.broadcast %reduce_sum3A_563 : i32 to vector<16xi32>
    %select_n3A_565 = arith.select %eq3A_553, %broadcast_in_dim3A_564, %select_n3A_550 : vector<16xi1>, vector<16xi32>
    %convert_element_type3A_566 = arith.sitofp %select_n3A_559 : vector<16xi32> to vector<16xf32>
    %convert_element_type3A_567 = arith.sitofp %select_n3A_565 : vector<16xi32> to vector<16xf32>
    %sub3A_568 = arith.subf %convert_element_type3A_566, %convert_element_type3A_567 : vector<16xf32>
    %sub3A_569 = arith.subf %sub3A_568, %convert_element_type3A_567 : vector<16xf32>
    %sub3A_570 = arith.subf %broadcast_in_dim3A_10, %convert_element_type3A_566 : vector<16xf32>
    %add3A_571 = arith.addf %sub3A_570, %convert_element_type3A_567 : vector<16xf32>
    %mul3A_572 = arith.mulf %add3A_571, %broadcast_in_dim3A_6 : vector<16xf32>
    %mul3A_573 = arith.mulf %sub3A_569, %broadcast_in_dim3A_6 : vector<16xf32>
    %mul3A_574 = arith.mulf %convert_element_type3A_567, %broadcast_in_dim3A_6 : vector<16xf32>
    %mul3A_575 = arith.mulf %mul3A_572, %get3A_17 : vector<16xf32>
    %mul3A_576 = arith.mulf %mul3A_573, %get3A_21 : vector<16xf32>
    %add3A_577 = arith.addf %mul3A_575, %mul3A_576 : vector<16xf32>
    %mul3A_578 = arith.mulf %mul3A_574, %get3A_25 : vector<16xf32>
    %add3A_579 = arith.addf %add3A_577, %mul3A_578 : vector<16xf32>
    %add3A_580 = arith.addf %mul3A_572, %mul3A_572 : vector<16xf32>
    %neg3A_581 = arith.constant 0.000000e+00 : f32
    %neg3A_582 = vector.broadcast %neg3A_581 : f32 to vector<16xf32>
    %neg3A_583 = arith.subf %neg3A_582, %add3A_580 : vector<16xf32>
    %exp3A_584 = math.exp %neg3A_583 : vector<16xf32>
    %add3A_585 = arith.addf %broadcast_in_dim3A_8, %exp3A_584 : vector<16xf32>
    %div3A_586 = arith.divf %broadcast_in_dim3A_8, %add3A_585 : vector<16xf32>
    %add3A_587 = arith.addf %broadcast_in_dim3A_8, %div3A_586 : vector<16xf32>
    %mul3A_588 = arith.mulf %add3A_579, %add3A_587 : vector<16xf32>
    %neg3A_589 = arith.constant 0.000000e+00 : f32
    %neg3A_590 = vector.broadcast %neg3A_589 : f32 to vector<16xf32>
    %neg3A_591 = arith.subf %neg3A_590, %mul3A_588 : vector<16xf32>
    %exp3A_592 = math.exp %neg3A_591 : vector<16xf32>
    %add3A_593 = arith.addf %broadcast_in_dim3A_8, %exp3A_592 : vector<16xf32>
    %div3A_594 = arith.divf %broadcast_in_dim3A_8, %add3A_593 : vector<16xf32>
    %max3A_595 = arith.maximumf %div3A_594, %broadcast_in_dim3A_12 : vector<16xf32>
    %min3A_596 = arith.minimumf %max3A_595, %broadcast_in_dim3A_14 : vector<16xf32>
    %swap3A_597 = arith.constant 16 : index
    %swap3A_598 = tpu.vector_load %arg8[%swap3A_597] {strides = array<i32>} : memref<128xf32, #tpu.memory_space<vmem>>, vector<16xf32>,
    tpu.vector_store %arg8[%swap3A_597], %min3A_596 {strides = array<i32>} : memref<128xf32, #tpu.memory_space<vmem>>, vector<16xf32>,
    %dma_wait3A_599 = tpu.memref_slice %arg2[%mul3A_311] : memref<16777216xi32, #tpu.memory_space<hbm>> -> memref<32768xi32, #tpu.memory_space<hbm>>
    %dma_wait3A_600 = tpu.memref_slice %arg2[%mul3A_311] : memref<16777216xi32, #tpu.memory_space<hbm>> -> memref<32768xi32, #tpu.memory_space<hbm>>
    tpu.wait_dma2 semaphore(%arg9 : memref<!tpu.dma_semaphore, #tpu.memory_space<semaphore_mem>>) src(%dma_wait3A_600 : memref<32768xi32, #tpu.memory_space<hbm>>) dst(%arg5 : memref<32768xi32, #tpu.memory_space<vmem>>)
    %add3A_601 = arith.constant 48 : i32
    %add3A_602 = arith.addi %mul3A_2, %add3A_601 : i32
    %mul3A_603 = arith.constant 2048 : i32
    %mul3A_604 = arith.muli %add3A_602, %mul3A_603 : i32
    %dma_start3A_605 = tpu.memref_slice %arg2[%mul3A_604] : memref<16777216xi32, #tpu.memory_space<hbm>> -> memref<32768xi32, #tpu.memory_space<hbm>>
    %dma_start3A_606 = tpu.memref_slice %arg2[%mul3A_604] : memref<16777216xi32, #tpu.memory_space<hbm>> -> memref<32768xi32, #tpu.memory_space<hbm>>
    tpu.enqueue_dma source(%dma_start3A_606 : memref<32768xi32, #tpu.memory_space<hbm>>) target(%arg6 : memref<32768xi32, #tpu.memory_space<vmem>>) target_semaphore(%arg10 : memref<!tpu.dma_semaphore, #tpu.memory_space<semaphore_mem>>)
    %broadcast_in_dim3A_607 = arith.constant 0 : i32
    %broadcast_in_dim3A_608 = vector.broadcast %broadcast_in_dim3A_607 : i32 to vector<16xi32>
    %scan3A_609 = arith.constant 0 : i32
    %scan3A_610 = arith.constant 128 : i32
    %scan3A_611 = arith.addi %scan3A_609, %scan3A_610 : i32
    %scan3A_612 = arith.constant 1 : i32
    %scan3A_613:32 = scf.for %scan3A_2351 = %scan3A_609 to %scan3A_611 step %scan3A_612 iter_args(%scan3A_2352 = %broadcast_in_dim3A_608, %scan3A_2353 = %broadcast_in_dim3A_608, %scan3A_2354 = %broadcast_in_dim3A_608, %scan3A_2355 = %broadcast_in_dim3A_608, %scan3A_2356 = %broadcast_in_dim3A_608, %scan3A_2357 = %broadcast_in_dim3A_608, %scan3A_2358 = %broadcast_in_dim3A_608, %scan3A_2359 = %broadcast_in_dim3A_608, %scan3A_2360 = %broadcast_in_dim3A_608, %scan3A_2361 = %broadcast_in_dim3A_608, %scan3A_2362 = %broadcast_in_dim3A_608, %scan3A_2363 = %broadcast_in_dim3A_608, %scan3A_2364 = %broadcast_in_dim3A_608, %scan3A_2365 = %broadcast_in_dim3A_608, %scan3A_2366 = %broadcast_in_dim3A_608, %scan3A_2367 = %broadcast_in_dim3A_608, %scan3A_2368 = %broadcast_in_dim3A_608, %scan3A_2369 = %broadcast_in_dim3A_608, %scan3A_2370 = %broadcast_in_dim3A_608, %scan3A_2371 = %broadcast_in_dim3A_608, %scan3A_2372 = %broadcast_in_dim3A_608, %scan3A_2373 = %broadcast_in_dim3A_608, %scan3A_2374 = %broadcast_in_dim3A_608, %scan3A_2375 = %broadcast_in_dim3A_608, %scan3A_2376 = %broadcast_in_dim3A_608, %scan3A_2377 = %broadcast_in_dim3A_608, %scan3A_2378 = %broadcast_in_dim3A_608, %scan3A_2379 = %broadcast_in_dim3A_608, %scan3A_2380 = %broadcast_in_dim3A_608, %scan3A_2381 = %broadcast_in_dim3A_608, %scan3A_2382 = %broadcast_in_dim3A_608, %scan3A_2383 = %broadcast_in_dim3A_608) -> (vector<16xi32>, vector<16xi32>, vector<16xi32>, vector<16xi32>, vector<16xi32>, vector<16xi32>, vector<16xi32>, vector<16xi32>, vector<16xi32>, vector<16xi32>, vector<16xi32>, vector<16xi32>, vector<16xi32>, vector<16xi32>, vector<16xi32>, vector<16xi32>, vector<16xi32>, vector<16xi32>, vector<16xi32>, vector<16xi32>, vector<16xi32>, vector<16xi32>, vector<16xi32>, vector<16xi32>, vector<16xi32>, vector<16xi32>, vector<16xi32>, vector<16xi32>, vector<16xi32>, vector<16xi32>, vector<16xi32>, vector<16xi32>)  : i32 {
      %mul3A_2384 = arith.constant 16 : i32
      %mul3A_2385 = arith.muli %scan3A_2351, %mul3A_2384 : i32
      %add3A_2386 = arith.constant 0 : i32
      %add3A_2387 = arith.addi %mul3A_2385, %add3A_2386 : i32
      %get3A_2388 = arith.index_cast %add3A_2387 : i32 to index
      %get3A_2389 = tpu.vector_load %arg5[%get3A_2388] {strides = array<i32>} : memref<32768xi32, #tpu.memory_space<vmem>>, vector<16xi32>,
      %add3A_2390 = arith.addi %scan3A_2352, %get3A_2389 : vector<16xi32>
      %shift_right_arithmetic3A = arith.constant 1 : i32
      %shift_right_arithmetic3A_2391 = vector.broadcast %shift_right_arithmetic3A : i32 to vector<16xi32>
      %shift_right_arithmetic3A_2392 = arith.shrsi %get3A_2389, %shift_right_arithmetic3A_2391 : vector<16xi32>
      %add3A_2393 = arith.addi %scan3A_2368, %shift_right_arithmetic3A_2392 : vector<16xi32>
      %add3A_2394 = arith.constant 2048 : i32
      %add3A_2395 = arith.addi %mul3A_2385, %add3A_2394 : i32
      %get3A_2396 = arith.index_cast %add3A_2395 : i32 to index
      %get3A_2397 = tpu.vector_load %arg5[%get3A_2396] {strides = array<i32>} : memref<32768xi32, #tpu.memory_space<vmem>>, vector<16xi32>,
      %add3A_2398 = arith.addi %scan3A_2353, %get3A_2397 : vector<16xi32>
      %shift_right_arithmetic3A_2399 = arith.constant 1 : i32
      %shift_right_arithmetic3A_2400 = vector.broadcast %shift_right_arithmetic3A_2399 : i32 to vector<16xi32>
      %shift_right_arithmetic3A_2401 = arith.shrsi %get3A_2397, %shift_right_arithmetic3A_2400 : vector<16xi32>
      %add3A_2402 = arith.addi %scan3A_2369, %shift_right_arithmetic3A_2401 : vector<16xi32>
      %add3A_2403 = arith.constant 4096 : i32
      %add3A_2404 = arith.addi %mul3A_2385, %add3A_2403 : i32
      %get3A_2405 = arith.index_cast %add3A_2404 : i32 to index
      %get3A_2406 = tpu.vector_load %arg5[%get3A_2405] {strides = array<i32>} : memref<32768xi32, #tpu.memory_space<vmem>>, vector<16xi32>,
      %add3A_2407 = arith.addi %scan3A_2354, %get3A_2406 : vector<16xi32>
      %shift_right_arithmetic3A_2408 = arith.constant 1 : i32
      %shift_right_arithmetic3A_2409 = vector.broadcast %shift_right_arithmetic3A_2408 : i32 to vector<16xi32>
      %shift_right_arithmetic3A_2410 = arith.shrsi %get3A_2406, %shift_right_arithmetic3A_2409 : vector<16xi32>
      %add3A_2411 = arith.addi %scan3A_2370, %shift_right_arithmetic3A_2410 : vector<16xi32>
      %add3A_2412 = arith.constant 6144 : i32
      %add3A_2413 = arith.addi %mul3A_2385, %add3A_2412 : i32
      %get3A_2414 = arith.index_cast %add3A_2413 : i32 to index
      %get3A_2415 = tpu.vector_load %arg5[%get3A_2414] {strides = array<i32>} : memref<32768xi32, #tpu.memory_space<vmem>>, vector<16xi32>,
      %add3A_2416 = arith.addi %scan3A_2355, %get3A_2415 : vector<16xi32>
      %shift_right_arithmetic3A_2417 = arith.constant 1 : i32
      %shift_right_arithmetic3A_2418 = vector.broadcast %shift_right_arithmetic3A_2417 : i32 to vector<16xi32>
      %shift_right_arithmetic3A_2419 = arith.shrsi %get3A_2415, %shift_right_arithmetic3A_2418 : vector<16xi32>
      %add3A_2420 = arith.addi %scan3A_2371, %shift_right_arithmetic3A_2419 : vector<16xi32>
      %add3A_2421 = arith.constant 8192 : i32
      %add3A_2422 = arith.addi %mul3A_2385, %add3A_2421 : i32
      %get3A_2423 = arith.index_cast %add3A_2422 : i32 to index
      %get3A_2424 = tpu.vector_load %arg5[%get3A_2423] {strides = array<i32>} : memref<32768xi32, #tpu.memory_space<vmem>>, vector<16xi32>,
      %add3A_2425 = arith.addi %scan3A_2356, %get3A_2424 : vector<16xi32>
      %shift_right_arithmetic3A_2426 = arith.constant 1 : i32
      %shift_right_arithmetic3A_2427 = vector.broadcast %shift_right_arithmetic3A_2426 : i32 to vector<16xi32>
      %shift_right_arithmetic3A_2428 = arith.shrsi %get3A_2424, %shift_right_arithmetic3A_2427 : vector<16xi32>
      %add3A_2429 = arith.addi %scan3A_2372, %shift_right_arithmetic3A_2428 : vector<16xi32>
      %add3A_2430 = arith.constant 10240 : i32
      %add3A_2431 = arith.addi %mul3A_2385, %add3A_2430 : i32
      %get3A_2432 = arith.index_cast %add3A_2431 : i32 to index
      %get3A_2433 = tpu.vector_load %arg5[%get3A_2432] {strides = array<i32>} : memref<32768xi32, #tpu.memory_space<vmem>>, vector<16xi32>,
      %add3A_2434 = arith.addi %scan3A_2357, %get3A_2433 : vector<16xi32>
      %shift_right_arithmetic3A_2435 = arith.constant 1 : i32
      %shift_right_arithmetic3A_2436 = vector.broadcast %shift_right_arithmetic3A_2435 : i32 to vector<16xi32>
      %shift_right_arithmetic3A_2437 = arith.shrsi %get3A_2433, %shift_right_arithmetic3A_2436 : vector<16xi32>
      %add3A_2438 = arith.addi %scan3A_2373, %shift_right_arithmetic3A_2437 : vector<16xi32>
      %add3A_2439 = arith.constant 12288 : i32
      %add3A_2440 = arith.addi %mul3A_2385, %add3A_2439 : i32
      %get3A_2441 = arith.index_cast %add3A_2440 : i32 to index
      %get3A_2442 = tpu.vector_load %arg5[%get3A_2441] {strides = array<i32>} : memref<32768xi32, #tpu.memory_space<vmem>>, vector<16xi32>,
      %add3A_2443 = arith.addi %scan3A_2358, %get3A_2442 : vector<16xi32>
      %shift_right_arithmetic3A_2444 = arith.constant 1 : i32
      %shift_right_arithmetic3A_2445 = vector.broadcast %shift_right_arithmetic3A_2444 : i32 to vector<16xi32>
      %shift_right_arithmetic3A_2446 = arith.shrsi %get3A_2442, %shift_right_arithmetic3A_2445 : vector<16xi32>
      %add3A_2447 = arith.addi %scan3A_2374, %shift_right_arithmetic3A_2446 : vector<16xi32>
      %add3A_2448 = arith.constant 14336 : i32
      %add3A_2449 = arith.addi %mul3A_2385, %add3A_2448 : i32
      %get3A_2450 = arith.index_cast %add3A_2449 : i32 to index
      %get3A_2451 = tpu.vector_load %arg5[%get3A_2450] {strides = array<i32>} : memref<32768xi32, #tpu.memory_space<vmem>>, vector<16xi32>,
      %add3A_2452 = arith.addi %scan3A_2359, %get3A_2451 : vector<16xi32>
      %shift_right_arithmetic3A_2453 = arith.constant 1 : i32
      %shift_right_arithmetic3A_2454 = vector.broadcast %shift_right_arithmetic3A_2453 : i32 to vector<16xi32>
      %shift_right_arithmetic3A_2455 = arith.shrsi %get3A_2451, %shift_right_arithmetic3A_2454 : vector<16xi32>
      %add3A_2456 = arith.addi %scan3A_2375, %shift_right_arithmetic3A_2455 : vector<16xi32>
      %add3A_2457 = arith.constant 16384 : i32
      %add3A_2458 = arith.addi %mul3A_2385, %add3A_2457 : i32
      %get3A_2459 = arith.index_cast %add3A_2458 : i32 to index
      %get3A_2460 = tpu.vector_load %arg5[%get3A_2459] {strides = array<i32>} : memref<32768xi32, #tpu.memory_space<vmem>>, vector<16xi32>,
      %add3A_2461 = arith.addi %scan3A_2360, %get3A_2460 : vector<16xi32>
      %shift_right_arithmetic3A_2462 = arith.constant 1 : i32
      %shift_right_arithmetic3A_2463 = vector.broadcast %shift_right_arithmetic3A_2462 : i32 to vector<16xi32>
      %shift_right_arithmetic3A_2464 = arith.shrsi %get3A_2460, %shift_right_arithmetic3A_2463 : vector<16xi32>
      %add3A_2465 = arith.addi %scan3A_2376, %shift_right_arithmetic3A_2464 : vector<16xi32>
      %add3A_2466 = arith.constant 18432 : i32
      %add3A_2467 = arith.addi %mul3A_2385, %add3A_2466 : i32
      %get3A_2468 = arith.index_cast %add3A_2467 : i32 to index
      %get3A_2469 = tpu.vector_load %arg5[%get3A_2468] {strides = array<i32>} : memref<32768xi32, #tpu.memory_space<vmem>>, vector<16xi32>,
      %add3A_2470 = arith.addi %scan3A_2361, %get3A_2469 : vector<16xi32>
      %shift_right_arithmetic3A_2471 = arith.constant 1 : i32
      %shift_right_arithmetic3A_2472 = vector.broadcast %shift_right_arithmetic3A_2471 : i32 to vector<16xi32>
      %shift_right_arithmetic3A_2473 = arith.shrsi %get3A_2469, %shift_right_arithmetic3A_2472 : vector<16xi32>
      %add3A_2474 = arith.addi %scan3A_2377, %shift_right_arithmetic3A_2473 : vector<16xi32>
      %add3A_2475 = arith.constant 20480 : i32
      %add3A_2476 = arith.addi %mul3A_2385, %add3A_2475 : i32
      %get3A_2477 = arith.index_cast %add3A_2476 : i32 to index
      %get3A_2478 = tpu.vector_load %arg5[%get3A_2477] {strides = array<i32>} : memref<32768xi32, #tpu.memory_space<vmem>>, vector<16xi32>,
      %add3A_2479 = arith.addi %scan3A_2362, %get3A_2478 : vector<16xi32>
      %shift_right_arithmetic3A_2480 = arith.constant 1 : i32
      %shift_right_arithmetic3A_2481 = vector.broadcast %shift_right_arithmetic3A_2480 : i32 to vector<16xi32>
      %shift_right_arithmetic3A_2482 = arith.shrsi %get3A_2478, %shift_right_arithmetic3A_2481 : vector<16xi32>
      %add3A_2483 = arith.addi %scan3A_2378, %shift_right_arithmetic3A_2482 : vector<16xi32>
      %add3A_2484 = arith.constant 22528 : i32
      %add3A_2485 = arith.addi %mul3A_2385, %add3A_2484 : i32
      %get3A_2486 = arith.index_cast %add3A_2485 : i32 to index
      %get3A_2487 = tpu.vector_load %arg5[%get3A_2486] {strides = array<i32>} : memref<32768xi32, #tpu.memory_space<vmem>>, vector<16xi32>,
      %add3A_2488 = arith.addi %scan3A_2363, %get3A_2487 : vector<16xi32>
      %shift_right_arithmetic3A_2489 = arith.constant 1 : i32
      %shift_right_arithmetic3A_2490 = vector.broadcast %shift_right_arithmetic3A_2489 : i32 to vector<16xi32>
      %shift_right_arithmetic3A_2491 = arith.shrsi %get3A_2487, %shift_right_arithmetic3A_2490 : vector<16xi32>
      %add3A_2492 = arith.addi %scan3A_2379, %shift_right_arithmetic3A_2491 : vector<16xi32>
      %add3A_2493 = arith.constant 24576 : i32
      %add3A_2494 = arith.addi %mul3A_2385, %add3A_2493 : i32
      %get3A_2495 = arith.index_cast %add3A_2494 : i32 to index
      %get3A_2496 = tpu.vector_load %arg5[%get3A_2495] {strides = array<i32>} : memref<32768xi32, #tpu.memory_space<vmem>>, vector<16xi32>,
      %add3A_2497 = arith.addi %scan3A_2364, %get3A_2496 : vector<16xi32>
      %shift_right_arithmetic3A_2498 = arith.constant 1 : i32
      %shift_right_arithmetic3A_2499 = vector.broadcast %shift_right_arithmetic3A_2498 : i32 to vector<16xi32>
      %shift_right_arithmetic3A_2500 = arith.shrsi %get3A_2496, %shift_right_arithmetic3A_2499 : vector<16xi32>
      %add3A_2501 = arith.addi %scan3A_2380, %shift_right_arithmetic3A_2500 : vector<16xi32>
      %add3A_2502 = arith.constant 26624 : i32
      %add3A_2503 = arith.addi %mul3A_2385, %add3A_2502 : i32
      %get3A_2504 = arith.index_cast %add3A_2503 : i32 to index
      %get3A_2505 = tpu.vector_load %arg5[%get3A_2504] {strides = array<i32>} : memref<32768xi32, #tpu.memory_space<vmem>>, vector<16xi32>,
      %add3A_2506 = arith.addi %scan3A_2365, %get3A_2505 : vector<16xi32>
      %shift_right_arithmetic3A_2507 = arith.constant 1 : i32
      %shift_right_arithmetic3A_2508 = vector.broadcast %shift_right_arithmetic3A_2507 : i32 to vector<16xi32>
      %shift_right_arithmetic3A_2509 = arith.shrsi %get3A_2505, %shift_right_arithmetic3A_2508 : vector<16xi32>
      %add3A_2510 = arith.addi %scan3A_2381, %shift_right_arithmetic3A_2509 : vector<16xi32>
      %add3A_2511 = arith.constant 28672 : i32
      %add3A_2512 = arith.addi %mul3A_2385, %add3A_2511 : i32
      %get3A_2513 = arith.index_cast %add3A_2512 : i32 to index
      %get3A_2514 = tpu.vector_load %arg5[%get3A_2513] {strides = array<i32>} : memref<32768xi32, #tpu.memory_space<vmem>>, vector<16xi32>,
      %add3A_2515 = arith.addi %scan3A_2366, %get3A_2514 : vector<16xi32>
      %shift_right_arithmetic3A_2516 = arith.constant 1 : i32
      %shift_right_arithmetic3A_2517 = vector.broadcast %shift_right_arithmetic3A_2516 : i32 to vector<16xi32>
      %shift_right_arithmetic3A_2518 = arith.shrsi %get3A_2514, %shift_right_arithmetic3A_2517 : vector<16xi32>
      %add3A_2519 = arith.addi %scan3A_2382, %shift_right_arithmetic3A_2518 : vector<16xi32>
      %add3A_2520 = arith.constant 30720 : i32
      %add3A_2521 = arith.addi %mul3A_2385, %add3A_2520 : i32
      %get3A_2522 = arith.index_cast %add3A_2521 : i32 to index
      %get3A_2523 = tpu.vector_load %arg5[%get3A_2522] {strides = array<i32>} : memref<32768xi32, #tpu.memory_space<vmem>>, vector<16xi32>,
      %add3A_2524 = arith.addi %scan3A_2367, %get3A_2523 : vector<16xi32>
      %shift_right_arithmetic3A_2525 = arith.constant 1 : i32
      %shift_right_arithmetic3A_2526 = vector.broadcast %shift_right_arithmetic3A_2525 : i32 to vector<16xi32>
      %shift_right_arithmetic3A_2527 = arith.shrsi %get3A_2523, %shift_right_arithmetic3A_2526 : vector<16xi32>
      %add3A_2528 = arith.addi %scan3A_2383, %shift_right_arithmetic3A_2527 : vector<16xi32>
      scf.yield %add3A_2390, %add3A_2398, %add3A_2407, %add3A_2416, %add3A_2425, %add3A_2434, %add3A_2443, %add3A_2452, %add3A_2461, %add3A_2470, %add3A_2479, %add3A_2488, %add3A_2497, %add3A_2506, %add3A_2515, %add3A_2524, %add3A_2393, %add3A_2402, %add3A_2411, %add3A_2420, %add3A_2429, %add3A_2438, %add3A_2447, %add3A_2456, %add3A_2465, %add3A_2474, %add3A_2483, %add3A_2492, %add3A_2501, %add3A_2510, %add3A_2519, %add3A_2528 : vector<16xi32>, vector<16xi32>, vector<16xi32>, vector<16xi32>, vector<16xi32>, vector<16xi32>, vector<16xi32>, vector<16xi32>, vector<16xi32>, vector<16xi32>, vector<16xi32>, vector<16xi32>, vector<16xi32>, vector<16xi32>, vector<16xi32>, vector<16xi32>, vector<16xi32>, vector<16xi32>, vector<16xi32>, vector<16xi32>, vector<16xi32>, vector<16xi32>, vector<16xi32>, vector<16xi32>, vector<16xi32>, vector<16xi32>, vector<16xi32>, vector<16xi32>, vector<16xi32>, vector<16xi32>, vector<16xi32>, vector<16xi32>
    }
    %scan3A_614 = arith.constant 128 : i32
    %broadcast_in_dim3A_615 = arith.constant 0 : i32
    %broadcast_in_dim3A_616 = vector.broadcast %broadcast_in_dim3A_615 : i32 to vector<16xi32>
    %broadcast_in_dim3A_617 = arith.constant 0 : i32
    %broadcast_in_dim3A_618 = vector.broadcast %broadcast_in_dim3A_617 : i32 to vector<16xi32>
    %eq3A_619 = arith.constant 0 : i32
    %eq3A_620 = vector.broadcast %eq3A_619 : i32 to vector<16xi32>
    %eq3A_621 = arith.cmpi eq, %iota3A, %eq3A_620 : vector<16xi32>
    %reduce_sum3A_622 = arith.constant true
    %reduce_sum3A_623 = vector.broadcast %reduce_sum3A_622 : i1 to vector<16xi1>
    %reduce_sum3A_624 = tpu.scan <sum>, %scan3A_613#0 masked %reduce_sum3A_623 : vector<16xi32>, vector<16xi1> -> vector<16xi32>
    %reduce_sum3A_625 = vector.extract %reduce_sum3A_624[15] : i32 from vector<16xi32>
    %broadcast_in_dim3A_626 = vector.broadcast %reduce_sum3A_625 : i32 to vector<16xi32>
    %select_n3A_627 = arith.select %eq3A_621, %broadcast_in_dim3A_626, %broadcast_in_dim3A_616 : vector<16xi1>, vector<16xi32>
    %reduce_sum3A_628 = arith.constant true
    %reduce_sum3A_629 = vector.broadcast %reduce_sum3A_628 : i1 to vector<16xi1>
    %reduce_sum3A_630 = tpu.scan <sum>, %scan3A_613#16 masked %reduce_sum3A_629 : vector<16xi32>, vector<16xi1> -> vector<16xi32>
    %reduce_sum3A_631 = vector.extract %reduce_sum3A_630[15] : i32 from vector<16xi32>
    %broadcast_in_dim3A_632 = vector.broadcast %reduce_sum3A_631 : i32 to vector<16xi32>
    %select_n3A_633 = arith.select %eq3A_621, %broadcast_in_dim3A_632, %broadcast_in_dim3A_618 : vector<16xi1>, vector<16xi32>
    %eq3A_634 = arith.constant 1 : i32
    %eq3A_635 = vector.broadcast %eq3A_634 : i32 to vector<16xi32>
    %eq3A_636 = arith.cmpi eq, %iota3A, %eq3A_635 : vector<16xi32>
    %reduce_sum3A_637 = arith.constant true
    %reduce_sum3A_638 = vector.broadcast %reduce_sum3A_637 : i1 to vector<16xi1>
    %reduce_sum3A_639 = tpu.scan <sum>, %scan3A_613#1 masked %reduce_sum3A_638 : vector<16xi32>, vector<16xi1> -> vector<16xi32>
    %reduce_sum3A_640 = vector.extract %reduce_sum3A_639[15] : i32 from vector<16xi32>
    %broadcast_in_dim3A_641 = vector.broadcast %reduce_sum3A_640 : i32 to vector<16xi32>
    %select_n3A_642 = arith.select %eq3A_636, %broadcast_in_dim3A_641, %select_n3A_627 : vector<16xi1>, vector<16xi32>
    %reduce_sum3A_643 = arith.constant true
    %reduce_sum3A_644 = vector.broadcast %reduce_sum3A_643 : i1 to vector<16xi1>
    %reduce_sum3A_645 = tpu.scan <sum>, %scan3A_613#17 masked %reduce_sum3A_644 : vector<16xi32>, vector<16xi1> -> vector<16xi32>
    %reduce_sum3A_646 = vector.extract %reduce_sum3A_645[15] : i32 from vector<16xi32>
    %broadcast_in_dim3A_647 = vector.broadcast %reduce_sum3A_646 : i32 to vector<16xi32>
    %select_n3A_648 = arith.select %eq3A_636, %broadcast_in_dim3A_647, %select_n3A_633 : vector<16xi1>, vector<16xi32>
    %eq3A_649 = arith.constant 2 : i32
    %eq3A_650 = vector.broadcast %eq3A_649 : i32 to vector<16xi32>
    %eq3A_651 = arith.cmpi eq, %iota3A, %eq3A_650 : vector<16xi32>
    %reduce_sum3A_652 = arith.constant true
    %reduce_sum3A_653 = vector.broadcast %reduce_sum3A_652 : i1 to vector<16xi1>
    %reduce_sum3A_654 = tpu.scan <sum>, %scan3A_613#2 masked %reduce_sum3A_653 : vector<16xi32>, vector<16xi1> -> vector<16xi32>
    %reduce_sum3A_655 = vector.extract %reduce_sum3A_654[15] : i32 from vector<16xi32>
    %broadcast_in_dim3A_656 = vector.broadcast %reduce_sum3A_655 : i32 to vector<16xi32>
    %select_n3A_657 = arith.select %eq3A_651, %broadcast_in_dim3A_656, %select_n3A_642 : vector<16xi1>, vector<16xi32>
    %reduce_sum3A_658 = arith.constant true
    %reduce_sum3A_659 = vector.broadcast %reduce_sum3A_658 : i1 to vector<16xi1>
    %reduce_sum3A_660 = tpu.scan <sum>, %scan3A_613#18 masked %reduce_sum3A_659 : vector<16xi32>, vector<16xi1> -> vector<16xi32>
    %reduce_sum3A_661 = vector.extract %reduce_sum3A_660[15] : i32 from vector<16xi32>
    %broadcast_in_dim3A_662 = vector.broadcast %reduce_sum3A_661 : i32 to vector<16xi32>
    %select_n3A_663 = arith.select %eq3A_651, %broadcast_in_dim3A_662, %select_n3A_648 : vector<16xi1>, vector<16xi32>
    %eq3A_664 = arith.constant 3 : i32
    %eq3A_665 = vector.broadcast %eq3A_664 : i32 to vector<16xi32>
    %eq3A_666 = arith.cmpi eq, %iota3A, %eq3A_665 : vector<16xi32>
    %reduce_sum3A_667 = arith.constant true
    %reduce_sum3A_668 = vector.broadcast %reduce_sum3A_667 : i1 to vector<16xi1>
    %reduce_sum3A_669 = tpu.scan <sum>, %scan3A_613#3 masked %reduce_sum3A_668 : vector<16xi32>, vector<16xi1> -> vector<16xi32>
    %reduce_sum3A_670 = vector.extract %reduce_sum3A_669[15] : i32 from vector<16xi32>
    %broadcast_in_dim3A_671 = vector.broadcast %reduce_sum3A_670 : i32 to vector<16xi32>
    %select_n3A_672 = arith.select %eq3A_666, %broadcast_in_dim3A_671, %select_n3A_657 : vector<16xi1>, vector<16xi32>
    %reduce_sum3A_673 = arith.constant true
    %reduce_sum3A_674 = vector.broadcast %reduce_sum3A_673 : i1 to vector<16xi1>
    %reduce_sum3A_675 = tpu.scan <sum>, %scan3A_613#19 masked %reduce_sum3A_674 : vector<16xi32>, vector<16xi1> -> vector<16xi32>
    %reduce_sum3A_676 = vector.extract %reduce_sum3A_675[15] : i32 from vector<16xi32>
    %broadcast_in_dim3A_677 = vector.broadcast %reduce_sum3A_676 : i32 to vector<16xi32>
    %select_n3A_678 = arith.select %eq3A_666, %broadcast_in_dim3A_677, %select_n3A_663 : vector<16xi1>, vector<16xi32>
    %eq3A_679 = arith.constant 4 : i32
    %eq3A_680 = vector.broadcast %eq3A_679 : i32 to vector<16xi32>
    %eq3A_681 = arith.cmpi eq, %iota3A, %eq3A_680 : vector<16xi32>
    %reduce_sum3A_682 = arith.constant true
    %reduce_sum3A_683 = vector.broadcast %reduce_sum3A_682 : i1 to vector<16xi1>
    %reduce_sum3A_684 = tpu.scan <sum>, %scan3A_613#4 masked %reduce_sum3A_683 : vector<16xi32>, vector<16xi1> -> vector<16xi32>
    %reduce_sum3A_685 = vector.extract %reduce_sum3A_684[15] : i32 from vector<16xi32>
    %broadcast_in_dim3A_686 = vector.broadcast %reduce_sum3A_685 : i32 to vector<16xi32>
    %select_n3A_687 = arith.select %eq3A_681, %broadcast_in_dim3A_686, %select_n3A_672 : vector<16xi1>, vector<16xi32>
    %reduce_sum3A_688 = arith.constant true
    %reduce_sum3A_689 = vector.broadcast %reduce_sum3A_688 : i1 to vector<16xi1>
    %reduce_sum3A_690 = tpu.scan <sum>, %scan3A_613#20 masked %reduce_sum3A_689 : vector<16xi32>, vector<16xi1> -> vector<16xi32>
    %reduce_sum3A_691 = vector.extract %reduce_sum3A_690[15] : i32 from vector<16xi32>
    %broadcast_in_dim3A_692 = vector.broadcast %reduce_sum3A_691 : i32 to vector<16xi32>
    %select_n3A_693 = arith.select %eq3A_681, %broadcast_in_dim3A_692, %select_n3A_678 : vector<16xi1>, vector<16xi32>
    %eq3A_694 = arith.constant 5 : i32
    %eq3A_695 = vector.broadcast %eq3A_694 : i32 to vector<16xi32>
    %eq3A_696 = arith.cmpi eq, %iota3A, %eq3A_695 : vector<16xi32>
    %reduce_sum3A_697 = arith.constant true
    %reduce_sum3A_698 = vector.broadcast %reduce_sum3A_697 : i1 to vector<16xi1>
    %reduce_sum3A_699 = tpu.scan <sum>, %scan3A_613#5 masked %reduce_sum3A_698 : vector<16xi32>, vector<16xi1> -> vector<16xi32>
    %reduce_sum3A_700 = vector.extract %reduce_sum3A_699[15] : i32 from vector<16xi32>
    %broadcast_in_dim3A_701 = vector.broadcast %reduce_sum3A_700 : i32 to vector<16xi32>
    %select_n3A_702 = arith.select %eq3A_696, %broadcast_in_dim3A_701, %select_n3A_687 : vector<16xi1>, vector<16xi32>
    %reduce_sum3A_703 = arith.constant true
    %reduce_sum3A_704 = vector.broadcast %reduce_sum3A_703 : i1 to vector<16xi1>
    %reduce_sum3A_705 = tpu.scan <sum>, %scan3A_613#21 masked %reduce_sum3A_704 : vector<16xi32>, vector<16xi1> -> vector<16xi32>
    %reduce_sum3A_706 = vector.extract %reduce_sum3A_705[15] : i32 from vector<16xi32>
    %broadcast_in_dim3A_707 = vector.broadcast %reduce_sum3A_706 : i32 to vector<16xi32>
    %select_n3A_708 = arith.select %eq3A_696, %broadcast_in_dim3A_707, %select_n3A_693 : vector<16xi1>, vector<16xi32>
    %eq3A_709 = arith.constant 6 : i32
    %eq3A_710 = vector.broadcast %eq3A_709 : i32 to vector<16xi32>
    %eq3A_711 = arith.cmpi eq, %iota3A, %eq3A_710 : vector<16xi32>
    %reduce_sum3A_712 = arith.constant true
    %reduce_sum3A_713 = vector.broadcast %reduce_sum3A_712 : i1 to vector<16xi1>
    %reduce_sum3A_714 = tpu.scan <sum>, %scan3A_613#6 masked %reduce_sum3A_713 : vector<16xi32>, vector<16xi1> -> vector<16xi32>
    %reduce_sum3A_715 = vector.extract %reduce_sum3A_714[15] : i32 from vector<16xi32>
    %broadcast_in_dim3A_716 = vector.broadcast %reduce_sum3A_715 : i32 to vector<16xi32>
    %select_n3A_717 = arith.select %eq3A_711, %broadcast_in_dim3A_716, %select_n3A_702 : vector<16xi1>, vector<16xi32>
    %reduce_sum3A_718 = arith.constant true
    %reduce_sum3A_719 = vector.broadcast %reduce_sum3A_718 : i1 to vector<16xi1>
    %reduce_sum3A_720 = tpu.scan <sum>, %scan3A_613#22 masked %reduce_sum3A_719 : vector<16xi32>, vector<16xi1> -> vector<16xi32>
    %reduce_sum3A_721 = vector.extract %reduce_sum3A_720[15] : i32 from vector<16xi32>
    %broadcast_in_dim3A_722 = vector.broadcast %reduce_sum3A_721 : i32 to vector<16xi32>
    %select_n3A_723 = arith.select %eq3A_711, %broadcast_in_dim3A_722, %select_n3A_708 : vector<16xi1>, vector<16xi32>
    %eq3A_724 = arith.constant 7 : i32
    %eq3A_725 = vector.broadcast %eq3A_724 : i32 to vector<16xi32>
    %eq3A_726 = arith.cmpi eq, %iota3A, %eq3A_725 : vector<16xi32>
    %reduce_sum3A_727 = arith.constant true
    %reduce_sum3A_728 = vector.broadcast %reduce_sum3A_727 : i1 to vector<16xi1>
    %reduce_sum3A_729 = tpu.scan <sum>, %scan3A_613#7 masked %reduce_sum3A_728 : vector<16xi32>, vector<16xi1> -> vector<16xi32>
    %reduce_sum3A_730 = vector.extract %reduce_sum3A_729[15] : i32 from vector<16xi32>
    %broadcast_in_dim3A_731 = vector.broadcast %reduce_sum3A_730 : i32 to vector<16xi32>
    %select_n3A_732 = arith.select %eq3A_726, %broadcast_in_dim3A_731, %select_n3A_717 : vector<16xi1>, vector<16xi32>
    %reduce_sum3A_733 = arith.constant true
    %reduce_sum3A_734 = vector.broadcast %reduce_sum3A_733 : i1 to vector<16xi1>
    %reduce_sum3A_735 = tpu.scan <sum>, %scan3A_613#23 masked %reduce_sum3A_734 : vector<16xi32>, vector<16xi1> -> vector<16xi32>
    %reduce_sum3A_736 = vector.extract %reduce_sum3A_735[15] : i32 from vector<16xi32>
    %broadcast_in_dim3A_737 = vector.broadcast %reduce_sum3A_736 : i32 to vector<16xi32>
    %select_n3A_738 = arith.select %eq3A_726, %broadcast_in_dim3A_737, %select_n3A_723 : vector<16xi1>, vector<16xi32>
    %eq3A_739 = arith.constant 8 : i32
    %eq3A_740 = vector.broadcast %eq3A_739 : i32 to vector<16xi32>
    %eq3A_741 = arith.cmpi eq, %iota3A, %eq3A_740 : vector<16xi32>
    %reduce_sum3A_742 = arith.constant true
    %reduce_sum3A_743 = vector.broadcast %reduce_sum3A_742 : i1 to vector<16xi1>
    %reduce_sum3A_744 = tpu.scan <sum>, %scan3A_613#8 masked %reduce_sum3A_743 : vector<16xi32>, vector<16xi1> -> vector<16xi32>
    %reduce_sum3A_745 = vector.extract %reduce_sum3A_744[15] : i32 from vector<16xi32>
    %broadcast_in_dim3A_746 = vector.broadcast %reduce_sum3A_745 : i32 to vector<16xi32>
    %select_n3A_747 = arith.select %eq3A_741, %broadcast_in_dim3A_746, %select_n3A_732 : vector<16xi1>, vector<16xi32>
    %reduce_sum3A_748 = arith.constant true
    %reduce_sum3A_749 = vector.broadcast %reduce_sum3A_748 : i1 to vector<16xi1>
    %reduce_sum3A_750 = tpu.scan <sum>, %scan3A_613#24 masked %reduce_sum3A_749 : vector<16xi32>, vector<16xi1> -> vector<16xi32>
    %reduce_sum3A_751 = vector.extract %reduce_sum3A_750[15] : i32 from vector<16xi32>
    %broadcast_in_dim3A_752 = vector.broadcast %reduce_sum3A_751 : i32 to vector<16xi32>
    %select_n3A_753 = arith.select %eq3A_741, %broadcast_in_dim3A_752, %select_n3A_738 : vector<16xi1>, vector<16xi32>
    %eq3A_754 = arith.constant 9 : i32
    %eq3A_755 = vector.broadcast %eq3A_754 : i32 to vector<16xi32>
    %eq3A_756 = arith.cmpi eq, %iota3A, %eq3A_755 : vector<16xi32>
    %reduce_sum3A_757 = arith.constant true
    %reduce_sum3A_758 = vector.broadcast %reduce_sum3A_757 : i1 to vector<16xi1>
    %reduce_sum3A_759 = tpu.scan <sum>, %scan3A_613#9 masked %reduce_sum3A_758 : vector<16xi32>, vector<16xi1> -> vector<16xi32>
    %reduce_sum3A_760 = vector.extract %reduce_sum3A_759[15] : i32 from vector<16xi32>
    %broadcast_in_dim3A_761 = vector.broadcast %reduce_sum3A_760 : i32 to vector<16xi32>
    %select_n3A_762 = arith.select %eq3A_756, %broadcast_in_dim3A_761, %select_n3A_747 : vector<16xi1>, vector<16xi32>
    %reduce_sum3A_763 = arith.constant true
    %reduce_sum3A_764 = vector.broadcast %reduce_sum3A_763 : i1 to vector<16xi1>
    %reduce_sum3A_765 = tpu.scan <sum>, %scan3A_613#25 masked %reduce_sum3A_764 : vector<16xi32>, vector<16xi1> -> vector<16xi32>
    %reduce_sum3A_766 = vector.extract %reduce_sum3A_765[15] : i32 from vector<16xi32>
    %broadcast_in_dim3A_767 = vector.broadcast %reduce_sum3A_766 : i32 to vector<16xi32>
    %select_n3A_768 = arith.select %eq3A_756, %broadcast_in_dim3A_767, %select_n3A_753 : vector<16xi1>, vector<16xi32>
    %eq3A_769 = arith.constant 10 : i32
    %eq3A_770 = vector.broadcast %eq3A_769 : i32 to vector<16xi32>
    %eq3A_771 = arith.cmpi eq, %iota3A, %eq3A_770 : vector<16xi32>
    %reduce_sum3A_772 = arith.constant true
    %reduce_sum3A_773 = vector.broadcast %reduce_sum3A_772 : i1 to vector<16xi1>
    %reduce_sum3A_774 = tpu.scan <sum>, %scan3A_613#10 masked %reduce_sum3A_773 : vector<16xi32>, vector<16xi1> -> vector<16xi32>
    %reduce_sum3A_775 = vector.extract %reduce_sum3A_774[15] : i32 from vector<16xi32>
    %broadcast_in_dim3A_776 = vector.broadcast %reduce_sum3A_775 : i32 to vector<16xi32>
    %select_n3A_777 = arith.select %eq3A_771, %broadcast_in_dim3A_776, %select_n3A_762 : vector<16xi1>, vector<16xi32>
    %reduce_sum3A_778 = arith.constant true
    %reduce_sum3A_779 = vector.broadcast %reduce_sum3A_778 : i1 to vector<16xi1>
    %reduce_sum3A_780 = tpu.scan <sum>, %scan3A_613#26 masked %reduce_sum3A_779 : vector<16xi32>, vector<16xi1> -> vector<16xi32>
    %reduce_sum3A_781 = vector.extract %reduce_sum3A_780[15] : i32 from vector<16xi32>
    %broadcast_in_dim3A_782 = vector.broadcast %reduce_sum3A_781 : i32 to vector<16xi32>
    %select_n3A_783 = arith.select %eq3A_771, %broadcast_in_dim3A_782, %select_n3A_768 : vector<16xi1>, vector<16xi32>
    %eq3A_784 = arith.constant 11 : i32
    %eq3A_785 = vector.broadcast %eq3A_784 : i32 to vector<16xi32>
    %eq3A_786 = arith.cmpi eq, %iota3A, %eq3A_785 : vector<16xi32>
    %reduce_sum3A_787 = arith.constant true
    %reduce_sum3A_788 = vector.broadcast %reduce_sum3A_787 : i1 to vector<16xi1>
    %reduce_sum3A_789 = tpu.scan <sum>, %scan3A_613#11 masked %reduce_sum3A_788 : vector<16xi32>, vector<16xi1> -> vector<16xi32>
    %reduce_sum3A_790 = vector.extract %reduce_sum3A_789[15] : i32 from vector<16xi32>
    %broadcast_in_dim3A_791 = vector.broadcast %reduce_sum3A_790 : i32 to vector<16xi32>
    %select_n3A_792 = arith.select %eq3A_786, %broadcast_in_dim3A_791, %select_n3A_777 : vector<16xi1>, vector<16xi32>
    %reduce_sum3A_793 = arith.constant true
    %reduce_sum3A_794 = vector.broadcast %reduce_sum3A_793 : i1 to vector<16xi1>
    %reduce_sum3A_795 = tpu.scan <sum>, %scan3A_613#27 masked %reduce_sum3A_794 : vector<16xi32>, vector<16xi1> -> vector<16xi32>
    %reduce_sum3A_796 = vector.extract %reduce_sum3A_795[15] : i32 from vector<16xi32>
    %broadcast_in_dim3A_797 = vector.broadcast %reduce_sum3A_796 : i32 to vector<16xi32>
    %select_n3A_798 = arith.select %eq3A_786, %broadcast_in_dim3A_797, %select_n3A_783 : vector<16xi1>, vector<16xi32>
    %eq3A_799 = arith.constant 12 : i32
    %eq3A_800 = vector.broadcast %eq3A_799 : i32 to vector<16xi32>
    %eq3A_801 = arith.cmpi eq, %iota3A, %eq3A_800 : vector<16xi32>
    %reduce_sum3A_802 = arith.constant true
    %reduce_sum3A_803 = vector.broadcast %reduce_sum3A_802 : i1 to vector<16xi1>
    %reduce_sum3A_804 = tpu.scan <sum>, %scan3A_613#12 masked %reduce_sum3A_803 : vector<16xi32>, vector<16xi1> -> vector<16xi32>
    %reduce_sum3A_805 = vector.extract %reduce_sum3A_804[15] : i32 from vector<16xi32>
    %broadcast_in_dim3A_806 = vector.broadcast %reduce_sum3A_805 : i32 to vector<16xi32>
    %select_n3A_807 = arith.select %eq3A_801, %broadcast_in_dim3A_806, %select_n3A_792 : vector<16xi1>, vector<16xi32>
    %reduce_sum3A_808 = arith.constant true
    %reduce_sum3A_809 = vector.broadcast %reduce_sum3A_808 : i1 to vector<16xi1>
    %reduce_sum3A_810 = tpu.scan <sum>, %scan3A_613#28 masked %reduce_sum3A_809 : vector<16xi32>, vector<16xi1> -> vector<16xi32>
    %reduce_sum3A_811 = vector.extract %reduce_sum3A_810[15] : i32 from vector<16xi32>
    %broadcast_in_dim3A_812 = vector.broadcast %reduce_sum3A_811 : i32 to vector<16xi32>
    %select_n3A_813 = arith.select %eq3A_801, %broadcast_in_dim3A_812, %select_n3A_798 : vector<16xi1>, vector<16xi32>
    %eq3A_814 = arith.constant 13 : i32
    %eq3A_815 = vector.broadcast %eq3A_814 : i32 to vector<16xi32>
    %eq3A_816 = arith.cmpi eq, %iota3A, %eq3A_815 : vector<16xi32>
    %reduce_sum3A_817 = arith.constant true
    %reduce_sum3A_818 = vector.broadcast %reduce_sum3A_817 : i1 to vector<16xi1>
    %reduce_sum3A_819 = tpu.scan <sum>, %scan3A_613#13 masked %reduce_sum3A_818 : vector<16xi32>, vector<16xi1> -> vector<16xi32>
    %reduce_sum3A_820 = vector.extract %reduce_sum3A_819[15] : i32 from vector<16xi32>
    %broadcast_in_dim3A_821 = vector.broadcast %reduce_sum3A_820 : i32 to vector<16xi32>
    %select_n3A_822 = arith.select %eq3A_816, %broadcast_in_dim3A_821, %select_n3A_807 : vector<16xi1>, vector<16xi32>
    %reduce_sum3A_823 = arith.constant true
    %reduce_sum3A_824 = vector.broadcast %reduce_sum3A_823 : i1 to vector<16xi1>
    %reduce_sum3A_825 = tpu.scan <sum>, %scan3A_613#29 masked %reduce_sum3A_824 : vector<16xi32>, vector<16xi1> -> vector<16xi32>
    %reduce_sum3A_826 = vector.extract %reduce_sum3A_825[15] : i32 from vector<16xi32>
    %broadcast_in_dim3A_827 = vector.broadcast %reduce_sum3A_826 : i32 to vector<16xi32>
    %select_n3A_828 = arith.select %eq3A_816, %broadcast_in_dim3A_827, %select_n3A_813 : vector<16xi1>, vector<16xi32>
    %eq3A_829 = arith.constant 14 : i32
    %eq3A_830 = vector.broadcast %eq3A_829 : i32 to vector<16xi32>
    %eq3A_831 = arith.cmpi eq, %iota3A, %eq3A_830 : vector<16xi32>
    %reduce_sum3A_832 = arith.constant true
    %reduce_sum3A_833 = vector.broadcast %reduce_sum3A_832 : i1 to vector<16xi1>
    %reduce_sum3A_834 = tpu.scan <sum>, %scan3A_613#14 masked %reduce_sum3A_833 : vector<16xi32>, vector<16xi1> -> vector<16xi32>
    %reduce_sum3A_835 = vector.extract %reduce_sum3A_834[15] : i32 from vector<16xi32>
    %broadcast_in_dim3A_836 = vector.broadcast %reduce_sum3A_835 : i32 to vector<16xi32>
    %select_n3A_837 = arith.select %eq3A_831, %broadcast_in_dim3A_836, %select_n3A_822 : vector<16xi1>, vector<16xi32>
    %reduce_sum3A_838 = arith.constant true
    %reduce_sum3A_839 = vector.broadcast %reduce_sum3A_838 : i1 to vector<16xi1>
    %reduce_sum3A_840 = tpu.scan <sum>, %scan3A_613#30 masked %reduce_sum3A_839 : vector<16xi32>, vector<16xi1> -> vector<16xi32>
    %reduce_sum3A_841 = vector.extract %reduce_sum3A_840[15] : i32 from vector<16xi32>
    %broadcast_in_dim3A_842 = vector.broadcast %reduce_sum3A_841 : i32 to vector<16xi32>
    %select_n3A_843 = arith.select %eq3A_831, %broadcast_in_dim3A_842, %select_n3A_828 : vector<16xi1>, vector<16xi32>
    %eq3A_844 = arith.constant 15 : i32
    %eq3A_845 = vector.broadcast %eq3A_844 : i32 to vector<16xi32>
    %eq3A_846 = arith.cmpi eq, %iota3A, %eq3A_845 : vector<16xi32>
    %reduce_sum3A_847 = arith.constant true
    %reduce_sum3A_848 = vector.broadcast %reduce_sum3A_847 : i1 to vector<16xi1>
    %reduce_sum3A_849 = tpu.scan <sum>, %scan3A_613#15 masked %reduce_sum3A_848 : vector<16xi32>, vector<16xi1> -> vector<16xi32>
    %reduce_sum3A_850 = vector.extract %reduce_sum3A_849[15] : i32 from vector<16xi32>
    %broadcast_in_dim3A_851 = vector.broadcast %reduce_sum3A_850 : i32 to vector<16xi32>
    %select_n3A_852 = arith.select %eq3A_846, %broadcast_in_dim3A_851, %select_n3A_837 : vector<16xi1>, vector<16xi32>
    %reduce_sum3A_853 = arith.constant true
    %reduce_sum3A_854 = vector.broadcast %reduce_sum3A_853 : i1 to vector<16xi1>
    %reduce_sum3A_855 = tpu.scan <sum>, %scan3A_613#31 masked %reduce_sum3A_854 : vector<16xi32>, vector<16xi1> -> vector<16xi32>
    %reduce_sum3A_856 = vector.extract %reduce_sum3A_855[15] : i32 from vector<16xi32>
    %broadcast_in_dim3A_857 = vector.broadcast %reduce_sum3A_856 : i32 to vector<16xi32>
    %select_n3A_858 = arith.select %eq3A_846, %broadcast_in_dim3A_857, %select_n3A_843 : vector<16xi1>, vector<16xi32>
    %convert_element_type3A_859 = arith.sitofp %select_n3A_852 : vector<16xi32> to vector<16xf32>
    %convert_element_type3A_860 = arith.sitofp %select_n3A_858 : vector<16xi32> to vector<16xf32>
    %sub3A_861 = arith.subf %convert_element_type3A_859, %convert_element_type3A_860 : vector<16xf32>
    %sub3A_862 = arith.subf %sub3A_861, %convert_element_type3A_860 : vector<16xf32>
    %sub3A_863 = arith.subf %broadcast_in_dim3A_10, %convert_element_type3A_859 : vector<16xf32>
    %add3A_864 = arith.addf %sub3A_863, %convert_element_type3A_860 : vector<16xf32>
    %mul3A_865 = arith.mulf %add3A_864, %broadcast_in_dim3A_6 : vector<16xf32>
    %mul3A_866 = arith.mulf %sub3A_862, %broadcast_in_dim3A_6 : vector<16xf32>
    %mul3A_867 = arith.mulf %convert_element_type3A_860, %broadcast_in_dim3A_6 : vector<16xf32>
    %mul3A_868 = arith.mulf %mul3A_865, %get3A_17 : vector<16xf32>
    %mul3A_869 = arith.mulf %mul3A_866, %get3A_21 : vector<16xf32>
    %add3A_870 = arith.addf %mul3A_868, %mul3A_869 : vector<16xf32>
    %mul3A_871 = arith.mulf %mul3A_867, %get3A_25 : vector<16xf32>
    %add3A_872 = arith.addf %add3A_870, %mul3A_871 : vector<16xf32>
    %add3A_873 = arith.addf %mul3A_865, %mul3A_865 : vector<16xf32>
    %neg3A_874 = arith.constant 0.000000e+00 : f32
    %neg3A_875 = vector.broadcast %neg3A_874 : f32 to vector<16xf32>
    %neg3A_876 = arith.subf %neg3A_875, %add3A_873 : vector<16xf32>
    %exp3A_877 = math.exp %neg3A_876 : vector<16xf32>
    %add3A_878 = arith.addf %broadcast_in_dim3A_8, %exp3A_877 : vector<16xf32>
    %div3A_879 = arith.divf %broadcast_in_dim3A_8, %add3A_878 : vector<16xf32>
    %add3A_880 = arith.addf %broadcast_in_dim3A_8, %div3A_879 : vector<16xf32>
    %mul3A_881 = arith.mulf %add3A_872, %add3A_880 : vector<16xf32>
    %neg3A_882 = arith.constant 0.000000e+00 : f32
    %neg3A_883 = vector.broadcast %neg3A_882 : f32 to vector<16xf32>
    %neg3A_884 = arith.subf %neg3A_883, %mul3A_881 : vector<16xf32>
    %exp3A_885 = math.exp %neg3A_884 : vector<16xf32>
    %add3A_886 = arith.addf %broadcast_in_dim3A_8, %exp3A_885 : vector<16xf32>
    %div3A_887 = arith.divf %broadcast_in_dim3A_8, %add3A_886 : vector<16xf32>
    %max3A_888 = arith.maximumf %div3A_887, %broadcast_in_dim3A_12 : vector<16xf32>
    %min3A_889 = arith.minimumf %max3A_888, %broadcast_in_dim3A_14 : vector<16xf32>
    %swap3A_890 = arith.constant 32 : index
    %swap3A_891 = tpu.vector_load %arg8[%swap3A_890] {strides = array<i32>} : memref<128xf32, #tpu.memory_space<vmem>>, vector<16xf32>,
    tpu.vector_store %arg8[%swap3A_890], %min3A_889 {strides = array<i32>} : memref<128xf32, #tpu.memory_space<vmem>>, vector<16xf32>,
    %dma_wait3A_892 = tpu.memref_slice %arg2[%mul3A_604] : memref<16777216xi32, #tpu.memory_space<hbm>> -> memref<32768xi32, #tpu.memory_space<hbm>>
    %dma_wait3A_893 = tpu.memref_slice %arg2[%mul3A_604] : memref<16777216xi32, #tpu.memory_space<hbm>> -> memref<32768xi32, #tpu.memory_space<hbm>>
    tpu.wait_dma2 semaphore(%arg10 : memref<!tpu.dma_semaphore, #tpu.memory_space<semaphore_mem>>) src(%dma_wait3A_893 : memref<32768xi32, #tpu.memory_space<hbm>>) dst(%arg6 : memref<32768xi32, #tpu.memory_space<vmem>>)
    %add3A_894 = arith.constant 64 : i32
    %add3A_895 = arith.addi %mul3A_2, %add3A_894 : i32
    %mul3A_896 = arith.constant 2048 : i32
    %mul3A_897 = arith.muli %add3A_895, %mul3A_896 : i32
    %dma_start3A_898 = tpu.memref_slice %arg2[%mul3A_897] : memref<16777216xi32, #tpu.memory_space<hbm>> -> memref<32768xi32, #tpu.memory_space<hbm>>
    %dma_start3A_899 = tpu.memref_slice %arg2[%mul3A_897] : memref<16777216xi32, #tpu.memory_space<hbm>> -> memref<32768xi32, #tpu.memory_space<hbm>>
    tpu.enqueue_dma source(%dma_start3A_899 : memref<32768xi32, #tpu.memory_space<hbm>>) target(%arg5 : memref<32768xi32, #tpu.memory_space<vmem>>) target_semaphore(%arg9 : memref<!tpu.dma_semaphore, #tpu.memory_space<semaphore_mem>>)
    %broadcast_in_dim3A_900 = arith.constant 0 : i32
    %broadcast_in_dim3A_901 = vector.broadcast %broadcast_in_dim3A_900 : i32 to vector<16xi32>
    %scan3A_902 = arith.constant 0 : i32
    %scan3A_903 = arith.constant 128 : i32
    %scan3A_904 = arith.addi %scan3A_902, %scan3A_903 : i32
    %scan3A_905 = arith.constant 1 : i32
    %scan3A_906:32 = scf.for %scan3A_2351 = %scan3A_902 to %scan3A_904 step %scan3A_905 iter_args(%scan3A_2352 = %broadcast_in_dim3A_901, %scan3A_2353 = %broadcast_in_dim3A_901, %scan3A_2354 = %broadcast_in_dim3A_901, %scan3A_2355 = %broadcast_in_dim3A_901, %scan3A_2356 = %broadcast_in_dim3A_901, %scan3A_2357 = %broadcast_in_dim3A_901, %scan3A_2358 = %broadcast_in_dim3A_901, %scan3A_2359 = %broadcast_in_dim3A_901, %scan3A_2360 = %broadcast_in_dim3A_901, %scan3A_2361 = %broadcast_in_dim3A_901, %scan3A_2362 = %broadcast_in_dim3A_901, %scan3A_2363 = %broadcast_in_dim3A_901, %scan3A_2364 = %broadcast_in_dim3A_901, %scan3A_2365 = %broadcast_in_dim3A_901, %scan3A_2366 = %broadcast_in_dim3A_901, %scan3A_2367 = %broadcast_in_dim3A_901, %scan3A_2368 = %broadcast_in_dim3A_901, %scan3A_2369 = %broadcast_in_dim3A_901, %scan3A_2370 = %broadcast_in_dim3A_901, %scan3A_2371 = %broadcast_in_dim3A_901, %scan3A_2372 = %broadcast_in_dim3A_901, %scan3A_2373 = %broadcast_in_dim3A_901, %scan3A_2374 = %broadcast_in_dim3A_901, %scan3A_2375 = %broadcast_in_dim3A_901, %scan3A_2376 = %broadcast_in_dim3A_901, %scan3A_2377 = %broadcast_in_dim3A_901, %scan3A_2378 = %broadcast_in_dim3A_901, %scan3A_2379 = %broadcast_in_dim3A_901, %scan3A_2380 = %broadcast_in_dim3A_901, %scan3A_2381 = %broadcast_in_dim3A_901, %scan3A_2382 = %broadcast_in_dim3A_901, %scan3A_2383 = %broadcast_in_dim3A_901) -> (vector<16xi32>, vector<16xi32>, vector<16xi32>, vector<16xi32>, vector<16xi32>, vector<16xi32>, vector<16xi32>, vector<16xi32>, vector<16xi32>, vector<16xi32>, vector<16xi32>, vector<16xi32>, vector<16xi32>, vector<16xi32>, vector<16xi32>, vector<16xi32>, vector<16xi32>, vector<16xi32>, vector<16xi32>, vector<16xi32>, vector<16xi32>, vector<16xi32>, vector<16xi32>, vector<16xi32>, vector<16xi32>, vector<16xi32>, vector<16xi32>, vector<16xi32>, vector<16xi32>, vector<16xi32>, vector<16xi32>, vector<16xi32>)  : i32 {
      %mul3A_2384 = arith.constant 16 : i32
      %mul3A_2385 = arith.muli %scan3A_2351, %mul3A_2384 : i32
      %add3A_2386 = arith.constant 0 : i32
      %add3A_2387 = arith.addi %mul3A_2385, %add3A_2386 : i32
      %get3A_2388 = arith.index_cast %add3A_2387 : i32 to index
      %get3A_2389 = tpu.vector_load %arg6[%get3A_2388] {strides = array<i32>} : memref<32768xi32, #tpu.memory_space<vmem>>, vector<16xi32>,
      %add3A_2390 = arith.addi %scan3A_2352, %get3A_2389 : vector<16xi32>
      %shift_right_arithmetic3A = arith.constant 1 : i32
      %shift_right_arithmetic3A_2391 = vector.broadcast %shift_right_arithmetic3A : i32 to vector<16xi32>
      %shift_right_arithmetic3A_2392 = arith.shrsi %get3A_2389, %shift_right_arithmetic3A_2391 : vector<16xi32>
      %add3A_2393 = arith.addi %scan3A_2368, %shift_right_arithmetic3A_2392 : vector<16xi32>
      %add3A_2394 = arith.constant 2048 : i32
      %add3A_2395 = arith.addi %mul3A_2385, %add3A_2394 : i32
      %get3A_2396 = arith.index_cast %add3A_2395 : i32 to index
      %get3A_2397 = tpu.vector_load %arg6[%get3A_2396] {strides = array<i32>} : memref<32768xi32, #tpu.memory_space<vmem>>, vector<16xi32>,
      %add3A_2398 = arith.addi %scan3A_2353, %get3A_2397 : vector<16xi32>
      %shift_right_arithmetic3A_2399 = arith.constant 1 : i32
      %shift_right_arithmetic3A_2400 = vector.broadcast %shift_right_arithmetic3A_2399 : i32 to vector<16xi32>
      %shift_right_arithmetic3A_2401 = arith.shrsi %get3A_2397, %shift_right_arithmetic3A_2400 : vector<16xi32>
      %add3A_2402 = arith.addi %scan3A_2369, %shift_right_arithmetic3A_2401 : vector<16xi32>
      %add3A_2403 = arith.constant 4096 : i32
      %add3A_2404 = arith.addi %mul3A_2385, %add3A_2403 : i32
      %get3A_2405 = arith.index_cast %add3A_2404 : i32 to index
      %get3A_2406 = tpu.vector_load %arg6[%get3A_2405] {strides = array<i32>} : memref<32768xi32, #tpu.memory_space<vmem>>, vector<16xi32>,
      %add3A_2407 = arith.addi %scan3A_2354, %get3A_2406 : vector<16xi32>
      %shift_right_arithmetic3A_2408 = arith.constant 1 : i32
      %shift_right_arithmetic3A_2409 = vector.broadcast %shift_right_arithmetic3A_2408 : i32 to vector<16xi32>
      %shift_right_arithmetic3A_2410 = arith.shrsi %get3A_2406, %shift_right_arithmetic3A_2409 : vector<16xi32>
      %add3A_2411 = arith.addi %scan3A_2370, %shift_right_arithmetic3A_2410 : vector<16xi32>
      %add3A_2412 = arith.constant 6144 : i32
      %add3A_2413 = arith.addi %mul3A_2385, %add3A_2412 : i32
      %get3A_2414 = arith.index_cast %add3A_2413 : i32 to index
      %get3A_2415 = tpu.vector_load %arg6[%get3A_2414] {strides = array<i32>} : memref<32768xi32, #tpu.memory_space<vmem>>, vector<16xi32>,
      %add3A_2416 = arith.addi %scan3A_2355, %get3A_2415 : vector<16xi32>
      %shift_right_arithmetic3A_2417 = arith.constant 1 : i32
      %shift_right_arithmetic3A_2418 = vector.broadcast %shift_right_arithmetic3A_2417 : i32 to vector<16xi32>
      %shift_right_arithmetic3A_2419 = arith.shrsi %get3A_2415, %shift_right_arithmetic3A_2418 : vector<16xi32>
      %add3A_2420 = arith.addi %scan3A_2371, %shift_right_arithmetic3A_2419 : vector<16xi32>
      %add3A_2421 = arith.constant 8192 : i32
      %add3A_2422 = arith.addi %mul3A_2385, %add3A_2421 : i32
      %get3A_2423 = arith.index_cast %add3A_2422 : i32 to index
      %get3A_2424 = tpu.vector_load %arg6[%get3A_2423] {strides = array<i32>} : memref<32768xi32, #tpu.memory_space<vmem>>, vector<16xi32>,
      %add3A_2425 = arith.addi %scan3A_2356, %get3A_2424 : vector<16xi32>
      %shift_right_arithmetic3A_2426 = arith.constant 1 : i32
      %shift_right_arithmetic3A_2427 = vector.broadcast %shift_right_arithmetic3A_2426 : i32 to vector<16xi32>
      %shift_right_arithmetic3A_2428 = arith.shrsi %get3A_2424, %shift_right_arithmetic3A_2427 : vector<16xi32>
      %add3A_2429 = arith.addi %scan3A_2372, %shift_right_arithmetic3A_2428 : vector<16xi32>
      %add3A_2430 = arith.constant 10240 : i32
      %add3A_2431 = arith.addi %mul3A_2385, %add3A_2430 : i32
      %get3A_2432 = arith.index_cast %add3A_2431 : i32 to index
      %get3A_2433 = tpu.vector_load %arg6[%get3A_2432] {strides = array<i32>} : memref<32768xi32, #tpu.memory_space<vmem>>, vector<16xi32>,
      %add3A_2434 = arith.addi %scan3A_2357, %get3A_2433 : vector<16xi32>
      %shift_right_arithmetic3A_2435 = arith.constant 1 : i32
      %shift_right_arithmetic3A_2436 = vector.broadcast %shift_right_arithmetic3A_2435 : i32 to vector<16xi32>
      %shift_right_arithmetic3A_2437 = arith.shrsi %get3A_2433, %shift_right_arithmetic3A_2436 : vector<16xi32>
      %add3A_2438 = arith.addi %scan3A_2373, %shift_right_arithmetic3A_2437 : vector<16xi32>
      %add3A_2439 = arith.constant 12288 : i32
      %add3A_2440 = arith.addi %mul3A_2385, %add3A_2439 : i32
      %get3A_2441 = arith.index_cast %add3A_2440 : i32 to index
      %get3A_2442 = tpu.vector_load %arg6[%get3A_2441] {strides = array<i32>} : memref<32768xi32, #tpu.memory_space<vmem>>, vector<16xi32>,
      %add3A_2443 = arith.addi %scan3A_2358, %get3A_2442 : vector<16xi32>
      %shift_right_arithmetic3A_2444 = arith.constant 1 : i32
      %shift_right_arithmetic3A_2445 = vector.broadcast %shift_right_arithmetic3A_2444 : i32 to vector<16xi32>
      %shift_right_arithmetic3A_2446 = arith.shrsi %get3A_2442, %shift_right_arithmetic3A_2445 : vector<16xi32>
      %add3A_2447 = arith.addi %scan3A_2374, %shift_right_arithmetic3A_2446 : vector<16xi32>
      %add3A_2448 = arith.constant 14336 : i32
      %add3A_2449 = arith.addi %mul3A_2385, %add3A_2448 : i32
      %get3A_2450 = arith.index_cast %add3A_2449 : i32 to index
      %get3A_2451 = tpu.vector_load %arg6[%get3A_2450] {strides = array<i32>} : memref<32768xi32, #tpu.memory_space<vmem>>, vector<16xi32>,
      %add3A_2452 = arith.addi %scan3A_2359, %get3A_2451 : vector<16xi32>
      %shift_right_arithmetic3A_2453 = arith.constant 1 : i32
      %shift_right_arithmetic3A_2454 = vector.broadcast %shift_right_arithmetic3A_2453 : i32 to vector<16xi32>
      %shift_right_arithmetic3A_2455 = arith.shrsi %get3A_2451, %shift_right_arithmetic3A_2454 : vector<16xi32>
      %add3A_2456 = arith.addi %scan3A_2375, %shift_right_arithmetic3A_2455 : vector<16xi32>
      %add3A_2457 = arith.constant 16384 : i32
      %add3A_2458 = arith.addi %mul3A_2385, %add3A_2457 : i32
      %get3A_2459 = arith.index_cast %add3A_2458 : i32 to index
      %get3A_2460 = tpu.vector_load %arg6[%get3A_2459] {strides = array<i32>} : memref<32768xi32, #tpu.memory_space<vmem>>, vector<16xi32>,
      %add3A_2461 = arith.addi %scan3A_2360, %get3A_2460 : vector<16xi32>
      %shift_right_arithmetic3A_2462 = arith.constant 1 : i32
      %shift_right_arithmetic3A_2463 = vector.broadcast %shift_right_arithmetic3A_2462 : i32 to vector<16xi32>
      %shift_right_arithmetic3A_2464 = arith.shrsi %get3A_2460, %shift_right_arithmetic3A_2463 : vector<16xi32>
      %add3A_2465 = arith.addi %scan3A_2376, %shift_right_arithmetic3A_2464 : vector<16xi32>
      %add3A_2466 = arith.constant 18432 : i32
      %add3A_2467 = arith.addi %mul3A_2385, %add3A_2466 : i32
      %get3A_2468 = arith.index_cast %add3A_2467 : i32 to index
      %get3A_2469 = tpu.vector_load %arg6[%get3A_2468] {strides = array<i32>} : memref<32768xi32, #tpu.memory_space<vmem>>, vector<16xi32>,
      %add3A_2470 = arith.addi %scan3A_2361, %get3A_2469 : vector<16xi32>
      %shift_right_arithmetic3A_2471 = arith.constant 1 : i32
      %shift_right_arithmetic3A_2472 = vector.broadcast %shift_right_arithmetic3A_2471 : i32 to vector<16xi32>
      %shift_right_arithmetic3A_2473 = arith.shrsi %get3A_2469, %shift_right_arithmetic3A_2472 : vector<16xi32>
      %add3A_2474 = arith.addi %scan3A_2377, %shift_right_arithmetic3A_2473 : vector<16xi32>
      %add3A_2475 = arith.constant 20480 : i32
      %add3A_2476 = arith.addi %mul3A_2385, %add3A_2475 : i32
      %get3A_2477 = arith.index_cast %add3A_2476 : i32 to index
      %get3A_2478 = tpu.vector_load %arg6[%get3A_2477] {strides = array<i32>} : memref<32768xi32, #tpu.memory_space<vmem>>, vector<16xi32>,
      %add3A_2479 = arith.addi %scan3A_2362, %get3A_2478 : vector<16xi32>
      %shift_right_arithmetic3A_2480 = arith.constant 1 : i32
      %shift_right_arithmetic3A_2481 = vector.broadcast %shift_right_arithmetic3A_2480 : i32 to vector<16xi32>
      %shift_right_arithmetic3A_2482 = arith.shrsi %get3A_2478, %shift_right_arithmetic3A_2481 : vector<16xi32>
      %add3A_2483 = arith.addi %scan3A_2378, %shift_right_arithmetic3A_2482 : vector<16xi32>
      %add3A_2484 = arith.constant 22528 : i32
      %add3A_2485 = arith.addi %mul3A_2385, %add3A_2484 : i32
      %get3A_2486 = arith.index_cast %add3A_2485 : i32 to index
      %get3A_2487 = tpu.vector_load %arg6[%get3A_2486] {strides = array<i32>} : memref<32768xi32, #tpu.memory_space<vmem>>, vector<16xi32>,
      %add3A_2488 = arith.addi %scan3A_2363, %get3A_2487 : vector<16xi32>
      %shift_right_arithmetic3A_2489 = arith.constant 1 : i32
      %shift_right_arithmetic3A_2490 = vector.broadcast %shift_right_arithmetic3A_2489 : i32 to vector<16xi32>
      %shift_right_arithmetic3A_2491 = arith.shrsi %get3A_2487, %shift_right_arithmetic3A_2490 : vector<16xi32>
      %add3A_2492 = arith.addi %scan3A_2379, %shift_right_arithmetic3A_2491 : vector<16xi32>
      %add3A_2493 = arith.constant 24576 : i32
      %add3A_2494 = arith.addi %mul3A_2385, %add3A_2493 : i32
      %get3A_2495 = arith.index_cast %add3A_2494 : i32 to index
      %get3A_2496 = tpu.vector_load %arg6[%get3A_2495] {strides = array<i32>} : memref<32768xi32, #tpu.memory_space<vmem>>, vector<16xi32>,
      %add3A_2497 = arith.addi %scan3A_2364, %get3A_2496 : vector<16xi32>
      %shift_right_arithmetic3A_2498 = arith.constant 1 : i32
      %shift_right_arithmetic3A_2499 = vector.broadcast %shift_right_arithmetic3A_2498 : i32 to vector<16xi32>
      %shift_right_arithmetic3A_2500 = arith.shrsi %get3A_2496, %shift_right_arithmetic3A_2499 : vector<16xi32>
      %add3A_2501 = arith.addi %scan3A_2380, %shift_right_arithmetic3A_2500 : vector<16xi32>
      %add3A_2502 = arith.constant 26624 : i32
      %add3A_2503 = arith.addi %mul3A_2385, %add3A_2502 : i32
      %get3A_2504 = arith.index_cast %add3A_2503 : i32 to index
      %get3A_2505 = tpu.vector_load %arg6[%get3A_2504] {strides = array<i32>} : memref<32768xi32, #tpu.memory_space<vmem>>, vector<16xi32>,
      %add3A_2506 = arith.addi %scan3A_2365, %get3A_2505 : vector<16xi32>
      %shift_right_arithmetic3A_2507 = arith.constant 1 : i32
      %shift_right_arithmetic3A_2508 = vector.broadcast %shift_right_arithmetic3A_2507 : i32 to vector<16xi32>
      %shift_right_arithmetic3A_2509 = arith.shrsi %get3A_2505, %shift_right_arithmetic3A_2508 : vector<16xi32>
      %add3A_2510 = arith.addi %scan3A_2381, %shift_right_arithmetic3A_2509 : vector<16xi32>
      %add3A_2511 = arith.constant 28672 : i32
      %add3A_2512 = arith.addi %mul3A_2385, %add3A_2511 : i32
      %get3A_2513 = arith.index_cast %add3A_2512 : i32 to index
      %get3A_2514 = tpu.vector_load %arg6[%get3A_2513] {strides = array<i32>} : memref<32768xi32, #tpu.memory_space<vmem>>, vector<16xi32>,
      %add3A_2515 = arith.addi %scan3A_2366, %get3A_2514 : vector<16xi32>
      %shift_right_arithmetic3A_2516 = arith.constant 1 : i32
      %shift_right_arithmetic3A_2517 = vector.broadcast %shift_right_arithmetic3A_2516 : i32 to vector<16xi32>
      %shift_right_arithmetic3A_2518 = arith.shrsi %get3A_2514, %shift_right_arithmetic3A_2517 : vector<16xi32>
      %add3A_2519 = arith.addi %scan3A_2382, %shift_right_arithmetic3A_2518 : vector<16xi32>
      %add3A_2520 = arith.constant 30720 : i32
      %add3A_2521 = arith.addi %mul3A_2385, %add3A_2520 : i32
      %get3A_2522 = arith.index_cast %add3A_2521 : i32 to index
      %get3A_2523 = tpu.vector_load %arg6[%get3A_2522] {strides = array<i32>} : memref<32768xi32, #tpu.memory_space<vmem>>, vector<16xi32>,
      %add3A_2524 = arith.addi %scan3A_2367, %get3A_2523 : vector<16xi32>
      %shift_right_arithmetic3A_2525 = arith.constant 1 : i32
      %shift_right_arithmetic3A_2526 = vector.broadcast %shift_right_arithmetic3A_2525 : i32 to vector<16xi32>
      %shift_right_arithmetic3A_2527 = arith.shrsi %get3A_2523, %shift_right_arithmetic3A_2526 : vector<16xi32>
      %add3A_2528 = arith.addi %scan3A_2383, %shift_right_arithmetic3A_2527 : vector<16xi32>
      scf.yield %add3A_2390, %add3A_2398, %add3A_2407, %add3A_2416, %add3A_2425, %add3A_2434, %add3A_2443, %add3A_2452, %add3A_2461, %add3A_2470, %add3A_2479, %add3A_2488, %add3A_2497, %add3A_2506, %add3A_2515, %add3A_2524, %add3A_2393, %add3A_2402, %add3A_2411, %add3A_2420, %add3A_2429, %add3A_2438, %add3A_2447, %add3A_2456, %add3A_2465, %add3A_2474, %add3A_2483, %add3A_2492, %add3A_2501, %add3A_2510, %add3A_2519, %add3A_2528 : vector<16xi32>, vector<16xi32>, vector<16xi32>, vector<16xi32>, vector<16xi32>, vector<16xi32>, vector<16xi32>, vector<16xi32>, vector<16xi32>, vector<16xi32>, vector<16xi32>, vector<16xi32>, vector<16xi32>, vector<16xi32>, vector<16xi32>, vector<16xi32>, vector<16xi32>, vector<16xi32>, vector<16xi32>, vector<16xi32>, vector<16xi32>, vector<16xi32>, vector<16xi32>, vector<16xi32>, vector<16xi32>, vector<16xi32>, vector<16xi32>, vector<16xi32>, vector<16xi32>, vector<16xi32>, vector<16xi32>, vector<16xi32>
    }
    %scan3A_907 = arith.constant 128 : i32
    %broadcast_in_dim3A_908 = arith.constant 0 : i32
    %broadcast_in_dim3A_909 = vector.broadcast %broadcast_in_dim3A_908 : i32 to vector<16xi32>
    %broadcast_in_dim3A_910 = arith.constant 0 : i32
    %broadcast_in_dim3A_911 = vector.broadcast %broadcast_in_dim3A_910 : i32 to vector<16xi32>
    %eq3A_912 = arith.constant 0 : i32
    %eq3A_913 = vector.broadcast %eq3A_912 : i32 to vector<16xi32>
    %eq3A_914 = arith.cmpi eq, %iota3A, %eq3A_913 : vector<16xi32>
    %reduce_sum3A_915 = arith.constant true
    %reduce_sum3A_916 = vector.broadcast %reduce_sum3A_915 : i1 to vector<16xi1>
    %reduce_sum3A_917 = tpu.scan <sum>, %scan3A_906#0 masked %reduce_sum3A_916 : vector<16xi32>, vector<16xi1> -> vector<16xi32>
    %reduce_sum3A_918 = vector.extract %reduce_sum3A_917[15] : i32 from vector<16xi32>
    %broadcast_in_dim3A_919 = vector.broadcast %reduce_sum3A_918 : i32 to vector<16xi32>
    %select_n3A_920 = arith.select %eq3A_914, %broadcast_in_dim3A_919, %broadcast_in_dim3A_909 : vector<16xi1>, vector<16xi32>
    %reduce_sum3A_921 = arith.constant true
    %reduce_sum3A_922 = vector.broadcast %reduce_sum3A_921 : i1 to vector<16xi1>
    %reduce_sum3A_923 = tpu.scan <sum>, %scan3A_906#16 masked %reduce_sum3A_922 : vector<16xi32>, vector<16xi1> -> vector<16xi32>
    %reduce_sum3A_924 = vector.extract %reduce_sum3A_923[15] : i32 from vector<16xi32>
    %broadcast_in_dim3A_925 = vector.broadcast %reduce_sum3A_924 : i32 to vector<16xi32>
    %select_n3A_926 = arith.select %eq3A_914, %broadcast_in_dim3A_925, %broadcast_in_dim3A_911 : vector<16xi1>, vector<16xi32>
    %eq3A_927 = arith.constant 1 : i32
    %eq3A_928 = vector.broadcast %eq3A_927 : i32 to vector<16xi32>
    %eq3A_929 = arith.cmpi eq, %iota3A, %eq3A_928 : vector<16xi32>
    %reduce_sum3A_930 = arith.constant true
    %reduce_sum3A_931 = vector.broadcast %reduce_sum3A_930 : i1 to vector<16xi1>
    %reduce_sum3A_932 = tpu.scan <sum>, %scan3A_906#1 masked %reduce_sum3A_931 : vector<16xi32>, vector<16xi1> -> vector<16xi32>
    %reduce_sum3A_933 = vector.extract %reduce_sum3A_932[15] : i32 from vector<16xi32>
    %broadcast_in_dim3A_934 = vector.broadcast %reduce_sum3A_933 : i32 to vector<16xi32>
    %select_n3A_935 = arith.select %eq3A_929, %broadcast_in_dim3A_934, %select_n3A_920 : vector<16xi1>, vector<16xi32>
    %reduce_sum3A_936 = arith.constant true
    %reduce_sum3A_937 = vector.broadcast %reduce_sum3A_936 : i1 to vector<16xi1>
    %reduce_sum3A_938 = tpu.scan <sum>, %scan3A_906#17 masked %reduce_sum3A_937 : vector<16xi32>, vector<16xi1> -> vector<16xi32>
    %reduce_sum3A_939 = vector.extract %reduce_sum3A_938[15] : i32 from vector<16xi32>
    %broadcast_in_dim3A_940 = vector.broadcast %reduce_sum3A_939 : i32 to vector<16xi32>
    %select_n3A_941 = arith.select %eq3A_929, %broadcast_in_dim3A_940, %select_n3A_926 : vector<16xi1>, vector<16xi32>
    %eq3A_942 = arith.constant 2 : i32
    %eq3A_943 = vector.broadcast %eq3A_942 : i32 to vector<16xi32>
    %eq3A_944 = arith.cmpi eq, %iota3A, %eq3A_943 : vector<16xi32>
    %reduce_sum3A_945 = arith.constant true
    %reduce_sum3A_946 = vector.broadcast %reduce_sum3A_945 : i1 to vector<16xi1>
    %reduce_sum3A_947 = tpu.scan <sum>, %scan3A_906#2 masked %reduce_sum3A_946 : vector<16xi32>, vector<16xi1> -> vector<16xi32>
    %reduce_sum3A_948 = vector.extract %reduce_sum3A_947[15] : i32 from vector<16xi32>
    %broadcast_in_dim3A_949 = vector.broadcast %reduce_sum3A_948 : i32 to vector<16xi32>
    %select_n3A_950 = arith.select %eq3A_944, %broadcast_in_dim3A_949, %select_n3A_935 : vector<16xi1>, vector<16xi32>
    %reduce_sum3A_951 = arith.constant true
    %reduce_sum3A_952 = vector.broadcast %reduce_sum3A_951 : i1 to vector<16xi1>
    %reduce_sum3A_953 = tpu.scan <sum>, %scan3A_906#18 masked %reduce_sum3A_952 : vector<16xi32>, vector<16xi1> -> vector<16xi32>
    %reduce_sum3A_954 = vector.extract %reduce_sum3A_953[15] : i32 from vector<16xi32>
    %broadcast_in_dim3A_955 = vector.broadcast %reduce_sum3A_954 : i32 to vector<16xi32>
    %select_n3A_956 = arith.select %eq3A_944, %broadcast_in_dim3A_955, %select_n3A_941 : vector<16xi1>, vector<16xi32>
    %eq3A_957 = arith.constant 3 : i32
    %eq3A_958 = vector.broadcast %eq3A_957 : i32 to vector<16xi32>
    %eq3A_959 = arith.cmpi eq, %iota3A, %eq3A_958 : vector<16xi32>
    %reduce_sum3A_960 = arith.constant true
    %reduce_sum3A_961 = vector.broadcast %reduce_sum3A_960 : i1 to vector<16xi1>
    %reduce_sum3A_962 = tpu.scan <sum>, %scan3A_906#3 masked %reduce_sum3A_961 : vector<16xi32>, vector<16xi1> -> vector<16xi32>
    %reduce_sum3A_963 = vector.extract %reduce_sum3A_962[15] : i32 from vector<16xi32>
    %broadcast_in_dim3A_964 = vector.broadcast %reduce_sum3A_963 : i32 to vector<16xi32>
    %select_n3A_965 = arith.select %eq3A_959, %broadcast_in_dim3A_964, %select_n3A_950 : vector<16xi1>, vector<16xi32>
    %reduce_sum3A_966 = arith.constant true
    %reduce_sum3A_967 = vector.broadcast %reduce_sum3A_966 : i1 to vector<16xi1>
    %reduce_sum3A_968 = tpu.scan <sum>, %scan3A_906#19 masked %reduce_sum3A_967 : vector<16xi32>, vector<16xi1> -> vector<16xi32>
    %reduce_sum3A_969 = vector.extract %reduce_sum3A_968[15] : i32 from vector<16xi32>
    %broadcast_in_dim3A_970 = vector.broadcast %reduce_sum3A_969 : i32 to vector<16xi32>
    %select_n3A_971 = arith.select %eq3A_959, %broadcast_in_dim3A_970, %select_n3A_956 : vector<16xi1>, vector<16xi32>
    %eq3A_972 = arith.constant 4 : i32
    %eq3A_973 = vector.broadcast %eq3A_972 : i32 to vector<16xi32>
    %eq3A_974 = arith.cmpi eq, %iota3A, %eq3A_973 : vector<16xi32>
    %reduce_sum3A_975 = arith.constant true
    %reduce_sum3A_976 = vector.broadcast %reduce_sum3A_975 : i1 to vector<16xi1>
    %reduce_sum3A_977 = tpu.scan <sum>, %scan3A_906#4 masked %reduce_sum3A_976 : vector<16xi32>, vector<16xi1> -> vector<16xi32>
    %reduce_sum3A_978 = vector.extract %reduce_sum3A_977[15] : i32 from vector<16xi32>
    %broadcast_in_dim3A_979 = vector.broadcast %reduce_sum3A_978 : i32 to vector<16xi32>
    %select_n3A_980 = arith.select %eq3A_974, %broadcast_in_dim3A_979, %select_n3A_965 : vector<16xi1>, vector<16xi32>
    %reduce_sum3A_981 = arith.constant true
    %reduce_sum3A_982 = vector.broadcast %reduce_sum3A_981 : i1 to vector<16xi1>
    %reduce_sum3A_983 = tpu.scan <sum>, %scan3A_906#20 masked %reduce_sum3A_982 : vector<16xi32>, vector<16xi1> -> vector<16xi32>
    %reduce_sum3A_984 = vector.extract %reduce_sum3A_983[15] : i32 from vector<16xi32>
    %broadcast_in_dim3A_985 = vector.broadcast %reduce_sum3A_984 : i32 to vector<16xi32>
    %select_n3A_986 = arith.select %eq3A_974, %broadcast_in_dim3A_985, %select_n3A_971 : vector<16xi1>, vector<16xi32>
    %eq3A_987 = arith.constant 5 : i32
    %eq3A_988 = vector.broadcast %eq3A_987 : i32 to vector<16xi32>
    %eq3A_989 = arith.cmpi eq, %iota3A, %eq3A_988 : vector<16xi32>
    %reduce_sum3A_990 = arith.constant true
    %reduce_sum3A_991 = vector.broadcast %reduce_sum3A_990 : i1 to vector<16xi1>
    %reduce_sum3A_992 = tpu.scan <sum>, %scan3A_906#5 masked %reduce_sum3A_991 : vector<16xi32>, vector<16xi1> -> vector<16xi32>
    %reduce_sum3A_993 = vector.extract %reduce_sum3A_992[15] : i32 from vector<16xi32>
    %broadcast_in_dim3A_994 = vector.broadcast %reduce_sum3A_993 : i32 to vector<16xi32>
    %select_n3A_995 = arith.select %eq3A_989, %broadcast_in_dim3A_994, %select_n3A_980 : vector<16xi1>, vector<16xi32>
    %reduce_sum3A_996 = arith.constant true
    %reduce_sum3A_997 = vector.broadcast %reduce_sum3A_996 : i1 to vector<16xi1>
    %reduce_sum3A_998 = tpu.scan <sum>, %scan3A_906#21 masked %reduce_sum3A_997 : vector<16xi32>, vector<16xi1> -> vector<16xi32>
    %reduce_sum3A_999 = vector.extract %reduce_sum3A_998[15] : i32 from vector<16xi32>
    %broadcast_in_dim3A_1000 = vector.broadcast %reduce_sum3A_999 : i32 to vector<16xi32>
    %select_n3A_1001 = arith.select %eq3A_989, %broadcast_in_dim3A_1000, %select_n3A_986 : vector<16xi1>, vector<16xi32>
    %eq3A_1002 = arith.constant 6 : i32
    %eq3A_1003 = vector.broadcast %eq3A_1002 : i32 to vector<16xi32>
    %eq3A_1004 = arith.cmpi eq, %iota3A, %eq3A_1003 : vector<16xi32>
    %reduce_sum3A_1005 = arith.constant true
    %reduce_sum3A_1006 = vector.broadcast %reduce_sum3A_1005 : i1 to vector<16xi1>
    %reduce_sum3A_1007 = tpu.scan <sum>, %scan3A_906#6 masked %reduce_sum3A_1006 : vector<16xi32>, vector<16xi1> -> vector<16xi32>
    %reduce_sum3A_1008 = vector.extract %reduce_sum3A_1007[15] : i32 from vector<16xi32>
    %broadcast_in_dim3A_1009 = vector.broadcast %reduce_sum3A_1008 : i32 to vector<16xi32>
    %select_n3A_1010 = arith.select %eq3A_1004, %broadcast_in_dim3A_1009, %select_n3A_995 : vector<16xi1>, vector<16xi32>
    %reduce_sum3A_1011 = arith.constant true
    %reduce_sum3A_1012 = vector.broadcast %reduce_sum3A_1011 : i1 to vector<16xi1>
    %reduce_sum3A_1013 = tpu.scan <sum>, %scan3A_906#22 masked %reduce_sum3A_1012 : vector<16xi32>, vector<16xi1> -> vector<16xi32>
    %reduce_sum3A_1014 = vector.extract %reduce_sum3A_1013[15] : i32 from vector<16xi32>
    %broadcast_in_dim3A_1015 = vector.broadcast %reduce_sum3A_1014 : i32 to vector<16xi32>
    %select_n3A_1016 = arith.select %eq3A_1004, %broadcast_in_dim3A_1015, %select_n3A_1001 : vector<16xi1>, vector<16xi32>
    %eq3A_1017 = arith.constant 7 : i32
    %eq3A_1018 = vector.broadcast %eq3A_1017 : i32 to vector<16xi32>
    %eq3A_1019 = arith.cmpi eq, %iota3A, %eq3A_1018 : vector<16xi32>
    %reduce_sum3A_1020 = arith.constant true
    %reduce_sum3A_1021 = vector.broadcast %reduce_sum3A_1020 : i1 to vector<16xi1>
    %reduce_sum3A_1022 = tpu.scan <sum>, %scan3A_906#7 masked %reduce_sum3A_1021 : vector<16xi32>, vector<16xi1> -> vector<16xi32>
    %reduce_sum3A_1023 = vector.extract %reduce_sum3A_1022[15] : i32 from vector<16xi32>
    %broadcast_in_dim3A_1024 = vector.broadcast %reduce_sum3A_1023 : i32 to vector<16xi32>
    %select_n3A_1025 = arith.select %eq3A_1019, %broadcast_in_dim3A_1024, %select_n3A_1010 : vector<16xi1>, vector<16xi32>
    %reduce_sum3A_1026 = arith.constant true
    %reduce_sum3A_1027 = vector.broadcast %reduce_sum3A_1026 : i1 to vector<16xi1>
    %reduce_sum3A_1028 = tpu.scan <sum>, %scan3A_906#23 masked %reduce_sum3A_1027 : vector<16xi32>, vector<16xi1> -> vector<16xi32>
    %reduce_sum3A_1029 = vector.extract %reduce_sum3A_1028[15] : i32 from vector<16xi32>
    %broadcast_in_dim3A_1030 = vector.broadcast %reduce_sum3A_1029 : i32 to vector<16xi32>
    %select_n3A_1031 = arith.select %eq3A_1019, %broadcast_in_dim3A_1030, %select_n3A_1016 : vector<16xi1>, vector<16xi32>
    %eq3A_1032 = arith.constant 8 : i32
    %eq3A_1033 = vector.broadcast %eq3A_1032 : i32 to vector<16xi32>
    %eq3A_1034 = arith.cmpi eq, %iota3A, %eq3A_1033 : vector<16xi32>
    %reduce_sum3A_1035 = arith.constant true
    %reduce_sum3A_1036 = vector.broadcast %reduce_sum3A_1035 : i1 to vector<16xi1>
    %reduce_sum3A_1037 = tpu.scan <sum>, %scan3A_906#8 masked %reduce_sum3A_1036 : vector<16xi32>, vector<16xi1> -> vector<16xi32>
    %reduce_sum3A_1038 = vector.extract %reduce_sum3A_1037[15] : i32 from vector<16xi32>
    %broadcast_in_dim3A_1039 = vector.broadcast %reduce_sum3A_1038 : i32 to vector<16xi32>
    %select_n3A_1040 = arith.select %eq3A_1034, %broadcast_in_dim3A_1039, %select_n3A_1025 : vector<16xi1>, vector<16xi32>
    %reduce_sum3A_1041 = arith.constant true
    %reduce_sum3A_1042 = vector.broadcast %reduce_sum3A_1041 : i1 to vector<16xi1>
    %reduce_sum3A_1043 = tpu.scan <sum>, %scan3A_906#24 masked %reduce_sum3A_1042 : vector<16xi32>, vector<16xi1> -> vector<16xi32>
    %reduce_sum3A_1044 = vector.extract %reduce_sum3A_1043[15] : i32 from vector<16xi32>
    %broadcast_in_dim3A_1045 = vector.broadcast %reduce_sum3A_1044 : i32 to vector<16xi32>
    %select_n3A_1046 = arith.select %eq3A_1034, %broadcast_in_dim3A_1045, %select_n3A_1031 : vector<16xi1>, vector<16xi32>
    %eq3A_1047 = arith.constant 9 : i32
    %eq3A_1048 = vector.broadcast %eq3A_1047 : i32 to vector<16xi32>
    %eq3A_1049 = arith.cmpi eq, %iota3A, %eq3A_1048 : vector<16xi32>
    %reduce_sum3A_1050 = arith.constant true
    %reduce_sum3A_1051 = vector.broadcast %reduce_sum3A_1050 : i1 to vector<16xi1>
    %reduce_sum3A_1052 = tpu.scan <sum>, %scan3A_906#9 masked %reduce_sum3A_1051 : vector<16xi32>, vector<16xi1> -> vector<16xi32>
    %reduce_sum3A_1053 = vector.extract %reduce_sum3A_1052[15] : i32 from vector<16xi32>
    %broadcast_in_dim3A_1054 = vector.broadcast %reduce_sum3A_1053 : i32 to vector<16xi32>
    %select_n3A_1055 = arith.select %eq3A_1049, %broadcast_in_dim3A_1054, %select_n3A_1040 : vector<16xi1>, vector<16xi32>
    %reduce_sum3A_1056 = arith.constant true
    %reduce_sum3A_1057 = vector.broadcast %reduce_sum3A_1056 : i1 to vector<16xi1>
    %reduce_sum3A_1058 = tpu.scan <sum>, %scan3A_906#25 masked %reduce_sum3A_1057 : vector<16xi32>, vector<16xi1> -> vector<16xi32>
    %reduce_sum3A_1059 = vector.extract %reduce_sum3A_1058[15] : i32 from vector<16xi32>
    %broadcast_in_dim3A_1060 = vector.broadcast %reduce_sum3A_1059 : i32 to vector<16xi32>
    %select_n3A_1061 = arith.select %eq3A_1049, %broadcast_in_dim3A_1060, %select_n3A_1046 : vector<16xi1>, vector<16xi32>
    %eq3A_1062 = arith.constant 10 : i32
    %eq3A_1063 = vector.broadcast %eq3A_1062 : i32 to vector<16xi32>
    %eq3A_1064 = arith.cmpi eq, %iota3A, %eq3A_1063 : vector<16xi32>
    %reduce_sum3A_1065 = arith.constant true
    %reduce_sum3A_1066 = vector.broadcast %reduce_sum3A_1065 : i1 to vector<16xi1>
    %reduce_sum3A_1067 = tpu.scan <sum>, %scan3A_906#10 masked %reduce_sum3A_1066 : vector<16xi32>, vector<16xi1> -> vector<16xi32>
    %reduce_sum3A_1068 = vector.extract %reduce_sum3A_1067[15] : i32 from vector<16xi32>
    %broadcast_in_dim3A_1069 = vector.broadcast %reduce_sum3A_1068 : i32 to vector<16xi32>
    %select_n3A_1070 = arith.select %eq3A_1064, %broadcast_in_dim3A_1069, %select_n3A_1055 : vector<16xi1>, vector<16xi32>
    %reduce_sum3A_1071 = arith.constant true
    %reduce_sum3A_1072 = vector.broadcast %reduce_sum3A_1071 : i1 to vector<16xi1>
    %reduce_sum3A_1073 = tpu.scan <sum>, %scan3A_906#26 masked %reduce_sum3A_1072 : vector<16xi32>, vector<16xi1> -> vector<16xi32>
    %reduce_sum3A_1074 = vector.extract %reduce_sum3A_1073[15] : i32 from vector<16xi32>
    %broadcast_in_dim3A_1075 = vector.broadcast %reduce_sum3A_1074 : i32 to vector<16xi32>
    %select_n3A_1076 = arith.select %eq3A_1064, %broadcast_in_dim3A_1075, %select_n3A_1061 : vector<16xi1>, vector<16xi32>
    %eq3A_1077 = arith.constant 11 : i32
    %eq3A_1078 = vector.broadcast %eq3A_1077 : i32 to vector<16xi32>
    %eq3A_1079 = arith.cmpi eq, %iota3A, %eq3A_1078 : vector<16xi32>
    %reduce_sum3A_1080 = arith.constant true
    %reduce_sum3A_1081 = vector.broadcast %reduce_sum3A_1080 : i1 to vector<16xi1>
    %reduce_sum3A_1082 = tpu.scan <sum>, %scan3A_906#11 masked %reduce_sum3A_1081 : vector<16xi32>, vector<16xi1> -> vector<16xi32>
    %reduce_sum3A_1083 = vector.extract %reduce_sum3A_1082[15] : i32 from vector<16xi32>
    %broadcast_in_dim3A_1084 = vector.broadcast %reduce_sum3A_1083 : i32 to vector<16xi32>
    %select_n3A_1085 = arith.select %eq3A_1079, %broadcast_in_dim3A_1084, %select_n3A_1070 : vector<16xi1>, vector<16xi32>
    %reduce_sum3A_1086 = arith.constant true
    %reduce_sum3A_1087 = vector.broadcast %reduce_sum3A_1086 : i1 to vector<16xi1>
    %reduce_sum3A_1088 = tpu.scan <sum>, %scan3A_906#27 masked %reduce_sum3A_1087 : vector<16xi32>, vector<16xi1> -> vector<16xi32>
    %reduce_sum3A_1089 = vector.extract %reduce_sum3A_1088[15] : i32 from vector<16xi32>
    %broadcast_in_dim3A_1090 = vector.broadcast %reduce_sum3A_1089 : i32 to vector<16xi32>
    %select_n3A_1091 = arith.select %eq3A_1079, %broadcast_in_dim3A_1090, %select_n3A_1076 : vector<16xi1>, vector<16xi32>
    %eq3A_1092 = arith.constant 12 : i32
    %eq3A_1093 = vector.broadcast %eq3A_1092 : i32 to vector<16xi32>
    %eq3A_1094 = arith.cmpi eq, %iota3A, %eq3A_1093 : vector<16xi32>
    %reduce_sum3A_1095 = arith.constant true
    %reduce_sum3A_1096 = vector.broadcast %reduce_sum3A_1095 : i1 to vector<16xi1>
    %reduce_sum3A_1097 = tpu.scan <sum>, %scan3A_906#12 masked %reduce_sum3A_1096 : vector<16xi32>, vector<16xi1> -> vector<16xi32>
    %reduce_sum3A_1098 = vector.extract %reduce_sum3A_1097[15] : i32 from vector<16xi32>
    %broadcast_in_dim3A_1099 = vector.broadcast %reduce_sum3A_1098 : i32 to vector<16xi32>
    %select_n3A_1100 = arith.select %eq3A_1094, %broadcast_in_dim3A_1099, %select_n3A_1085 : vector<16xi1>, vector<16xi32>
    %reduce_sum3A_1101 = arith.constant true
    %reduce_sum3A_1102 = vector.broadcast %reduce_sum3A_1101 : i1 to vector<16xi1>
    %reduce_sum3A_1103 = tpu.scan <sum>, %scan3A_906#28 masked %reduce_sum3A_1102 : vector<16xi32>, vector<16xi1> -> vector<16xi32>
    %reduce_sum3A_1104 = vector.extract %reduce_sum3A_1103[15] : i32 from vector<16xi32>
    %broadcast_in_dim3A_1105 = vector.broadcast %reduce_sum3A_1104 : i32 to vector<16xi32>
    %select_n3A_1106 = arith.select %eq3A_1094, %broadcast_in_dim3A_1105, %select_n3A_1091 : vector<16xi1>, vector<16xi32>
    %eq3A_1107 = arith.constant 13 : i32
    %eq3A_1108 = vector.broadcast %eq3A_1107 : i32 to vector<16xi32>
    %eq3A_1109 = arith.cmpi eq, %iota3A, %eq3A_1108 : vector<16xi32>
    %reduce_sum3A_1110 = arith.constant true
    %reduce_sum3A_1111 = vector.broadcast %reduce_sum3A_1110 : i1 to vector<16xi1>
    %reduce_sum3A_1112 = tpu.scan <sum>, %scan3A_906#13 masked %reduce_sum3A_1111 : vector<16xi32>, vector<16xi1> -> vector<16xi32>
    %reduce_sum3A_1113 = vector.extract %reduce_sum3A_1112[15] : i32 from vector<16xi32>
    %broadcast_in_dim3A_1114 = vector.broadcast %reduce_sum3A_1113 : i32 to vector<16xi32>
    %select_n3A_1115 = arith.select %eq3A_1109, %broadcast_in_dim3A_1114, %select_n3A_1100 : vector<16xi1>, vector<16xi32>
    %reduce_sum3A_1116 = arith.constant true
    %reduce_sum3A_1117 = vector.broadcast %reduce_sum3A_1116 : i1 to vector<16xi1>
    %reduce_sum3A_1118 = tpu.scan <sum>, %scan3A_906#29 masked %reduce_sum3A_1117 : vector<16xi32>, vector<16xi1> -> vector<16xi32>
    %reduce_sum3A_1119 = vector.extract %reduce_sum3A_1118[15] : i32 from vector<16xi32>
    %broadcast_in_dim3A_1120 = vector.broadcast %reduce_sum3A_1119 : i32 to vector<16xi32>
    %select_n3A_1121 = arith.select %eq3A_1109, %broadcast_in_dim3A_1120, %select_n3A_1106 : vector<16xi1>, vector<16xi32>
    %eq3A_1122 = arith.constant 14 : i32
    %eq3A_1123 = vector.broadcast %eq3A_1122 : i32 to vector<16xi32>
    %eq3A_1124 = arith.cmpi eq, %iota3A, %eq3A_1123 : vector<16xi32>
    %reduce_sum3A_1125 = arith.constant true
    %reduce_sum3A_1126 = vector.broadcast %reduce_sum3A_1125 : i1 to vector<16xi1>
    %reduce_sum3A_1127 = tpu.scan <sum>, %scan3A_906#14 masked %reduce_sum3A_1126 : vector<16xi32>, vector<16xi1> -> vector<16xi32>
    %reduce_sum3A_1128 = vector.extract %reduce_sum3A_1127[15] : i32 from vector<16xi32>
    %broadcast_in_dim3A_1129 = vector.broadcast %reduce_sum3A_1128 : i32 to vector<16xi32>
    %select_n3A_1130 = arith.select %eq3A_1124, %broadcast_in_dim3A_1129, %select_n3A_1115 : vector<16xi1>, vector<16xi32>
    %reduce_sum3A_1131 = arith.constant true
    %reduce_sum3A_1132 = vector.broadcast %reduce_sum3A_1131 : i1 to vector<16xi1>
    %reduce_sum3A_1133 = tpu.scan <sum>, %scan3A_906#30 masked %reduce_sum3A_1132 : vector<16xi32>, vector<16xi1> -> vector<16xi32>
    %reduce_sum3A_1134 = vector.extract %reduce_sum3A_1133[15] : i32 from vector<16xi32>
    %broadcast_in_dim3A_1135 = vector.broadcast %reduce_sum3A_1134 : i32 to vector<16xi32>
    %select_n3A_1136 = arith.select %eq3A_1124, %broadcast_in_dim3A_1135, %select_n3A_1121 : vector<16xi1>, vector<16xi32>
    %eq3A_1137 = arith.constant 15 : i32
    %eq3A_1138 = vector.broadcast %eq3A_1137 : i32 to vector<16xi32>
    %eq3A_1139 = arith.cmpi eq, %iota3A, %eq3A_1138 : vector<16xi32>
    %reduce_sum3A_1140 = arith.constant true
    %reduce_sum3A_1141 = vector.broadcast %reduce_sum3A_1140 : i1 to vector<16xi1>
    %reduce_sum3A_1142 = tpu.scan <sum>, %scan3A_906#15 masked %reduce_sum3A_1141 : vector<16xi32>, vector<16xi1> -> vector<16xi32>
    %reduce_sum3A_1143 = vector.extract %reduce_sum3A_1142[15] : i32 from vector<16xi32>
    %broadcast_in_dim3A_1144 = vector.broadcast %reduce_sum3A_1143 : i32 to vector<16xi32>
    %select_n3A_1145 = arith.select %eq3A_1139, %broadcast_in_dim3A_1144, %select_n3A_1130 : vector<16xi1>, vector<16xi32>
    %reduce_sum3A_1146 = arith.constant true
    %reduce_sum3A_1147 = vector.broadcast %reduce_sum3A_1146 : i1 to vector<16xi1>
    %reduce_sum3A_1148 = tpu.scan <sum>, %scan3A_906#31 masked %reduce_sum3A_1147 : vector<16xi32>, vector<16xi1> -> vector<16xi32>
    %reduce_sum3A_1149 = vector.extract %reduce_sum3A_1148[15] : i32 from vector<16xi32>
    %broadcast_in_dim3A_1150 = vector.broadcast %reduce_sum3A_1149 : i32 to vector<16xi32>
    %select_n3A_1151 = arith.select %eq3A_1139, %broadcast_in_dim3A_1150, %select_n3A_1136 : vector<16xi1>, vector<16xi32>
    %convert_element_type3A_1152 = arith.sitofp %select_n3A_1145 : vector<16xi32> to vector<16xf32>
    %convert_element_type3A_1153 = arith.sitofp %select_n3A_1151 : vector<16xi32> to vector<16xf32>
    %sub3A_1154 = arith.subf %convert_element_type3A_1152, %convert_element_type3A_1153 : vector<16xf32>
    %sub3A_1155 = arith.subf %sub3A_1154, %convert_element_type3A_1153 : vector<16xf32>
    %sub3A_1156 = arith.subf %broadcast_in_dim3A_10, %convert_element_type3A_1152 : vector<16xf32>
    %add3A_1157 = arith.addf %sub3A_1156, %convert_element_type3A_1153 : vector<16xf32>
    %mul3A_1158 = arith.mulf %add3A_1157, %broadcast_in_dim3A_6 : vector<16xf32>
    %mul3A_1159 = arith.mulf %sub3A_1155, %broadcast_in_dim3A_6 : vector<16xf32>
    %mul3A_1160 = arith.mulf %convert_element_type3A_1153, %broadcast_in_dim3A_6 : vector<16xf32>
    %mul3A_1161 = arith.mulf %mul3A_1158, %get3A_17 : vector<16xf32>
    %mul3A_1162 = arith.mulf %mul3A_1159, %get3A_21 : vector<16xf32>
    %add3A_1163 = arith.addf %mul3A_1161, %mul3A_1162 : vector<16xf32>
    %mul3A_1164 = arith.mulf %mul3A_1160, %get3A_25 : vector<16xf32>
    %add3A_1165 = arith.addf %add3A_1163, %mul3A_1164 : vector<16xf32>
    %add3A_1166 = arith.addf %mul3A_1158, %mul3A_1158 : vector<16xf32>
    %neg3A_1167 = arith.constant 0.000000e+00 : f32
    %neg3A_1168 = vector.broadcast %neg3A_1167 : f32 to vector<16xf32>
    %neg3A_1169 = arith.subf %neg3A_1168, %add3A_1166 : vector<16xf32>
    %exp3A_1170 = math.exp %neg3A_1169 : vector<16xf32>
    %add3A_1171 = arith.addf %broadcast_in_dim3A_8, %exp3A_1170 : vector<16xf32>
    %div3A_1172 = arith.divf %broadcast_in_dim3A_8, %add3A_1171 : vector<16xf32>
    %add3A_1173 = arith.addf %broadcast_in_dim3A_8, %div3A_1172 : vector<16xf32>
    %mul3A_1174 = arith.mulf %add3A_1165, %add3A_1173 : vector<16xf32>
    %neg3A_1175 = arith.constant 0.000000e+00 : f32
    %neg3A_1176 = vector.broadcast %neg3A_1175 : f32 to vector<16xf32>
    %neg3A_1177 = arith.subf %neg3A_1176, %mul3A_1174 : vector<16xf32>
    %exp3A_1178 = math.exp %neg3A_1177 : vector<16xf32>
    %add3A_1179 = arith.addf %broadcast_in_dim3A_8, %exp3A_1178 : vector<16xf32>
    %div3A_1180 = arith.divf %broadcast_in_dim3A_8, %add3A_1179 : vector<16xf32>
    %max3A_1181 = arith.maximumf %div3A_1180, %broadcast_in_dim3A_12 : vector<16xf32>
    %min3A_1182 = arith.minimumf %max3A_1181, %broadcast_in_dim3A_14 : vector<16xf32>
    %swap3A_1183 = arith.constant 48 : index
    %swap3A_1184 = tpu.vector_load %arg8[%swap3A_1183] {strides = array<i32>} : memref<128xf32, #tpu.memory_space<vmem>>, vector<16xf32>,
    tpu.vector_store %arg8[%swap3A_1183], %min3A_1182 {strides = array<i32>} : memref<128xf32, #tpu.memory_space<vmem>>, vector<16xf32>,
    %dma_wait3A_1185 = tpu.memref_slice %arg2[%mul3A_897] : memref<16777216xi32, #tpu.memory_space<hbm>> -> memref<32768xi32, #tpu.memory_space<hbm>>
    %dma_wait3A_1186 = tpu.memref_slice %arg2[%mul3A_897] : memref<16777216xi32, #tpu.memory_space<hbm>> -> memref<32768xi32, #tpu.memory_space<hbm>>
    tpu.wait_dma2 semaphore(%arg9 : memref<!tpu.dma_semaphore, #tpu.memory_space<semaphore_mem>>) src(%dma_wait3A_1186 : memref<32768xi32, #tpu.memory_space<hbm>>) dst(%arg5 : memref<32768xi32, #tpu.memory_space<vmem>>)
    %add3A_1187 = arith.constant 80 : i32
    %add3A_1188 = arith.addi %mul3A_2, %add3A_1187 : i32
    %mul3A_1189 = arith.constant 2048 : i32
    %mul3A_1190 = arith.muli %add3A_1188, %mul3A_1189 : i32
    %dma_start3A_1191 = tpu.memref_slice %arg2[%mul3A_1190] : memref<16777216xi32, #tpu.memory_space<hbm>> -> memref<32768xi32, #tpu.memory_space<hbm>>
    %dma_start3A_1192 = tpu.memref_slice %arg2[%mul3A_1190] : memref<16777216xi32, #tpu.memory_space<hbm>> -> memref<32768xi32, #tpu.memory_space<hbm>>
    tpu.enqueue_dma source(%dma_start3A_1192 : memref<32768xi32, #tpu.memory_space<hbm>>) target(%arg6 : memref<32768xi32, #tpu.memory_space<vmem>>) target_semaphore(%arg10 : memref<!tpu.dma_semaphore, #tpu.memory_space<semaphore_mem>>)
    %broadcast_in_dim3A_1193 = arith.constant 0 : i32
    %broadcast_in_dim3A_1194 = vector.broadcast %broadcast_in_dim3A_1193 : i32 to vector<16xi32>
    %scan3A_1195 = arith.constant 0 : i32
    %scan3A_1196 = arith.constant 128 : i32
    %scan3A_1197 = arith.addi %scan3A_1195, %scan3A_1196 : i32
    %scan3A_1198 = arith.constant 1 : i32
    %scan3A_1199:32 = scf.for %scan3A_2351 = %scan3A_1195 to %scan3A_1197 step %scan3A_1198 iter_args(%scan3A_2352 = %broadcast_in_dim3A_1194, %scan3A_2353 = %broadcast_in_dim3A_1194, %scan3A_2354 = %broadcast_in_dim3A_1194, %scan3A_2355 = %broadcast_in_dim3A_1194, %scan3A_2356 = %broadcast_in_dim3A_1194, %scan3A_2357 = %broadcast_in_dim3A_1194, %scan3A_2358 = %broadcast_in_dim3A_1194, %scan3A_2359 = %broadcast_in_dim3A_1194, %scan3A_2360 = %broadcast_in_dim3A_1194, %scan3A_2361 = %broadcast_in_dim3A_1194, %scan3A_2362 = %broadcast_in_dim3A_1194, %scan3A_2363 = %broadcast_in_dim3A_1194, %scan3A_2364 = %broadcast_in_dim3A_1194, %scan3A_2365 = %broadcast_in_dim3A_1194, %scan3A_2366 = %broadcast_in_dim3A_1194, %scan3A_2367 = %broadcast_in_dim3A_1194, %scan3A_2368 = %broadcast_in_dim3A_1194, %scan3A_2369 = %broadcast_in_dim3A_1194, %scan3A_2370 = %broadcast_in_dim3A_1194, %scan3A_2371 = %broadcast_in_dim3A_1194, %scan3A_2372 = %broadcast_in_dim3A_1194, %scan3A_2373 = %broadcast_in_dim3A_1194, %scan3A_2374 = %broadcast_in_dim3A_1194, %scan3A_2375 = %broadcast_in_dim3A_1194, %scan3A_2376 = %broadcast_in_dim3A_1194, %scan3A_2377 = %broadcast_in_dim3A_1194, %scan3A_2378 = %broadcast_in_dim3A_1194, %scan3A_2379 = %broadcast_in_dim3A_1194, %scan3A_2380 = %broadcast_in_dim3A_1194, %scan3A_2381 = %broadcast_in_dim3A_1194, %scan3A_2382 = %broadcast_in_dim3A_1194, %scan3A_2383 = %broadcast_in_dim3A_1194) -> (vector<16xi32>, vector<16xi32>, vector<16xi32>, vector<16xi32>, vector<16xi32>, vector<16xi32>, vector<16xi32>, vector<16xi32>, vector<16xi32>, vector<16xi32>, vector<16xi32>, vector<16xi32>, vector<16xi32>, vector<16xi32>, vector<16xi32>, vector<16xi32>, vector<16xi32>, vector<16xi32>, vector<16xi32>, vector<16xi32>, vector<16xi32>, vector<16xi32>, vector<16xi32>, vector<16xi32>, vector<16xi32>, vector<16xi32>, vector<16xi32>, vector<16xi32>, vector<16xi32>, vector<16xi32>, vector<16xi32>, vector<16xi32>)  : i32 {
      %mul3A_2384 = arith.constant 16 : i32
      %mul3A_2385 = arith.muli %scan3A_2351, %mul3A_2384 : i32
      %add3A_2386 = arith.constant 0 : i32
      %add3A_2387 = arith.addi %mul3A_2385, %add3A_2386 : i32
      %get3A_2388 = arith.index_cast %add3A_2387 : i32 to index
      %get3A_2389 = tpu.vector_load %arg5[%get3A_2388] {strides = array<i32>} : memref<32768xi32, #tpu.memory_space<vmem>>, vector<16xi32>,
      %add3A_2390 = arith.addi %scan3A_2352, %get3A_2389 : vector<16xi32>
      %shift_right_arithmetic3A = arith.constant 1 : i32
      %shift_right_arithmetic3A_2391 = vector.broadcast %shift_right_arithmetic3A : i32 to vector<16xi32>
      %shift_right_arithmetic3A_2392 = arith.shrsi %get3A_2389, %shift_right_arithmetic3A_2391 : vector<16xi32>
      %add3A_2393 = arith.addi %scan3A_2368, %shift_right_arithmetic3A_2392 : vector<16xi32>
      %add3A_2394 = arith.constant 2048 : i32
      %add3A_2395 = arith.addi %mul3A_2385, %add3A_2394 : i32
      %get3A_2396 = arith.index_cast %add3A_2395 : i32 to index
      %get3A_2397 = tpu.vector_load %arg5[%get3A_2396] {strides = array<i32>} : memref<32768xi32, #tpu.memory_space<vmem>>, vector<16xi32>,
      %add3A_2398 = arith.addi %scan3A_2353, %get3A_2397 : vector<16xi32>
      %shift_right_arithmetic3A_2399 = arith.constant 1 : i32
      %shift_right_arithmetic3A_2400 = vector.broadcast %shift_right_arithmetic3A_2399 : i32 to vector<16xi32>
      %shift_right_arithmetic3A_2401 = arith.shrsi %get3A_2397, %shift_right_arithmetic3A_2400 : vector<16xi32>
      %add3A_2402 = arith.addi %scan3A_2369, %shift_right_arithmetic3A_2401 : vector<16xi32>
      %add3A_2403 = arith.constant 4096 : i32
      %add3A_2404 = arith.addi %mul3A_2385, %add3A_2403 : i32
      %get3A_2405 = arith.index_cast %add3A_2404 : i32 to index
      %get3A_2406 = tpu.vector_load %arg5[%get3A_2405] {strides = array<i32>} : memref<32768xi32, #tpu.memory_space<vmem>>, vector<16xi32>,
      %add3A_2407 = arith.addi %scan3A_2354, %get3A_2406 : vector<16xi32>
      %shift_right_arithmetic3A_2408 = arith.constant 1 : i32
      %shift_right_arithmetic3A_2409 = vector.broadcast %shift_right_arithmetic3A_2408 : i32 to vector<16xi32>
      %shift_right_arithmetic3A_2410 = arith.shrsi %get3A_2406, %shift_right_arithmetic3A_2409 : vector<16xi32>
      %add3A_2411 = arith.addi %scan3A_2370, %shift_right_arithmetic3A_2410 : vector<16xi32>
      %add3A_2412 = arith.constant 6144 : i32
      %add3A_2413 = arith.addi %mul3A_2385, %add3A_2412 : i32
      %get3A_2414 = arith.index_cast %add3A_2413 : i32 to index
      %get3A_2415 = tpu.vector_load %arg5[%get3A_2414] {strides = array<i32>} : memref<32768xi32, #tpu.memory_space<vmem>>, vector<16xi32>,
      %add3A_2416 = arith.addi %scan3A_2355, %get3A_2415 : vector<16xi32>
      %shift_right_arithmetic3A_2417 = arith.constant 1 : i32
      %shift_right_arithmetic3A_2418 = vector.broadcast %shift_right_arithmetic3A_2417 : i32 to vector<16xi32>
      %shift_right_arithmetic3A_2419 = arith.shrsi %get3A_2415, %shift_right_arithmetic3A_2418 : vector<16xi32>
      %add3A_2420 = arith.addi %scan3A_2371, %shift_right_arithmetic3A_2419 : vector<16xi32>
      %add3A_2421 = arith.constant 8192 : i32
      %add3A_2422 = arith.addi %mul3A_2385, %add3A_2421 : i32
      %get3A_2423 = arith.index_cast %add3A_2422 : i32 to index
      %get3A_2424 = tpu.vector_load %arg5[%get3A_2423] {strides = array<i32>} : memref<32768xi32, #tpu.memory_space<vmem>>, vector<16xi32>,
      %add3A_2425 = arith.addi %scan3A_2356, %get3A_2424 : vector<16xi32>
      %shift_right_arithmetic3A_2426 = arith.constant 1 : i32
      %shift_right_arithmetic3A_2427 = vector.broadcast %shift_right_arithmetic3A_2426 : i32 to vector<16xi32>
      %shift_right_arithmetic3A_2428 = arith.shrsi %get3A_2424, %shift_right_arithmetic3A_2427 : vector<16xi32>
      %add3A_2429 = arith.addi %scan3A_2372, %shift_right_arithmetic3A_2428 : vector<16xi32>
      %add3A_2430 = arith.constant 10240 : i32
      %add3A_2431 = arith.addi %mul3A_2385, %add3A_2430 : i32
      %get3A_2432 = arith.index_cast %add3A_2431 : i32 to index
      %get3A_2433 = tpu.vector_load %arg5[%get3A_2432] {strides = array<i32>} : memref<32768xi32, #tpu.memory_space<vmem>>, vector<16xi32>,
      %add3A_2434 = arith.addi %scan3A_2357, %get3A_2433 : vector<16xi32>
      %shift_right_arithmetic3A_2435 = arith.constant 1 : i32
      %shift_right_arithmetic3A_2436 = vector.broadcast %shift_right_arithmetic3A_2435 : i32 to vector<16xi32>
      %shift_right_arithmetic3A_2437 = arith.shrsi %get3A_2433, %shift_right_arithmetic3A_2436 : vector<16xi32>
      %add3A_2438 = arith.addi %scan3A_2373, %shift_right_arithmetic3A_2437 : vector<16xi32>
      %add3A_2439 = arith.constant 12288 : i32
      %add3A_2440 = arith.addi %mul3A_2385, %add3A_2439 : i32
      %get3A_2441 = arith.index_cast %add3A_2440 : i32 to index
      %get3A_2442 = tpu.vector_load %arg5[%get3A_2441] {strides = array<i32>} : memref<32768xi32, #tpu.memory_space<vmem>>, vector<16xi32>,
      %add3A_2443 = arith.addi %scan3A_2358, %get3A_2442 : vector<16xi32>
      %shift_right_arithmetic3A_2444 = arith.constant 1 : i32
      %shift_right_arithmetic3A_2445 = vector.broadcast %shift_right_arithmetic3A_2444 : i32 to vector<16xi32>
      %shift_right_arithmetic3A_2446 = arith.shrsi %get3A_2442, %shift_right_arithmetic3A_2445 : vector<16xi32>
      %add3A_2447 = arith.addi %scan3A_2374, %shift_right_arithmetic3A_2446 : vector<16xi32>
      %add3A_2448 = arith.constant 14336 : i32
      %add3A_2449 = arith.addi %mul3A_2385, %add3A_2448 : i32
      %get3A_2450 = arith.index_cast %add3A_2449 : i32 to index
      %get3A_2451 = tpu.vector_load %arg5[%get3A_2450] {strides = array<i32>} : memref<32768xi32, #tpu.memory_space<vmem>>, vector<16xi32>,
      %add3A_2452 = arith.addi %scan3A_2359, %get3A_2451 : vector<16xi32>
      %shift_right_arithmetic3A_2453 = arith.constant 1 : i32
      %shift_right_arithmetic3A_2454 = vector.broadcast %shift_right_arithmetic3A_2453 : i32 to vector<16xi32>
      %shift_right_arithmetic3A_2455 = arith.shrsi %get3A_2451, %shift_right_arithmetic3A_2454 : vector<16xi32>
      %add3A_2456 = arith.addi %scan3A_2375, %shift_right_arithmetic3A_2455 : vector<16xi32>
      %add3A_2457 = arith.constant 16384 : i32
      %add3A_2458 = arith.addi %mul3A_2385, %add3A_2457 : i32
      %get3A_2459 = arith.index_cast %add3A_2458 : i32 to index
      %get3A_2460 = tpu.vector_load %arg5[%get3A_2459] {strides = array<i32>} : memref<32768xi32, #tpu.memory_space<vmem>>, vector<16xi32>,
      %add3A_2461 = arith.addi %scan3A_2360, %get3A_2460 : vector<16xi32>
      %shift_right_arithmetic3A_2462 = arith.constant 1 : i32
      %shift_right_arithmetic3A_2463 = vector.broadcast %shift_right_arithmetic3A_2462 : i32 to vector<16xi32>
      %shift_right_arithmetic3A_2464 = arith.shrsi %get3A_2460, %shift_right_arithmetic3A_2463 : vector<16xi32>
      %add3A_2465 = arith.addi %scan3A_2376, %shift_right_arithmetic3A_2464 : vector<16xi32>
      %add3A_2466 = arith.constant 18432 : i32
      %add3A_2467 = arith.addi %mul3A_2385, %add3A_2466 : i32
      %get3A_2468 = arith.index_cast %add3A_2467 : i32 to index
      %get3A_2469 = tpu.vector_load %arg5[%get3A_2468] {strides = array<i32>} : memref<32768xi32, #tpu.memory_space<vmem>>, vector<16xi32>,
      %add3A_2470 = arith.addi %scan3A_2361, %get3A_2469 : vector<16xi32>
      %shift_right_arithmetic3A_2471 = arith.constant 1 : i32
      %shift_right_arithmetic3A_2472 = vector.broadcast %shift_right_arithmetic3A_2471 : i32 to vector<16xi32>
      %shift_right_arithmetic3A_2473 = arith.shrsi %get3A_2469, %shift_right_arithmetic3A_2472 : vector<16xi32>
      %add3A_2474 = arith.addi %scan3A_2377, %shift_right_arithmetic3A_2473 : vector<16xi32>
      %add3A_2475 = arith.constant 20480 : i32
      %add3A_2476 = arith.addi %mul3A_2385, %add3A_2475 : i32
      %get3A_2477 = arith.index_cast %add3A_2476 : i32 to index
      %get3A_2478 = tpu.vector_load %arg5[%get3A_2477] {strides = array<i32>} : memref<32768xi32, #tpu.memory_space<vmem>>, vector<16xi32>,
      %add3A_2479 = arith.addi %scan3A_2362, %get3A_2478 : vector<16xi32>
      %shift_right_arithmetic3A_2480 = arith.constant 1 : i32
      %shift_right_arithmetic3A_2481 = vector.broadcast %shift_right_arithmetic3A_2480 : i32 to vector<16xi32>
      %shift_right_arithmetic3A_2482 = arith.shrsi %get3A_2478, %shift_right_arithmetic3A_2481 : vector<16xi32>
      %add3A_2483 = arith.addi %scan3A_2378, %shift_right_arithmetic3A_2482 : vector<16xi32>
      %add3A_2484 = arith.constant 22528 : i32
      %add3A_2485 = arith.addi %mul3A_2385, %add3A_2484 : i32
      %get3A_2486 = arith.index_cast %add3A_2485 : i32 to index
      %get3A_2487 = tpu.vector_load %arg5[%get3A_2486] {strides = array<i32>} : memref<32768xi32, #tpu.memory_space<vmem>>, vector<16xi32>,
      %add3A_2488 = arith.addi %scan3A_2363, %get3A_2487 : vector<16xi32>
      %shift_right_arithmetic3A_2489 = arith.constant 1 : i32
      %shift_right_arithmetic3A_2490 = vector.broadcast %shift_right_arithmetic3A_2489 : i32 to vector<16xi32>
      %shift_right_arithmetic3A_2491 = arith.shrsi %get3A_2487, %shift_right_arithmetic3A_2490 : vector<16xi32>
      %add3A_2492 = arith.addi %scan3A_2379, %shift_right_arithmetic3A_2491 : vector<16xi32>
      %add3A_2493 = arith.constant 24576 : i32
      %add3A_2494 = arith.addi %mul3A_2385, %add3A_2493 : i32
      %get3A_2495 = arith.index_cast %add3A_2494 : i32 to index
      %get3A_2496 = tpu.vector_load %arg5[%get3A_2495] {strides = array<i32>} : memref<32768xi32, #tpu.memory_space<vmem>>, vector<16xi32>,
      %add3A_2497 = arith.addi %scan3A_2364, %get3A_2496 : vector<16xi32>
      %shift_right_arithmetic3A_2498 = arith.constant 1 : i32
      %shift_right_arithmetic3A_2499 = vector.broadcast %shift_right_arithmetic3A_2498 : i32 to vector<16xi32>
      %shift_right_arithmetic3A_2500 = arith.shrsi %get3A_2496, %shift_right_arithmetic3A_2499 : vector<16xi32>
      %add3A_2501 = arith.addi %scan3A_2380, %shift_right_arithmetic3A_2500 : vector<16xi32>
      %add3A_2502 = arith.constant 26624 : i32
      %add3A_2503 = arith.addi %mul3A_2385, %add3A_2502 : i32
      %get3A_2504 = arith.index_cast %add3A_2503 : i32 to index
      %get3A_2505 = tpu.vector_load %arg5[%get3A_2504] {strides = array<i32>} : memref<32768xi32, #tpu.memory_space<vmem>>, vector<16xi32>,
      %add3A_2506 = arith.addi %scan3A_2365, %get3A_2505 : vector<16xi32>
      %shift_right_arithmetic3A_2507 = arith.constant 1 : i32
      %shift_right_arithmetic3A_2508 = vector.broadcast %shift_right_arithmetic3A_2507 : i32 to vector<16xi32>
      %shift_right_arithmetic3A_2509 = arith.shrsi %get3A_2505, %shift_right_arithmetic3A_2508 : vector<16xi32>
      %add3A_2510 = arith.addi %scan3A_2381, %shift_right_arithmetic3A_2509 : vector<16xi32>
      %add3A_2511 = arith.constant 28672 : i32
      %add3A_2512 = arith.addi %mul3A_2385, %add3A_2511 : i32
      %get3A_2513 = arith.index_cast %add3A_2512 : i32 to index
      %get3A_2514 = tpu.vector_load %arg5[%get3A_2513] {strides = array<i32>} : memref<32768xi32, #tpu.memory_space<vmem>>, vector<16xi32>,
      %add3A_2515 = arith.addi %scan3A_2366, %get3A_2514 : vector<16xi32>
      %shift_right_arithmetic3A_2516 = arith.constant 1 : i32
      %shift_right_arithmetic3A_2517 = vector.broadcast %shift_right_arithmetic3A_2516 : i32 to vector<16xi32>
      %shift_right_arithmetic3A_2518 = arith.shrsi %get3A_2514, %shift_right_arithmetic3A_2517 : vector<16xi32>
      %add3A_2519 = arith.addi %scan3A_2382, %shift_right_arithmetic3A_2518 : vector<16xi32>
      %add3A_2520 = arith.constant 30720 : i32
      %add3A_2521 = arith.addi %mul3A_2385, %add3A_2520 : i32
      %get3A_2522 = arith.index_cast %add3A_2521 : i32 to index
      %get3A_2523 = tpu.vector_load %arg5[%get3A_2522] {strides = array<i32>} : memref<32768xi32, #tpu.memory_space<vmem>>, vector<16xi32>,
      %add3A_2524 = arith.addi %scan3A_2367, %get3A_2523 : vector<16xi32>
      %shift_right_arithmetic3A_2525 = arith.constant 1 : i32
      %shift_right_arithmetic3A_2526 = vector.broadcast %shift_right_arithmetic3A_2525 : i32 to vector<16xi32>
      %shift_right_arithmetic3A_2527 = arith.shrsi %get3A_2523, %shift_right_arithmetic3A_2526 : vector<16xi32>
      %add3A_2528 = arith.addi %scan3A_2383, %shift_right_arithmetic3A_2527 : vector<16xi32>
      scf.yield %add3A_2390, %add3A_2398, %add3A_2407, %add3A_2416, %add3A_2425, %add3A_2434, %add3A_2443, %add3A_2452, %add3A_2461, %add3A_2470, %add3A_2479, %add3A_2488, %add3A_2497, %add3A_2506, %add3A_2515, %add3A_2524, %add3A_2393, %add3A_2402, %add3A_2411, %add3A_2420, %add3A_2429, %add3A_2438, %add3A_2447, %add3A_2456, %add3A_2465, %add3A_2474, %add3A_2483, %add3A_2492, %add3A_2501, %add3A_2510, %add3A_2519, %add3A_2528 : vector<16xi32>, vector<16xi32>, vector<16xi32>, vector<16xi32>, vector<16xi32>, vector<16xi32>, vector<16xi32>, vector<16xi32>, vector<16xi32>, vector<16xi32>, vector<16xi32>, vector<16xi32>, vector<16xi32>, vector<16xi32>, vector<16xi32>, vector<16xi32>, vector<16xi32>, vector<16xi32>, vector<16xi32>, vector<16xi32>, vector<16xi32>, vector<16xi32>, vector<16xi32>, vector<16xi32>, vector<16xi32>, vector<16xi32>, vector<16xi32>, vector<16xi32>, vector<16xi32>, vector<16xi32>, vector<16xi32>, vector<16xi32>
    }
    %scan3A_1200 = arith.constant 128 : i32
    %broadcast_in_dim3A_1201 = arith.constant 0 : i32
    %broadcast_in_dim3A_1202 = vector.broadcast %broadcast_in_dim3A_1201 : i32 to vector<16xi32>
    %broadcast_in_dim3A_1203 = arith.constant 0 : i32
    %broadcast_in_dim3A_1204 = vector.broadcast %broadcast_in_dim3A_1203 : i32 to vector<16xi32>
    %eq3A_1205 = arith.constant 0 : i32
    %eq3A_1206 = vector.broadcast %eq3A_1205 : i32 to vector<16xi32>
    %eq3A_1207 = arith.cmpi eq, %iota3A, %eq3A_1206 : vector<16xi32>
    %reduce_sum3A_1208 = arith.constant true
    %reduce_sum3A_1209 = vector.broadcast %reduce_sum3A_1208 : i1 to vector<16xi1>
    %reduce_sum3A_1210 = tpu.scan <sum>, %scan3A_1199#0 masked %reduce_sum3A_1209 : vector<16xi32>, vector<16xi1> -> vector<16xi32>
    %reduce_sum3A_1211 = vector.extract %reduce_sum3A_1210[15] : i32 from vector<16xi32>
    %broadcast_in_dim3A_1212 = vector.broadcast %reduce_sum3A_1211 : i32 to vector<16xi32>
    %select_n3A_1213 = arith.select %eq3A_1207, %broadcast_in_dim3A_1212, %broadcast_in_dim3A_1202 : vector<16xi1>, vector<16xi32>
    %reduce_sum3A_1214 = arith.constant true
    %reduce_sum3A_1215 = vector.broadcast %reduce_sum3A_1214 : i1 to vector<16xi1>
    %reduce_sum3A_1216 = tpu.scan <sum>, %scan3A_1199#16 masked %reduce_sum3A_1215 : vector<16xi32>, vector<16xi1> -> vector<16xi32>
    %reduce_sum3A_1217 = vector.extract %reduce_sum3A_1216[15] : i32 from vector<16xi32>
    %broadcast_in_dim3A_1218 = vector.broadcast %reduce_sum3A_1217 : i32 to vector<16xi32>
    %select_n3A_1219 = arith.select %eq3A_1207, %broadcast_in_dim3A_1218, %broadcast_in_dim3A_1204 : vector<16xi1>, vector<16xi32>
    %eq3A_1220 = arith.constant 1 : i32
    %eq3A_1221 = vector.broadcast %eq3A_1220 : i32 to vector<16xi32>
    %eq3A_1222 = arith.cmpi eq, %iota3A, %eq3A_1221 : vector<16xi32>
    %reduce_sum3A_1223 = arith.constant true
    %reduce_sum3A_1224 = vector.broadcast %reduce_sum3A_1223 : i1 to vector<16xi1>
    %reduce_sum3A_1225 = tpu.scan <sum>, %scan3A_1199#1 masked %reduce_sum3A_1224 : vector<16xi32>, vector<16xi1> -> vector<16xi32>
    %reduce_sum3A_1226 = vector.extract %reduce_sum3A_1225[15] : i32 from vector<16xi32>
    %broadcast_in_dim3A_1227 = vector.broadcast %reduce_sum3A_1226 : i32 to vector<16xi32>
    %select_n3A_1228 = arith.select %eq3A_1222, %broadcast_in_dim3A_1227, %select_n3A_1213 : vector<16xi1>, vector<16xi32>
    %reduce_sum3A_1229 = arith.constant true
    %reduce_sum3A_1230 = vector.broadcast %reduce_sum3A_1229 : i1 to vector<16xi1>
    %reduce_sum3A_1231 = tpu.scan <sum>, %scan3A_1199#17 masked %reduce_sum3A_1230 : vector<16xi32>, vector<16xi1> -> vector<16xi32>
    %reduce_sum3A_1232 = vector.extract %reduce_sum3A_1231[15] : i32 from vector<16xi32>
    %broadcast_in_dim3A_1233 = vector.broadcast %reduce_sum3A_1232 : i32 to vector<16xi32>
    %select_n3A_1234 = arith.select %eq3A_1222, %broadcast_in_dim3A_1233, %select_n3A_1219 : vector<16xi1>, vector<16xi32>
    %eq3A_1235 = arith.constant 2 : i32
    %eq3A_1236 = vector.broadcast %eq3A_1235 : i32 to vector<16xi32>
    %eq3A_1237 = arith.cmpi eq, %iota3A, %eq3A_1236 : vector<16xi32>
    %reduce_sum3A_1238 = arith.constant true
    %reduce_sum3A_1239 = vector.broadcast %reduce_sum3A_1238 : i1 to vector<16xi1>
    %reduce_sum3A_1240 = tpu.scan <sum>, %scan3A_1199#2 masked %reduce_sum3A_1239 : vector<16xi32>, vector<16xi1> -> vector<16xi32>
    %reduce_sum3A_1241 = vector.extract %reduce_sum3A_1240[15] : i32 from vector<16xi32>
    %broadcast_in_dim3A_1242 = vector.broadcast %reduce_sum3A_1241 : i32 to vector<16xi32>
    %select_n3A_1243 = arith.select %eq3A_1237, %broadcast_in_dim3A_1242, %select_n3A_1228 : vector<16xi1>, vector<16xi32>
    %reduce_sum3A_1244 = arith.constant true
    %reduce_sum3A_1245 = vector.broadcast %reduce_sum3A_1244 : i1 to vector<16xi1>
    %reduce_sum3A_1246 = tpu.scan <sum>, %scan3A_1199#18 masked %reduce_sum3A_1245 : vector<16xi32>, vector<16xi1> -> vector<16xi32>
    %reduce_sum3A_1247 = vector.extract %reduce_sum3A_1246[15] : i32 from vector<16xi32>
    %broadcast_in_dim3A_1248 = vector.broadcast %reduce_sum3A_1247 : i32 to vector<16xi32>
    %select_n3A_1249 = arith.select %eq3A_1237, %broadcast_in_dim3A_1248, %select_n3A_1234 : vector<16xi1>, vector<16xi32>
    %eq3A_1250 = arith.constant 3 : i32
    %eq3A_1251 = vector.broadcast %eq3A_1250 : i32 to vector<16xi32>
    %eq3A_1252 = arith.cmpi eq, %iota3A, %eq3A_1251 : vector<16xi32>
    %reduce_sum3A_1253 = arith.constant true
    %reduce_sum3A_1254 = vector.broadcast %reduce_sum3A_1253 : i1 to vector<16xi1>
    %reduce_sum3A_1255 = tpu.scan <sum>, %scan3A_1199#3 masked %reduce_sum3A_1254 : vector<16xi32>, vector<16xi1> -> vector<16xi32>
    %reduce_sum3A_1256 = vector.extract %reduce_sum3A_1255[15] : i32 from vector<16xi32>
    %broadcast_in_dim3A_1257 = vector.broadcast %reduce_sum3A_1256 : i32 to vector<16xi32>
    %select_n3A_1258 = arith.select %eq3A_1252, %broadcast_in_dim3A_1257, %select_n3A_1243 : vector<16xi1>, vector<16xi32>
    %reduce_sum3A_1259 = arith.constant true
    %reduce_sum3A_1260 = vector.broadcast %reduce_sum3A_1259 : i1 to vector<16xi1>
    %reduce_sum3A_1261 = tpu.scan <sum>, %scan3A_1199#19 masked %reduce_sum3A_1260 : vector<16xi32>, vector<16xi1> -> vector<16xi32>
    %reduce_sum3A_1262 = vector.extract %reduce_sum3A_1261[15] : i32 from vector<16xi32>
    %broadcast_in_dim3A_1263 = vector.broadcast %reduce_sum3A_1262 : i32 to vector<16xi32>
    %select_n3A_1264 = arith.select %eq3A_1252, %broadcast_in_dim3A_1263, %select_n3A_1249 : vector<16xi1>, vector<16xi32>
    %eq3A_1265 = arith.constant 4 : i32
    %eq3A_1266 = vector.broadcast %eq3A_1265 : i32 to vector<16xi32>
    %eq3A_1267 = arith.cmpi eq, %iota3A, %eq3A_1266 : vector<16xi32>
    %reduce_sum3A_1268 = arith.constant true
    %reduce_sum3A_1269 = vector.broadcast %reduce_sum3A_1268 : i1 to vector<16xi1>
    %reduce_sum3A_1270 = tpu.scan <sum>, %scan3A_1199#4 masked %reduce_sum3A_1269 : vector<16xi32>, vector<16xi1> -> vector<16xi32>
    %reduce_sum3A_1271 = vector.extract %reduce_sum3A_1270[15] : i32 from vector<16xi32>
    %broadcast_in_dim3A_1272 = vector.broadcast %reduce_sum3A_1271 : i32 to vector<16xi32>
    %select_n3A_1273 = arith.select %eq3A_1267, %broadcast_in_dim3A_1272, %select_n3A_1258 : vector<16xi1>, vector<16xi32>
    %reduce_sum3A_1274 = arith.constant true
    %reduce_sum3A_1275 = vector.broadcast %reduce_sum3A_1274 : i1 to vector<16xi1>
    %reduce_sum3A_1276 = tpu.scan <sum>, %scan3A_1199#20 masked %reduce_sum3A_1275 : vector<16xi32>, vector<16xi1> -> vector<16xi32>
    %reduce_sum3A_1277 = vector.extract %reduce_sum3A_1276[15] : i32 from vector<16xi32>
    %broadcast_in_dim3A_1278 = vector.broadcast %reduce_sum3A_1277 : i32 to vector<16xi32>
    %select_n3A_1279 = arith.select %eq3A_1267, %broadcast_in_dim3A_1278, %select_n3A_1264 : vector<16xi1>, vector<16xi32>
    %eq3A_1280 = arith.constant 5 : i32
    %eq3A_1281 = vector.broadcast %eq3A_1280 : i32 to vector<16xi32>
    %eq3A_1282 = arith.cmpi eq, %iota3A, %eq3A_1281 : vector<16xi32>
    %reduce_sum3A_1283 = arith.constant true
    %reduce_sum3A_1284 = vector.broadcast %reduce_sum3A_1283 : i1 to vector<16xi1>
    %reduce_sum3A_1285 = tpu.scan <sum>, %scan3A_1199#5 masked %reduce_sum3A_1284 : vector<16xi32>, vector<16xi1> -> vector<16xi32>
    %reduce_sum3A_1286 = vector.extract %reduce_sum3A_1285[15] : i32 from vector<16xi32>
    %broadcast_in_dim3A_1287 = vector.broadcast %reduce_sum3A_1286 : i32 to vector<16xi32>
    %select_n3A_1288 = arith.select %eq3A_1282, %broadcast_in_dim3A_1287, %select_n3A_1273 : vector<16xi1>, vector<16xi32>
    %reduce_sum3A_1289 = arith.constant true
    %reduce_sum3A_1290 = vector.broadcast %reduce_sum3A_1289 : i1 to vector<16xi1>
    %reduce_sum3A_1291 = tpu.scan <sum>, %scan3A_1199#21 masked %reduce_sum3A_1290 : vector<16xi32>, vector<16xi1> -> vector<16xi32>
    %reduce_sum3A_1292 = vector.extract %reduce_sum3A_1291[15] : i32 from vector<16xi32>
    %broadcast_in_dim3A_1293 = vector.broadcast %reduce_sum3A_1292 : i32 to vector<16xi32>
    %select_n3A_1294 = arith.select %eq3A_1282, %broadcast_in_dim3A_1293, %select_n3A_1279 : vector<16xi1>, vector<16xi32>
    %eq3A_1295 = arith.constant 6 : i32
    %eq3A_1296 = vector.broadcast %eq3A_1295 : i32 to vector<16xi32>
    %eq3A_1297 = arith.cmpi eq, %iota3A, %eq3A_1296 : vector<16xi32>
    %reduce_sum3A_1298 = arith.constant true
    %reduce_sum3A_1299 = vector.broadcast %reduce_sum3A_1298 : i1 to vector<16xi1>
    %reduce_sum3A_1300 = tpu.scan <sum>, %scan3A_1199#6 masked %reduce_sum3A_1299 : vector<16xi32>, vector<16xi1> -> vector<16xi32>
    %reduce_sum3A_1301 = vector.extract %reduce_sum3A_1300[15] : i32 from vector<16xi32>
    %broadcast_in_dim3A_1302 = vector.broadcast %reduce_sum3A_1301 : i32 to vector<16xi32>
    %select_n3A_1303 = arith.select %eq3A_1297, %broadcast_in_dim3A_1302, %select_n3A_1288 : vector<16xi1>, vector<16xi32>
    %reduce_sum3A_1304 = arith.constant true
    %reduce_sum3A_1305 = vector.broadcast %reduce_sum3A_1304 : i1 to vector<16xi1>
    %reduce_sum3A_1306 = tpu.scan <sum>, %scan3A_1199#22 masked %reduce_sum3A_1305 : vector<16xi32>, vector<16xi1> -> vector<16xi32>
    %reduce_sum3A_1307 = vector.extract %reduce_sum3A_1306[15] : i32 from vector<16xi32>
    %broadcast_in_dim3A_1308 = vector.broadcast %reduce_sum3A_1307 : i32 to vector<16xi32>
    %select_n3A_1309 = arith.select %eq3A_1297, %broadcast_in_dim3A_1308, %select_n3A_1294 : vector<16xi1>, vector<16xi32>
    %eq3A_1310 = arith.constant 7 : i32
    %eq3A_1311 = vector.broadcast %eq3A_1310 : i32 to vector<16xi32>
    %eq3A_1312 = arith.cmpi eq, %iota3A, %eq3A_1311 : vector<16xi32>
    %reduce_sum3A_1313 = arith.constant true
    %reduce_sum3A_1314 = vector.broadcast %reduce_sum3A_1313 : i1 to vector<16xi1>
    %reduce_sum3A_1315 = tpu.scan <sum>, %scan3A_1199#7 masked %reduce_sum3A_1314 : vector<16xi32>, vector<16xi1> -> vector<16xi32>
    %reduce_sum3A_1316 = vector.extract %reduce_sum3A_1315[15] : i32 from vector<16xi32>
    %broadcast_in_dim3A_1317 = vector.broadcast %reduce_sum3A_1316 : i32 to vector<16xi32>
    %select_n3A_1318 = arith.select %eq3A_1312, %broadcast_in_dim3A_1317, %select_n3A_1303 : vector<16xi1>, vector<16xi32>
    %reduce_sum3A_1319 = arith.constant true
    %reduce_sum3A_1320 = vector.broadcast %reduce_sum3A_1319 : i1 to vector<16xi1>
    %reduce_sum3A_1321 = tpu.scan <sum>, %scan3A_1199#23 masked %reduce_sum3A_1320 : vector<16xi32>, vector<16xi1> -> vector<16xi32>
    %reduce_sum3A_1322 = vector.extract %reduce_sum3A_1321[15] : i32 from vector<16xi32>
    %broadcast_in_dim3A_1323 = vector.broadcast %reduce_sum3A_1322 : i32 to vector<16xi32>
    %select_n3A_1324 = arith.select %eq3A_1312, %broadcast_in_dim3A_1323, %select_n3A_1309 : vector<16xi1>, vector<16xi32>
    %eq3A_1325 = arith.constant 8 : i32
    %eq3A_1326 = vector.broadcast %eq3A_1325 : i32 to vector<16xi32>
    %eq3A_1327 = arith.cmpi eq, %iota3A, %eq3A_1326 : vector<16xi32>
    %reduce_sum3A_1328 = arith.constant true
    %reduce_sum3A_1329 = vector.broadcast %reduce_sum3A_1328 : i1 to vector<16xi1>
    %reduce_sum3A_1330 = tpu.scan <sum>, %scan3A_1199#8 masked %reduce_sum3A_1329 : vector<16xi32>, vector<16xi1> -> vector<16xi32>
    %reduce_sum3A_1331 = vector.extract %reduce_sum3A_1330[15] : i32 from vector<16xi32>
    %broadcast_in_dim3A_1332 = vector.broadcast %reduce_sum3A_1331 : i32 to vector<16xi32>
    %select_n3A_1333 = arith.select %eq3A_1327, %broadcast_in_dim3A_1332, %select_n3A_1318 : vector<16xi1>, vector<16xi32>
    %reduce_sum3A_1334 = arith.constant true
    %reduce_sum3A_1335 = vector.broadcast %reduce_sum3A_1334 : i1 to vector<16xi1>
    %reduce_sum3A_1336 = tpu.scan <sum>, %scan3A_1199#24 masked %reduce_sum3A_1335 : vector<16xi32>, vector<16xi1> -> vector<16xi32>
    %reduce_sum3A_1337 = vector.extract %reduce_sum3A_1336[15] : i32 from vector<16xi32>
    %broadcast_in_dim3A_1338 = vector.broadcast %reduce_sum3A_1337 : i32 to vector<16xi32>
    %select_n3A_1339 = arith.select %eq3A_1327, %broadcast_in_dim3A_1338, %select_n3A_1324 : vector<16xi1>, vector<16xi32>
    %eq3A_1340 = arith.constant 9 : i32
    %eq3A_1341 = vector.broadcast %eq3A_1340 : i32 to vector<16xi32>
    %eq3A_1342 = arith.cmpi eq, %iota3A, %eq3A_1341 : vector<16xi32>
    %reduce_sum3A_1343 = arith.constant true
    %reduce_sum3A_1344 = vector.broadcast %reduce_sum3A_1343 : i1 to vector<16xi1>
    %reduce_sum3A_1345 = tpu.scan <sum>, %scan3A_1199#9 masked %reduce_sum3A_1344 : vector<16xi32>, vector<16xi1> -> vector<16xi32>
    %reduce_sum3A_1346 = vector.extract %reduce_sum3A_1345[15] : i32 from vector<16xi32>
    %broadcast_in_dim3A_1347 = vector.broadcast %reduce_sum3A_1346 : i32 to vector<16xi32>
    %select_n3A_1348 = arith.select %eq3A_1342, %broadcast_in_dim3A_1347, %select_n3A_1333 : vector<16xi1>, vector<16xi32>
    %reduce_sum3A_1349 = arith.constant true
    %reduce_sum3A_1350 = vector.broadcast %reduce_sum3A_1349 : i1 to vector<16xi1>
    %reduce_sum3A_1351 = tpu.scan <sum>, %scan3A_1199#25 masked %reduce_sum3A_1350 : vector<16xi32>, vector<16xi1> -> vector<16xi32>
    %reduce_sum3A_1352 = vector.extract %reduce_sum3A_1351[15] : i32 from vector<16xi32>
    %broadcast_in_dim3A_1353 = vector.broadcast %reduce_sum3A_1352 : i32 to vector<16xi32>
    %select_n3A_1354 = arith.select %eq3A_1342, %broadcast_in_dim3A_1353, %select_n3A_1339 : vector<16xi1>, vector<16xi32>
    %eq3A_1355 = arith.constant 10 : i32
    %eq3A_1356 = vector.broadcast %eq3A_1355 : i32 to vector<16xi32>
    %eq3A_1357 = arith.cmpi eq, %iota3A, %eq3A_1356 : vector<16xi32>
    %reduce_sum3A_1358 = arith.constant true
    %reduce_sum3A_1359 = vector.broadcast %reduce_sum3A_1358 : i1 to vector<16xi1>
    %reduce_sum3A_1360 = tpu.scan <sum>, %scan3A_1199#10 masked %reduce_sum3A_1359 : vector<16xi32>, vector<16xi1> -> vector<16xi32>
    %reduce_sum3A_1361 = vector.extract %reduce_sum3A_1360[15] : i32 from vector<16xi32>
    %broadcast_in_dim3A_1362 = vector.broadcast %reduce_sum3A_1361 : i32 to vector<16xi32>
    %select_n3A_1363 = arith.select %eq3A_1357, %broadcast_in_dim3A_1362, %select_n3A_1348 : vector<16xi1>, vector<16xi32>
    %reduce_sum3A_1364 = arith.constant true
    %reduce_sum3A_1365 = vector.broadcast %reduce_sum3A_1364 : i1 to vector<16xi1>
    %reduce_sum3A_1366 = tpu.scan <sum>, %scan3A_1199#26 masked %reduce_sum3A_1365 : vector<16xi32>, vector<16xi1> -> vector<16xi32>
    %reduce_sum3A_1367 = vector.extract %reduce_sum3A_1366[15] : i32 from vector<16xi32>
    %broadcast_in_dim3A_1368 = vector.broadcast %reduce_sum3A_1367 : i32 to vector<16xi32>
    %select_n3A_1369 = arith.select %eq3A_1357, %broadcast_in_dim3A_1368, %select_n3A_1354 : vector<16xi1>, vector<16xi32>
    %eq3A_1370 = arith.constant 11 : i32
    %eq3A_1371 = vector.broadcast %eq3A_1370 : i32 to vector<16xi32>
    %eq3A_1372 = arith.cmpi eq, %iota3A, %eq3A_1371 : vector<16xi32>
    %reduce_sum3A_1373 = arith.constant true
    %reduce_sum3A_1374 = vector.broadcast %reduce_sum3A_1373 : i1 to vector<16xi1>
    %reduce_sum3A_1375 = tpu.scan <sum>, %scan3A_1199#11 masked %reduce_sum3A_1374 : vector<16xi32>, vector<16xi1> -> vector<16xi32>
    %reduce_sum3A_1376 = vector.extract %reduce_sum3A_1375[15] : i32 from vector<16xi32>
    %broadcast_in_dim3A_1377 = vector.broadcast %reduce_sum3A_1376 : i32 to vector<16xi32>
    %select_n3A_1378 = arith.select %eq3A_1372, %broadcast_in_dim3A_1377, %select_n3A_1363 : vector<16xi1>, vector<16xi32>
    %reduce_sum3A_1379 = arith.constant true
    %reduce_sum3A_1380 = vector.broadcast %reduce_sum3A_1379 : i1 to vector<16xi1>
    %reduce_sum3A_1381 = tpu.scan <sum>, %scan3A_1199#27 masked %reduce_sum3A_1380 : vector<16xi32>, vector<16xi1> -> vector<16xi32>
    %reduce_sum3A_1382 = vector.extract %reduce_sum3A_1381[15] : i32 from vector<16xi32>
    %broadcast_in_dim3A_1383 = vector.broadcast %reduce_sum3A_1382 : i32 to vector<16xi32>
    %select_n3A_1384 = arith.select %eq3A_1372, %broadcast_in_dim3A_1383, %select_n3A_1369 : vector<16xi1>, vector<16xi32>
    %eq3A_1385 = arith.constant 12 : i32
    %eq3A_1386 = vector.broadcast %eq3A_1385 : i32 to vector<16xi32>
    %eq3A_1387 = arith.cmpi eq, %iota3A, %eq3A_1386 : vector<16xi32>
    %reduce_sum3A_1388 = arith.constant true
    %reduce_sum3A_1389 = vector.broadcast %reduce_sum3A_1388 : i1 to vector<16xi1>
    %reduce_sum3A_1390 = tpu.scan <sum>, %scan3A_1199#12 masked %reduce_sum3A_1389 : vector<16xi32>, vector<16xi1> -> vector<16xi32>
    %reduce_sum3A_1391 = vector.extract %reduce_sum3A_1390[15] : i32 from vector<16xi32>
    %broadcast_in_dim3A_1392 = vector.broadcast %reduce_sum3A_1391 : i32 to vector<16xi32>
    %select_n3A_1393 = arith.select %eq3A_1387, %broadcast_in_dim3A_1392, %select_n3A_1378 : vector<16xi1>, vector<16xi32>
    %reduce_sum3A_1394 = arith.constant true
    %reduce_sum3A_1395 = vector.broadcast %reduce_sum3A_1394 : i1 to vector<16xi1>
    %reduce_sum3A_1396 = tpu.scan <sum>, %scan3A_1199#28 masked %reduce_sum3A_1395 : vector<16xi32>, vector<16xi1> -> vector<16xi32>
    %reduce_sum3A_1397 = vector.extract %reduce_sum3A_1396[15] : i32 from vector<16xi32>
    %broadcast_in_dim3A_1398 = vector.broadcast %reduce_sum3A_1397 : i32 to vector<16xi32>
    %select_n3A_1399 = arith.select %eq3A_1387, %broadcast_in_dim3A_1398, %select_n3A_1384 : vector<16xi1>, vector<16xi32>
    %eq3A_1400 = arith.constant 13 : i32
    %eq3A_1401 = vector.broadcast %eq3A_1400 : i32 to vector<16xi32>
    %eq3A_1402 = arith.cmpi eq, %iota3A, %eq3A_1401 : vector<16xi32>
    %reduce_sum3A_1403 = arith.constant true
    %reduce_sum3A_1404 = vector.broadcast %reduce_sum3A_1403 : i1 to vector<16xi1>
    %reduce_sum3A_1405 = tpu.scan <sum>, %scan3A_1199#13 masked %reduce_sum3A_1404 : vector<16xi32>, vector<16xi1> -> vector<16xi32>
    %reduce_sum3A_1406 = vector.extract %reduce_sum3A_1405[15] : i32 from vector<16xi32>
    %broadcast_in_dim3A_1407 = vector.broadcast %reduce_sum3A_1406 : i32 to vector<16xi32>
    %select_n3A_1408 = arith.select %eq3A_1402, %broadcast_in_dim3A_1407, %select_n3A_1393 : vector<16xi1>, vector<16xi32>
    %reduce_sum3A_1409 = arith.constant true
    %reduce_sum3A_1410 = vector.broadcast %reduce_sum3A_1409 : i1 to vector<16xi1>
    %reduce_sum3A_1411 = tpu.scan <sum>, %scan3A_1199#29 masked %reduce_sum3A_1410 : vector<16xi32>, vector<16xi1> -> vector<16xi32>
    %reduce_sum3A_1412 = vector.extract %reduce_sum3A_1411[15] : i32 from vector<16xi32>
    %broadcast_in_dim3A_1413 = vector.broadcast %reduce_sum3A_1412 : i32 to vector<16xi32>
    %select_n3A_1414 = arith.select %eq3A_1402, %broadcast_in_dim3A_1413, %select_n3A_1399 : vector<16xi1>, vector<16xi32>
    %eq3A_1415 = arith.constant 14 : i32
    %eq3A_1416 = vector.broadcast %eq3A_1415 : i32 to vector<16xi32>
    %eq3A_1417 = arith.cmpi eq, %iota3A, %eq3A_1416 : vector<16xi32>
    %reduce_sum3A_1418 = arith.constant true
    %reduce_sum3A_1419 = vector.broadcast %reduce_sum3A_1418 : i1 to vector<16xi1>
    %reduce_sum3A_1420 = tpu.scan <sum>, %scan3A_1199#14 masked %reduce_sum3A_1419 : vector<16xi32>, vector<16xi1> -> vector<16xi32>
    %reduce_sum3A_1421 = vector.extract %reduce_sum3A_1420[15] : i32 from vector<16xi32>
    %broadcast_in_dim3A_1422 = vector.broadcast %reduce_sum3A_1421 : i32 to vector<16xi32>
    %select_n3A_1423 = arith.select %eq3A_1417, %broadcast_in_dim3A_1422, %select_n3A_1408 : vector<16xi1>, vector<16xi32>
    %reduce_sum3A_1424 = arith.constant true
    %reduce_sum3A_1425 = vector.broadcast %reduce_sum3A_1424 : i1 to vector<16xi1>
    %reduce_sum3A_1426 = tpu.scan <sum>, %scan3A_1199#30 masked %reduce_sum3A_1425 : vector<16xi32>, vector<16xi1> -> vector<16xi32>
    %reduce_sum3A_1427 = vector.extract %reduce_sum3A_1426[15] : i32 from vector<16xi32>
    %broadcast_in_dim3A_1428 = vector.broadcast %reduce_sum3A_1427 : i32 to vector<16xi32>
    %select_n3A_1429 = arith.select %eq3A_1417, %broadcast_in_dim3A_1428, %select_n3A_1414 : vector<16xi1>, vector<16xi32>
    %eq3A_1430 = arith.constant 15 : i32
    %eq3A_1431 = vector.broadcast %eq3A_1430 : i32 to vector<16xi32>
    %eq3A_1432 = arith.cmpi eq, %iota3A, %eq3A_1431 : vector<16xi32>
    %reduce_sum3A_1433 = arith.constant true
    %reduce_sum3A_1434 = vector.broadcast %reduce_sum3A_1433 : i1 to vector<16xi1>
    %reduce_sum3A_1435 = tpu.scan <sum>, %scan3A_1199#15 masked %reduce_sum3A_1434 : vector<16xi32>, vector<16xi1> -> vector<16xi32>
    %reduce_sum3A_1436 = vector.extract %reduce_sum3A_1435[15] : i32 from vector<16xi32>
    %broadcast_in_dim3A_1437 = vector.broadcast %reduce_sum3A_1436 : i32 to vector<16xi32>
    %select_n3A_1438 = arith.select %eq3A_1432, %broadcast_in_dim3A_1437, %select_n3A_1423 : vector<16xi1>, vector<16xi32>
    %reduce_sum3A_1439 = arith.constant true
    %reduce_sum3A_1440 = vector.broadcast %reduce_sum3A_1439 : i1 to vector<16xi1>
    %reduce_sum3A_1441 = tpu.scan <sum>, %scan3A_1199#31 masked %reduce_sum3A_1440 : vector<16xi32>, vector<16xi1> -> vector<16xi32>
    %reduce_sum3A_1442 = vector.extract %reduce_sum3A_1441[15] : i32 from vector<16xi32>
    %broadcast_in_dim3A_1443 = vector.broadcast %reduce_sum3A_1442 : i32 to vector<16xi32>
    %select_n3A_1444 = arith.select %eq3A_1432, %broadcast_in_dim3A_1443, %select_n3A_1429 : vector<16xi1>, vector<16xi32>
    %convert_element_type3A_1445 = arith.sitofp %select_n3A_1438 : vector<16xi32> to vector<16xf32>
    %convert_element_type3A_1446 = arith.sitofp %select_n3A_1444 : vector<16xi32> to vector<16xf32>
    %sub3A_1447 = arith.subf %convert_element_type3A_1445, %convert_element_type3A_1446 : vector<16xf32>
    %sub3A_1448 = arith.subf %sub3A_1447, %convert_element_type3A_1446 : vector<16xf32>
    %sub3A_1449 = arith.subf %broadcast_in_dim3A_10, %convert_element_type3A_1445 : vector<16xf32>
    %add3A_1450 = arith.addf %sub3A_1449, %convert_element_type3A_1446 : vector<16xf32>
    %mul3A_1451 = arith.mulf %add3A_1450, %broadcast_in_dim3A_6 : vector<16xf32>
    %mul3A_1452 = arith.mulf %sub3A_1448, %broadcast_in_dim3A_6 : vector<16xf32>
    %mul3A_1453 = arith.mulf %convert_element_type3A_1446, %broadcast_in_dim3A_6 : vector<16xf32>
    %mul3A_1454 = arith.mulf %mul3A_1451, %get3A_17 : vector<16xf32>
    %mul3A_1455 = arith.mulf %mul3A_1452, %get3A_21 : vector<16xf32>
    %add3A_1456 = arith.addf %mul3A_1454, %mul3A_1455 : vector<16xf32>
    %mul3A_1457 = arith.mulf %mul3A_1453, %get3A_25 : vector<16xf32>
    %add3A_1458 = arith.addf %add3A_1456, %mul3A_1457 : vector<16xf32>
    %add3A_1459 = arith.addf %mul3A_1451, %mul3A_1451 : vector<16xf32>
    %neg3A_1460 = arith.constant 0.000000e+00 : f32
    %neg3A_1461 = vector.broadcast %neg3A_1460 : f32 to vector<16xf32>
    %neg3A_1462 = arith.subf %neg3A_1461, %add3A_1459 : vector<16xf32>
    %exp3A_1463 = math.exp %neg3A_1462 : vector<16xf32>
    %add3A_1464 = arith.addf %broadcast_in_dim3A_8, %exp3A_1463 : vector<16xf32>
    %div3A_1465 = arith.divf %broadcast_in_dim3A_8, %add3A_1464 : vector<16xf32>
    %add3A_1466 = arith.addf %broadcast_in_dim3A_8, %div3A_1465 : vector<16xf32>
    %mul3A_1467 = arith.mulf %add3A_1458, %add3A_1466 : vector<16xf32>
    %neg3A_1468 = arith.constant 0.000000e+00 : f32
    %neg3A_1469 = vector.broadcast %neg3A_1468 : f32 to vector<16xf32>
    %neg3A_1470 = arith.subf %neg3A_1469, %mul3A_1467 : vector<16xf32>
    %exp3A_1471 = math.exp %neg3A_1470 : vector<16xf32>
    %add3A_1472 = arith.addf %broadcast_in_dim3A_8, %exp3A_1471 : vector<16xf32>
    %div3A_1473 = arith.divf %broadcast_in_dim3A_8, %add3A_1472 : vector<16xf32>
    %max3A_1474 = arith.maximumf %div3A_1473, %broadcast_in_dim3A_12 : vector<16xf32>
    %min3A_1475 = arith.minimumf %max3A_1474, %broadcast_in_dim3A_14 : vector<16xf32>
    %swap3A_1476 = arith.constant 64 : index
    %swap3A_1477 = tpu.vector_load %arg8[%swap3A_1476] {strides = array<i32>} : memref<128xf32, #tpu.memory_space<vmem>>, vector<16xf32>,
    tpu.vector_store %arg8[%swap3A_1476], %min3A_1475 {strides = array<i32>} : memref<128xf32, #tpu.memory_space<vmem>>, vector<16xf32>,
    %dma_wait3A_1478 = tpu.memref_slice %arg2[%mul3A_1190] : memref<16777216xi32, #tpu.memory_space<hbm>> -> memref<32768xi32, #tpu.memory_space<hbm>>
    %dma_wait3A_1479 = tpu.memref_slice %arg2[%mul3A_1190] : memref<16777216xi32, #tpu.memory_space<hbm>> -> memref<32768xi32, #tpu.memory_space<hbm>>
    tpu.wait_dma2 semaphore(%arg10 : memref<!tpu.dma_semaphore, #tpu.memory_space<semaphore_mem>>) src(%dma_wait3A_1479 : memref<32768xi32, #tpu.memory_space<hbm>>) dst(%arg6 : memref<32768xi32, #tpu.memory_space<vmem>>)
    %add3A_1480 = arith.constant 96 : i32
    %add3A_1481 = arith.addi %mul3A_2, %add3A_1480 : i32
    %mul3A_1482 = arith.constant 2048 : i32
    %mul3A_1483 = arith.muli %add3A_1481, %mul3A_1482 : i32
    %dma_start3A_1484 = tpu.memref_slice %arg2[%mul3A_1483] : memref<16777216xi32, #tpu.memory_space<hbm>> -> memref<32768xi32, #tpu.memory_space<hbm>>
    %dma_start3A_1485 = tpu.memref_slice %arg2[%mul3A_1483] : memref<16777216xi32, #tpu.memory_space<hbm>> -> memref<32768xi32, #tpu.memory_space<hbm>>
    tpu.enqueue_dma source(%dma_start3A_1485 : memref<32768xi32, #tpu.memory_space<hbm>>) target(%arg5 : memref<32768xi32, #tpu.memory_space<vmem>>) target_semaphore(%arg9 : memref<!tpu.dma_semaphore, #tpu.memory_space<semaphore_mem>>)
    %broadcast_in_dim3A_1486 = arith.constant 0 : i32
    %broadcast_in_dim3A_1487 = vector.broadcast %broadcast_in_dim3A_1486 : i32 to vector<16xi32>
    %scan3A_1488 = arith.constant 0 : i32
    %scan3A_1489 = arith.constant 128 : i32
    %scan3A_1490 = arith.addi %scan3A_1488, %scan3A_1489 : i32
    %scan3A_1491 = arith.constant 1 : i32
    %scan3A_1492:32 = scf.for %scan3A_2351 = %scan3A_1488 to %scan3A_1490 step %scan3A_1491 iter_args(%scan3A_2352 = %broadcast_in_dim3A_1487, %scan3A_2353 = %broadcast_in_dim3A_1487, %scan3A_2354 = %broadcast_in_dim3A_1487, %scan3A_2355 = %broadcast_in_dim3A_1487, %scan3A_2356 = %broadcast_in_dim3A_1487, %scan3A_2357 = %broadcast_in_dim3A_1487, %scan3A_2358 = %broadcast_in_dim3A_1487, %scan3A_2359 = %broadcast_in_dim3A_1487, %scan3A_2360 = %broadcast_in_dim3A_1487, %scan3A_2361 = %broadcast_in_dim3A_1487, %scan3A_2362 = %broadcast_in_dim3A_1487, %scan3A_2363 = %broadcast_in_dim3A_1487, %scan3A_2364 = %broadcast_in_dim3A_1487, %scan3A_2365 = %broadcast_in_dim3A_1487, %scan3A_2366 = %broadcast_in_dim3A_1487, %scan3A_2367 = %broadcast_in_dim3A_1487, %scan3A_2368 = %broadcast_in_dim3A_1487, %scan3A_2369 = %broadcast_in_dim3A_1487, %scan3A_2370 = %broadcast_in_dim3A_1487, %scan3A_2371 = %broadcast_in_dim3A_1487, %scan3A_2372 = %broadcast_in_dim3A_1487, %scan3A_2373 = %broadcast_in_dim3A_1487, %scan3A_2374 = %broadcast_in_dim3A_1487, %scan3A_2375 = %broadcast_in_dim3A_1487, %scan3A_2376 = %broadcast_in_dim3A_1487, %scan3A_2377 = %broadcast_in_dim3A_1487, %scan3A_2378 = %broadcast_in_dim3A_1487, %scan3A_2379 = %broadcast_in_dim3A_1487, %scan3A_2380 = %broadcast_in_dim3A_1487, %scan3A_2381 = %broadcast_in_dim3A_1487, %scan3A_2382 = %broadcast_in_dim3A_1487, %scan3A_2383 = %broadcast_in_dim3A_1487) -> (vector<16xi32>, vector<16xi32>, vector<16xi32>, vector<16xi32>, vector<16xi32>, vector<16xi32>, vector<16xi32>, vector<16xi32>, vector<16xi32>, vector<16xi32>, vector<16xi32>, vector<16xi32>, vector<16xi32>, vector<16xi32>, vector<16xi32>, vector<16xi32>, vector<16xi32>, vector<16xi32>, vector<16xi32>, vector<16xi32>, vector<16xi32>, vector<16xi32>, vector<16xi32>, vector<16xi32>, vector<16xi32>, vector<16xi32>, vector<16xi32>, vector<16xi32>, vector<16xi32>, vector<16xi32>, vector<16xi32>, vector<16xi32>)  : i32 {
      %mul3A_2384 = arith.constant 16 : i32
      %mul3A_2385 = arith.muli %scan3A_2351, %mul3A_2384 : i32
      %add3A_2386 = arith.constant 0 : i32
      %add3A_2387 = arith.addi %mul3A_2385, %add3A_2386 : i32
      %get3A_2388 = arith.index_cast %add3A_2387 : i32 to index
      %get3A_2389 = tpu.vector_load %arg6[%get3A_2388] {strides = array<i32>} : memref<32768xi32, #tpu.memory_space<vmem>>, vector<16xi32>,
      %add3A_2390 = arith.addi %scan3A_2352, %get3A_2389 : vector<16xi32>
      %shift_right_arithmetic3A = arith.constant 1 : i32
      %shift_right_arithmetic3A_2391 = vector.broadcast %shift_right_arithmetic3A : i32 to vector<16xi32>
      %shift_right_arithmetic3A_2392 = arith.shrsi %get3A_2389, %shift_right_arithmetic3A_2391 : vector<16xi32>
      %add3A_2393 = arith.addi %scan3A_2368, %shift_right_arithmetic3A_2392 : vector<16xi32>
      %add3A_2394 = arith.constant 2048 : i32
      %add3A_2395 = arith.addi %mul3A_2385, %add3A_2394 : i32
      %get3A_2396 = arith.index_cast %add3A_2395 : i32 to index
      %get3A_2397 = tpu.vector_load %arg6[%get3A_2396] {strides = array<i32>} : memref<32768xi32, #tpu.memory_space<vmem>>, vector<16xi32>,
      %add3A_2398 = arith.addi %scan3A_2353, %get3A_2397 : vector<16xi32>
      %shift_right_arithmetic3A_2399 = arith.constant 1 : i32
      %shift_right_arithmetic3A_2400 = vector.broadcast %shift_right_arithmetic3A_2399 : i32 to vector<16xi32>
      %shift_right_arithmetic3A_2401 = arith.shrsi %get3A_2397, %shift_right_arithmetic3A_2400 : vector<16xi32>
      %add3A_2402 = arith.addi %scan3A_2369, %shift_right_arithmetic3A_2401 : vector<16xi32>
      %add3A_2403 = arith.constant 4096 : i32
      %add3A_2404 = arith.addi %mul3A_2385, %add3A_2403 : i32
      %get3A_2405 = arith.index_cast %add3A_2404 : i32 to index
      %get3A_2406 = tpu.vector_load %arg6[%get3A_2405] {strides = array<i32>} : memref<32768xi32, #tpu.memory_space<vmem>>, vector<16xi32>,
      %add3A_2407 = arith.addi %scan3A_2354, %get3A_2406 : vector<16xi32>
      %shift_right_arithmetic3A_2408 = arith.constant 1 : i32
      %shift_right_arithmetic3A_2409 = vector.broadcast %shift_right_arithmetic3A_2408 : i32 to vector<16xi32>
      %shift_right_arithmetic3A_2410 = arith.shrsi %get3A_2406, %shift_right_arithmetic3A_2409 : vector<16xi32>
      %add3A_2411 = arith.addi %scan3A_2370, %shift_right_arithmetic3A_2410 : vector<16xi32>
      %add3A_2412 = arith.constant 6144 : i32
      %add3A_2413 = arith.addi %mul3A_2385, %add3A_2412 : i32
      %get3A_2414 = arith.index_cast %add3A_2413 : i32 to index
      %get3A_2415 = tpu.vector_load %arg6[%get3A_2414] {strides = array<i32>} : memref<32768xi32, #tpu.memory_space<vmem>>, vector<16xi32>,
      %add3A_2416 = arith.addi %scan3A_2355, %get3A_2415 : vector<16xi32>
      %shift_right_arithmetic3A_2417 = arith.constant 1 : i32
      %shift_right_arithmetic3A_2418 = vector.broadcast %shift_right_arithmetic3A_2417 : i32 to vector<16xi32>
      %shift_right_arithmetic3A_2419 = arith.shrsi %get3A_2415, %shift_right_arithmetic3A_2418 : vector<16xi32>
      %add3A_2420 = arith.addi %scan3A_2371, %shift_right_arithmetic3A_2419 : vector<16xi32>
      %add3A_2421 = arith.constant 8192 : i32
      %add3A_2422 = arith.addi %mul3A_2385, %add3A_2421 : i32
      %get3A_2423 = arith.index_cast %add3A_2422 : i32 to index
      %get3A_2424 = tpu.vector_load %arg6[%get3A_2423] {strides = array<i32>} : memref<32768xi32, #tpu.memory_space<vmem>>, vector<16xi32>,
      %add3A_2425 = arith.addi %scan3A_2356, %get3A_2424 : vector<16xi32>
      %shift_right_arithmetic3A_2426 = arith.constant 1 : i32
      %shift_right_arithmetic3A_2427 = vector.broadcast %shift_right_arithmetic3A_2426 : i32 to vector<16xi32>
      %shift_right_arithmetic3A_2428 = arith.shrsi %get3A_2424, %shift_right_arithmetic3A_2427 : vector<16xi32>
      %add3A_2429 = arith.addi %scan3A_2372, %shift_right_arithmetic3A_2428 : vector<16xi32>
      %add3A_2430 = arith.constant 10240 : i32
      %add3A_2431 = arith.addi %mul3A_2385, %add3A_2430 : i32
      %get3A_2432 = arith.index_cast %add3A_2431 : i32 to index
      %get3A_2433 = tpu.vector_load %arg6[%get3A_2432] {strides = array<i32>} : memref<32768xi32, #tpu.memory_space<vmem>>, vector<16xi32>,
      %add3A_2434 = arith.addi %scan3A_2357, %get3A_2433 : vector<16xi32>
      %shift_right_arithmetic3A_2435 = arith.constant 1 : i32
      %shift_right_arithmetic3A_2436 = vector.broadcast %shift_right_arithmetic3A_2435 : i32 to vector<16xi32>
      %shift_right_arithmetic3A_2437 = arith.shrsi %get3A_2433, %shift_right_arithmetic3A_2436 : vector<16xi32>
      %add3A_2438 = arith.addi %scan3A_2373, %shift_right_arithmetic3A_2437 : vector<16xi32>
      %add3A_2439 = arith.constant 12288 : i32
      %add3A_2440 = arith.addi %mul3A_2385, %add3A_2439 : i32
      %get3A_2441 = arith.index_cast %add3A_2440 : i32 to index
      %get3A_2442 = tpu.vector_load %arg6[%get3A_2441] {strides = array<i32>} : memref<32768xi32, #tpu.memory_space<vmem>>, vector<16xi32>,
      %add3A_2443 = arith.addi %scan3A_2358, %get3A_2442 : vector<16xi32>
      %shift_right_arithmetic3A_2444 = arith.constant 1 : i32
      %shift_right_arithmetic3A_2445 = vector.broadcast %shift_right_arithmetic3A_2444 : i32 to vector<16xi32>
      %shift_right_arithmetic3A_2446 = arith.shrsi %get3A_2442, %shift_right_arithmetic3A_2445 : vector<16xi32>
      %add3A_2447 = arith.addi %scan3A_2374, %shift_right_arithmetic3A_2446 : vector<16xi32>
      %add3A_2448 = arith.constant 14336 : i32
      %add3A_2449 = arith.addi %mul3A_2385, %add3A_2448 : i32
      %get3A_2450 = arith.index_cast %add3A_2449 : i32 to index
      %get3A_2451 = tpu.vector_load %arg6[%get3A_2450] {strides = array<i32>} : memref<32768xi32, #tpu.memory_space<vmem>>, vector<16xi32>,
      %add3A_2452 = arith.addi %scan3A_2359, %get3A_2451 : vector<16xi32>
      %shift_right_arithmetic3A_2453 = arith.constant 1 : i32
      %shift_right_arithmetic3A_2454 = vector.broadcast %shift_right_arithmetic3A_2453 : i32 to vector<16xi32>
      %shift_right_arithmetic3A_2455 = arith.shrsi %get3A_2451, %shift_right_arithmetic3A_2454 : vector<16xi32>
      %add3A_2456 = arith.addi %scan3A_2375, %shift_right_arithmetic3A_2455 : vector<16xi32>
      %add3A_2457 = arith.constant 16384 : i32
      %add3A_2458 = arith.addi %mul3A_2385, %add3A_2457 : i32
      %get3A_2459 = arith.index_cast %add3A_2458 : i32 to index
      %get3A_2460 = tpu.vector_load %arg6[%get3A_2459] {strides = array<i32>} : memref<32768xi32, #tpu.memory_space<vmem>>, vector<16xi32>,
      %add3A_2461 = arith.addi %scan3A_2360, %get3A_2460 : vector<16xi32>
      %shift_right_arithmetic3A_2462 = arith.constant 1 : i32
      %shift_right_arithmetic3A_2463 = vector.broadcast %shift_right_arithmetic3A_2462 : i32 to vector<16xi32>
      %shift_right_arithmetic3A_2464 = arith.shrsi %get3A_2460, %shift_right_arithmetic3A_2463 : vector<16xi32>
      %add3A_2465 = arith.addi %scan3A_2376, %shift_right_arithmetic3A_2464 : vector<16xi32>
      %add3A_2466 = arith.constant 18432 : i32
      %add3A_2467 = arith.addi %mul3A_2385, %add3A_2466 : i32
      %get3A_2468 = arith.index_cast %add3A_2467 : i32 to index
      %get3A_2469 = tpu.vector_load %arg6[%get3A_2468] {strides = array<i32>} : memref<32768xi32, #tpu.memory_space<vmem>>, vector<16xi32>,
      %add3A_2470 = arith.addi %scan3A_2361, %get3A_2469 : vector<16xi32>
      %shift_right_arithmetic3A_2471 = arith.constant 1 : i32
      %shift_right_arithmetic3A_2472 = vector.broadcast %shift_right_arithmetic3A_2471 : i32 to vector<16xi32>
      %shift_right_arithmetic3A_2473 = arith.shrsi %get3A_2469, %shift_right_arithmetic3A_2472 : vector<16xi32>
      %add3A_2474 = arith.addi %scan3A_2377, %shift_right_arithmetic3A_2473 : vector<16xi32>
      %add3A_2475 = arith.constant 20480 : i32
      %add3A_2476 = arith.addi %mul3A_2385, %add3A_2475 : i32
      %get3A_2477 = arith.index_cast %add3A_2476 : i32 to index
      %get3A_2478 = tpu.vector_load %arg6[%get3A_2477] {strides = array<i32>} : memref<32768xi32, #tpu.memory_space<vmem>>, vector<16xi32>,
      %add3A_2479 = arith.addi %scan3A_2362, %get3A_2478 : vector<16xi32>
      %shift_right_arithmetic3A_2480 = arith.constant 1 : i32
      %shift_right_arithmetic3A_2481 = vector.broadcast %shift_right_arithmetic3A_2480 : i32 to vector<16xi32>
      %shift_right_arithmetic3A_2482 = arith.shrsi %get3A_2478, %shift_right_arithmetic3A_2481 : vector<16xi32>
      %add3A_2483 = arith.addi %scan3A_2378, %shift_right_arithmetic3A_2482 : vector<16xi32>
      %add3A_2484 = arith.constant 22528 : i32
      %add3A_2485 = arith.addi %mul3A_2385, %add3A_2484 : i32
      %get3A_2486 = arith.index_cast %add3A_2485 : i32 to index
      %get3A_2487 = tpu.vector_load %arg6[%get3A_2486] {strides = array<i32>} : memref<32768xi32, #tpu.memory_space<vmem>>, vector<16xi32>,
      %add3A_2488 = arith.addi %scan3A_2363, %get3A_2487 : vector<16xi32>
      %shift_right_arithmetic3A_2489 = arith.constant 1 : i32
      %shift_right_arithmetic3A_2490 = vector.broadcast %shift_right_arithmetic3A_2489 : i32 to vector<16xi32>
      %shift_right_arithmetic3A_2491 = arith.shrsi %get3A_2487, %shift_right_arithmetic3A_2490 : vector<16xi32>
      %add3A_2492 = arith.addi %scan3A_2379, %shift_right_arithmetic3A_2491 : vector<16xi32>
      %add3A_2493 = arith.constant 24576 : i32
      %add3A_2494 = arith.addi %mul3A_2385, %add3A_2493 : i32
      %get3A_2495 = arith.index_cast %add3A_2494 : i32 to index
      %get3A_2496 = tpu.vector_load %arg6[%get3A_2495] {strides = array<i32>} : memref<32768xi32, #tpu.memory_space<vmem>>, vector<16xi32>,
      %add3A_2497 = arith.addi %scan3A_2364, %get3A_2496 : vector<16xi32>
      %shift_right_arithmetic3A_2498 = arith.constant 1 : i32
      %shift_right_arithmetic3A_2499 = vector.broadcast %shift_right_arithmetic3A_2498 : i32 to vector<16xi32>
      %shift_right_arithmetic3A_2500 = arith.shrsi %get3A_2496, %shift_right_arithmetic3A_2499 : vector<16xi32>
      %add3A_2501 = arith.addi %scan3A_2380, %shift_right_arithmetic3A_2500 : vector<16xi32>
      %add3A_2502 = arith.constant 26624 : i32
      %add3A_2503 = arith.addi %mul3A_2385, %add3A_2502 : i32
      %get3A_2504 = arith.index_cast %add3A_2503 : i32 to index
      %get3A_2505 = tpu.vector_load %arg6[%get3A_2504] {strides = array<i32>} : memref<32768xi32, #tpu.memory_space<vmem>>, vector<16xi32>,
      %add3A_2506 = arith.addi %scan3A_2365, %get3A_2505 : vector<16xi32>
      %shift_right_arithmetic3A_2507 = arith.constant 1 : i32
      %shift_right_arithmetic3A_2508 = vector.broadcast %shift_right_arithmetic3A_2507 : i32 to vector<16xi32>
      %shift_right_arithmetic3A_2509 = arith.shrsi %get3A_2505, %shift_right_arithmetic3A_2508 : vector<16xi32>
      %add3A_2510 = arith.addi %scan3A_2381, %shift_right_arithmetic3A_2509 : vector<16xi32>
      %add3A_2511 = arith.constant 28672 : i32
      %add3A_2512 = arith.addi %mul3A_2385, %add3A_2511 : i32
      %get3A_2513 = arith.index_cast %add3A_2512 : i32 to index
      %get3A_2514 = tpu.vector_load %arg6[%get3A_2513] {strides = array<i32>} : memref<32768xi32, #tpu.memory_space<vmem>>, vector<16xi32>,
      %add3A_2515 = arith.addi %scan3A_2366, %get3A_2514 : vector<16xi32>
      %shift_right_arithmetic3A_2516 = arith.constant 1 : i32
      %shift_right_arithmetic3A_2517 = vector.broadcast %shift_right_arithmetic3A_2516 : i32 to vector<16xi32>
      %shift_right_arithmetic3A_2518 = arith.shrsi %get3A_2514, %shift_right_arithmetic3A_2517 : vector<16xi32>
      %add3A_2519 = arith.addi %scan3A_2382, %shift_right_arithmetic3A_2518 : vector<16xi32>
      %add3A_2520 = arith.constant 30720 : i32
      %add3A_2521 = arith.addi %mul3A_2385, %add3A_2520 : i32
      %get3A_2522 = arith.index_cast %add3A_2521 : i32 to index
      %get3A_2523 = tpu.vector_load %arg6[%get3A_2522] {strides = array<i32>} : memref<32768xi32, #tpu.memory_space<vmem>>, vector<16xi32>,
      %add3A_2524 = arith.addi %scan3A_2367, %get3A_2523 : vector<16xi32>
      %shift_right_arithmetic3A_2525 = arith.constant 1 : i32
      %shift_right_arithmetic3A_2526 = vector.broadcast %shift_right_arithmetic3A_2525 : i32 to vector<16xi32>
      %shift_right_arithmetic3A_2527 = arith.shrsi %get3A_2523, %shift_right_arithmetic3A_2526 : vector<16xi32>
      %add3A_2528 = arith.addi %scan3A_2383, %shift_right_arithmetic3A_2527 : vector<16xi32>
      scf.yield %add3A_2390, %add3A_2398, %add3A_2407, %add3A_2416, %add3A_2425, %add3A_2434, %add3A_2443, %add3A_2452, %add3A_2461, %add3A_2470, %add3A_2479, %add3A_2488, %add3A_2497, %add3A_2506, %add3A_2515, %add3A_2524, %add3A_2393, %add3A_2402, %add3A_2411, %add3A_2420, %add3A_2429, %add3A_2438, %add3A_2447, %add3A_2456, %add3A_2465, %add3A_2474, %add3A_2483, %add3A_2492, %add3A_2501, %add3A_2510, %add3A_2519, %add3A_2528 : vector<16xi32>, vector<16xi32>, vector<16xi32>, vector<16xi32>, vector<16xi32>, vector<16xi32>, vector<16xi32>, vector<16xi32>, vector<16xi32>, vector<16xi32>, vector<16xi32>, vector<16xi32>, vector<16xi32>, vector<16xi32>, vector<16xi32>, vector<16xi32>, vector<16xi32>, vector<16xi32>, vector<16xi32>, vector<16xi32>, vector<16xi32>, vector<16xi32>, vector<16xi32>, vector<16xi32>, vector<16xi32>, vector<16xi32>, vector<16xi32>, vector<16xi32>, vector<16xi32>, vector<16xi32>, vector<16xi32>, vector<16xi32>
    }
    %scan3A_1493 = arith.constant 128 : i32
    %broadcast_in_dim3A_1494 = arith.constant 0 : i32
    %broadcast_in_dim3A_1495 = vector.broadcast %broadcast_in_dim3A_1494 : i32 to vector<16xi32>
    %broadcast_in_dim3A_1496 = arith.constant 0 : i32
    %broadcast_in_dim3A_1497 = vector.broadcast %broadcast_in_dim3A_1496 : i32 to vector<16xi32>
    %eq3A_1498 = arith.constant 0 : i32
    %eq3A_1499 = vector.broadcast %eq3A_1498 : i32 to vector<16xi32>
    %eq3A_1500 = arith.cmpi eq, %iota3A, %eq3A_1499 : vector<16xi32>
    %reduce_sum3A_1501 = arith.constant true
    %reduce_sum3A_1502 = vector.broadcast %reduce_sum3A_1501 : i1 to vector<16xi1>
    %reduce_sum3A_1503 = tpu.scan <sum>, %scan3A_1492#0 masked %reduce_sum3A_1502 : vector<16xi32>, vector<16xi1> -> vector<16xi32>
    %reduce_sum3A_1504 = vector.extract %reduce_sum3A_1503[15] : i32 from vector<16xi32>
    %broadcast_in_dim3A_1505 = vector.broadcast %reduce_sum3A_1504 : i32 to vector<16xi32>
    %select_n3A_1506 = arith.select %eq3A_1500, %broadcast_in_dim3A_1505, %broadcast_in_dim3A_1495 : vector<16xi1>, vector<16xi32>
    %reduce_sum3A_1507 = arith.constant true
    %reduce_sum3A_1508 = vector.broadcast %reduce_sum3A_1507 : i1 to vector<16xi1>
    %reduce_sum3A_1509 = tpu.scan <sum>, %scan3A_1492#16 masked %reduce_sum3A_1508 : vector<16xi32>, vector<16xi1> -> vector<16xi32>
    %reduce_sum3A_1510 = vector.extract %reduce_sum3A_1509[15] : i32 from vector<16xi32>
    %broadcast_in_dim3A_1511 = vector.broadcast %reduce_sum3A_1510 : i32 to vector<16xi32>
    %select_n3A_1512 = arith.select %eq3A_1500, %broadcast_in_dim3A_1511, %broadcast_in_dim3A_1497 : vector<16xi1>, vector<16xi32>
    %eq3A_1513 = arith.constant 1 : i32
    %eq3A_1514 = vector.broadcast %eq3A_1513 : i32 to vector<16xi32>
    %eq3A_1515 = arith.cmpi eq, %iota3A, %eq3A_1514 : vector<16xi32>
    %reduce_sum3A_1516 = arith.constant true
    %reduce_sum3A_1517 = vector.broadcast %reduce_sum3A_1516 : i1 to vector<16xi1>
    %reduce_sum3A_1518 = tpu.scan <sum>, %scan3A_1492#1 masked %reduce_sum3A_1517 : vector<16xi32>, vector<16xi1> -> vector<16xi32>
    %reduce_sum3A_1519 = vector.extract %reduce_sum3A_1518[15] : i32 from vector<16xi32>
    %broadcast_in_dim3A_1520 = vector.broadcast %reduce_sum3A_1519 : i32 to vector<16xi32>
    %select_n3A_1521 = arith.select %eq3A_1515, %broadcast_in_dim3A_1520, %select_n3A_1506 : vector<16xi1>, vector<16xi32>
    %reduce_sum3A_1522 = arith.constant true
    %reduce_sum3A_1523 = vector.broadcast %reduce_sum3A_1522 : i1 to vector<16xi1>
    %reduce_sum3A_1524 = tpu.scan <sum>, %scan3A_1492#17 masked %reduce_sum3A_1523 : vector<16xi32>, vector<16xi1> -> vector<16xi32>
    %reduce_sum3A_1525 = vector.extract %reduce_sum3A_1524[15] : i32 from vector<16xi32>
    %broadcast_in_dim3A_1526 = vector.broadcast %reduce_sum3A_1525 : i32 to vector<16xi32>
    %select_n3A_1527 = arith.select %eq3A_1515, %broadcast_in_dim3A_1526, %select_n3A_1512 : vector<16xi1>, vector<16xi32>
    %eq3A_1528 = arith.constant 2 : i32
    %eq3A_1529 = vector.broadcast %eq3A_1528 : i32 to vector<16xi32>
    %eq3A_1530 = arith.cmpi eq, %iota3A, %eq3A_1529 : vector<16xi32>
    %reduce_sum3A_1531 = arith.constant true
    %reduce_sum3A_1532 = vector.broadcast %reduce_sum3A_1531 : i1 to vector<16xi1>
    %reduce_sum3A_1533 = tpu.scan <sum>, %scan3A_1492#2 masked %reduce_sum3A_1532 : vector<16xi32>, vector<16xi1> -> vector<16xi32>
    %reduce_sum3A_1534 = vector.extract %reduce_sum3A_1533[15] : i32 from vector<16xi32>
    %broadcast_in_dim3A_1535 = vector.broadcast %reduce_sum3A_1534 : i32 to vector<16xi32>
    %select_n3A_1536 = arith.select %eq3A_1530, %broadcast_in_dim3A_1535, %select_n3A_1521 : vector<16xi1>, vector<16xi32>
    %reduce_sum3A_1537 = arith.constant true
    %reduce_sum3A_1538 = vector.broadcast %reduce_sum3A_1537 : i1 to vector<16xi1>
    %reduce_sum3A_1539 = tpu.scan <sum>, %scan3A_1492#18 masked %reduce_sum3A_1538 : vector<16xi32>, vector<16xi1> -> vector<16xi32>
    %reduce_sum3A_1540 = vector.extract %reduce_sum3A_1539[15] : i32 from vector<16xi32>
    %broadcast_in_dim3A_1541 = vector.broadcast %reduce_sum3A_1540 : i32 to vector<16xi32>
    %select_n3A_1542 = arith.select %eq3A_1530, %broadcast_in_dim3A_1541, %select_n3A_1527 : vector<16xi1>, vector<16xi32>
    %eq3A_1543 = arith.constant 3 : i32
    %eq3A_1544 = vector.broadcast %eq3A_1543 : i32 to vector<16xi32>
    %eq3A_1545 = arith.cmpi eq, %iota3A, %eq3A_1544 : vector<16xi32>
    %reduce_sum3A_1546 = arith.constant true
    %reduce_sum3A_1547 = vector.broadcast %reduce_sum3A_1546 : i1 to vector<16xi1>
    %reduce_sum3A_1548 = tpu.scan <sum>, %scan3A_1492#3 masked %reduce_sum3A_1547 : vector<16xi32>, vector<16xi1> -> vector<16xi32>
    %reduce_sum3A_1549 = vector.extract %reduce_sum3A_1548[15] : i32 from vector<16xi32>
    %broadcast_in_dim3A_1550 = vector.broadcast %reduce_sum3A_1549 : i32 to vector<16xi32>
    %select_n3A_1551 = arith.select %eq3A_1545, %broadcast_in_dim3A_1550, %select_n3A_1536 : vector<16xi1>, vector<16xi32>
    %reduce_sum3A_1552 = arith.constant true
    %reduce_sum3A_1553 = vector.broadcast %reduce_sum3A_1552 : i1 to vector<16xi1>
    %reduce_sum3A_1554 = tpu.scan <sum>, %scan3A_1492#19 masked %reduce_sum3A_1553 : vector<16xi32>, vector<16xi1> -> vector<16xi32>
    %reduce_sum3A_1555 = vector.extract %reduce_sum3A_1554[15] : i32 from vector<16xi32>
    %broadcast_in_dim3A_1556 = vector.broadcast %reduce_sum3A_1555 : i32 to vector<16xi32>
    %select_n3A_1557 = arith.select %eq3A_1545, %broadcast_in_dim3A_1556, %select_n3A_1542 : vector<16xi1>, vector<16xi32>
    %eq3A_1558 = arith.constant 4 : i32
    %eq3A_1559 = vector.broadcast %eq3A_1558 : i32 to vector<16xi32>
    %eq3A_1560 = arith.cmpi eq, %iota3A, %eq3A_1559 : vector<16xi32>
    %reduce_sum3A_1561 = arith.constant true
    %reduce_sum3A_1562 = vector.broadcast %reduce_sum3A_1561 : i1 to vector<16xi1>
    %reduce_sum3A_1563 = tpu.scan <sum>, %scan3A_1492#4 masked %reduce_sum3A_1562 : vector<16xi32>, vector<16xi1> -> vector<16xi32>
    %reduce_sum3A_1564 = vector.extract %reduce_sum3A_1563[15] : i32 from vector<16xi32>
    %broadcast_in_dim3A_1565 = vector.broadcast %reduce_sum3A_1564 : i32 to vector<16xi32>
    %select_n3A_1566 = arith.select %eq3A_1560, %broadcast_in_dim3A_1565, %select_n3A_1551 : vector<16xi1>, vector<16xi32>
    %reduce_sum3A_1567 = arith.constant true
    %reduce_sum3A_1568 = vector.broadcast %reduce_sum3A_1567 : i1 to vector<16xi1>
    %reduce_sum3A_1569 = tpu.scan <sum>, %scan3A_1492#20 masked %reduce_sum3A_1568 : vector<16xi32>, vector<16xi1> -> vector<16xi32>
    %reduce_sum3A_1570 = vector.extract %reduce_sum3A_1569[15] : i32 from vector<16xi32>
    %broadcast_in_dim3A_1571 = vector.broadcast %reduce_sum3A_1570 : i32 to vector<16xi32>
    %select_n3A_1572 = arith.select %eq3A_1560, %broadcast_in_dim3A_1571, %select_n3A_1557 : vector<16xi1>, vector<16xi32>
    %eq3A_1573 = arith.constant 5 : i32
    %eq3A_1574 = vector.broadcast %eq3A_1573 : i32 to vector<16xi32>
    %eq3A_1575 = arith.cmpi eq, %iota3A, %eq3A_1574 : vector<16xi32>
    %reduce_sum3A_1576 = arith.constant true
    %reduce_sum3A_1577 = vector.broadcast %reduce_sum3A_1576 : i1 to vector<16xi1>
    %reduce_sum3A_1578 = tpu.scan <sum>, %scan3A_1492#5 masked %reduce_sum3A_1577 : vector<16xi32>, vector<16xi1> -> vector<16xi32>
    %reduce_sum3A_1579 = vector.extract %reduce_sum3A_1578[15] : i32 from vector<16xi32>
    %broadcast_in_dim3A_1580 = vector.broadcast %reduce_sum3A_1579 : i32 to vector<16xi32>
    %select_n3A_1581 = arith.select %eq3A_1575, %broadcast_in_dim3A_1580, %select_n3A_1566 : vector<16xi1>, vector<16xi32>
    %reduce_sum3A_1582 = arith.constant true
    %reduce_sum3A_1583 = vector.broadcast %reduce_sum3A_1582 : i1 to vector<16xi1>
    %reduce_sum3A_1584 = tpu.scan <sum>, %scan3A_1492#21 masked %reduce_sum3A_1583 : vector<16xi32>, vector<16xi1> -> vector<16xi32>
    %reduce_sum3A_1585 = vector.extract %reduce_sum3A_1584[15] : i32 from vector<16xi32>
    %broadcast_in_dim3A_1586 = vector.broadcast %reduce_sum3A_1585 : i32 to vector<16xi32>
    %select_n3A_1587 = arith.select %eq3A_1575, %broadcast_in_dim3A_1586, %select_n3A_1572 : vector<16xi1>, vector<16xi32>
    %eq3A_1588 = arith.constant 6 : i32
    %eq3A_1589 = vector.broadcast %eq3A_1588 : i32 to vector<16xi32>
    %eq3A_1590 = arith.cmpi eq, %iota3A, %eq3A_1589 : vector<16xi32>
    %reduce_sum3A_1591 = arith.constant true
    %reduce_sum3A_1592 = vector.broadcast %reduce_sum3A_1591 : i1 to vector<16xi1>
    %reduce_sum3A_1593 = tpu.scan <sum>, %scan3A_1492#6 masked %reduce_sum3A_1592 : vector<16xi32>, vector<16xi1> -> vector<16xi32>
    %reduce_sum3A_1594 = vector.extract %reduce_sum3A_1593[15] : i32 from vector<16xi32>
    %broadcast_in_dim3A_1595 = vector.broadcast %reduce_sum3A_1594 : i32 to vector<16xi32>
    %select_n3A_1596 = arith.select %eq3A_1590, %broadcast_in_dim3A_1595, %select_n3A_1581 : vector<16xi1>, vector<16xi32>
    %reduce_sum3A_1597 = arith.constant true
    %reduce_sum3A_1598 = vector.broadcast %reduce_sum3A_1597 : i1 to vector<16xi1>
    %reduce_sum3A_1599 = tpu.scan <sum>, %scan3A_1492#22 masked %reduce_sum3A_1598 : vector<16xi32>, vector<16xi1> -> vector<16xi32>
    %reduce_sum3A_1600 = vector.extract %reduce_sum3A_1599[15] : i32 from vector<16xi32>
    %broadcast_in_dim3A_1601 = vector.broadcast %reduce_sum3A_1600 : i32 to vector<16xi32>
    %select_n3A_1602 = arith.select %eq3A_1590, %broadcast_in_dim3A_1601, %select_n3A_1587 : vector<16xi1>, vector<16xi32>
    %eq3A_1603 = arith.constant 7 : i32
    %eq3A_1604 = vector.broadcast %eq3A_1603 : i32 to vector<16xi32>
    %eq3A_1605 = arith.cmpi eq, %iota3A, %eq3A_1604 : vector<16xi32>
    %reduce_sum3A_1606 = arith.constant true
    %reduce_sum3A_1607 = vector.broadcast %reduce_sum3A_1606 : i1 to vector<16xi1>
    %reduce_sum3A_1608 = tpu.scan <sum>, %scan3A_1492#7 masked %reduce_sum3A_1607 : vector<16xi32>, vector<16xi1> -> vector<16xi32>
    %reduce_sum3A_1609 = vector.extract %reduce_sum3A_1608[15] : i32 from vector<16xi32>
    %broadcast_in_dim3A_1610 = vector.broadcast %reduce_sum3A_1609 : i32 to vector<16xi32>
    %select_n3A_1611 = arith.select %eq3A_1605, %broadcast_in_dim3A_1610, %select_n3A_1596 : vector<16xi1>, vector<16xi32>
    %reduce_sum3A_1612 = arith.constant true
    %reduce_sum3A_1613 = vector.broadcast %reduce_sum3A_1612 : i1 to vector<16xi1>
    %reduce_sum3A_1614 = tpu.scan <sum>, %scan3A_1492#23 masked %reduce_sum3A_1613 : vector<16xi32>, vector<16xi1> -> vector<16xi32>
    %reduce_sum3A_1615 = vector.extract %reduce_sum3A_1614[15] : i32 from vector<16xi32>
    %broadcast_in_dim3A_1616 = vector.broadcast %reduce_sum3A_1615 : i32 to vector<16xi32>
    %select_n3A_1617 = arith.select %eq3A_1605, %broadcast_in_dim3A_1616, %select_n3A_1602 : vector<16xi1>, vector<16xi32>
    %eq3A_1618 = arith.constant 8 : i32
    %eq3A_1619 = vector.broadcast %eq3A_1618 : i32 to vector<16xi32>
    %eq3A_1620 = arith.cmpi eq, %iota3A, %eq3A_1619 : vector<16xi32>
    %reduce_sum3A_1621 = arith.constant true
    %reduce_sum3A_1622 = vector.broadcast %reduce_sum3A_1621 : i1 to vector<16xi1>
    %reduce_sum3A_1623 = tpu.scan <sum>, %scan3A_1492#8 masked %reduce_sum3A_1622 : vector<16xi32>, vector<16xi1> -> vector<16xi32>
    %reduce_sum3A_1624 = vector.extract %reduce_sum3A_1623[15] : i32 from vector<16xi32>
    %broadcast_in_dim3A_1625 = vector.broadcast %reduce_sum3A_1624 : i32 to vector<16xi32>
    %select_n3A_1626 = arith.select %eq3A_1620, %broadcast_in_dim3A_1625, %select_n3A_1611 : vector<16xi1>, vector<16xi32>
    %reduce_sum3A_1627 = arith.constant true
    %reduce_sum3A_1628 = vector.broadcast %reduce_sum3A_1627 : i1 to vector<16xi1>
    %reduce_sum3A_1629 = tpu.scan <sum>, %scan3A_1492#24 masked %reduce_sum3A_1628 : vector<16xi32>, vector<16xi1> -> vector<16xi32>
    %reduce_sum3A_1630 = vector.extract %reduce_sum3A_1629[15] : i32 from vector<16xi32>
    %broadcast_in_dim3A_1631 = vector.broadcast %reduce_sum3A_1630 : i32 to vector<16xi32>
    %select_n3A_1632 = arith.select %eq3A_1620, %broadcast_in_dim3A_1631, %select_n3A_1617 : vector<16xi1>, vector<16xi32>
    %eq3A_1633 = arith.constant 9 : i32
    %eq3A_1634 = vector.broadcast %eq3A_1633 : i32 to vector<16xi32>
    %eq3A_1635 = arith.cmpi eq, %iota3A, %eq3A_1634 : vector<16xi32>
    %reduce_sum3A_1636 = arith.constant true
    %reduce_sum3A_1637 = vector.broadcast %reduce_sum3A_1636 : i1 to vector<16xi1>
    %reduce_sum3A_1638 = tpu.scan <sum>, %scan3A_1492#9 masked %reduce_sum3A_1637 : vector<16xi32>, vector<16xi1> -> vector<16xi32>
    %reduce_sum3A_1639 = vector.extract %reduce_sum3A_1638[15] : i32 from vector<16xi32>
    %broadcast_in_dim3A_1640 = vector.broadcast %reduce_sum3A_1639 : i32 to vector<16xi32>
    %select_n3A_1641 = arith.select %eq3A_1635, %broadcast_in_dim3A_1640, %select_n3A_1626 : vector<16xi1>, vector<16xi32>
    %reduce_sum3A_1642 = arith.constant true
    %reduce_sum3A_1643 = vector.broadcast %reduce_sum3A_1642 : i1 to vector<16xi1>
    %reduce_sum3A_1644 = tpu.scan <sum>, %scan3A_1492#25 masked %reduce_sum3A_1643 : vector<16xi32>, vector<16xi1> -> vector<16xi32>
    %reduce_sum3A_1645 = vector.extract %reduce_sum3A_1644[15] : i32 from vector<16xi32>
    %broadcast_in_dim3A_1646 = vector.broadcast %reduce_sum3A_1645 : i32 to vector<16xi32>
    %select_n3A_1647 = arith.select %eq3A_1635, %broadcast_in_dim3A_1646, %select_n3A_1632 : vector<16xi1>, vector<16xi32>
    %eq3A_1648 = arith.constant 10 : i32
    %eq3A_1649 = vector.broadcast %eq3A_1648 : i32 to vector<16xi32>
    %eq3A_1650 = arith.cmpi eq, %iota3A, %eq3A_1649 : vector<16xi32>
    %reduce_sum3A_1651 = arith.constant true
    %reduce_sum3A_1652 = vector.broadcast %reduce_sum3A_1651 : i1 to vector<16xi1>
    %reduce_sum3A_1653 = tpu.scan <sum>, %scan3A_1492#10 masked %reduce_sum3A_1652 : vector<16xi32>, vector<16xi1> -> vector<16xi32>
    %reduce_sum3A_1654 = vector.extract %reduce_sum3A_1653[15] : i32 from vector<16xi32>
    %broadcast_in_dim3A_1655 = vector.broadcast %reduce_sum3A_1654 : i32 to vector<16xi32>
    %select_n3A_1656 = arith.select %eq3A_1650, %broadcast_in_dim3A_1655, %select_n3A_1641 : vector<16xi1>, vector<16xi32>
    %reduce_sum3A_1657 = arith.constant true
    %reduce_sum3A_1658 = vector.broadcast %reduce_sum3A_1657 : i1 to vector<16xi1>
    %reduce_sum3A_1659 = tpu.scan <sum>, %scan3A_1492#26 masked %reduce_sum3A_1658 : vector<16xi32>, vector<16xi1> -> vector<16xi32>
    %reduce_sum3A_1660 = vector.extract %reduce_sum3A_1659[15] : i32 from vector<16xi32>
    %broadcast_in_dim3A_1661 = vector.broadcast %reduce_sum3A_1660 : i32 to vector<16xi32>
    %select_n3A_1662 = arith.select %eq3A_1650, %broadcast_in_dim3A_1661, %select_n3A_1647 : vector<16xi1>, vector<16xi32>
    %eq3A_1663 = arith.constant 11 : i32
    %eq3A_1664 = vector.broadcast %eq3A_1663 : i32 to vector<16xi32>
    %eq3A_1665 = arith.cmpi eq, %iota3A, %eq3A_1664 : vector<16xi32>
    %reduce_sum3A_1666 = arith.constant true
    %reduce_sum3A_1667 = vector.broadcast %reduce_sum3A_1666 : i1 to vector<16xi1>
    %reduce_sum3A_1668 = tpu.scan <sum>, %scan3A_1492#11 masked %reduce_sum3A_1667 : vector<16xi32>, vector<16xi1> -> vector<16xi32>
    %reduce_sum3A_1669 = vector.extract %reduce_sum3A_1668[15] : i32 from vector<16xi32>
    %broadcast_in_dim3A_1670 = vector.broadcast %reduce_sum3A_1669 : i32 to vector<16xi32>
    %select_n3A_1671 = arith.select %eq3A_1665, %broadcast_in_dim3A_1670, %select_n3A_1656 : vector<16xi1>, vector<16xi32>
    %reduce_sum3A_1672 = arith.constant true
    %reduce_sum3A_1673 = vector.broadcast %reduce_sum3A_1672 : i1 to vector<16xi1>
    %reduce_sum3A_1674 = tpu.scan <sum>, %scan3A_1492#27 masked %reduce_sum3A_1673 : vector<16xi32>, vector<16xi1> -> vector<16xi32>
    %reduce_sum3A_1675 = vector.extract %reduce_sum3A_1674[15] : i32 from vector<16xi32>
    %broadcast_in_dim3A_1676 = vector.broadcast %reduce_sum3A_1675 : i32 to vector<16xi32>
    %select_n3A_1677 = arith.select %eq3A_1665, %broadcast_in_dim3A_1676, %select_n3A_1662 : vector<16xi1>, vector<16xi32>
    %eq3A_1678 = arith.constant 12 : i32
    %eq3A_1679 = vector.broadcast %eq3A_1678 : i32 to vector<16xi32>
    %eq3A_1680 = arith.cmpi eq, %iota3A, %eq3A_1679 : vector<16xi32>
    %reduce_sum3A_1681 = arith.constant true
    %reduce_sum3A_1682 = vector.broadcast %reduce_sum3A_1681 : i1 to vector<16xi1>
    %reduce_sum3A_1683 = tpu.scan <sum>, %scan3A_1492#12 masked %reduce_sum3A_1682 : vector<16xi32>, vector<16xi1> -> vector<16xi32>
    %reduce_sum3A_1684 = vector.extract %reduce_sum3A_1683[15] : i32 from vector<16xi32>
    %broadcast_in_dim3A_1685 = vector.broadcast %reduce_sum3A_1684 : i32 to vector<16xi32>
    %select_n3A_1686 = arith.select %eq3A_1680, %broadcast_in_dim3A_1685, %select_n3A_1671 : vector<16xi1>, vector<16xi32>
    %reduce_sum3A_1687 = arith.constant true
    %reduce_sum3A_1688 = vector.broadcast %reduce_sum3A_1687 : i1 to vector<16xi1>
    %reduce_sum3A_1689 = tpu.scan <sum>, %scan3A_1492#28 masked %reduce_sum3A_1688 : vector<16xi32>, vector<16xi1> -> vector<16xi32>
    %reduce_sum3A_1690 = vector.extract %reduce_sum3A_1689[15] : i32 from vector<16xi32>
    %broadcast_in_dim3A_1691 = vector.broadcast %reduce_sum3A_1690 : i32 to vector<16xi32>
    %select_n3A_1692 = arith.select %eq3A_1680, %broadcast_in_dim3A_1691, %select_n3A_1677 : vector<16xi1>, vector<16xi32>
    %eq3A_1693 = arith.constant 13 : i32
    %eq3A_1694 = vector.broadcast %eq3A_1693 : i32 to vector<16xi32>
    %eq3A_1695 = arith.cmpi eq, %iota3A, %eq3A_1694 : vector<16xi32>
    %reduce_sum3A_1696 = arith.constant true
    %reduce_sum3A_1697 = vector.broadcast %reduce_sum3A_1696 : i1 to vector<16xi1>
    %reduce_sum3A_1698 = tpu.scan <sum>, %scan3A_1492#13 masked %reduce_sum3A_1697 : vector<16xi32>, vector<16xi1> -> vector<16xi32>
    %reduce_sum3A_1699 = vector.extract %reduce_sum3A_1698[15] : i32 from vector<16xi32>
    %broadcast_in_dim3A_1700 = vector.broadcast %reduce_sum3A_1699 : i32 to vector<16xi32>
    %select_n3A_1701 = arith.select %eq3A_1695, %broadcast_in_dim3A_1700, %select_n3A_1686 : vector<16xi1>, vector<16xi32>
    %reduce_sum3A_1702 = arith.constant true
    %reduce_sum3A_1703 = vector.broadcast %reduce_sum3A_1702 : i1 to vector<16xi1>
    %reduce_sum3A_1704 = tpu.scan <sum>, %scan3A_1492#29 masked %reduce_sum3A_1703 : vector<16xi32>, vector<16xi1> -> vector<16xi32>
    %reduce_sum3A_1705 = vector.extract %reduce_sum3A_1704[15] : i32 from vector<16xi32>
    %broadcast_in_dim3A_1706 = vector.broadcast %reduce_sum3A_1705 : i32 to vector<16xi32>
    %select_n3A_1707 = arith.select %eq3A_1695, %broadcast_in_dim3A_1706, %select_n3A_1692 : vector<16xi1>, vector<16xi32>
    %eq3A_1708 = arith.constant 14 : i32
    %eq3A_1709 = vector.broadcast %eq3A_1708 : i32 to vector<16xi32>
    %eq3A_1710 = arith.cmpi eq, %iota3A, %eq3A_1709 : vector<16xi32>
    %reduce_sum3A_1711 = arith.constant true
    %reduce_sum3A_1712 = vector.broadcast %reduce_sum3A_1711 : i1 to vector<16xi1>
    %reduce_sum3A_1713 = tpu.scan <sum>, %scan3A_1492#14 masked %reduce_sum3A_1712 : vector<16xi32>, vector<16xi1> -> vector<16xi32>
    %reduce_sum3A_1714 = vector.extract %reduce_sum3A_1713[15] : i32 from vector<16xi32>
    %broadcast_in_dim3A_1715 = vector.broadcast %reduce_sum3A_1714 : i32 to vector<16xi32>
    %select_n3A_1716 = arith.select %eq3A_1710, %broadcast_in_dim3A_1715, %select_n3A_1701 : vector<16xi1>, vector<16xi32>
    %reduce_sum3A_1717 = arith.constant true
    %reduce_sum3A_1718 = vector.broadcast %reduce_sum3A_1717 : i1 to vector<16xi1>
    %reduce_sum3A_1719 = tpu.scan <sum>, %scan3A_1492#30 masked %reduce_sum3A_1718 : vector<16xi32>, vector<16xi1> -> vector<16xi32>
    %reduce_sum3A_1720 = vector.extract %reduce_sum3A_1719[15] : i32 from vector<16xi32>
    %broadcast_in_dim3A_1721 = vector.broadcast %reduce_sum3A_1720 : i32 to vector<16xi32>
    %select_n3A_1722 = arith.select %eq3A_1710, %broadcast_in_dim3A_1721, %select_n3A_1707 : vector<16xi1>, vector<16xi32>
    %eq3A_1723 = arith.constant 15 : i32
    %eq3A_1724 = vector.broadcast %eq3A_1723 : i32 to vector<16xi32>
    %eq3A_1725 = arith.cmpi eq, %iota3A, %eq3A_1724 : vector<16xi32>
    %reduce_sum3A_1726 = arith.constant true
    %reduce_sum3A_1727 = vector.broadcast %reduce_sum3A_1726 : i1 to vector<16xi1>
    %reduce_sum3A_1728 = tpu.scan <sum>, %scan3A_1492#15 masked %reduce_sum3A_1727 : vector<16xi32>, vector<16xi1> -> vector<16xi32>
    %reduce_sum3A_1729 = vector.extract %reduce_sum3A_1728[15] : i32 from vector<16xi32>
    %broadcast_in_dim3A_1730 = vector.broadcast %reduce_sum3A_1729 : i32 to vector<16xi32>
    %select_n3A_1731 = arith.select %eq3A_1725, %broadcast_in_dim3A_1730, %select_n3A_1716 : vector<16xi1>, vector<16xi32>
    %reduce_sum3A_1732 = arith.constant true
    %reduce_sum3A_1733 = vector.broadcast %reduce_sum3A_1732 : i1 to vector<16xi1>
    %reduce_sum3A_1734 = tpu.scan <sum>, %scan3A_1492#31 masked %reduce_sum3A_1733 : vector<16xi32>, vector<16xi1> -> vector<16xi32>
    %reduce_sum3A_1735 = vector.extract %reduce_sum3A_1734[15] : i32 from vector<16xi32>
    %broadcast_in_dim3A_1736 = vector.broadcast %reduce_sum3A_1735 : i32 to vector<16xi32>
    %select_n3A_1737 = arith.select %eq3A_1725, %broadcast_in_dim3A_1736, %select_n3A_1722 : vector<16xi1>, vector<16xi32>
    %convert_element_type3A_1738 = arith.sitofp %select_n3A_1731 : vector<16xi32> to vector<16xf32>
    %convert_element_type3A_1739 = arith.sitofp %select_n3A_1737 : vector<16xi32> to vector<16xf32>
    %sub3A_1740 = arith.subf %convert_element_type3A_1738, %convert_element_type3A_1739 : vector<16xf32>
    %sub3A_1741 = arith.subf %sub3A_1740, %convert_element_type3A_1739 : vector<16xf32>
    %sub3A_1742 = arith.subf %broadcast_in_dim3A_10, %convert_element_type3A_1738 : vector<16xf32>
    %add3A_1743 = arith.addf %sub3A_1742, %convert_element_type3A_1739 : vector<16xf32>
    %mul3A_1744 = arith.mulf %add3A_1743, %broadcast_in_dim3A_6 : vector<16xf32>
    %mul3A_1745 = arith.mulf %sub3A_1741, %broadcast_in_dim3A_6 : vector<16xf32>
    %mul3A_1746 = arith.mulf %convert_element_type3A_1739, %broadcast_in_dim3A_6 : vector<16xf32>
    %mul3A_1747 = arith.mulf %mul3A_1744, %get3A_17 : vector<16xf32>
    %mul3A_1748 = arith.mulf %mul3A_1745, %get3A_21 : vector<16xf32>
    %add3A_1749 = arith.addf %mul3A_1747, %mul3A_1748 : vector<16xf32>
    %mul3A_1750 = arith.mulf %mul3A_1746, %get3A_25 : vector<16xf32>
    %add3A_1751 = arith.addf %add3A_1749, %mul3A_1750 : vector<16xf32>
    %add3A_1752 = arith.addf %mul3A_1744, %mul3A_1744 : vector<16xf32>
    %neg3A_1753 = arith.constant 0.000000e+00 : f32
    %neg3A_1754 = vector.broadcast %neg3A_1753 : f32 to vector<16xf32>
    %neg3A_1755 = arith.subf %neg3A_1754, %add3A_1752 : vector<16xf32>
    %exp3A_1756 = math.exp %neg3A_1755 : vector<16xf32>
    %add3A_1757 = arith.addf %broadcast_in_dim3A_8, %exp3A_1756 : vector<16xf32>
    %div3A_1758 = arith.divf %broadcast_in_dim3A_8, %add3A_1757 : vector<16xf32>
    %add3A_1759 = arith.addf %broadcast_in_dim3A_8, %div3A_1758 : vector<16xf32>
    %mul3A_1760 = arith.mulf %add3A_1751, %add3A_1759 : vector<16xf32>
    %neg3A_1761 = arith.constant 0.000000e+00 : f32
    %neg3A_1762 = vector.broadcast %neg3A_1761 : f32 to vector<16xf32>
    %neg3A_1763 = arith.subf %neg3A_1762, %mul3A_1760 : vector<16xf32>
    %exp3A_1764 = math.exp %neg3A_1763 : vector<16xf32>
    %add3A_1765 = arith.addf %broadcast_in_dim3A_8, %exp3A_1764 : vector<16xf32>
    %div3A_1766 = arith.divf %broadcast_in_dim3A_8, %add3A_1765 : vector<16xf32>
    %max3A_1767 = arith.maximumf %div3A_1766, %broadcast_in_dim3A_12 : vector<16xf32>
    %min3A_1768 = arith.minimumf %max3A_1767, %broadcast_in_dim3A_14 : vector<16xf32>
    %swap3A_1769 = arith.constant 80 : index
    %swap3A_1770 = tpu.vector_load %arg8[%swap3A_1769] {strides = array<i32>} : memref<128xf32, #tpu.memory_space<vmem>>, vector<16xf32>,
    tpu.vector_store %arg8[%swap3A_1769], %min3A_1768 {strides = array<i32>} : memref<128xf32, #tpu.memory_space<vmem>>, vector<16xf32>,
    %dma_wait3A_1771 = tpu.memref_slice %arg2[%mul3A_1483] : memref<16777216xi32, #tpu.memory_space<hbm>> -> memref<32768xi32, #tpu.memory_space<hbm>>
    %dma_wait3A_1772 = tpu.memref_slice %arg2[%mul3A_1483] : memref<16777216xi32, #tpu.memory_space<hbm>> -> memref<32768xi32, #tpu.memory_space<hbm>>
    tpu.wait_dma2 semaphore(%arg9 : memref<!tpu.dma_semaphore, #tpu.memory_space<semaphore_mem>>) src(%dma_wait3A_1772 : memref<32768xi32, #tpu.memory_space<hbm>>) dst(%arg5 : memref<32768xi32, #tpu.memory_space<vmem>>)
    %add3A_1773 = arith.constant 112 : i32
    %add3A_1774 = arith.addi %mul3A_2, %add3A_1773 : i32
    %mul3A_1775 = arith.constant 2048 : i32
    %mul3A_1776 = arith.muli %add3A_1774, %mul3A_1775 : i32
    %dma_start3A_1777 = tpu.memref_slice %arg2[%mul3A_1776] : memref<16777216xi32, #tpu.memory_space<hbm>> -> memref<32768xi32, #tpu.memory_space<hbm>>
    %dma_start3A_1778 = tpu.memref_slice %arg2[%mul3A_1776] : memref<16777216xi32, #tpu.memory_space<hbm>> -> memref<32768xi32, #tpu.memory_space<hbm>>
    tpu.enqueue_dma source(%dma_start3A_1778 : memref<32768xi32, #tpu.memory_space<hbm>>) target(%arg6 : memref<32768xi32, #tpu.memory_space<vmem>>) target_semaphore(%arg10 : memref<!tpu.dma_semaphore, #tpu.memory_space<semaphore_mem>>)
    %broadcast_in_dim3A_1779 = arith.constant 0 : i32
    %broadcast_in_dim3A_1780 = vector.broadcast %broadcast_in_dim3A_1779 : i32 to vector<16xi32>
    %scan3A_1781 = arith.constant 0 : i32
    %scan3A_1782 = arith.constant 128 : i32
    %scan3A_1783 = arith.addi %scan3A_1781, %scan3A_1782 : i32
    %scan3A_1784 = arith.constant 1 : i32
    %scan3A_1785:32 = scf.for %scan3A_2351 = %scan3A_1781 to %scan3A_1783 step %scan3A_1784 iter_args(%scan3A_2352 = %broadcast_in_dim3A_1780, %scan3A_2353 = %broadcast_in_dim3A_1780, %scan3A_2354 = %broadcast_in_dim3A_1780, %scan3A_2355 = %broadcast_in_dim3A_1780, %scan3A_2356 = %broadcast_in_dim3A_1780, %scan3A_2357 = %broadcast_in_dim3A_1780, %scan3A_2358 = %broadcast_in_dim3A_1780, %scan3A_2359 = %broadcast_in_dim3A_1780, %scan3A_2360 = %broadcast_in_dim3A_1780, %scan3A_2361 = %broadcast_in_dim3A_1780, %scan3A_2362 = %broadcast_in_dim3A_1780, %scan3A_2363 = %broadcast_in_dim3A_1780, %scan3A_2364 = %broadcast_in_dim3A_1780, %scan3A_2365 = %broadcast_in_dim3A_1780, %scan3A_2366 = %broadcast_in_dim3A_1780, %scan3A_2367 = %broadcast_in_dim3A_1780, %scan3A_2368 = %broadcast_in_dim3A_1780, %scan3A_2369 = %broadcast_in_dim3A_1780, %scan3A_2370 = %broadcast_in_dim3A_1780, %scan3A_2371 = %broadcast_in_dim3A_1780, %scan3A_2372 = %broadcast_in_dim3A_1780, %scan3A_2373 = %broadcast_in_dim3A_1780, %scan3A_2374 = %broadcast_in_dim3A_1780, %scan3A_2375 = %broadcast_in_dim3A_1780, %scan3A_2376 = %broadcast_in_dim3A_1780, %scan3A_2377 = %broadcast_in_dim3A_1780, %scan3A_2378 = %broadcast_in_dim3A_1780, %scan3A_2379 = %broadcast_in_dim3A_1780, %scan3A_2380 = %broadcast_in_dim3A_1780, %scan3A_2381 = %broadcast_in_dim3A_1780, %scan3A_2382 = %broadcast_in_dim3A_1780, %scan3A_2383 = %broadcast_in_dim3A_1780) -> (vector<16xi32>, vector<16xi32>, vector<16xi32>, vector<16xi32>, vector<16xi32>, vector<16xi32>, vector<16xi32>, vector<16xi32>, vector<16xi32>, vector<16xi32>, vector<16xi32>, vector<16xi32>, vector<16xi32>, vector<16xi32>, vector<16xi32>, vector<16xi32>, vector<16xi32>, vector<16xi32>, vector<16xi32>, vector<16xi32>, vector<16xi32>, vector<16xi32>, vector<16xi32>, vector<16xi32>, vector<16xi32>, vector<16xi32>, vector<16xi32>, vector<16xi32>, vector<16xi32>, vector<16xi32>, vector<16xi32>, vector<16xi32>)  : i32 {
      %mul3A_2384 = arith.constant 16 : i32
      %mul3A_2385 = arith.muli %scan3A_2351, %mul3A_2384 : i32
      %add3A_2386 = arith.constant 0 : i32
      %add3A_2387 = arith.addi %mul3A_2385, %add3A_2386 : i32
      %get3A_2388 = arith.index_cast %add3A_2387 : i32 to index
      %get3A_2389 = tpu.vector_load %arg5[%get3A_2388] {strides = array<i32>} : memref<32768xi32, #tpu.memory_space<vmem>>, vector<16xi32>,
      %add3A_2390 = arith.addi %scan3A_2352, %get3A_2389 : vector<16xi32>
      %shift_right_arithmetic3A = arith.constant 1 : i32
      %shift_right_arithmetic3A_2391 = vector.broadcast %shift_right_arithmetic3A : i32 to vector<16xi32>
      %shift_right_arithmetic3A_2392 = arith.shrsi %get3A_2389, %shift_right_arithmetic3A_2391 : vector<16xi32>
      %add3A_2393 = arith.addi %scan3A_2368, %shift_right_arithmetic3A_2392 : vector<16xi32>
      %add3A_2394 = arith.constant 2048 : i32
      %add3A_2395 = arith.addi %mul3A_2385, %add3A_2394 : i32
      %get3A_2396 = arith.index_cast %add3A_2395 : i32 to index
      %get3A_2397 = tpu.vector_load %arg5[%get3A_2396] {strides = array<i32>} : memref<32768xi32, #tpu.memory_space<vmem>>, vector<16xi32>,
      %add3A_2398 = arith.addi %scan3A_2353, %get3A_2397 : vector<16xi32>
      %shift_right_arithmetic3A_2399 = arith.constant 1 : i32
      %shift_right_arithmetic3A_2400 = vector.broadcast %shift_right_arithmetic3A_2399 : i32 to vector<16xi32>
      %shift_right_arithmetic3A_2401 = arith.shrsi %get3A_2397, %shift_right_arithmetic3A_2400 : vector<16xi32>
      %add3A_2402 = arith.addi %scan3A_2369, %shift_right_arithmetic3A_2401 : vector<16xi32>
      %add3A_2403 = arith.constant 4096 : i32
      %add3A_2404 = arith.addi %mul3A_2385, %add3A_2403 : i32
      %get3A_2405 = arith.index_cast %add3A_2404 : i32 to index
      %get3A_2406 = tpu.vector_load %arg5[%get3A_2405] {strides = array<i32>} : memref<32768xi32, #tpu.memory_space<vmem>>, vector<16xi32>,
      %add3A_2407 = arith.addi %scan3A_2354, %get3A_2406 : vector<16xi32>
      %shift_right_arithmetic3A_2408 = arith.constant 1 : i32
      %shift_right_arithmetic3A_2409 = vector.broadcast %shift_right_arithmetic3A_2408 : i32 to vector<16xi32>
      %shift_right_arithmetic3A_2410 = arith.shrsi %get3A_2406, %shift_right_arithmetic3A_2409 : vector<16xi32>
      %add3A_2411 = arith.addi %scan3A_2370, %shift_right_arithmetic3A_2410 : vector<16xi32>
      %add3A_2412 = arith.constant 6144 : i32
      %add3A_2413 = arith.addi %mul3A_2385, %add3A_2412 : i32
      %get3A_2414 = arith.index_cast %add3A_2413 : i32 to index
      %get3A_2415 = tpu.vector_load %arg5[%get3A_2414] {strides = array<i32>} : memref<32768xi32, #tpu.memory_space<vmem>>, vector<16xi32>,
      %add3A_2416 = arith.addi %scan3A_2355, %get3A_2415 : vector<16xi32>
      %shift_right_arithmetic3A_2417 = arith.constant 1 : i32
      %shift_right_arithmetic3A_2418 = vector.broadcast %shift_right_arithmetic3A_2417 : i32 to vector<16xi32>
      %shift_right_arithmetic3A_2419 = arith.shrsi %get3A_2415, %shift_right_arithmetic3A_2418 : vector<16xi32>
      %add3A_2420 = arith.addi %scan3A_2371, %shift_right_arithmetic3A_2419 : vector<16xi32>
      %add3A_2421 = arith.constant 8192 : i32
      %add3A_2422 = arith.addi %mul3A_2385, %add3A_2421 : i32
      %get3A_2423 = arith.index_cast %add3A_2422 : i32 to index
      %get3A_2424 = tpu.vector_load %arg5[%get3A_2423] {strides = array<i32>} : memref<32768xi32, #tpu.memory_space<vmem>>, vector<16xi32>,
      %add3A_2425 = arith.addi %scan3A_2356, %get3A_2424 : vector<16xi32>
      %shift_right_arithmetic3A_2426 = arith.constant 1 : i32
      %shift_right_arithmetic3A_2427 = vector.broadcast %shift_right_arithmetic3A_2426 : i32 to vector<16xi32>
      %shift_right_arithmetic3A_2428 = arith.shrsi %get3A_2424, %shift_right_arithmetic3A_2427 : vector<16xi32>
      %add3A_2429 = arith.addi %scan3A_2372, %shift_right_arithmetic3A_2428 : vector<16xi32>
      %add3A_2430 = arith.constant 10240 : i32
      %add3A_2431 = arith.addi %mul3A_2385, %add3A_2430 : i32
      %get3A_2432 = arith.index_cast %add3A_2431 : i32 to index
      %get3A_2433 = tpu.vector_load %arg5[%get3A_2432] {strides = array<i32>} : memref<32768xi32, #tpu.memory_space<vmem>>, vector<16xi32>,
      %add3A_2434 = arith.addi %scan3A_2357, %get3A_2433 : vector<16xi32>
      %shift_right_arithmetic3A_2435 = arith.constant 1 : i32
      %shift_right_arithmetic3A_2436 = vector.broadcast %shift_right_arithmetic3A_2435 : i32 to vector<16xi32>
      %shift_right_arithmetic3A_2437 = arith.shrsi %get3A_2433, %shift_right_arithmetic3A_2436 : vector<16xi32>
      %add3A_2438 = arith.addi %scan3A_2373, %shift_right_arithmetic3A_2437 : vector<16xi32>
      %add3A_2439 = arith.constant 12288 : i32
      %add3A_2440 = arith.addi %mul3A_2385, %add3A_2439 : i32
      %get3A_2441 = arith.index_cast %add3A_2440 : i32 to index
      %get3A_2442 = tpu.vector_load %arg5[%get3A_2441] {strides = array<i32>} : memref<32768xi32, #tpu.memory_space<vmem>>, vector<16xi32>,
      %add3A_2443 = arith.addi %scan3A_2358, %get3A_2442 : vector<16xi32>
      %shift_right_arithmetic3A_2444 = arith.constant 1 : i32
      %shift_right_arithmetic3A_2445 = vector.broadcast %shift_right_arithmetic3A_2444 : i32 to vector<16xi32>
      %shift_right_arithmetic3A_2446 = arith.shrsi %get3A_2442, %shift_right_arithmetic3A_2445 : vector<16xi32>
      %add3A_2447 = arith.addi %scan3A_2374, %shift_right_arithmetic3A_2446 : vector<16xi32>
      %add3A_2448 = arith.constant 14336 : i32
      %add3A_2449 = arith.addi %mul3A_2385, %add3A_2448 : i32
      %get3A_2450 = arith.index_cast %add3A_2449 : i32 to index
      %get3A_2451 = tpu.vector_load %arg5[%get3A_2450] {strides = array<i32>} : memref<32768xi32, #tpu.memory_space<vmem>>, vector<16xi32>,
      %add3A_2452 = arith.addi %scan3A_2359, %get3A_2451 : vector<16xi32>
      %shift_right_arithmetic3A_2453 = arith.constant 1 : i32
      %shift_right_arithmetic3A_2454 = vector.broadcast %shift_right_arithmetic3A_2453 : i32 to vector<16xi32>
      %shift_right_arithmetic3A_2455 = arith.shrsi %get3A_2451, %shift_right_arithmetic3A_2454 : vector<16xi32>
      %add3A_2456 = arith.addi %scan3A_2375, %shift_right_arithmetic3A_2455 : vector<16xi32>
      %add3A_2457 = arith.constant 16384 : i32
      %add3A_2458 = arith.addi %mul3A_2385, %add3A_2457 : i32
      %get3A_2459 = arith.index_cast %add3A_2458 : i32 to index
      %get3A_2460 = tpu.vector_load %arg5[%get3A_2459] {strides = array<i32>} : memref<32768xi32, #tpu.memory_space<vmem>>, vector<16xi32>,
      %add3A_2461 = arith.addi %scan3A_2360, %get3A_2460 : vector<16xi32>
      %shift_right_arithmetic3A_2462 = arith.constant 1 : i32
      %shift_right_arithmetic3A_2463 = vector.broadcast %shift_right_arithmetic3A_2462 : i32 to vector<16xi32>
      %shift_right_arithmetic3A_2464 = arith.shrsi %get3A_2460, %shift_right_arithmetic3A_2463 : vector<16xi32>
      %add3A_2465 = arith.addi %scan3A_2376, %shift_right_arithmetic3A_2464 : vector<16xi32>
      %add3A_2466 = arith.constant 18432 : i32
      %add3A_2467 = arith.addi %mul3A_2385, %add3A_2466 : i32
      %get3A_2468 = arith.index_cast %add3A_2467 : i32 to index
      %get3A_2469 = tpu.vector_load %arg5[%get3A_2468] {strides = array<i32>} : memref<32768xi32, #tpu.memory_space<vmem>>, vector<16xi32>,
      %add3A_2470 = arith.addi %scan3A_2361, %get3A_2469 : vector<16xi32>
      %shift_right_arithmetic3A_2471 = arith.constant 1 : i32
      %shift_right_arithmetic3A_2472 = vector.broadcast %shift_right_arithmetic3A_2471 : i32 to vector<16xi32>
      %shift_right_arithmetic3A_2473 = arith.shrsi %get3A_2469, %shift_right_arithmetic3A_2472 : vector<16xi32>
      %add3A_2474 = arith.addi %scan3A_2377, %shift_right_arithmetic3A_2473 : vector<16xi32>
      %add3A_2475 = arith.constant 20480 : i32
      %add3A_2476 = arith.addi %mul3A_2385, %add3A_2475 : i32
      %get3A_2477 = arith.index_cast %add3A_2476 : i32 to index
      %get3A_2478 = tpu.vector_load %arg5[%get3A_2477] {strides = array<i32>} : memref<32768xi32, #tpu.memory_space<vmem>>, vector<16xi32>,
      %add3A_2479 = arith.addi %scan3A_2362, %get3A_2478 : vector<16xi32>
      %shift_right_arithmetic3A_2480 = arith.constant 1 : i32
      %shift_right_arithmetic3A_2481 = vector.broadcast %shift_right_arithmetic3A_2480 : i32 to vector<16xi32>
      %shift_right_arithmetic3A_2482 = arith.shrsi %get3A_2478, %shift_right_arithmetic3A_2481 : vector<16xi32>
      %add3A_2483 = arith.addi %scan3A_2378, %shift_right_arithmetic3A_2482 : vector<16xi32>
      %add3A_2484 = arith.constant 22528 : i32
      %add3A_2485 = arith.addi %mul3A_2385, %add3A_2484 : i32
      %get3A_2486 = arith.index_cast %add3A_2485 : i32 to index
      %get3A_2487 = tpu.vector_load %arg5[%get3A_2486] {strides = array<i32>} : memref<32768xi32, #tpu.memory_space<vmem>>, vector<16xi32>,
      %add3A_2488 = arith.addi %scan3A_2363, %get3A_2487 : vector<16xi32>
      %shift_right_arithmetic3A_2489 = arith.constant 1 : i32
      %shift_right_arithmetic3A_2490 = vector.broadcast %shift_right_arithmetic3A_2489 : i32 to vector<16xi32>
      %shift_right_arithmetic3A_2491 = arith.shrsi %get3A_2487, %shift_right_arithmetic3A_2490 : vector<16xi32>
      %add3A_2492 = arith.addi %scan3A_2379, %shift_right_arithmetic3A_2491 : vector<16xi32>
      %add3A_2493 = arith.constant 24576 : i32
      %add3A_2494 = arith.addi %mul3A_2385, %add3A_2493 : i32
      %get3A_2495 = arith.index_cast %add3A_2494 : i32 to index
      %get3A_2496 = tpu.vector_load %arg5[%get3A_2495] {strides = array<i32>} : memref<32768xi32, #tpu.memory_space<vmem>>, vector<16xi32>,
      %add3A_2497 = arith.addi %scan3A_2364, %get3A_2496 : vector<16xi32>
      %shift_right_arithmetic3A_2498 = arith.constant 1 : i32
      %shift_right_arithmetic3A_2499 = vector.broadcast %shift_right_arithmetic3A_2498 : i32 to vector<16xi32>
      %shift_right_arithmetic3A_2500 = arith.shrsi %get3A_2496, %shift_right_arithmetic3A_2499 : vector<16xi32>
      %add3A_2501 = arith.addi %scan3A_2380, %shift_right_arithmetic3A_2500 : vector<16xi32>
      %add3A_2502 = arith.constant 26624 : i32
      %add3A_2503 = arith.addi %mul3A_2385, %add3A_2502 : i32
      %get3A_2504 = arith.index_cast %add3A_2503 : i32 to index
      %get3A_2505 = tpu.vector_load %arg5[%get3A_2504] {strides = array<i32>} : memref<32768xi32, #tpu.memory_space<vmem>>, vector<16xi32>,
      %add3A_2506 = arith.addi %scan3A_2365, %get3A_2505 : vector<16xi32>
      %shift_right_arithmetic3A_2507 = arith.constant 1 : i32
      %shift_right_arithmetic3A_2508 = vector.broadcast %shift_right_arithmetic3A_2507 : i32 to vector<16xi32>
      %shift_right_arithmetic3A_2509 = arith.shrsi %get3A_2505, %shift_right_arithmetic3A_2508 : vector<16xi32>
      %add3A_2510 = arith.addi %scan3A_2381, %shift_right_arithmetic3A_2509 : vector<16xi32>
      %add3A_2511 = arith.constant 28672 : i32
      %add3A_2512 = arith.addi %mul3A_2385, %add3A_2511 : i32
      %get3A_2513 = arith.index_cast %add3A_2512 : i32 to index
      %get3A_2514 = tpu.vector_load %arg5[%get3A_2513] {strides = array<i32>} : memref<32768xi32, #tpu.memory_space<vmem>>, vector<16xi32>,
      %add3A_2515 = arith.addi %scan3A_2366, %get3A_2514 : vector<16xi32>
      %shift_right_arithmetic3A_2516 = arith.constant 1 : i32
      %shift_right_arithmetic3A_2517 = vector.broadcast %shift_right_arithmetic3A_2516 : i32 to vector<16xi32>
      %shift_right_arithmetic3A_2518 = arith.shrsi %get3A_2514, %shift_right_arithmetic3A_2517 : vector<16xi32>
      %add3A_2519 = arith.addi %scan3A_2382, %shift_right_arithmetic3A_2518 : vector<16xi32>
      %add3A_2520 = arith.constant 30720 : i32
      %add3A_2521 = arith.addi %mul3A_2385, %add3A_2520 : i32
      %get3A_2522 = arith.index_cast %add3A_2521 : i32 to index
      %get3A_2523 = tpu.vector_load %arg5[%get3A_2522] {strides = array<i32>} : memref<32768xi32, #tpu.memory_space<vmem>>, vector<16xi32>,
      %add3A_2524 = arith.addi %scan3A_2367, %get3A_2523 : vector<16xi32>
      %shift_right_arithmetic3A_2525 = arith.constant 1 : i32
      %shift_right_arithmetic3A_2526 = vector.broadcast %shift_right_arithmetic3A_2525 : i32 to vector<16xi32>
      %shift_right_arithmetic3A_2527 = arith.shrsi %get3A_2523, %shift_right_arithmetic3A_2526 : vector<16xi32>
      %add3A_2528 = arith.addi %scan3A_2383, %shift_right_arithmetic3A_2527 : vector<16xi32>
      scf.yield %add3A_2390, %add3A_2398, %add3A_2407, %add3A_2416, %add3A_2425, %add3A_2434, %add3A_2443, %add3A_2452, %add3A_2461, %add3A_2470, %add3A_2479, %add3A_2488, %add3A_2497, %add3A_2506, %add3A_2515, %add3A_2524, %add3A_2393, %add3A_2402, %add3A_2411, %add3A_2420, %add3A_2429, %add3A_2438, %add3A_2447, %add3A_2456, %add3A_2465, %add3A_2474, %add3A_2483, %add3A_2492, %add3A_2501, %add3A_2510, %add3A_2519, %add3A_2528 : vector<16xi32>, vector<16xi32>, vector<16xi32>, vector<16xi32>, vector<16xi32>, vector<16xi32>, vector<16xi32>, vector<16xi32>, vector<16xi32>, vector<16xi32>, vector<16xi32>, vector<16xi32>, vector<16xi32>, vector<16xi32>, vector<16xi32>, vector<16xi32>, vector<16xi32>, vector<16xi32>, vector<16xi32>, vector<16xi32>, vector<16xi32>, vector<16xi32>, vector<16xi32>, vector<16xi32>, vector<16xi32>, vector<16xi32>, vector<16xi32>, vector<16xi32>, vector<16xi32>, vector<16xi32>, vector<16xi32>, vector<16xi32>
    }
    %scan3A_1786 = arith.constant 128 : i32
    %broadcast_in_dim3A_1787 = arith.constant 0 : i32
    %broadcast_in_dim3A_1788 = vector.broadcast %broadcast_in_dim3A_1787 : i32 to vector<16xi32>
    %broadcast_in_dim3A_1789 = arith.constant 0 : i32
    %broadcast_in_dim3A_1790 = vector.broadcast %broadcast_in_dim3A_1789 : i32 to vector<16xi32>
    %eq3A_1791 = arith.constant 0 : i32
    %eq3A_1792 = vector.broadcast %eq3A_1791 : i32 to vector<16xi32>
    %eq3A_1793 = arith.cmpi eq, %iota3A, %eq3A_1792 : vector<16xi32>
    %reduce_sum3A_1794 = arith.constant true
    %reduce_sum3A_1795 = vector.broadcast %reduce_sum3A_1794 : i1 to vector<16xi1>
    %reduce_sum3A_1796 = tpu.scan <sum>, %scan3A_1785#0 masked %reduce_sum3A_1795 : vector<16xi32>, vector<16xi1> -> vector<16xi32>
    %reduce_sum3A_1797 = vector.extract %reduce_sum3A_1796[15] : i32 from vector<16xi32>
    %broadcast_in_dim3A_1798 = vector.broadcast %reduce_sum3A_1797 : i32 to vector<16xi32>
    %select_n3A_1799 = arith.select %eq3A_1793, %broadcast_in_dim3A_1798, %broadcast_in_dim3A_1788 : vector<16xi1>, vector<16xi32>
    %reduce_sum3A_1800 = arith.constant true
    %reduce_sum3A_1801 = vector.broadcast %reduce_sum3A_1800 : i1 to vector<16xi1>
    %reduce_sum3A_1802 = tpu.scan <sum>, %scan3A_1785#16 masked %reduce_sum3A_1801 : vector<16xi32>, vector<16xi1> -> vector<16xi32>
    %reduce_sum3A_1803 = vector.extract %reduce_sum3A_1802[15] : i32 from vector<16xi32>
    %broadcast_in_dim3A_1804 = vector.broadcast %reduce_sum3A_1803 : i32 to vector<16xi32>
    %select_n3A_1805 = arith.select %eq3A_1793, %broadcast_in_dim3A_1804, %broadcast_in_dim3A_1790 : vector<16xi1>, vector<16xi32>
    %eq3A_1806 = arith.constant 1 : i32
    %eq3A_1807 = vector.broadcast %eq3A_1806 : i32 to vector<16xi32>
    %eq3A_1808 = arith.cmpi eq, %iota3A, %eq3A_1807 : vector<16xi32>
    %reduce_sum3A_1809 = arith.constant true
    %reduce_sum3A_1810 = vector.broadcast %reduce_sum3A_1809 : i1 to vector<16xi1>
    %reduce_sum3A_1811 = tpu.scan <sum>, %scan3A_1785#1 masked %reduce_sum3A_1810 : vector<16xi32>, vector<16xi1> -> vector<16xi32>
    %reduce_sum3A_1812 = vector.extract %reduce_sum3A_1811[15] : i32 from vector<16xi32>
    %broadcast_in_dim3A_1813 = vector.broadcast %reduce_sum3A_1812 : i32 to vector<16xi32>
    %select_n3A_1814 = arith.select %eq3A_1808, %broadcast_in_dim3A_1813, %select_n3A_1799 : vector<16xi1>, vector<16xi32>
    %reduce_sum3A_1815 = arith.constant true
    %reduce_sum3A_1816 = vector.broadcast %reduce_sum3A_1815 : i1 to vector<16xi1>
    %reduce_sum3A_1817 = tpu.scan <sum>, %scan3A_1785#17 masked %reduce_sum3A_1816 : vector<16xi32>, vector<16xi1> -> vector<16xi32>
    %reduce_sum3A_1818 = vector.extract %reduce_sum3A_1817[15] : i32 from vector<16xi32>
    %broadcast_in_dim3A_1819 = vector.broadcast %reduce_sum3A_1818 : i32 to vector<16xi32>
    %select_n3A_1820 = arith.select %eq3A_1808, %broadcast_in_dim3A_1819, %select_n3A_1805 : vector<16xi1>, vector<16xi32>
    %eq3A_1821 = arith.constant 2 : i32
    %eq3A_1822 = vector.broadcast %eq3A_1821 : i32 to vector<16xi32>
    %eq3A_1823 = arith.cmpi eq, %iota3A, %eq3A_1822 : vector<16xi32>
    %reduce_sum3A_1824 = arith.constant true
    %reduce_sum3A_1825 = vector.broadcast %reduce_sum3A_1824 : i1 to vector<16xi1>
    %reduce_sum3A_1826 = tpu.scan <sum>, %scan3A_1785#2 masked %reduce_sum3A_1825 : vector<16xi32>, vector<16xi1> -> vector<16xi32>
    %reduce_sum3A_1827 = vector.extract %reduce_sum3A_1826[15] : i32 from vector<16xi32>
    %broadcast_in_dim3A_1828 = vector.broadcast %reduce_sum3A_1827 : i32 to vector<16xi32>
    %select_n3A_1829 = arith.select %eq3A_1823, %broadcast_in_dim3A_1828, %select_n3A_1814 : vector<16xi1>, vector<16xi32>
    %reduce_sum3A_1830 = arith.constant true
    %reduce_sum3A_1831 = vector.broadcast %reduce_sum3A_1830 : i1 to vector<16xi1>
    %reduce_sum3A_1832 = tpu.scan <sum>, %scan3A_1785#18 masked %reduce_sum3A_1831 : vector<16xi32>, vector<16xi1> -> vector<16xi32>
    %reduce_sum3A_1833 = vector.extract %reduce_sum3A_1832[15] : i32 from vector<16xi32>
    %broadcast_in_dim3A_1834 = vector.broadcast %reduce_sum3A_1833 : i32 to vector<16xi32>
    %select_n3A_1835 = arith.select %eq3A_1823, %broadcast_in_dim3A_1834, %select_n3A_1820 : vector<16xi1>, vector<16xi32>
    %eq3A_1836 = arith.constant 3 : i32
    %eq3A_1837 = vector.broadcast %eq3A_1836 : i32 to vector<16xi32>
    %eq3A_1838 = arith.cmpi eq, %iota3A, %eq3A_1837 : vector<16xi32>
    %reduce_sum3A_1839 = arith.constant true
    %reduce_sum3A_1840 = vector.broadcast %reduce_sum3A_1839 : i1 to vector<16xi1>
    %reduce_sum3A_1841 = tpu.scan <sum>, %scan3A_1785#3 masked %reduce_sum3A_1840 : vector<16xi32>, vector<16xi1> -> vector<16xi32>
    %reduce_sum3A_1842 = vector.extract %reduce_sum3A_1841[15] : i32 from vector<16xi32>
    %broadcast_in_dim3A_1843 = vector.broadcast %reduce_sum3A_1842 : i32 to vector<16xi32>
    %select_n3A_1844 = arith.select %eq3A_1838, %broadcast_in_dim3A_1843, %select_n3A_1829 : vector<16xi1>, vector<16xi32>
    %reduce_sum3A_1845 = arith.constant true
    %reduce_sum3A_1846 = vector.broadcast %reduce_sum3A_1845 : i1 to vector<16xi1>
    %reduce_sum3A_1847 = tpu.scan <sum>, %scan3A_1785#19 masked %reduce_sum3A_1846 : vector<16xi32>, vector<16xi1> -> vector<16xi32>
    %reduce_sum3A_1848 = vector.extract %reduce_sum3A_1847[15] : i32 from vector<16xi32>
    %broadcast_in_dim3A_1849 = vector.broadcast %reduce_sum3A_1848 : i32 to vector<16xi32>
    %select_n3A_1850 = arith.select %eq3A_1838, %broadcast_in_dim3A_1849, %select_n3A_1835 : vector<16xi1>, vector<16xi32>
    %eq3A_1851 = arith.constant 4 : i32
    %eq3A_1852 = vector.broadcast %eq3A_1851 : i32 to vector<16xi32>
    %eq3A_1853 = arith.cmpi eq, %iota3A, %eq3A_1852 : vector<16xi32>
    %reduce_sum3A_1854 = arith.constant true
    %reduce_sum3A_1855 = vector.broadcast %reduce_sum3A_1854 : i1 to vector<16xi1>
    %reduce_sum3A_1856 = tpu.scan <sum>, %scan3A_1785#4 masked %reduce_sum3A_1855 : vector<16xi32>, vector<16xi1> -> vector<16xi32>
    %reduce_sum3A_1857 = vector.extract %reduce_sum3A_1856[15] : i32 from vector<16xi32>
    %broadcast_in_dim3A_1858 = vector.broadcast %reduce_sum3A_1857 : i32 to vector<16xi32>
    %select_n3A_1859 = arith.select %eq3A_1853, %broadcast_in_dim3A_1858, %select_n3A_1844 : vector<16xi1>, vector<16xi32>
    %reduce_sum3A_1860 = arith.constant true
    %reduce_sum3A_1861 = vector.broadcast %reduce_sum3A_1860 : i1 to vector<16xi1>
    %reduce_sum3A_1862 = tpu.scan <sum>, %scan3A_1785#20 masked %reduce_sum3A_1861 : vector<16xi32>, vector<16xi1> -> vector<16xi32>
    %reduce_sum3A_1863 = vector.extract %reduce_sum3A_1862[15] : i32 from vector<16xi32>
    %broadcast_in_dim3A_1864 = vector.broadcast %reduce_sum3A_1863 : i32 to vector<16xi32>
    %select_n3A_1865 = arith.select %eq3A_1853, %broadcast_in_dim3A_1864, %select_n3A_1850 : vector<16xi1>, vector<16xi32>
    %eq3A_1866 = arith.constant 5 : i32
    %eq3A_1867 = vector.broadcast %eq3A_1866 : i32 to vector<16xi32>
    %eq3A_1868 = arith.cmpi eq, %iota3A, %eq3A_1867 : vector<16xi32>
    %reduce_sum3A_1869 = arith.constant true
    %reduce_sum3A_1870 = vector.broadcast %reduce_sum3A_1869 : i1 to vector<16xi1>
    %reduce_sum3A_1871 = tpu.scan <sum>, %scan3A_1785#5 masked %reduce_sum3A_1870 : vector<16xi32>, vector<16xi1> -> vector<16xi32>
    %reduce_sum3A_1872 = vector.extract %reduce_sum3A_1871[15] : i32 from vector<16xi32>
    %broadcast_in_dim3A_1873 = vector.broadcast %reduce_sum3A_1872 : i32 to vector<16xi32>
    %select_n3A_1874 = arith.select %eq3A_1868, %broadcast_in_dim3A_1873, %select_n3A_1859 : vector<16xi1>, vector<16xi32>
    %reduce_sum3A_1875 = arith.constant true
    %reduce_sum3A_1876 = vector.broadcast %reduce_sum3A_1875 : i1 to vector<16xi1>
    %reduce_sum3A_1877 = tpu.scan <sum>, %scan3A_1785#21 masked %reduce_sum3A_1876 : vector<16xi32>, vector<16xi1> -> vector<16xi32>
    %reduce_sum3A_1878 = vector.extract %reduce_sum3A_1877[15] : i32 from vector<16xi32>
    %broadcast_in_dim3A_1879 = vector.broadcast %reduce_sum3A_1878 : i32 to vector<16xi32>
    %select_n3A_1880 = arith.select %eq3A_1868, %broadcast_in_dim3A_1879, %select_n3A_1865 : vector<16xi1>, vector<16xi32>
    %eq3A_1881 = arith.constant 6 : i32
    %eq3A_1882 = vector.broadcast %eq3A_1881 : i32 to vector<16xi32>
    %eq3A_1883 = arith.cmpi eq, %iota3A, %eq3A_1882 : vector<16xi32>
    %reduce_sum3A_1884 = arith.constant true
    %reduce_sum3A_1885 = vector.broadcast %reduce_sum3A_1884 : i1 to vector<16xi1>
    %reduce_sum3A_1886 = tpu.scan <sum>, %scan3A_1785#6 masked %reduce_sum3A_1885 : vector<16xi32>, vector<16xi1> -> vector<16xi32>
    %reduce_sum3A_1887 = vector.extract %reduce_sum3A_1886[15] : i32 from vector<16xi32>
    %broadcast_in_dim3A_1888 = vector.broadcast %reduce_sum3A_1887 : i32 to vector<16xi32>
    %select_n3A_1889 = arith.select %eq3A_1883, %broadcast_in_dim3A_1888, %select_n3A_1874 : vector<16xi1>, vector<16xi32>
    %reduce_sum3A_1890 = arith.constant true
    %reduce_sum3A_1891 = vector.broadcast %reduce_sum3A_1890 : i1 to vector<16xi1>
    %reduce_sum3A_1892 = tpu.scan <sum>, %scan3A_1785#22 masked %reduce_sum3A_1891 : vector<16xi32>, vector<16xi1> -> vector<16xi32>
    %reduce_sum3A_1893 = vector.extract %reduce_sum3A_1892[15] : i32 from vector<16xi32>
    %broadcast_in_dim3A_1894 = vector.broadcast %reduce_sum3A_1893 : i32 to vector<16xi32>
    %select_n3A_1895 = arith.select %eq3A_1883, %broadcast_in_dim3A_1894, %select_n3A_1880 : vector<16xi1>, vector<16xi32>
    %eq3A_1896 = arith.constant 7 : i32
    %eq3A_1897 = vector.broadcast %eq3A_1896 : i32 to vector<16xi32>
    %eq3A_1898 = arith.cmpi eq, %iota3A, %eq3A_1897 : vector<16xi32>
    %reduce_sum3A_1899 = arith.constant true
    %reduce_sum3A_1900 = vector.broadcast %reduce_sum3A_1899 : i1 to vector<16xi1>
    %reduce_sum3A_1901 = tpu.scan <sum>, %scan3A_1785#7 masked %reduce_sum3A_1900 : vector<16xi32>, vector<16xi1> -> vector<16xi32>
    %reduce_sum3A_1902 = vector.extract %reduce_sum3A_1901[15] : i32 from vector<16xi32>
    %broadcast_in_dim3A_1903 = vector.broadcast %reduce_sum3A_1902 : i32 to vector<16xi32>
    %select_n3A_1904 = arith.select %eq3A_1898, %broadcast_in_dim3A_1903, %select_n3A_1889 : vector<16xi1>, vector<16xi32>
    %reduce_sum3A_1905 = arith.constant true
    %reduce_sum3A_1906 = vector.broadcast %reduce_sum3A_1905 : i1 to vector<16xi1>
    %reduce_sum3A_1907 = tpu.scan <sum>, %scan3A_1785#23 masked %reduce_sum3A_1906 : vector<16xi32>, vector<16xi1> -> vector<16xi32>
    %reduce_sum3A_1908 = vector.extract %reduce_sum3A_1907[15] : i32 from vector<16xi32>
    %broadcast_in_dim3A_1909 = vector.broadcast %reduce_sum3A_1908 : i32 to vector<16xi32>
    %select_n3A_1910 = arith.select %eq3A_1898, %broadcast_in_dim3A_1909, %select_n3A_1895 : vector<16xi1>, vector<16xi32>
    %eq3A_1911 = arith.constant 8 : i32
    %eq3A_1912 = vector.broadcast %eq3A_1911 : i32 to vector<16xi32>
    %eq3A_1913 = arith.cmpi eq, %iota3A, %eq3A_1912 : vector<16xi32>
    %reduce_sum3A_1914 = arith.constant true
    %reduce_sum3A_1915 = vector.broadcast %reduce_sum3A_1914 : i1 to vector<16xi1>
    %reduce_sum3A_1916 = tpu.scan <sum>, %scan3A_1785#8 masked %reduce_sum3A_1915 : vector<16xi32>, vector<16xi1> -> vector<16xi32>
    %reduce_sum3A_1917 = vector.extract %reduce_sum3A_1916[15] : i32 from vector<16xi32>
    %broadcast_in_dim3A_1918 = vector.broadcast %reduce_sum3A_1917 : i32 to vector<16xi32>
    %select_n3A_1919 = arith.select %eq3A_1913, %broadcast_in_dim3A_1918, %select_n3A_1904 : vector<16xi1>, vector<16xi32>
    %reduce_sum3A_1920 = arith.constant true
    %reduce_sum3A_1921 = vector.broadcast %reduce_sum3A_1920 : i1 to vector<16xi1>
    %reduce_sum3A_1922 = tpu.scan <sum>, %scan3A_1785#24 masked %reduce_sum3A_1921 : vector<16xi32>, vector<16xi1> -> vector<16xi32>
    %reduce_sum3A_1923 = vector.extract %reduce_sum3A_1922[15] : i32 from vector<16xi32>
    %broadcast_in_dim3A_1924 = vector.broadcast %reduce_sum3A_1923 : i32 to vector<16xi32>
    %select_n3A_1925 = arith.select %eq3A_1913, %broadcast_in_dim3A_1924, %select_n3A_1910 : vector<16xi1>, vector<16xi32>
    %eq3A_1926 = arith.constant 9 : i32
    %eq3A_1927 = vector.broadcast %eq3A_1926 : i32 to vector<16xi32>
    %eq3A_1928 = arith.cmpi eq, %iota3A, %eq3A_1927 : vector<16xi32>
    %reduce_sum3A_1929 = arith.constant true
    %reduce_sum3A_1930 = vector.broadcast %reduce_sum3A_1929 : i1 to vector<16xi1>
    %reduce_sum3A_1931 = tpu.scan <sum>, %scan3A_1785#9 masked %reduce_sum3A_1930 : vector<16xi32>, vector<16xi1> -> vector<16xi32>
    %reduce_sum3A_1932 = vector.extract %reduce_sum3A_1931[15] : i32 from vector<16xi32>
    %broadcast_in_dim3A_1933 = vector.broadcast %reduce_sum3A_1932 : i32 to vector<16xi32>
    %select_n3A_1934 = arith.select %eq3A_1928, %broadcast_in_dim3A_1933, %select_n3A_1919 : vector<16xi1>, vector<16xi32>
    %reduce_sum3A_1935 = arith.constant true
    %reduce_sum3A_1936 = vector.broadcast %reduce_sum3A_1935 : i1 to vector<16xi1>
    %reduce_sum3A_1937 = tpu.scan <sum>, %scan3A_1785#25 masked %reduce_sum3A_1936 : vector<16xi32>, vector<16xi1> -> vector<16xi32>
    %reduce_sum3A_1938 = vector.extract %reduce_sum3A_1937[15] : i32 from vector<16xi32>
    %broadcast_in_dim3A_1939 = vector.broadcast %reduce_sum3A_1938 : i32 to vector<16xi32>
    %select_n3A_1940 = arith.select %eq3A_1928, %broadcast_in_dim3A_1939, %select_n3A_1925 : vector<16xi1>, vector<16xi32>
    %eq3A_1941 = arith.constant 10 : i32
    %eq3A_1942 = vector.broadcast %eq3A_1941 : i32 to vector<16xi32>
    %eq3A_1943 = arith.cmpi eq, %iota3A, %eq3A_1942 : vector<16xi32>
    %reduce_sum3A_1944 = arith.constant true
    %reduce_sum3A_1945 = vector.broadcast %reduce_sum3A_1944 : i1 to vector<16xi1>
    %reduce_sum3A_1946 = tpu.scan <sum>, %scan3A_1785#10 masked %reduce_sum3A_1945 : vector<16xi32>, vector<16xi1> -> vector<16xi32>
    %reduce_sum3A_1947 = vector.extract %reduce_sum3A_1946[15] : i32 from vector<16xi32>
    %broadcast_in_dim3A_1948 = vector.broadcast %reduce_sum3A_1947 : i32 to vector<16xi32>
    %select_n3A_1949 = arith.select %eq3A_1943, %broadcast_in_dim3A_1948, %select_n3A_1934 : vector<16xi1>, vector<16xi32>
    %reduce_sum3A_1950 = arith.constant true
    %reduce_sum3A_1951 = vector.broadcast %reduce_sum3A_1950 : i1 to vector<16xi1>
    %reduce_sum3A_1952 = tpu.scan <sum>, %scan3A_1785#26 masked %reduce_sum3A_1951 : vector<16xi32>, vector<16xi1> -> vector<16xi32>
    %reduce_sum3A_1953 = vector.extract %reduce_sum3A_1952[15] : i32 from vector<16xi32>
    %broadcast_in_dim3A_1954 = vector.broadcast %reduce_sum3A_1953 : i32 to vector<16xi32>
    %select_n3A_1955 = arith.select %eq3A_1943, %broadcast_in_dim3A_1954, %select_n3A_1940 : vector<16xi1>, vector<16xi32>
    %eq3A_1956 = arith.constant 11 : i32
    %eq3A_1957 = vector.broadcast %eq3A_1956 : i32 to vector<16xi32>
    %eq3A_1958 = arith.cmpi eq, %iota3A, %eq3A_1957 : vector<16xi32>
    %reduce_sum3A_1959 = arith.constant true
    %reduce_sum3A_1960 = vector.broadcast %reduce_sum3A_1959 : i1 to vector<16xi1>
    %reduce_sum3A_1961 = tpu.scan <sum>, %scan3A_1785#11 masked %reduce_sum3A_1960 : vector<16xi32>, vector<16xi1> -> vector<16xi32>
    %reduce_sum3A_1962 = vector.extract %reduce_sum3A_1961[15] : i32 from vector<16xi32>
    %broadcast_in_dim3A_1963 = vector.broadcast %reduce_sum3A_1962 : i32 to vector<16xi32>
    %select_n3A_1964 = arith.select %eq3A_1958, %broadcast_in_dim3A_1963, %select_n3A_1949 : vector<16xi1>, vector<16xi32>
    %reduce_sum3A_1965 = arith.constant true
    %reduce_sum3A_1966 = vector.broadcast %reduce_sum3A_1965 : i1 to vector<16xi1>
    %reduce_sum3A_1967 = tpu.scan <sum>, %scan3A_1785#27 masked %reduce_sum3A_1966 : vector<16xi32>, vector<16xi1> -> vector<16xi32>
    %reduce_sum3A_1968 = vector.extract %reduce_sum3A_1967[15] : i32 from vector<16xi32>
    %broadcast_in_dim3A_1969 = vector.broadcast %reduce_sum3A_1968 : i32 to vector<16xi32>
    %select_n3A_1970 = arith.select %eq3A_1958, %broadcast_in_dim3A_1969, %select_n3A_1955 : vector<16xi1>, vector<16xi32>
    %eq3A_1971 = arith.constant 12 : i32
    %eq3A_1972 = vector.broadcast %eq3A_1971 : i32 to vector<16xi32>
    %eq3A_1973 = arith.cmpi eq, %iota3A, %eq3A_1972 : vector<16xi32>
    %reduce_sum3A_1974 = arith.constant true
    %reduce_sum3A_1975 = vector.broadcast %reduce_sum3A_1974 : i1 to vector<16xi1>
    %reduce_sum3A_1976 = tpu.scan <sum>, %scan3A_1785#12 masked %reduce_sum3A_1975 : vector<16xi32>, vector<16xi1> -> vector<16xi32>
    %reduce_sum3A_1977 = vector.extract %reduce_sum3A_1976[15] : i32 from vector<16xi32>
    %broadcast_in_dim3A_1978 = vector.broadcast %reduce_sum3A_1977 : i32 to vector<16xi32>
    %select_n3A_1979 = arith.select %eq3A_1973, %broadcast_in_dim3A_1978, %select_n3A_1964 : vector<16xi1>, vector<16xi32>
    %reduce_sum3A_1980 = arith.constant true
    %reduce_sum3A_1981 = vector.broadcast %reduce_sum3A_1980 : i1 to vector<16xi1>
    %reduce_sum3A_1982 = tpu.scan <sum>, %scan3A_1785#28 masked %reduce_sum3A_1981 : vector<16xi32>, vector<16xi1> -> vector<16xi32>
    %reduce_sum3A_1983 = vector.extract %reduce_sum3A_1982[15] : i32 from vector<16xi32>
    %broadcast_in_dim3A_1984 = vector.broadcast %reduce_sum3A_1983 : i32 to vector<16xi32>
    %select_n3A_1985 = arith.select %eq3A_1973, %broadcast_in_dim3A_1984, %select_n3A_1970 : vector<16xi1>, vector<16xi32>
    %eq3A_1986 = arith.constant 13 : i32
    %eq3A_1987 = vector.broadcast %eq3A_1986 : i32 to vector<16xi32>
    %eq3A_1988 = arith.cmpi eq, %iota3A, %eq3A_1987 : vector<16xi32>
    %reduce_sum3A_1989 = arith.constant true
    %reduce_sum3A_1990 = vector.broadcast %reduce_sum3A_1989 : i1 to vector<16xi1>
    %reduce_sum3A_1991 = tpu.scan <sum>, %scan3A_1785#13 masked %reduce_sum3A_1990 : vector<16xi32>, vector<16xi1> -> vector<16xi32>
    %reduce_sum3A_1992 = vector.extract %reduce_sum3A_1991[15] : i32 from vector<16xi32>
    %broadcast_in_dim3A_1993 = vector.broadcast %reduce_sum3A_1992 : i32 to vector<16xi32>
    %select_n3A_1994 = arith.select %eq3A_1988, %broadcast_in_dim3A_1993, %select_n3A_1979 : vector<16xi1>, vector<16xi32>
    %reduce_sum3A_1995 = arith.constant true
    %reduce_sum3A_1996 = vector.broadcast %reduce_sum3A_1995 : i1 to vector<16xi1>
    %reduce_sum3A_1997 = tpu.scan <sum>, %scan3A_1785#29 masked %reduce_sum3A_1996 : vector<16xi32>, vector<16xi1> -> vector<16xi32>
    %reduce_sum3A_1998 = vector.extract %reduce_sum3A_1997[15] : i32 from vector<16xi32>
    %broadcast_in_dim3A_1999 = vector.broadcast %reduce_sum3A_1998 : i32 to vector<16xi32>
    %select_n3A_2000 = arith.select %eq3A_1988, %broadcast_in_dim3A_1999, %select_n3A_1985 : vector<16xi1>, vector<16xi32>
    %eq3A_2001 = arith.constant 14 : i32
    %eq3A_2002 = vector.broadcast %eq3A_2001 : i32 to vector<16xi32>
    %eq3A_2003 = arith.cmpi eq, %iota3A, %eq3A_2002 : vector<16xi32>
    %reduce_sum3A_2004 = arith.constant true
    %reduce_sum3A_2005 = vector.broadcast %reduce_sum3A_2004 : i1 to vector<16xi1>
    %reduce_sum3A_2006 = tpu.scan <sum>, %scan3A_1785#14 masked %reduce_sum3A_2005 : vector<16xi32>, vector<16xi1> -> vector<16xi32>
    %reduce_sum3A_2007 = vector.extract %reduce_sum3A_2006[15] : i32 from vector<16xi32>
    %broadcast_in_dim3A_2008 = vector.broadcast %reduce_sum3A_2007 : i32 to vector<16xi32>
    %select_n3A_2009 = arith.select %eq3A_2003, %broadcast_in_dim3A_2008, %select_n3A_1994 : vector<16xi1>, vector<16xi32>
    %reduce_sum3A_2010 = arith.constant true
    %reduce_sum3A_2011 = vector.broadcast %reduce_sum3A_2010 : i1 to vector<16xi1>
    %reduce_sum3A_2012 = tpu.scan <sum>, %scan3A_1785#30 masked %reduce_sum3A_2011 : vector<16xi32>, vector<16xi1> -> vector<16xi32>
    %reduce_sum3A_2013 = vector.extract %reduce_sum3A_2012[15] : i32 from vector<16xi32>
    %broadcast_in_dim3A_2014 = vector.broadcast %reduce_sum3A_2013 : i32 to vector<16xi32>
    %select_n3A_2015 = arith.select %eq3A_2003, %broadcast_in_dim3A_2014, %select_n3A_2000 : vector<16xi1>, vector<16xi32>
    %eq3A_2016 = arith.constant 15 : i32
    %eq3A_2017 = vector.broadcast %eq3A_2016 : i32 to vector<16xi32>
    %eq3A_2018 = arith.cmpi eq, %iota3A, %eq3A_2017 : vector<16xi32>
    %reduce_sum3A_2019 = arith.constant true
    %reduce_sum3A_2020 = vector.broadcast %reduce_sum3A_2019 : i1 to vector<16xi1>
    %reduce_sum3A_2021 = tpu.scan <sum>, %scan3A_1785#15 masked %reduce_sum3A_2020 : vector<16xi32>, vector<16xi1> -> vector<16xi32>
    %reduce_sum3A_2022 = vector.extract %reduce_sum3A_2021[15] : i32 from vector<16xi32>
    %broadcast_in_dim3A_2023 = vector.broadcast %reduce_sum3A_2022 : i32 to vector<16xi32>
    %select_n3A_2024 = arith.select %eq3A_2018, %broadcast_in_dim3A_2023, %select_n3A_2009 : vector<16xi1>, vector<16xi32>
    %reduce_sum3A_2025 = arith.constant true
    %reduce_sum3A_2026 = vector.broadcast %reduce_sum3A_2025 : i1 to vector<16xi1>
    %reduce_sum3A_2027 = tpu.scan <sum>, %scan3A_1785#31 masked %reduce_sum3A_2026 : vector<16xi32>, vector<16xi1> -> vector<16xi32>
    %reduce_sum3A_2028 = vector.extract %reduce_sum3A_2027[15] : i32 from vector<16xi32>
    %broadcast_in_dim3A_2029 = vector.broadcast %reduce_sum3A_2028 : i32 to vector<16xi32>
    %select_n3A_2030 = arith.select %eq3A_2018, %broadcast_in_dim3A_2029, %select_n3A_2015 : vector<16xi1>, vector<16xi32>
    %convert_element_type3A_2031 = arith.sitofp %select_n3A_2024 : vector<16xi32> to vector<16xf32>
    %convert_element_type3A_2032 = arith.sitofp %select_n3A_2030 : vector<16xi32> to vector<16xf32>
    %sub3A_2033 = arith.subf %convert_element_type3A_2031, %convert_element_type3A_2032 : vector<16xf32>
    %sub3A_2034 = arith.subf %sub3A_2033, %convert_element_type3A_2032 : vector<16xf32>
    %sub3A_2035 = arith.subf %broadcast_in_dim3A_10, %convert_element_type3A_2031 : vector<16xf32>
    %add3A_2036 = arith.addf %sub3A_2035, %convert_element_type3A_2032 : vector<16xf32>
    %mul3A_2037 = arith.mulf %add3A_2036, %broadcast_in_dim3A_6 : vector<16xf32>
    %mul3A_2038 = arith.mulf %sub3A_2034, %broadcast_in_dim3A_6 : vector<16xf32>
    %mul3A_2039 = arith.mulf %convert_element_type3A_2032, %broadcast_in_dim3A_6 : vector<16xf32>
    %mul3A_2040 = arith.mulf %mul3A_2037, %get3A_17 : vector<16xf32>
    %mul3A_2041 = arith.mulf %mul3A_2038, %get3A_21 : vector<16xf32>
    %add3A_2042 = arith.addf %mul3A_2040, %mul3A_2041 : vector<16xf32>
    %mul3A_2043 = arith.mulf %mul3A_2039, %get3A_25 : vector<16xf32>
    %add3A_2044 = arith.addf %add3A_2042, %mul3A_2043 : vector<16xf32>
    %add3A_2045 = arith.addf %mul3A_2037, %mul3A_2037 : vector<16xf32>
    %neg3A_2046 = arith.constant 0.000000e+00 : f32
    %neg3A_2047 = vector.broadcast %neg3A_2046 : f32 to vector<16xf32>
    %neg3A_2048 = arith.subf %neg3A_2047, %add3A_2045 : vector<16xf32>
    %exp3A_2049 = math.exp %neg3A_2048 : vector<16xf32>
    %add3A_2050 = arith.addf %broadcast_in_dim3A_8, %exp3A_2049 : vector<16xf32>
    %div3A_2051 = arith.divf %broadcast_in_dim3A_8, %add3A_2050 : vector<16xf32>
    %add3A_2052 = arith.addf %broadcast_in_dim3A_8, %div3A_2051 : vector<16xf32>
    %mul3A_2053 = arith.mulf %add3A_2044, %add3A_2052 : vector<16xf32>
    %neg3A_2054 = arith.constant 0.000000e+00 : f32
    %neg3A_2055 = vector.broadcast %neg3A_2054 : f32 to vector<16xf32>
    %neg3A_2056 = arith.subf %neg3A_2055, %mul3A_2053 : vector<16xf32>
    %exp3A_2057 = math.exp %neg3A_2056 : vector<16xf32>
    %add3A_2058 = arith.addf %broadcast_in_dim3A_8, %exp3A_2057 : vector<16xf32>
    %div3A_2059 = arith.divf %broadcast_in_dim3A_8, %add3A_2058 : vector<16xf32>
    %max3A_2060 = arith.maximumf %div3A_2059, %broadcast_in_dim3A_12 : vector<16xf32>
    %min3A_2061 = arith.minimumf %max3A_2060, %broadcast_in_dim3A_14 : vector<16xf32>
    %swap3A_2062 = arith.constant 96 : index
    %swap3A_2063 = tpu.vector_load %arg8[%swap3A_2062] {strides = array<i32>} : memref<128xf32, #tpu.memory_space<vmem>>, vector<16xf32>,
    tpu.vector_store %arg8[%swap3A_2062], %min3A_2061 {strides = array<i32>} : memref<128xf32, #tpu.memory_space<vmem>>, vector<16xf32>,
    %dma_wait3A_2064 = tpu.memref_slice %arg2[%mul3A_1776] : memref<16777216xi32, #tpu.memory_space<hbm>> -> memref<32768xi32, #tpu.memory_space<hbm>>
    %dma_wait3A_2065 = tpu.memref_slice %arg2[%mul3A_1776] : memref<16777216xi32, #tpu.memory_space<hbm>> -> memref<32768xi32, #tpu.memory_space<hbm>>
    tpu.wait_dma2 semaphore(%arg10 : memref<!tpu.dma_semaphore, #tpu.memory_space<semaphore_mem>>) src(%dma_wait3A_2065 : memref<32768xi32, #tpu.memory_space<hbm>>) dst(%arg6 : memref<32768xi32, #tpu.memory_space<vmem>>)
    %broadcast_in_dim3A_2066 = arith.constant 0 : i32
    %broadcast_in_dim3A_2067 = vector.broadcast %broadcast_in_dim3A_2066 : i32 to vector<16xi32>
    %scan3A_2068 = arith.constant 0 : i32
    %scan3A_2069 = arith.constant 128 : i32
    %scan3A_2070 = arith.addi %scan3A_2068, %scan3A_2069 : i32
    %scan3A_2071 = arith.constant 1 : i32
    %scan3A_2072:32 = scf.for %scan3A_2351 = %scan3A_2068 to %scan3A_2070 step %scan3A_2071 iter_args(%scan3A_2352 = %broadcast_in_dim3A_2067, %scan3A_2353 = %broadcast_in_dim3A_2067, %scan3A_2354 = %broadcast_in_dim3A_2067, %scan3A_2355 = %broadcast_in_dim3A_2067, %scan3A_2356 = %broadcast_in_dim3A_2067, %scan3A_2357 = %broadcast_in_dim3A_2067, %scan3A_2358 = %broadcast_in_dim3A_2067, %scan3A_2359 = %broadcast_in_dim3A_2067, %scan3A_2360 = %broadcast_in_dim3A_2067, %scan3A_2361 = %broadcast_in_dim3A_2067, %scan3A_2362 = %broadcast_in_dim3A_2067, %scan3A_2363 = %broadcast_in_dim3A_2067, %scan3A_2364 = %broadcast_in_dim3A_2067, %scan3A_2365 = %broadcast_in_dim3A_2067, %scan3A_2366 = %broadcast_in_dim3A_2067, %scan3A_2367 = %broadcast_in_dim3A_2067, %scan3A_2368 = %broadcast_in_dim3A_2067, %scan3A_2369 = %broadcast_in_dim3A_2067, %scan3A_2370 = %broadcast_in_dim3A_2067, %scan3A_2371 = %broadcast_in_dim3A_2067, %scan3A_2372 = %broadcast_in_dim3A_2067, %scan3A_2373 = %broadcast_in_dim3A_2067, %scan3A_2374 = %broadcast_in_dim3A_2067, %scan3A_2375 = %broadcast_in_dim3A_2067, %scan3A_2376 = %broadcast_in_dim3A_2067, %scan3A_2377 = %broadcast_in_dim3A_2067, %scan3A_2378 = %broadcast_in_dim3A_2067, %scan3A_2379 = %broadcast_in_dim3A_2067, %scan3A_2380 = %broadcast_in_dim3A_2067, %scan3A_2381 = %broadcast_in_dim3A_2067, %scan3A_2382 = %broadcast_in_dim3A_2067, %scan3A_2383 = %broadcast_in_dim3A_2067) -> (vector<16xi32>, vector<16xi32>, vector<16xi32>, vector<16xi32>, vector<16xi32>, vector<16xi32>, vector<16xi32>, vector<16xi32>, vector<16xi32>, vector<16xi32>, vector<16xi32>, vector<16xi32>, vector<16xi32>, vector<16xi32>, vector<16xi32>, vector<16xi32>, vector<16xi32>, vector<16xi32>, vector<16xi32>, vector<16xi32>, vector<16xi32>, vector<16xi32>, vector<16xi32>, vector<16xi32>, vector<16xi32>, vector<16xi32>, vector<16xi32>, vector<16xi32>, vector<16xi32>, vector<16xi32>, vector<16xi32>, vector<16xi32>)  : i32 {
      %mul3A_2384 = arith.constant 16 : i32
      %mul3A_2385 = arith.muli %scan3A_2351, %mul3A_2384 : i32
      %add3A_2386 = arith.constant 0 : i32
      %add3A_2387 = arith.addi %mul3A_2385, %add3A_2386 : i32
      %get3A_2388 = arith.index_cast %add3A_2387 : i32 to index
      %get3A_2389 = tpu.vector_load %arg6[%get3A_2388] {strides = array<i32>} : memref<32768xi32, #tpu.memory_space<vmem>>, vector<16xi32>,
      %add3A_2390 = arith.addi %scan3A_2352, %get3A_2389 : vector<16xi32>
      %shift_right_arithmetic3A = arith.constant 1 : i32
      %shift_right_arithmetic3A_2391 = vector.broadcast %shift_right_arithmetic3A : i32 to vector<16xi32>
      %shift_right_arithmetic3A_2392 = arith.shrsi %get3A_2389, %shift_right_arithmetic3A_2391 : vector<16xi32>
      %add3A_2393 = arith.addi %scan3A_2368, %shift_right_arithmetic3A_2392 : vector<16xi32>
      %add3A_2394 = arith.constant 2048 : i32
      %add3A_2395 = arith.addi %mul3A_2385, %add3A_2394 : i32
      %get3A_2396 = arith.index_cast %add3A_2395 : i32 to index
      %get3A_2397 = tpu.vector_load %arg6[%get3A_2396] {strides = array<i32>} : memref<32768xi32, #tpu.memory_space<vmem>>, vector<16xi32>,
      %add3A_2398 = arith.addi %scan3A_2353, %get3A_2397 : vector<16xi32>
      %shift_right_arithmetic3A_2399 = arith.constant 1 : i32
      %shift_right_arithmetic3A_2400 = vector.broadcast %shift_right_arithmetic3A_2399 : i32 to vector<16xi32>
      %shift_right_arithmetic3A_2401 = arith.shrsi %get3A_2397, %shift_right_arithmetic3A_2400 : vector<16xi32>
      %add3A_2402 = arith.addi %scan3A_2369, %shift_right_arithmetic3A_2401 : vector<16xi32>
      %add3A_2403 = arith.constant 4096 : i32
      %add3A_2404 = arith.addi %mul3A_2385, %add3A_2403 : i32
      %get3A_2405 = arith.index_cast %add3A_2404 : i32 to index
      %get3A_2406 = tpu.vector_load %arg6[%get3A_2405] {strides = array<i32>} : memref<32768xi32, #tpu.memory_space<vmem>>, vector<16xi32>,
      %add3A_2407 = arith.addi %scan3A_2354, %get3A_2406 : vector<16xi32>
      %shift_right_arithmetic3A_2408 = arith.constant 1 : i32
      %shift_right_arithmetic3A_2409 = vector.broadcast %shift_right_arithmetic3A_2408 : i32 to vector<16xi32>
      %shift_right_arithmetic3A_2410 = arith.shrsi %get3A_2406, %shift_right_arithmetic3A_2409 : vector<16xi32>
      %add3A_2411 = arith.addi %scan3A_2370, %shift_right_arithmetic3A_2410 : vector<16xi32>
      %add3A_2412 = arith.constant 6144 : i32
      %add3A_2413 = arith.addi %mul3A_2385, %add3A_2412 : i32
      %get3A_2414 = arith.index_cast %add3A_2413 : i32 to index
      %get3A_2415 = tpu.vector_load %arg6[%get3A_2414] {strides = array<i32>} : memref<32768xi32, #tpu.memory_space<vmem>>, vector<16xi32>,
      %add3A_2416 = arith.addi %scan3A_2355, %get3A_2415 : vector<16xi32>
      %shift_right_arithmetic3A_2417 = arith.constant 1 : i32
      %shift_right_arithmetic3A_2418 = vector.broadcast %shift_right_arithmetic3A_2417 : i32 to vector<16xi32>
      %shift_right_arithmetic3A_2419 = arith.shrsi %get3A_2415, %shift_right_arithmetic3A_2418 : vector<16xi32>
      %add3A_2420 = arith.addi %scan3A_2371, %shift_right_arithmetic3A_2419 : vector<16xi32>
      %add3A_2421 = arith.constant 8192 : i32
      %add3A_2422 = arith.addi %mul3A_2385, %add3A_2421 : i32
      %get3A_2423 = arith.index_cast %add3A_2422 : i32 to index
      %get3A_2424 = tpu.vector_load %arg6[%get3A_2423] {strides = array<i32>} : memref<32768xi32, #tpu.memory_space<vmem>>, vector<16xi32>,
      %add3A_2425 = arith.addi %scan3A_2356, %get3A_2424 : vector<16xi32>
      %shift_right_arithmetic3A_2426 = arith.constant 1 : i32
      %shift_right_arithmetic3A_2427 = vector.broadcast %shift_right_arithmetic3A_2426 : i32 to vector<16xi32>
      %shift_right_arithmetic3A_2428 = arith.shrsi %get3A_2424, %shift_right_arithmetic3A_2427 : vector<16xi32>
      %add3A_2429 = arith.addi %scan3A_2372, %shift_right_arithmetic3A_2428 : vector<16xi32>
      %add3A_2430 = arith.constant 10240 : i32
      %add3A_2431 = arith.addi %mul3A_2385, %add3A_2430 : i32
      %get3A_2432 = arith.index_cast %add3A_2431 : i32 to index
      %get3A_2433 = tpu.vector_load %arg6[%get3A_2432] {strides = array<i32>} : memref<32768xi32, #tpu.memory_space<vmem>>, vector<16xi32>,
      %add3A_2434 = arith.addi %scan3A_2357, %get3A_2433 : vector<16xi32>
      %shift_right_arithmetic3A_2435 = arith.constant 1 : i32
      %shift_right_arithmetic3A_2436 = vector.broadcast %shift_right_arithmetic3A_2435 : i32 to vector<16xi32>
      %shift_right_arithmetic3A_2437 = arith.shrsi %get3A_2433, %shift_right_arithmetic3A_2436 : vector<16xi32>
      %add3A_2438 = arith.addi %scan3A_2373, %shift_right_arithmetic3A_2437 : vector<16xi32>
      %add3A_2439 = arith.constant 12288 : i32
      %add3A_2440 = arith.addi %mul3A_2385, %add3A_2439 : i32
      %get3A_2441 = arith.index_cast %add3A_2440 : i32 to index
      %get3A_2442 = tpu.vector_load %arg6[%get3A_2441] {strides = array<i32>} : memref<32768xi32, #tpu.memory_space<vmem>>, vector<16xi32>,
      %add3A_2443 = arith.addi %scan3A_2358, %get3A_2442 : vector<16xi32>
      %shift_right_arithmetic3A_2444 = arith.constant 1 : i32
      %shift_right_arithmetic3A_2445 = vector.broadcast %shift_right_arithmetic3A_2444 : i32 to vector<16xi32>
      %shift_right_arithmetic3A_2446 = arith.shrsi %get3A_2442, %shift_right_arithmetic3A_2445 : vector<16xi32>
      %add3A_2447 = arith.addi %scan3A_2374, %shift_right_arithmetic3A_2446 : vector<16xi32>
      %add3A_2448 = arith.constant 14336 : i32
      %add3A_2449 = arith.addi %mul3A_2385, %add3A_2448 : i32
      %get3A_2450 = arith.index_cast %add3A_2449 : i32 to index
      %get3A_2451 = tpu.vector_load %arg6[%get3A_2450] {strides = array<i32>} : memref<32768xi32, #tpu.memory_space<vmem>>, vector<16xi32>,
      %add3A_2452 = arith.addi %scan3A_2359, %get3A_2451 : vector<16xi32>
      %shift_right_arithmetic3A_2453 = arith.constant 1 : i32
      %shift_right_arithmetic3A_2454 = vector.broadcast %shift_right_arithmetic3A_2453 : i32 to vector<16xi32>
      %shift_right_arithmetic3A_2455 = arith.shrsi %get3A_2451, %shift_right_arithmetic3A_2454 : vector<16xi32>
      %add3A_2456 = arith.addi %scan3A_2375, %shift_right_arithmetic3A_2455 : vector<16xi32>
      %add3A_2457 = arith.constant 16384 : i32
      %add3A_2458 = arith.addi %mul3A_2385, %add3A_2457 : i32
      %get3A_2459 = arith.index_cast %add3A_2458 : i32 to index
      %get3A_2460 = tpu.vector_load %arg6[%get3A_2459] {strides = array<i32>} : memref<32768xi32, #tpu.memory_space<vmem>>, vector<16xi32>,
      %add3A_2461 = arith.addi %scan3A_2360, %get3A_2460 : vector<16xi32>
      %shift_right_arithmetic3A_2462 = arith.constant 1 : i32
      %shift_right_arithmetic3A_2463 = vector.broadcast %shift_right_arithmetic3A_2462 : i32 to vector<16xi32>
      %shift_right_arithmetic3A_2464 = arith.shrsi %get3A_2460, %shift_right_arithmetic3A_2463 : vector<16xi32>
      %add3A_2465 = arith.addi %scan3A_2376, %shift_right_arithmetic3A_2464 : vector<16xi32>
      %add3A_2466 = arith.constant 18432 : i32
      %add3A_2467 = arith.addi %mul3A_2385, %add3A_2466 : i32
      %get3A_2468 = arith.index_cast %add3A_2467 : i32 to index
      %get3A_2469 = tpu.vector_load %arg6[%get3A_2468] {strides = array<i32>} : memref<32768xi32, #tpu.memory_space<vmem>>, vector<16xi32>,
      %add3A_2470 = arith.addi %scan3A_2361, %get3A_2469 : vector<16xi32>
      %shift_right_arithmetic3A_2471 = arith.constant 1 : i32
      %shift_right_arithmetic3A_2472 = vector.broadcast %shift_right_arithmetic3A_2471 : i32 to vector<16xi32>
      %shift_right_arithmetic3A_2473 = arith.shrsi %get3A_2469, %shift_right_arithmetic3A_2472 : vector<16xi32>
      %add3A_2474 = arith.addi %scan3A_2377, %shift_right_arithmetic3A_2473 : vector<16xi32>
      %add3A_2475 = arith.constant 20480 : i32
      %add3A_2476 = arith.addi %mul3A_2385, %add3A_2475 : i32
      %get3A_2477 = arith.index_cast %add3A_2476 : i32 to index
      %get3A_2478 = tpu.vector_load %arg6[%get3A_2477] {strides = array<i32>} : memref<32768xi32, #tpu.memory_space<vmem>>, vector<16xi32>,
      %add3A_2479 = arith.addi %scan3A_2362, %get3A_2478 : vector<16xi32>
      %shift_right_arithmetic3A_2480 = arith.constant 1 : i32
      %shift_right_arithmetic3A_2481 = vector.broadcast %shift_right_arithmetic3A_2480 : i32 to vector<16xi32>
      %shift_right_arithmetic3A_2482 = arith.shrsi %get3A_2478, %shift_right_arithmetic3A_2481 : vector<16xi32>
      %add3A_2483 = arith.addi %scan3A_2378, %shift_right_arithmetic3A_2482 : vector<16xi32>
      %add3A_2484 = arith.constant 22528 : i32
      %add3A_2485 = arith.addi %mul3A_2385, %add3A_2484 : i32
      %get3A_2486 = arith.index_cast %add3A_2485 : i32 to index
      %get3A_2487 = tpu.vector_load %arg6[%get3A_2486] {strides = array<i32>} : memref<32768xi32, #tpu.memory_space<vmem>>, vector<16xi32>,
      %add3A_2488 = arith.addi %scan3A_2363, %get3A_2487 : vector<16xi32>
      %shift_right_arithmetic3A_2489 = arith.constant 1 : i32
      %shift_right_arithmetic3A_2490 = vector.broadcast %shift_right_arithmetic3A_2489 : i32 to vector<16xi32>
      %shift_right_arithmetic3A_2491 = arith.shrsi %get3A_2487, %shift_right_arithmetic3A_2490 : vector<16xi32>
      %add3A_2492 = arith.addi %scan3A_2379, %shift_right_arithmetic3A_2491 : vector<16xi32>
      %add3A_2493 = arith.constant 24576 : i32
      %add3A_2494 = arith.addi %mul3A_2385, %add3A_2493 : i32
      %get3A_2495 = arith.index_cast %add3A_2494 : i32 to index
      %get3A_2496 = tpu.vector_load %arg6[%get3A_2495] {strides = array<i32>} : memref<32768xi32, #tpu.memory_space<vmem>>, vector<16xi32>,
      %add3A_2497 = arith.addi %scan3A_2364, %get3A_2496 : vector<16xi32>
      %shift_right_arithmetic3A_2498 = arith.constant 1 : i32
      %shift_right_arithmetic3A_2499 = vector.broadcast %shift_right_arithmetic3A_2498 : i32 to vector<16xi32>
      %shift_right_arithmetic3A_2500 = arith.shrsi %get3A_2496, %shift_right_arithmetic3A_2499 : vector<16xi32>
      %add3A_2501 = arith.addi %scan3A_2380, %shift_right_arithmetic3A_2500 : vector<16xi32>
      %add3A_2502 = arith.constant 26624 : i32
      %add3A_2503 = arith.addi %mul3A_2385, %add3A_2502 : i32
      %get3A_2504 = arith.index_cast %add3A_2503 : i32 to index
      %get3A_2505 = tpu.vector_load %arg6[%get3A_2504] {strides = array<i32>} : memref<32768xi32, #tpu.memory_space<vmem>>, vector<16xi32>,
      %add3A_2506 = arith.addi %scan3A_2365, %get3A_2505 : vector<16xi32>
      %shift_right_arithmetic3A_2507 = arith.constant 1 : i32
      %shift_right_arithmetic3A_2508 = vector.broadcast %shift_right_arithmetic3A_2507 : i32 to vector<16xi32>
      %shift_right_arithmetic3A_2509 = arith.shrsi %get3A_2505, %shift_right_arithmetic3A_2508 : vector<16xi32>
      %add3A_2510 = arith.addi %scan3A_2381, %shift_right_arithmetic3A_2509 : vector<16xi32>
      %add3A_2511 = arith.constant 28672 : i32
      %add3A_2512 = arith.addi %mul3A_2385, %add3A_2511 : i32
      %get3A_2513 = arith.index_cast %add3A_2512 : i32 to index
      %get3A_2514 = tpu.vector_load %arg6[%get3A_2513] {strides = array<i32>} : memref<32768xi32, #tpu.memory_space<vmem>>, vector<16xi32>,
      %add3A_2515 = arith.addi %scan3A_2366, %get3A_2514 : vector<16xi32>
      %shift_right_arithmetic3A_2516 = arith.constant 1 : i32
      %shift_right_arithmetic3A_2517 = vector.broadcast %shift_right_arithmetic3A_2516 : i32 to vector<16xi32>
      %shift_right_arithmetic3A_2518 = arith.shrsi %get3A_2514, %shift_right_arithmetic3A_2517 : vector<16xi32>
      %add3A_2519 = arith.addi %scan3A_2382, %shift_right_arithmetic3A_2518 : vector<16xi32>
      %add3A_2520 = arith.constant 30720 : i32
      %add3A_2521 = arith.addi %mul3A_2385, %add3A_2520 : i32
      %get3A_2522 = arith.index_cast %add3A_2521 : i32 to index
      %get3A_2523 = tpu.vector_load %arg6[%get3A_2522] {strides = array<i32>} : memref<32768xi32, #tpu.memory_space<vmem>>, vector<16xi32>,
      %add3A_2524 = arith.addi %scan3A_2367, %get3A_2523 : vector<16xi32>
      %shift_right_arithmetic3A_2525 = arith.constant 1 : i32
      %shift_right_arithmetic3A_2526 = vector.broadcast %shift_right_arithmetic3A_2525 : i32 to vector<16xi32>
      %shift_right_arithmetic3A_2527 = arith.shrsi %get3A_2523, %shift_right_arithmetic3A_2526 : vector<16xi32>
      %add3A_2528 = arith.addi %scan3A_2383, %shift_right_arithmetic3A_2527 : vector<16xi32>
      scf.yield %add3A_2390, %add3A_2398, %add3A_2407, %add3A_2416, %add3A_2425, %add3A_2434, %add3A_2443, %add3A_2452, %add3A_2461, %add3A_2470, %add3A_2479, %add3A_2488, %add3A_2497, %add3A_2506, %add3A_2515, %add3A_2524, %add3A_2393, %add3A_2402, %add3A_2411, %add3A_2420, %add3A_2429, %add3A_2438, %add3A_2447, %add3A_2456, %add3A_2465, %add3A_2474, %add3A_2483, %add3A_2492, %add3A_2501, %add3A_2510, %add3A_2519, %add3A_2528 : vector<16xi32>, vector<16xi32>, vector<16xi32>, vector<16xi32>, vector<16xi32>, vector<16xi32>, vector<16xi32>, vector<16xi32>, vector<16xi32>, vector<16xi32>, vector<16xi32>, vector<16xi32>, vector<16xi32>, vector<16xi32>, vector<16xi32>, vector<16xi32>, vector<16xi32>, vector<16xi32>, vector<16xi32>, vector<16xi32>, vector<16xi32>, vector<16xi32>, vector<16xi32>, vector<16xi32>, vector<16xi32>, vector<16xi32>, vector<16xi32>, vector<16xi32>, vector<16xi32>, vector<16xi32>, vector<16xi32>, vector<16xi32>
    }
    %scan3A_2073 = arith.constant 128 : i32
    %broadcast_in_dim3A_2074 = arith.constant 0 : i32
    %broadcast_in_dim3A_2075 = vector.broadcast %broadcast_in_dim3A_2074 : i32 to vector<16xi32>
    %broadcast_in_dim3A_2076 = arith.constant 0 : i32
    %broadcast_in_dim3A_2077 = vector.broadcast %broadcast_in_dim3A_2076 : i32 to vector<16xi32>
    %eq3A_2078 = arith.constant 0 : i32
    %eq3A_2079 = vector.broadcast %eq3A_2078 : i32 to vector<16xi32>
    %eq3A_2080 = arith.cmpi eq, %iota3A, %eq3A_2079 : vector<16xi32>
    %reduce_sum3A_2081 = arith.constant true
    %reduce_sum3A_2082 = vector.broadcast %reduce_sum3A_2081 : i1 to vector<16xi1>
    %reduce_sum3A_2083 = tpu.scan <sum>, %scan3A_2072#0 masked %reduce_sum3A_2082 : vector<16xi32>, vector<16xi1> -> vector<16xi32>
    %reduce_sum3A_2084 = vector.extract %reduce_sum3A_2083[15] : i32 from vector<16xi32>
    %broadcast_in_dim3A_2085 = vector.broadcast %reduce_sum3A_2084 : i32 to vector<16xi32>
    %select_n3A_2086 = arith.select %eq3A_2080, %broadcast_in_dim3A_2085, %broadcast_in_dim3A_2075 : vector<16xi1>, vector<16xi32>
    %reduce_sum3A_2087 = arith.constant true
    %reduce_sum3A_2088 = vector.broadcast %reduce_sum3A_2087 : i1 to vector<16xi1>
    %reduce_sum3A_2089 = tpu.scan <sum>, %scan3A_2072#16 masked %reduce_sum3A_2088 : vector<16xi32>, vector<16xi1> -> vector<16xi32>
    %reduce_sum3A_2090 = vector.extract %reduce_sum3A_2089[15] : i32 from vector<16xi32>
    %broadcast_in_dim3A_2091 = vector.broadcast %reduce_sum3A_2090 : i32 to vector<16xi32>
    %select_n3A_2092 = arith.select %eq3A_2080, %broadcast_in_dim3A_2091, %broadcast_in_dim3A_2077 : vector<16xi1>, vector<16xi32>
    %eq3A_2093 = arith.constant 1 : i32
    %eq3A_2094 = vector.broadcast %eq3A_2093 : i32 to vector<16xi32>
    %eq3A_2095 = arith.cmpi eq, %iota3A, %eq3A_2094 : vector<16xi32>
    %reduce_sum3A_2096 = arith.constant true
    %reduce_sum3A_2097 = vector.broadcast %reduce_sum3A_2096 : i1 to vector<16xi1>
    %reduce_sum3A_2098 = tpu.scan <sum>, %scan3A_2072#1 masked %reduce_sum3A_2097 : vector<16xi32>, vector<16xi1> -> vector<16xi32>
    %reduce_sum3A_2099 = vector.extract %reduce_sum3A_2098[15] : i32 from vector<16xi32>
    %broadcast_in_dim3A_2100 = vector.broadcast %reduce_sum3A_2099 : i32 to vector<16xi32>
    %select_n3A_2101 = arith.select %eq3A_2095, %broadcast_in_dim3A_2100, %select_n3A_2086 : vector<16xi1>, vector<16xi32>
    %reduce_sum3A_2102 = arith.constant true
    %reduce_sum3A_2103 = vector.broadcast %reduce_sum3A_2102 : i1 to vector<16xi1>
    %reduce_sum3A_2104 = tpu.scan <sum>, %scan3A_2072#17 masked %reduce_sum3A_2103 : vector<16xi32>, vector<16xi1> -> vector<16xi32>
    %reduce_sum3A_2105 = vector.extract %reduce_sum3A_2104[15] : i32 from vector<16xi32>
    %broadcast_in_dim3A_2106 = vector.broadcast %reduce_sum3A_2105 : i32 to vector<16xi32>
    %select_n3A_2107 = arith.select %eq3A_2095, %broadcast_in_dim3A_2106, %select_n3A_2092 : vector<16xi1>, vector<16xi32>
    %eq3A_2108 = arith.constant 2 : i32
    %eq3A_2109 = vector.broadcast %eq3A_2108 : i32 to vector<16xi32>
    %eq3A_2110 = arith.cmpi eq, %iota3A, %eq3A_2109 : vector<16xi32>
    %reduce_sum3A_2111 = arith.constant true
    %reduce_sum3A_2112 = vector.broadcast %reduce_sum3A_2111 : i1 to vector<16xi1>
    %reduce_sum3A_2113 = tpu.scan <sum>, %scan3A_2072#2 masked %reduce_sum3A_2112 : vector<16xi32>, vector<16xi1> -> vector<16xi32>
    %reduce_sum3A_2114 = vector.extract %reduce_sum3A_2113[15] : i32 from vector<16xi32>
    %broadcast_in_dim3A_2115 = vector.broadcast %reduce_sum3A_2114 : i32 to vector<16xi32>
    %select_n3A_2116 = arith.select %eq3A_2110, %broadcast_in_dim3A_2115, %select_n3A_2101 : vector<16xi1>, vector<16xi32>
    %reduce_sum3A_2117 = arith.constant true
    %reduce_sum3A_2118 = vector.broadcast %reduce_sum3A_2117 : i1 to vector<16xi1>
    %reduce_sum3A_2119 = tpu.scan <sum>, %scan3A_2072#18 masked %reduce_sum3A_2118 : vector<16xi32>, vector<16xi1> -> vector<16xi32>
    %reduce_sum3A_2120 = vector.extract %reduce_sum3A_2119[15] : i32 from vector<16xi32>
    %broadcast_in_dim3A_2121 = vector.broadcast %reduce_sum3A_2120 : i32 to vector<16xi32>
    %select_n3A_2122 = arith.select %eq3A_2110, %broadcast_in_dim3A_2121, %select_n3A_2107 : vector<16xi1>, vector<16xi32>
    %eq3A_2123 = arith.constant 3 : i32
    %eq3A_2124 = vector.broadcast %eq3A_2123 : i32 to vector<16xi32>
    %eq3A_2125 = arith.cmpi eq, %iota3A, %eq3A_2124 : vector<16xi32>
    %reduce_sum3A_2126 = arith.constant true
    %reduce_sum3A_2127 = vector.broadcast %reduce_sum3A_2126 : i1 to vector<16xi1>
    %reduce_sum3A_2128 = tpu.scan <sum>, %scan3A_2072#3 masked %reduce_sum3A_2127 : vector<16xi32>, vector<16xi1> -> vector<16xi32>
    %reduce_sum3A_2129 = vector.extract %reduce_sum3A_2128[15] : i32 from vector<16xi32>
    %broadcast_in_dim3A_2130 = vector.broadcast %reduce_sum3A_2129 : i32 to vector<16xi32>
    %select_n3A_2131 = arith.select %eq3A_2125, %broadcast_in_dim3A_2130, %select_n3A_2116 : vector<16xi1>, vector<16xi32>
    %reduce_sum3A_2132 = arith.constant true
    %reduce_sum3A_2133 = vector.broadcast %reduce_sum3A_2132 : i1 to vector<16xi1>
    %reduce_sum3A_2134 = tpu.scan <sum>, %scan3A_2072#19 masked %reduce_sum3A_2133 : vector<16xi32>, vector<16xi1> -> vector<16xi32>
    %reduce_sum3A_2135 = vector.extract %reduce_sum3A_2134[15] : i32 from vector<16xi32>
    %broadcast_in_dim3A_2136 = vector.broadcast %reduce_sum3A_2135 : i32 to vector<16xi32>
    %select_n3A_2137 = arith.select %eq3A_2125, %broadcast_in_dim3A_2136, %select_n3A_2122 : vector<16xi1>, vector<16xi32>
    %eq3A_2138 = arith.constant 4 : i32
    %eq3A_2139 = vector.broadcast %eq3A_2138 : i32 to vector<16xi32>
    %eq3A_2140 = arith.cmpi eq, %iota3A, %eq3A_2139 : vector<16xi32>
    %reduce_sum3A_2141 = arith.constant true
    %reduce_sum3A_2142 = vector.broadcast %reduce_sum3A_2141 : i1 to vector<16xi1>
    %reduce_sum3A_2143 = tpu.scan <sum>, %scan3A_2072#4 masked %reduce_sum3A_2142 : vector<16xi32>, vector<16xi1> -> vector<16xi32>
    %reduce_sum3A_2144 = vector.extract %reduce_sum3A_2143[15] : i32 from vector<16xi32>
    %broadcast_in_dim3A_2145 = vector.broadcast %reduce_sum3A_2144 : i32 to vector<16xi32>
    %select_n3A_2146 = arith.select %eq3A_2140, %broadcast_in_dim3A_2145, %select_n3A_2131 : vector<16xi1>, vector<16xi32>
    %reduce_sum3A_2147 = arith.constant true
    %reduce_sum3A_2148 = vector.broadcast %reduce_sum3A_2147 : i1 to vector<16xi1>
    %reduce_sum3A_2149 = tpu.scan <sum>, %scan3A_2072#20 masked %reduce_sum3A_2148 : vector<16xi32>, vector<16xi1> -> vector<16xi32>
    %reduce_sum3A_2150 = vector.extract %reduce_sum3A_2149[15] : i32 from vector<16xi32>
    %broadcast_in_dim3A_2151 = vector.broadcast %reduce_sum3A_2150 : i32 to vector<16xi32>
    %select_n3A_2152 = arith.select %eq3A_2140, %broadcast_in_dim3A_2151, %select_n3A_2137 : vector<16xi1>, vector<16xi32>
    %eq3A_2153 = arith.constant 5 : i32
    %eq3A_2154 = vector.broadcast %eq3A_2153 : i32 to vector<16xi32>
    %eq3A_2155 = arith.cmpi eq, %iota3A, %eq3A_2154 : vector<16xi32>
    %reduce_sum3A_2156 = arith.constant true
    %reduce_sum3A_2157 = vector.broadcast %reduce_sum3A_2156 : i1 to vector<16xi1>
    %reduce_sum3A_2158 = tpu.scan <sum>, %scan3A_2072#5 masked %reduce_sum3A_2157 : vector<16xi32>, vector<16xi1> -> vector<16xi32>
    %reduce_sum3A_2159 = vector.extract %reduce_sum3A_2158[15] : i32 from vector<16xi32>
    %broadcast_in_dim3A_2160 = vector.broadcast %reduce_sum3A_2159 : i32 to vector<16xi32>
    %select_n3A_2161 = arith.select %eq3A_2155, %broadcast_in_dim3A_2160, %select_n3A_2146 : vector<16xi1>, vector<16xi32>
    %reduce_sum3A_2162 = arith.constant true
    %reduce_sum3A_2163 = vector.broadcast %reduce_sum3A_2162 : i1 to vector<16xi1>
    %reduce_sum3A_2164 = tpu.scan <sum>, %scan3A_2072#21 masked %reduce_sum3A_2163 : vector<16xi32>, vector<16xi1> -> vector<16xi32>
    %reduce_sum3A_2165 = vector.extract %reduce_sum3A_2164[15] : i32 from vector<16xi32>
    %broadcast_in_dim3A_2166 = vector.broadcast %reduce_sum3A_2165 : i32 to vector<16xi32>
    %select_n3A_2167 = arith.select %eq3A_2155, %broadcast_in_dim3A_2166, %select_n3A_2152 : vector<16xi1>, vector<16xi32>
    %eq3A_2168 = arith.constant 6 : i32
    %eq3A_2169 = vector.broadcast %eq3A_2168 : i32 to vector<16xi32>
    %eq3A_2170 = arith.cmpi eq, %iota3A, %eq3A_2169 : vector<16xi32>
    %reduce_sum3A_2171 = arith.constant true
    %reduce_sum3A_2172 = vector.broadcast %reduce_sum3A_2171 : i1 to vector<16xi1>
    %reduce_sum3A_2173 = tpu.scan <sum>, %scan3A_2072#6 masked %reduce_sum3A_2172 : vector<16xi32>, vector<16xi1> -> vector<16xi32>
    %reduce_sum3A_2174 = vector.extract %reduce_sum3A_2173[15] : i32 from vector<16xi32>
    %broadcast_in_dim3A_2175 = vector.broadcast %reduce_sum3A_2174 : i32 to vector<16xi32>
    %select_n3A_2176 = arith.select %eq3A_2170, %broadcast_in_dim3A_2175, %select_n3A_2161 : vector<16xi1>, vector<16xi32>
    %reduce_sum3A_2177 = arith.constant true
    %reduce_sum3A_2178 = vector.broadcast %reduce_sum3A_2177 : i1 to vector<16xi1>
    %reduce_sum3A_2179 = tpu.scan <sum>, %scan3A_2072#22 masked %reduce_sum3A_2178 : vector<16xi32>, vector<16xi1> -> vector<16xi32>
    %reduce_sum3A_2180 = vector.extract %reduce_sum3A_2179[15] : i32 from vector<16xi32>
    %broadcast_in_dim3A_2181 = vector.broadcast %reduce_sum3A_2180 : i32 to vector<16xi32>
    %select_n3A_2182 = arith.select %eq3A_2170, %broadcast_in_dim3A_2181, %select_n3A_2167 : vector<16xi1>, vector<16xi32>
    %eq3A_2183 = arith.constant 7 : i32
    %eq3A_2184 = vector.broadcast %eq3A_2183 : i32 to vector<16xi32>
    %eq3A_2185 = arith.cmpi eq, %iota3A, %eq3A_2184 : vector<16xi32>
    %reduce_sum3A_2186 = arith.constant true
    %reduce_sum3A_2187 = vector.broadcast %reduce_sum3A_2186 : i1 to vector<16xi1>
    %reduce_sum3A_2188 = tpu.scan <sum>, %scan3A_2072#7 masked %reduce_sum3A_2187 : vector<16xi32>, vector<16xi1> -> vector<16xi32>
    %reduce_sum3A_2189 = vector.extract %reduce_sum3A_2188[15] : i32 from vector<16xi32>
    %broadcast_in_dim3A_2190 = vector.broadcast %reduce_sum3A_2189 : i32 to vector<16xi32>
    %select_n3A_2191 = arith.select %eq3A_2185, %broadcast_in_dim3A_2190, %select_n3A_2176 : vector<16xi1>, vector<16xi32>
    %reduce_sum3A_2192 = arith.constant true
    %reduce_sum3A_2193 = vector.broadcast %reduce_sum3A_2192 : i1 to vector<16xi1>
    %reduce_sum3A_2194 = tpu.scan <sum>, %scan3A_2072#23 masked %reduce_sum3A_2193 : vector<16xi32>, vector<16xi1> -> vector<16xi32>
    %reduce_sum3A_2195 = vector.extract %reduce_sum3A_2194[15] : i32 from vector<16xi32>
    %broadcast_in_dim3A_2196 = vector.broadcast %reduce_sum3A_2195 : i32 to vector<16xi32>
    %select_n3A_2197 = arith.select %eq3A_2185, %broadcast_in_dim3A_2196, %select_n3A_2182 : vector<16xi1>, vector<16xi32>
    %eq3A_2198 = arith.constant 8 : i32
    %eq3A_2199 = vector.broadcast %eq3A_2198 : i32 to vector<16xi32>
    %eq3A_2200 = arith.cmpi eq, %iota3A, %eq3A_2199 : vector<16xi32>
    %reduce_sum3A_2201 = arith.constant true
    %reduce_sum3A_2202 = vector.broadcast %reduce_sum3A_2201 : i1 to vector<16xi1>
    %reduce_sum3A_2203 = tpu.scan <sum>, %scan3A_2072#8 masked %reduce_sum3A_2202 : vector<16xi32>, vector<16xi1> -> vector<16xi32>
    %reduce_sum3A_2204 = vector.extract %reduce_sum3A_2203[15] : i32 from vector<16xi32>
    %broadcast_in_dim3A_2205 = vector.broadcast %reduce_sum3A_2204 : i32 to vector<16xi32>
    %select_n3A_2206 = arith.select %eq3A_2200, %broadcast_in_dim3A_2205, %select_n3A_2191 : vector<16xi1>, vector<16xi32>
    %reduce_sum3A_2207 = arith.constant true
    %reduce_sum3A_2208 = vector.broadcast %reduce_sum3A_2207 : i1 to vector<16xi1>
    %reduce_sum3A_2209 = tpu.scan <sum>, %scan3A_2072#24 masked %reduce_sum3A_2208 : vector<16xi32>, vector<16xi1> -> vector<16xi32>
    %reduce_sum3A_2210 = vector.extract %reduce_sum3A_2209[15] : i32 from vector<16xi32>
    %broadcast_in_dim3A_2211 = vector.broadcast %reduce_sum3A_2210 : i32 to vector<16xi32>
    %select_n3A_2212 = arith.select %eq3A_2200, %broadcast_in_dim3A_2211, %select_n3A_2197 : vector<16xi1>, vector<16xi32>
    %eq3A_2213 = arith.constant 9 : i32
    %eq3A_2214 = vector.broadcast %eq3A_2213 : i32 to vector<16xi32>
    %eq3A_2215 = arith.cmpi eq, %iota3A, %eq3A_2214 : vector<16xi32>
    %reduce_sum3A_2216 = arith.constant true
    %reduce_sum3A_2217 = vector.broadcast %reduce_sum3A_2216 : i1 to vector<16xi1>
    %reduce_sum3A_2218 = tpu.scan <sum>, %scan3A_2072#9 masked %reduce_sum3A_2217 : vector<16xi32>, vector<16xi1> -> vector<16xi32>
    %reduce_sum3A_2219 = vector.extract %reduce_sum3A_2218[15] : i32 from vector<16xi32>
    %broadcast_in_dim3A_2220 = vector.broadcast %reduce_sum3A_2219 : i32 to vector<16xi32>
    %select_n3A_2221 = arith.select %eq3A_2215, %broadcast_in_dim3A_2220, %select_n3A_2206 : vector<16xi1>, vector<16xi32>
    %reduce_sum3A_2222 = arith.constant true
    %reduce_sum3A_2223 = vector.broadcast %reduce_sum3A_2222 : i1 to vector<16xi1>
    %reduce_sum3A_2224 = tpu.scan <sum>, %scan3A_2072#25 masked %reduce_sum3A_2223 : vector<16xi32>, vector<16xi1> -> vector<16xi32>
    %reduce_sum3A_2225 = vector.extract %reduce_sum3A_2224[15] : i32 from vector<16xi32>
    %broadcast_in_dim3A_2226 = vector.broadcast %reduce_sum3A_2225 : i32 to vector<16xi32>
    %select_n3A_2227 = arith.select %eq3A_2215, %broadcast_in_dim3A_2226, %select_n3A_2212 : vector<16xi1>, vector<16xi32>
    %eq3A_2228 = arith.constant 10 : i32
    %eq3A_2229 = vector.broadcast %eq3A_2228 : i32 to vector<16xi32>
    %eq3A_2230 = arith.cmpi eq, %iota3A, %eq3A_2229 : vector<16xi32>
    %reduce_sum3A_2231 = arith.constant true
    %reduce_sum3A_2232 = vector.broadcast %reduce_sum3A_2231 : i1 to vector<16xi1>
    %reduce_sum3A_2233 = tpu.scan <sum>, %scan3A_2072#10 masked %reduce_sum3A_2232 : vector<16xi32>, vector<16xi1> -> vector<16xi32>
    %reduce_sum3A_2234 = vector.extract %reduce_sum3A_2233[15] : i32 from vector<16xi32>
    %broadcast_in_dim3A_2235 = vector.broadcast %reduce_sum3A_2234 : i32 to vector<16xi32>
    %select_n3A_2236 = arith.select %eq3A_2230, %broadcast_in_dim3A_2235, %select_n3A_2221 : vector<16xi1>, vector<16xi32>
    %reduce_sum3A_2237 = arith.constant true
    %reduce_sum3A_2238 = vector.broadcast %reduce_sum3A_2237 : i1 to vector<16xi1>
    %reduce_sum3A_2239 = tpu.scan <sum>, %scan3A_2072#26 masked %reduce_sum3A_2238 : vector<16xi32>, vector<16xi1> -> vector<16xi32>
    %reduce_sum3A_2240 = vector.extract %reduce_sum3A_2239[15] : i32 from vector<16xi32>
    %broadcast_in_dim3A_2241 = vector.broadcast %reduce_sum3A_2240 : i32 to vector<16xi32>
    %select_n3A_2242 = arith.select %eq3A_2230, %broadcast_in_dim3A_2241, %select_n3A_2227 : vector<16xi1>, vector<16xi32>
    %eq3A_2243 = arith.constant 11 : i32
    %eq3A_2244 = vector.broadcast %eq3A_2243 : i32 to vector<16xi32>
    %eq3A_2245 = arith.cmpi eq, %iota3A, %eq3A_2244 : vector<16xi32>
    %reduce_sum3A_2246 = arith.constant true
    %reduce_sum3A_2247 = vector.broadcast %reduce_sum3A_2246 : i1 to vector<16xi1>
    %reduce_sum3A_2248 = tpu.scan <sum>, %scan3A_2072#11 masked %reduce_sum3A_2247 : vector<16xi32>, vector<16xi1> -> vector<16xi32>
    %reduce_sum3A_2249 = vector.extract %reduce_sum3A_2248[15] : i32 from vector<16xi32>
    %broadcast_in_dim3A_2250 = vector.broadcast %reduce_sum3A_2249 : i32 to vector<16xi32>
    %select_n3A_2251 = arith.select %eq3A_2245, %broadcast_in_dim3A_2250, %select_n3A_2236 : vector<16xi1>, vector<16xi32>
    %reduce_sum3A_2252 = arith.constant true
    %reduce_sum3A_2253 = vector.broadcast %reduce_sum3A_2252 : i1 to vector<16xi1>
    %reduce_sum3A_2254 = tpu.scan <sum>, %scan3A_2072#27 masked %reduce_sum3A_2253 : vector<16xi32>, vector<16xi1> -> vector<16xi32>
    %reduce_sum3A_2255 = vector.extract %reduce_sum3A_2254[15] : i32 from vector<16xi32>
    %broadcast_in_dim3A_2256 = vector.broadcast %reduce_sum3A_2255 : i32 to vector<16xi32>
    %select_n3A_2257 = arith.select %eq3A_2245, %broadcast_in_dim3A_2256, %select_n3A_2242 : vector<16xi1>, vector<16xi32>
    %eq3A_2258 = arith.constant 12 : i32
    %eq3A_2259 = vector.broadcast %eq3A_2258 : i32 to vector<16xi32>
    %eq3A_2260 = arith.cmpi eq, %iota3A, %eq3A_2259 : vector<16xi32>
    %reduce_sum3A_2261 = arith.constant true
    %reduce_sum3A_2262 = vector.broadcast %reduce_sum3A_2261 : i1 to vector<16xi1>
    %reduce_sum3A_2263 = tpu.scan <sum>, %scan3A_2072#12 masked %reduce_sum3A_2262 : vector<16xi32>, vector<16xi1> -> vector<16xi32>
    %reduce_sum3A_2264 = vector.extract %reduce_sum3A_2263[15] : i32 from vector<16xi32>
    %broadcast_in_dim3A_2265 = vector.broadcast %reduce_sum3A_2264 : i32 to vector<16xi32>
    %select_n3A_2266 = arith.select %eq3A_2260, %broadcast_in_dim3A_2265, %select_n3A_2251 : vector<16xi1>, vector<16xi32>
    %reduce_sum3A_2267 = arith.constant true
    %reduce_sum3A_2268 = vector.broadcast %reduce_sum3A_2267 : i1 to vector<16xi1>
    %reduce_sum3A_2269 = tpu.scan <sum>, %scan3A_2072#28 masked %reduce_sum3A_2268 : vector<16xi32>, vector<16xi1> -> vector<16xi32>
    %reduce_sum3A_2270 = vector.extract %reduce_sum3A_2269[15] : i32 from vector<16xi32>
    %broadcast_in_dim3A_2271 = vector.broadcast %reduce_sum3A_2270 : i32 to vector<16xi32>
    %select_n3A_2272 = arith.select %eq3A_2260, %broadcast_in_dim3A_2271, %select_n3A_2257 : vector<16xi1>, vector<16xi32>
    %eq3A_2273 = arith.constant 13 : i32
    %eq3A_2274 = vector.broadcast %eq3A_2273 : i32 to vector<16xi32>
    %eq3A_2275 = arith.cmpi eq, %iota3A, %eq3A_2274 : vector<16xi32>
    %reduce_sum3A_2276 = arith.constant true
    %reduce_sum3A_2277 = vector.broadcast %reduce_sum3A_2276 : i1 to vector<16xi1>
    %reduce_sum3A_2278 = tpu.scan <sum>, %scan3A_2072#13 masked %reduce_sum3A_2277 : vector<16xi32>, vector<16xi1> -> vector<16xi32>
    %reduce_sum3A_2279 = vector.extract %reduce_sum3A_2278[15] : i32 from vector<16xi32>
    %broadcast_in_dim3A_2280 = vector.broadcast %reduce_sum3A_2279 : i32 to vector<16xi32>
    %select_n3A_2281 = arith.select %eq3A_2275, %broadcast_in_dim3A_2280, %select_n3A_2266 : vector<16xi1>, vector<16xi32>
    %reduce_sum3A_2282 = arith.constant true
    %reduce_sum3A_2283 = vector.broadcast %reduce_sum3A_2282 : i1 to vector<16xi1>
    %reduce_sum3A_2284 = tpu.scan <sum>, %scan3A_2072#29 masked %reduce_sum3A_2283 : vector<16xi32>, vector<16xi1> -> vector<16xi32>
    %reduce_sum3A_2285 = vector.extract %reduce_sum3A_2284[15] : i32 from vector<16xi32>
    %broadcast_in_dim3A_2286 = vector.broadcast %reduce_sum3A_2285 : i32 to vector<16xi32>
    %select_n3A_2287 = arith.select %eq3A_2275, %broadcast_in_dim3A_2286, %select_n3A_2272 : vector<16xi1>, vector<16xi32>
    %eq3A_2288 = arith.constant 14 : i32
    %eq3A_2289 = vector.broadcast %eq3A_2288 : i32 to vector<16xi32>
    %eq3A_2290 = arith.cmpi eq, %iota3A, %eq3A_2289 : vector<16xi32>
    %reduce_sum3A_2291 = arith.constant true
    %reduce_sum3A_2292 = vector.broadcast %reduce_sum3A_2291 : i1 to vector<16xi1>
    %reduce_sum3A_2293 = tpu.scan <sum>, %scan3A_2072#14 masked %reduce_sum3A_2292 : vector<16xi32>, vector<16xi1> -> vector<16xi32>
    %reduce_sum3A_2294 = vector.extract %reduce_sum3A_2293[15] : i32 from vector<16xi32>
    %broadcast_in_dim3A_2295 = vector.broadcast %reduce_sum3A_2294 : i32 to vector<16xi32>
    %select_n3A_2296 = arith.select %eq3A_2290, %broadcast_in_dim3A_2295, %select_n3A_2281 : vector<16xi1>, vector<16xi32>
    %reduce_sum3A_2297 = arith.constant true
    %reduce_sum3A_2298 = vector.broadcast %reduce_sum3A_2297 : i1 to vector<16xi1>
    %reduce_sum3A_2299 = tpu.scan <sum>, %scan3A_2072#30 masked %reduce_sum3A_2298 : vector<16xi32>, vector<16xi1> -> vector<16xi32>
    %reduce_sum3A_2300 = vector.extract %reduce_sum3A_2299[15] : i32 from vector<16xi32>
    %broadcast_in_dim3A_2301 = vector.broadcast %reduce_sum3A_2300 : i32 to vector<16xi32>
    %select_n3A_2302 = arith.select %eq3A_2290, %broadcast_in_dim3A_2301, %select_n3A_2287 : vector<16xi1>, vector<16xi32>
    %eq3A_2303 = arith.constant 15 : i32
    %eq3A_2304 = vector.broadcast %eq3A_2303 : i32 to vector<16xi32>
    %eq3A_2305 = arith.cmpi eq, %iota3A, %eq3A_2304 : vector<16xi32>
    %reduce_sum3A_2306 = arith.constant true
    %reduce_sum3A_2307 = vector.broadcast %reduce_sum3A_2306 : i1 to vector<16xi1>
    %reduce_sum3A_2308 = tpu.scan <sum>, %scan3A_2072#15 masked %reduce_sum3A_2307 : vector<16xi32>, vector<16xi1> -> vector<16xi32>
    %reduce_sum3A_2309 = vector.extract %reduce_sum3A_2308[15] : i32 from vector<16xi32>
    %broadcast_in_dim3A_2310 = vector.broadcast %reduce_sum3A_2309 : i32 to vector<16xi32>
    %select_n3A_2311 = arith.select %eq3A_2305, %broadcast_in_dim3A_2310, %select_n3A_2296 : vector<16xi1>, vector<16xi32>
    %reduce_sum3A_2312 = arith.constant true
    %reduce_sum3A_2313 = vector.broadcast %reduce_sum3A_2312 : i1 to vector<16xi1>
    %reduce_sum3A_2314 = tpu.scan <sum>, %scan3A_2072#31 masked %reduce_sum3A_2313 : vector<16xi32>, vector<16xi1> -> vector<16xi32>
    %reduce_sum3A_2315 = vector.extract %reduce_sum3A_2314[15] : i32 from vector<16xi32>
    %broadcast_in_dim3A_2316 = vector.broadcast %reduce_sum3A_2315 : i32 to vector<16xi32>
    %select_n3A_2317 = arith.select %eq3A_2305, %broadcast_in_dim3A_2316, %select_n3A_2302 : vector<16xi1>, vector<16xi32>
    %convert_element_type3A_2318 = arith.sitofp %select_n3A_2311 : vector<16xi32> to vector<16xf32>
    %convert_element_type3A_2319 = arith.sitofp %select_n3A_2317 : vector<16xi32> to vector<16xf32>
    %sub3A_2320 = arith.subf %convert_element_type3A_2318, %convert_element_type3A_2319 : vector<16xf32>
    %sub3A_2321 = arith.subf %sub3A_2320, %convert_element_type3A_2319 : vector<16xf32>
    %sub3A_2322 = arith.subf %broadcast_in_dim3A_10, %convert_element_type3A_2318 : vector<16xf32>
    %add3A_2323 = arith.addf %sub3A_2322, %convert_element_type3A_2319 : vector<16xf32>
    %mul3A_2324 = arith.mulf %add3A_2323, %broadcast_in_dim3A_6 : vector<16xf32>
    %mul3A_2325 = arith.mulf %sub3A_2321, %broadcast_in_dim3A_6 : vector<16xf32>
    %mul3A_2326 = arith.mulf %convert_element_type3A_2319, %broadcast_in_dim3A_6 : vector<16xf32>
    %mul3A_2327 = arith.mulf %mul3A_2324, %get3A_17 : vector<16xf32>
    %mul3A_2328 = arith.mulf %mul3A_2325, %get3A_21 : vector<16xf32>
    %add3A_2329 = arith.addf %mul3A_2327, %mul3A_2328 : vector<16xf32>
    %mul3A_2330 = arith.mulf %mul3A_2326, %get3A_25 : vector<16xf32>
    %add3A_2331 = arith.addf %add3A_2329, %mul3A_2330 : vector<16xf32>
    %add3A_2332 = arith.addf %mul3A_2324, %mul3A_2324 : vector<16xf32>
    %neg3A_2333 = arith.constant 0.000000e+00 : f32
    %neg3A_2334 = vector.broadcast %neg3A_2333 : f32 to vector<16xf32>
    %neg3A_2335 = arith.subf %neg3A_2334, %add3A_2332 : vector<16xf32>
    %exp3A_2336 = math.exp %neg3A_2335 : vector<16xf32>
    %add3A_2337 = arith.addf %broadcast_in_dim3A_8, %exp3A_2336 : vector<16xf32>
    %div3A_2338 = arith.divf %broadcast_in_dim3A_8, %add3A_2337 : vector<16xf32>
    %add3A_2339 = arith.addf %broadcast_in_dim3A_8, %div3A_2338 : vector<16xf32>
    %mul3A_2340 = arith.mulf %add3A_2331, %add3A_2339 : vector<16xf32>
    %neg3A_2341 = arith.constant 0.000000e+00 : f32
    %neg3A_2342 = vector.broadcast %neg3A_2341 : f32 to vector<16xf32>
    %neg3A_2343 = arith.subf %neg3A_2342, %mul3A_2340 : vector<16xf32>
    %exp3A_2344 = math.exp %neg3A_2343 : vector<16xf32>
    %add3A_2345 = arith.addf %broadcast_in_dim3A_8, %exp3A_2344 : vector<16xf32>
    %div3A_2346 = arith.divf %broadcast_in_dim3A_8, %add3A_2345 : vector<16xf32>
    %max3A_2347 = arith.maximumf %div3A_2346, %broadcast_in_dim3A_12 : vector<16xf32>
    %min3A_2348 = arith.minimumf %max3A_2347, %broadcast_in_dim3A_14 : vector<16xf32>
    %swap3A_2349 = arith.constant 112 : index
    %swap3A_2350 = tpu.vector_load %arg8[%swap3A_2349] {strides = array<i32>} : memref<128xf32, #tpu.memory_space<vmem>>, vector<16xf32>,
    tpu.vector_store %arg8[%swap3A_2349], %min3A_2348 {strides = array<i32>} : memref<128xf32, #tpu.memory_space<vmem>>, vector<16xf32>,
    "tpu.region"() ({
      %run_scoped3A = tpu.sem_alloc : memref<!tpu.dma_semaphore, #tpu.memory_space<semaphore_mem>>
      %dma_start3A_2351 = tpu.memref_slice %arg4[%mul3A_2] : memref<4096xf32, #tpu.memory_space<hbm>> -> memref<128xf32, #tpu.memory_space<hbm>>
      %dma_start3A_2352 = tpu.memref_slice %arg4[%mul3A_2] : memref<4096xf32, #tpu.memory_space<hbm>> -> memref<128xf32, #tpu.memory_space<hbm>>
      tpu.enqueue_dma source(%arg8 : memref<128xf32, #tpu.memory_space<vmem>>) target(%dma_start3A_2352 : memref<128xf32, #tpu.memory_space<hbm>>) target_semaphore(%run_scoped3A : memref<!tpu.dma_semaphore, #tpu.memory_space<semaphore_mem>>)
      %dma_wait3A_2353 = tpu.memref_slice %arg4[%mul3A_2] : memref<4096xf32, #tpu.memory_space<hbm>> -> memref<128xf32, #tpu.memory_space<hbm>>
      %dma_wait3A_2354 = tpu.memref_slice %arg4[%mul3A_2] : memref<4096xf32, #tpu.memory_space<hbm>> -> memref<128xf32, #tpu.memory_space<hbm>>
      tpu.wait_dma2 semaphore(%run_scoped3A : memref<!tpu.dma_semaphore, #tpu.memory_space<semaphore_mem>>) src(%arg8 : memref<128xf32, #tpu.memory_space<vmem>>) dst(%dma_wait3A_2354 : memref<128xf32, #tpu.memory_space<hbm>>)
      tpu.yield
    }) : () -> ()
    return
  }
}

module attributes {stable_mosaic.version = 14 : i64} {
  func.func @_tc_body(%arg0: i32, %arg1: memref<2097152xi32, #tpu.memory_space<vmem>>, %arg2: memref<3x16xf32, #tpu.memory_space<vmem>>, %arg3: memref<1024xf32, #tpu.memory_space<vmem>>) attributes {dimension_semantics = [#tpu.dimension_semantics<arbitrary>], iteration_bounds = array<i64: 4>, scalar_prefetch = 0 : i64, scratch_operands = 0 : i64, tpu.core_type = #tpu.core_type<tc>, window_params = [{transform_indices = @transform_0, window_bounds = array<i64: 2097152>}, {pipeline_mode = #tpu.pipeline_mode<synchronous>, transform_indices = @transform_1, window_bounds = array<i64: 3, 16>}, {transform_indices = @transform_2, window_bounds = array<i64: 1024>}]} {
    %get3A = arith.constant 0 : index
    %get3A_0 = vector.load %arg1[%get3A] : memref<2097152xi32, #tpu.memory_space<vmem>>, vector<2097152xi32>
    %reshape3A = vector.shape_cast %get3A_0 : vector<2097152xi32> to vector<1024x2048xi32>
    %reduce_sum3A = arith.constant dense<0> : vector<1024xi32>
    %reduce_sum3A_1 = vector.multi_reduction <add>, %reshape3A, %reduce_sum3A [1] : vector<1024x2048xi32> to vector<1024xi32>
    %shift_right_arithmetic3A = arith.constant 1 : i32
    %shift_right_arithmetic3A_2 = vector.broadcast %shift_right_arithmetic3A : i32 to vector<1024x2048xi32>
    %shift_right_arithmetic3A_3 = arith.shrsi %reshape3A, %shift_right_arithmetic3A_2 : vector<1024x2048xi32>
    %reduce_sum3A_4 = arith.constant dense<0> : vector<1024xi32>
    %reduce_sum3A_5 = vector.multi_reduction <add>, %shift_right_arithmetic3A_3, %reduce_sum3A_4 [1] : vector<1024x2048xi32> to vector<1024xi32>
    %convert_element_type3A = arith.sitofp %reduce_sum3A_1 : vector<1024xi32> to vector<1024xf32>
    %convert_element_type3A_6 = arith.sitofp %reduce_sum3A_5 : vector<1024xi32> to vector<1024xf32>
    %sub3A = arith.subf %convert_element_type3A, %convert_element_type3A_6 : vector<1024xf32>
    %sub3A_7 = arith.subf %sub3A, %convert_element_type3A_6 : vector<1024xf32>
    %sub3A_8 = arith.constant 2.048000e+03 : f32
    %sub3A_9 = vector.broadcast %sub3A_8 : f32 to vector<1024xf32>
    %sub3A_10 = arith.subf %sub3A_9, %convert_element_type3A : vector<1024xf32>
    %add3A = arith.addf %sub3A_10, %convert_element_type3A_6 : vector<1024xf32>
    %mul3A = arith.constant 4.8828125E-4 : f32
    %mul3A_11 = vector.broadcast %mul3A : f32 to vector<1024xf32>
    %mul3A_12 = arith.mulf %add3A, %mul3A_11 : vector<1024xf32>
    %mul3A_13 = arith.constant 4.8828125E-4 : f32
    %mul3A_14 = vector.broadcast %mul3A_13 : f32 to vector<1024xf32>
    %mul3A_15 = arith.mulf %sub3A_7, %mul3A_14 : vector<1024xf32>
    %mul3A_16 = arith.constant 4.8828125E-4 : f32
    %mul3A_17 = vector.broadcast %mul3A_16 : f32 to vector<1024xf32>
    %mul3A_18 = arith.mulf %convert_element_type3A_6, %mul3A_17 : vector<1024xf32>
    %get3A_19 = arith.constant 0 : index
    %get3A_20 = arith.constant 0 : index
    %get3A_21 = vector.load %arg2[%get3A_19, %get3A_20] : memref<3x16xf32, #tpu.memory_space<vmem>>, vector<1x1xf32>
    %get3A_22 = vector.extract %get3A_21[0, 0] : f32 from vector<1x1xf32>
    %get3A_23 = arith.constant 1 : index
    %get3A_24 = arith.constant 0 : index
    %get3A_25 = vector.load %arg2[%get3A_23, %get3A_24] : memref<3x16xf32, #tpu.memory_space<vmem>>, vector<1x1xf32>
    %get3A_26 = vector.extract %get3A_25[0, 0] : f32 from vector<1x1xf32>
    %get3A_27 = arith.constant 2 : index
    %get3A_28 = arith.constant 0 : index
    %get3A_29 = vector.load %arg2[%get3A_27, %get3A_28] : memref<3x16xf32, #tpu.memory_space<vmem>>, vector<1x1xf32>
    %get3A_30 = vector.extract %get3A_29[0, 0] : f32 from vector<1x1xf32>
    %mul3A_31 = vector.broadcast %get3A_22 : f32 to vector<1024xf32>
    %mul3A_32 = arith.mulf %mul3A_12, %mul3A_31 : vector<1024xf32>
    %mul3A_33 = vector.broadcast %get3A_26 : f32 to vector<1024xf32>
    %mul3A_34 = arith.mulf %mul3A_15, %mul3A_33 : vector<1024xf32>
    %add3A_35 = arith.addf %mul3A_32, %mul3A_34 : vector<1024xf32>
    %mul3A_36 = vector.broadcast %get3A_30 : f32 to vector<1024xf32>
    %mul3A_37 = arith.mulf %mul3A_18, %mul3A_36 : vector<1024xf32>
    %add3A_38 = arith.addf %add3A_35, %mul3A_37 : vector<1024xf32>
    %add3A_39 = arith.addf %mul3A_12, %mul3A_12 : vector<1024xf32>
    %neg3A = arith.constant 0.000000e+00 : f32
    %neg3A_40 = vector.broadcast %neg3A : f32 to vector<1024xf32>
    %neg3A_41 = arith.subf %neg3A_40, %add3A_39 : vector<1024xf32>
    %exp3A = math.exp %neg3A_41 : vector<1024xf32>
    %add3A_42 = arith.constant 1.000000e+00 : f32
    %add3A_43 = vector.broadcast %add3A_42 : f32 to vector<1024xf32>
    %add3A_44 = arith.addf %add3A_43, %exp3A : vector<1024xf32>
    %div3A = arith.constant 1.000000e+00 : f32
    %div3A_45 = vector.broadcast %div3A : f32 to vector<1024xf32>
    %div3A_46 = arith.divf %div3A_45, %add3A_44 : vector<1024xf32>
    %add3A_47 = arith.constant 1.000000e+00 : f32
    %add3A_48 = vector.broadcast %add3A_47 : f32 to vector<1024xf32>
    %add3A_49 = arith.addf %add3A_48, %div3A_46 : vector<1024xf32>
    %mul3A_50 = arith.mulf %add3A_38, %add3A_49 : vector<1024xf32>
    %neg3A_51 = arith.constant 0.000000e+00 : f32
    %neg3A_52 = vector.broadcast %neg3A_51 : f32 to vector<1024xf32>
    %neg3A_53 = arith.subf %neg3A_52, %mul3A_50 : vector<1024xf32>
    %exp3A_54 = math.exp %neg3A_53 : vector<1024xf32>
    %add3A_55 = arith.constant 1.000000e+00 : f32
    %add3A_56 = vector.broadcast %add3A_55 : f32 to vector<1024xf32>
    %add3A_57 = arith.addf %add3A_56, %exp3A_54 : vector<1024xf32>
    %div3A_58 = arith.constant 1.000000e+00 : f32
    %div3A_59 = vector.broadcast %div3A_58 : f32 to vector<1024xf32>
    %div3A_60 = arith.divf %div3A_59, %add3A_57 : vector<1024xf32>
    %jit3A = arith.constant 1.000000e-07 : f32
    %jit3A_61 = arith.constant 0.99999988 : f32
    %max3A = vector.broadcast %jit3A : f32 to vector<1024xf32>
    %max3A_62 = arith.maximumf %max3A, %div3A_60 : vector<1024xf32>
    %min3A = vector.broadcast %jit3A_61 : f32 to vector<1024xf32>
    %min3A_63 = arith.minimumf %min3A, %max3A_62 : vector<1024xf32>
    %swap3A = arith.constant 0 : index
    %swap3A_64 = vector.load %arg3[%swap3A] : memref<1024xf32, #tpu.memory_space<vmem>>, vector<1024xf32>
    tpu.vector_store %arg3[%swap3A], %min3A_63 {strides = array<i32>} : memref<1024xf32, #tpu.memory_space<vmem>>, vector<1024xf32>,
    return
  }
  func.func @transform_0(%arg0: i32) -> i32 {
    %add3A = arith.constant 4 : i32
    %add3A_0 = arith.addi %arg0, %add3A : i32
    %c0_i32 = arith.constant 0 : i32
    return %add3A_0 : i32
  }
  func.func @transform_1(%arg0: i32) -> (i32, i32) {
    %c0_i32 = arith.constant 0 : i32
    %c0_i32_0 = arith.constant 0 : i32
    %c0_i32_1 = arith.constant 0 : i32
    return %c0_i32, %c0_i32_0 : i32, i32
  }
  func.func @transform_2(%arg0: i32) -> i32 {
    %c0_i32 = arith.constant 0 : i32
    return %arg0 : i32
  }
}

</mosaic_0001>

<sc_bundles>
// kernel: _drowsiness_hybrid.4.cloned.1.call-start
scs
__scs_entry_jumppad:
0x0: {  	(pc) =	sbr.rel $0x88, $3  }
0x1: {  	(tag) =	ssettag $0x0;
	lr =	simm.s32 $0x1  }
0x2: {  	[smem:$0x3F9F] =	sst lr;
	_ =	strace $0xD0000000  }
0x3: {  	_ = 	snop  }
0x4: {  	_ = 	snop  }
0x5: {  	_ = 	snop  }
0x6: {  	_ = 	snop  }
0x7: {  	_ = 	snop  }
__scs_overlays_trampoline_lowered:
0x8: {  	[smem:$0x3FAE] =	sst s0  }
0x9: {  	[smem:$0x3FAF] =	sst s1  }
0xa: {  	[smem:$0x3FB0] =	sst s2  }
0xb: {  	[smem:$0x3FB1] =	sst s3  }
0xc: {  	[smem:$0x3FB2] =	sst s4  }
0xd: {  	[smem:$0x3FB3] =	sst s5  }
0xe: {  	[smem:$0x3FB4] =	sst s6  }
0xf: {  	[smem:$0x3FB5] =	sst s7  }
0x10: {  	[smem:$0x3FB6] =	sst s8  }
0x11: {  	[smem:$0x3FB7] =	sst s9;
	s0 =	simm.s32 @!p0 $0x0  }
0x12: {  	s1 =	sld [smem:$0x3F9D];
	s0 =	simm.s32 @p0 $0x1  }
0x13: {  	[smem:$0x3FB8] =	sst s0;
	s0 =	simm.s32 @!p1 $0x0  }
0x14: {  	s2 =	sld [smem:$0x3F9C];
	s0 =	simm.s32 @p1 $0x1  }
0x15: {  	[smem:$0x3FB9] =	sst s0;
	s0 =	simm.s32 @!p2 $0x0  }
0x16: {  	s3 =	sld [smem:$0x3FDB];
	s0 =	simm.s32 @p2 $0x1  }
0x17: {  	s4 =	simm.s32 $0x1BF5;
	[smem:$0x3FBB] =	sst s0  }
0x18: {  	s0 =	sld [smem:$0x3F9E];
	_ =	swait.ge [sflag:s4], $0x0  }
0x19: {  	s7 =	sld [smem:$0x3F9F]  }
0x1a: {  	s8 =	sadd.s32 $0xFFFFE003, lr  }
0x1b: {  	s9 =	sadd.s32 $0xFFFFFEF7, lr;
	s5 =	simm.s32 $0xFFFFFFFF;
	p2 =	slt.u32 s8, $0xFFFFF086  }
0x1c: {  	p1 =	slt.u32 s9, $0xF7A;
	s5 =	simm.s32 @!p2 $0x0  }
0x1d: {  	s5 =	simm.s32 @p1 $0x1;
	p0 =	seq.s32 s7, s2  }
0x1e: {  	s7 =	smul.u32 @!p0 $0xF7A, s2;
	p2 =	seq.s32 @!p0 s5, $0x0  }
0x1f: {  	s9 =	smul.u32 $0xF7A, s1;
	s8 =	simm.s32 @!p0 $0x1BF5;
	p2 =	por !p2, p0  }
0x20: {  	[sflag:s8] =	ssyncset.s32 @!p0 $0xFFFFF086;
	s6 =	sadd.s32 @!p0 s3, s7;
	s7 =	simm.s32 @!p0 $0x108  }
0x21: {  	s3 =	sadd.s32 s3, s9;
	s6 =	sadd.s32 @!p0 $0x88, s6;
	s7 =	simm.s32 @p2 $0x1082  }
0x22: {  	[simem:s7], [sflag:s8] =	dma.local @!p0 [hbm:s6], $0xF7A  }
0x23: {  	s9 =	sor.u32 $0xD0000000, s2;
	s6 =	simm.s32 $0x108;
	_ =	swait.ge @!p0 [sflag:s8], $0x0  }
0x24: {  	s3 =	sadd.s32 $0x88, s3;
	s6 =	simm.s32 @!p1 $0x1082;
	[sflag:s4] =	ssyncset.s32 $0xFFFFF086  }
0x25: {  	[simem:s6], [sflag:s4] =	dma.local [hbm:s3], $0xF7A  }
0x26: {  	[smem:$0x3F9F] =	sst s1;
	(tag) =	ssettag s2;
	_ =	strace s9  }
0x27: {  	s1 =	sld [smem:$0x3FAF]  }
0x28: {  	s2 =	sld [smem:$0x3FB0]  }
0x29: {  	s4 =	sld [smem:$0x3FB2]  }
0x2a: {  	p0 =	seq.s32 s5, $0x0;
	s5 =	sld [smem:$0x3FB3]  }
0x2b: {  	s6 =	sld [smem:$0x3FB4]  }
0x2c: {  	s7 =	sld [smem:$0x3FB5]  }
0x2d: {  	s3 =	simm.s32 $0x108;
	s8 =	sld [smem:$0x3FB6]  }
0x2e: {  	s3 =	simm.s32 @!p0 $0x1082;
	s9 =	sld [smem:$0x3FB7]  }
0x2f: {  	lr =	sadd.s32 s0, s3;
	s0 =	sld [smem:$0x3FAE]  }
0x30: {  	s3 =	sld [smem:$0x3FB1]  }
0x31: {  	[smem:$0x3FBA] =	sst s10  }
0x32: {  	s10 =	sld [smem:$0x3FB8];
	_ =	sdelay $0x3  }
0x33: {  	p0 =	seq.s32 s10, $0x1;
	s10 =	sld [smem:$0x3FBA];
	_ =	sdelay $0x3  }
0x34: {  	[smem:$0x3FBA] =	sst s10  }
0x35: {  	s10 =	sld [smem:$0x3FB9];
	_ =	sdelay $0x3  }
0x36: {  	p1 =	seq.s32 s10, $0x1;
	s10 =	sld [smem:$0x3FBA];
	_ =	sdelay $0x3  }
0x37: {  	[smem:$0x3FBA] =	sst s10  }
0x38: {  	s10 =	sld [smem:$0x3FBB]  }
0x39: {  	_ = 	snop;
	(pc) =	sbr.ind lr, $3  }
0x3a: {  	_ = 	snop  }
0x3b: {  	_ = 	snop  }
0x3c: {  	p2 =	seq.s32 s10, $0x1;
	s10 =	sld [smem:$0x3FBA]  }
0x3d: {  	_ =	shalt  }
0x3e: {  	_ =	shalt  }
0x3f: {  	_ =	shalt  }
0x40: {  	_ =	shalt  }
0x41: {  	_ =	shalt  }
0x42: {  	_ =	shalt  }
0x43: {  	_ =	shalt  }
0x44: {  	_ =	shalt  }
0x45: {  	_ =	shalt  }
0x46: {  	_ =	shalt  }
0x47: {  	_ =	shalt  }
0x48: {  	_ =	shalt  }
0x49: {  	_ =	shalt  }
0x4a: {  	_ =	shalt  }
0x4b: {  	_ =	shalt  }
0x4c: {  	_ =	shalt  }
0x4d: {  	_ =	shalt  }
0x4e: {  	_ =	shalt  }
0x4f: {  	_ =	shalt  }
0x50: {  	_ =	shalt  }
0x51: {  	_ =	shalt  }
0x52: {  	_ =	shalt  }
0x53: {  	_ =	shalt  }
0x54: {  	_ =	shalt  }
0x55: {  	_ =	shalt  }
0x56: {  	_ =	shalt  }
0x57: {  	_ =	shalt  }
0x58: {  	_ =	shalt  }
0x59: {  	_ =	shalt  }
0x5a: {  	_ =	shalt  }
0x5b: {  	_ =	shalt  }
0x5c: {  	_ =	shalt  }
0x5d: {  	_ =	shalt  }
0x5e: {  	_ =	shalt  }
0x5f: {  	_ =	shalt  }
0x60: {  	_ =	shalt  }
0x61: {  	_ =	shalt  }
0x62: {  	_ =	shalt  }
0x63: {  	_ =	shalt  }
0x64: {  	_ =	shalt  }
0x65: {  	_ =	shalt  }
0x66: {  	_ =	shalt  }
0x67: {  	_ =	shalt  }
0x68: {  	_ =	shalt  }
0x69: {  	_ =	shalt  }
0x6a: {  	_ =	shalt  }
0x6b: {  	_ =	shalt  }
0x6c: {  	_ =	shalt  }
0x6d: {  	_ =	shalt  }
0x6e: {  	_ =	shalt  }
0x6f: {  	_ =	shalt  }
0x70: {  	_ =	shalt  }
0x71: {  	_ =	shalt  }
0x72: {  	_ =	shalt  }
0x73: {  	_ =	shalt  }
0x74: {  	_ =	shalt  }
0x75: {  	_ =	shalt  }
0x76: {  	_ =	shalt  }
0x77: {  	_ =	shalt  }
0x78: {  	_ =	shalt  }
0x79: {  	_ =	shalt  }
0x7a: {  	_ =	shalt  }
0x7b: {  	_ =	shalt  }
0x7c: {  	_ =	shalt  }
0x7d: {  	_ =	shalt  }
0x7e: {  	_ =	shalt  }
0x7f: {  	_ =	shalt  }
0x80: {  	_ =	shalt  }
0x81: {  	_ =	shalt  }
0x82: {  	_ =	shalt  }
0x83: {  	_ =	shalt  }
0x84: {  	_ =	shalt  }
0x85: {  	_ =	shalt  }
0x86: {  	_ =	shalt  }
0x87: {  	_ =	shalt  }
.Lfunc_end0:
.L_simem_size_0:
called_computation_lowered:
.L_overlay_start_0:
0x88: {  	s2 =	sld [smem:$0x3FD9]  }
0x89: {  	s3 =	sld [smem:$0x3FFE];
	_ =	sdelay $0x1  }
0x8a: {  	s1 =	srdreg.scid  }
0x8b: {  	s0 =	sand.u32 $0x1, s1  }
0x8c: {  	s17 =	sshll.u32 s0, $0xA;
	s2 =	sadd.s32 s3, s2  }
0x8d: {  	s2 =	sadd.s32 s2, s17  }
0x8e: {  	[smem:$0x3FC6] =	sst s2  }
0x8f: {  	_ = 	snop  }
0x90: {  	s2 =	sld [smem:$0x3FC9]  }
0x91: {  	s18 =	sld [smem:$0x3FC8];
	(tm) =	ssettm $0x1  }
0x92: {  	s4 =	sld [smem:$0x3FFB];
	_ =	sdelay $0x3  }
0x93: {  	_ =	strace s4  }
0x94: {  	s4 =	sld [smem:$0x3FFC];
	_ =	sdelay $0x3  }
0x95: {  	_ =	strace s4  }
0x96: {  	s4 =	sld [smem:$0x3FFD];
	_ =	sdelay $0x3  }
0x97: {  	_ =	strace s4  }
0x98: {  	_ =	strace $0x8FFFFFFF  }
0x99: {  	s19 =	sld [smem:$0x3FDB];
	_ =	sdelay $0x1  }
0x9a: {  	s5 =	simm.s32 $_scs_section_size  }
0x9b: {  	s6 =	simm.s32 $_size__tile_overlayer_lowered;
	s7 =	simm.s32 $_tile_overlayer_lowered  }
0x9c: {  	s22 =	simm.s32 $0x1BFF;
	s21 =	sshll.u32 s7, $0x1;
	s4 =	sadd.s32 s5, s19  }
0x9d: {  	s8 =	simm.s32 $0x0;
	s20 =	sshll.u32 s6, $0x1;
	s6 =	sadd.s32 s21, s4  }
0x9e: {  	[timem:s8], [sflag:s22] =	dma.local [hbm:s6], s20  }
0x9f: {  	_ =	swait.ge [sflag:s22], s20  }
0xa0: {  	s5 =	ssub.s32 $0x0, s20;
	[sflag:s22] =	ssyncset.done $0x0  }
0xa1: {  	[sflag:s22] =	ssyncadd.s32 s5;
	_ =	sdelay $0x1  }
0xa2: {  	s23 =	simm.s32 $0x1B8B  }
0xa3: {  	_ =	swait.ge [sflag:s23], $0x1  }
0xa4: {  	[sflag:s23] =	ssyncset.done $0x0  }
0xa5: {  	s25 =	simm.s32 $0x1B8E;
	s24 =	sld [smem:$0x3FFE];
	[sflag:s23] =	ssyncadd.s32 $0xFFFFFFFF  }
0xa6: {  	s26 =	simm.s32 $execute0_lowered;
	[smem:$0x3FD2] =	sst s25  }
0xa7: {  	s6 =	sshll.u32 s26, $0x1;
	_ =	strace $0x80000046;
	[dreg:$0x1] =	wrdreg $0xFFFFFFFF  }
0xa8: {  	s28 =	simm.s32 $_size_execute0_lowered;
	s4 =	sadd.s32 s4, s6;
	[dreg:$0x0] =	wrdreg $0x0  }
0xa9: {  	s6 =	sshll.u32 s28, $0x1;
	[dreg:$0x2] =	wrdreg s4  }
0xaa: {  	[dreg:$0x3] =	wrdreg s6  }
0xab: {  	[dreg:$0x4] =	wrdreg $0xC0  }
0xac: {  	_ =	task [dreg:s8], $0x5FFFF  }
0xad: {  	[dreg:$0x1] =	wrdreg $0xFFFFFFFF  }
0xae: {  	[dreg:$0x0] =	wrdreg $0x60  }
0xaf: {  	[dreg:$0x2] =	wrdreg s2  }
0xb0: {  	[dreg:$0x3] =	wrdreg s18  }
0xb1: {  	[dreg:$0x4] =	wrdreg s24  }
0xb2: {  	[dreg:$0x5] =	wrdreg $0x9  }
0xb3: {  	_ =	task.clear_ibuf [dreg:s8], $0x6FFFF;
	_ =	strace $0x90000046  }
0xb4: {  	s29 =	simm.s32 $0x9;
	_ =	strace $0x80000048  }
0xb5: {  	_ =	swait.ge [sflag:s29], $0x1  }
0xb6: {  	[sflag:s29] =	ssyncadd.s32 $0xFFFFFFFF  }
0xb7: {  	_ =	strace $0x90000048  }
0xb8: {  	_ =	sfence  }
0xb9: {  	s30 =	sld [smem:$0x0];
	_ =	sdelay $0x2  }
0xba: {  	s31 =	sshll.u32 s1, $0xD;
	s1 =	sshrl.u32 s1, $0x2  }
0xbb: {  	s3 =	sand.u32 $0x4000, s31;
	s1 =	sadd.s32 s1, s30  }
0xbc: {  	s0 =	sor.u32 s3, s0;
	s1 =	sshll.u32 s1, $0x11  }
0xbd: {  	s0 =	sor.u32 s1, s0  }
0xbe: {  	s0 =	sadd.s32 $0x8F2B, s0  }
0xbf: {  	[sflag:s0] =	ssyncadd.remote.s32 $0x1  }
0xc0: {  	_ =	sfence.sel $0xFFFF  }
0xc1: {  	[dreg:$0x0] =	wrdreg $0xFFFFFFFF;
	(pc) =	sbr.abs _section_cstart, $3  }
0xc2: {  	[dreg:$0x1] =	wrdreg $0xFFFFFFFF  }
0xc3: {  	_ =	task.clear_ibuf [dreg:s8], $0x2FFFF;
	_ =	strace $0x9FFFFFFF  }
0xc4: {  	(tm) =	ssettm $0x7FFFFFFF  }
0xc5: {  	_ =	shalt  }
tec
execute0_lowered:
.L_overlay_start_1:
0x0: {  	(tag) =	ssettag $0x1  }
0x1: {  	s4 =	rddreg [dreg:$0x0]  }
0x2: {  	s1 =	rddreg [dreg:$0x1]  }
0x3: {  	s5 =	rddreg [dreg:$0x2]  }
0x4: {  	s2 =	srdreg.scid;
	s0 =	rddreg [dreg:$0x3]  }
0x5: {  	s3 =	simm.s32 $0x0;
	s14 =	simm.s32 $0x10000;
	s15 =	simm.s32 $0x3  }
0x6: {  	s16 =	simm.s32 $0x1;
	s17 =	simm.s32 $0x8000;
	s18 =	simm.s32 $0x2  }
0x7: {  	s19 =	simm.s32 $0x10200;
	s20 =	simm.s32 $0x0;
	s6 =	sand.u32 $0x1, s2  }
0x8: {  	s2 =	stileid.u32;
	[smem:$0x7FF] =	sst s3;
	s7 =	sshll.u32 s6, $0x4  }
0x9: {  	_ =	strace $0x80000047;
	s6 =	ssub.s32 $0x2, s6;
	s7 =	sor.u32 s2, s7  }
0xa: {  	vm0 =	vmmov $0x1;
	vm1 =	vmmov $0x3;
	vm2 =	vmmov $0x7;
	s9 =	sshrl.u32 s6, $0x1;
	s8 =	sshll.u32 s7, $0xF;
	s7 =	sshll.u32 s7, $0x4  }
0xb: {  	vm3 =	vmmov $0xf;
	vm4 =	vmmov $0x1f;
	vm5 =	vmmov $0x3f;
	s13 =	ssub.s32 s6, s9;
	s4 =	sadd.s32 s4, s8;
	s12 =	sadd.s32 s7, s5  }
0xc: {  	vm6 =	vmmov $0x7f;
	vm7 =	vmmov $0xff;
	vm8 =	vmmov $0x1ff;
	s13 =	smax.u32 s13, $0x1;
	s5 =	sadd.s32 $0x1000, s4;
	s6 =	sadd.s32 $0x2000, s4  }
0xd: {  	vm9 =	vmmov $0x3ff;
	vm10 =	vmmov $0x7ff;
	vm11 =	vmmov $0xfff;
	s7 =	sadd.s32 $0x3000, s4;
	s8 =	sadd.s32 $0x4000, s4;
	s9 =	sadd.s32 $0x5000, s4  }
0xe: {  	vm12 =	vmmov $0x1fff;
	vm13 =	vmmov $0x3fff;
	vm14 =	vmmov $0x7fff;
	s10 =	sadd.s32 $0x6000, s4;
	s11 =	sadd.s32 $0x7000, s4;
	s12 =	sadd.s32 $0x600, s12  }
.LBB2_1:
0xf: {  	[tilespmem:s14], [sflag:$0x3] =	stream.linear.gather [hbm4b:s1+s3], $0x180, $0x38;
	[tilespmem:$0x10280] =	vst v63  }
0x10: {  	_ =	swait.ge [sflag:s15], $0x180  }
0x11: {  	[sflag:s15] =	ssyncset.done $0x0  }
0x12: {  	[sflag:s15] =	ssyncadd.s32 $0xFFFFFE80  }
0x13: {  	[tilespmem:s3], [sflag:$0x1] =	stream.linear.gather [hbm4b:s4+s3], $0x8000, $0x38;
	[tilespmem:$0x10280] =	vst v63  }
0x14: {  	v1 =	vld [tilespmem:$0x10000]  }
0x15: {  	v2 =	vld [tilespmem:$0x10080]  }
0x16: {  	v0 =	vld [tilespmem:$0x10100];
	_ =	swait.ge [sflag:s16], $0x8000  }
0x17: {  	[sflag:s16] =	ssyncset.done $0x0  }
0x18: {  	[sflag:s16] =	ssyncadd.s32 $0xFFFF8000  }
0x19: {  	[tilespmem:s17], [sflag:$0x2] =	stream.linear.gather [hbm4b:s5+s3], $0x8000, $0x38;
	[tilespmem:$0x10280] =	vst v63  }
0x1a: {  	s21 =	sand.u32 $0x7F0, s3;
	v3 =	vld [tilespmem:s3+$0x0]  }
0x1b: {  	v5 =	vld [tilespmem:s21+$0x7800]  }
0x1c: {  	v6 =	vld [tilespmem:s21+$0x800]  }
0x1d: {  	v7 =	vld [tilespmem:s21+$0x1000]  }
0x1e: {  	v8 =	vld [tilespmem:s21+$0x1800]  }
0x1f: {  	v9 =	vld [tilespmem:s21+$0x2000]  }
0x20: {  	v25 =	vimm.s32 $0x0;
	v34 =	vimm.s32 $0x0  }
0x21: {  	v33 =	vimm.s32 $0x0;
	v32 =	vimm.s32 $0x0;
	v31 =	vimm.s32 $0x0;
	v10 =	vld [tilespmem:s21+$0x2800]  }
0x22: {  	v30 =	vimm.s32 $0x0;
	v29 =	vimm.s32 $0x0;
	v28 =	vld [tilespmem:s21+$0x5000];
	v4 =	vshra.s32 v3, $0x1  }
0x23: {  	v26 =	vadd.s32 v25, v3;
	v3 =	vshra.s32 v5, $0x1;
	v24 =	vadd.s32 v25, v6  }
0x24: {  	v27 =	vld [tilespmem:s21+$0x4800];
	v21 =	vadd.s32 v25, v7;
	v19 =	vadd.s32 v25, v8;
	v17 =	vadd.s32 v25, v9  }
0x25: {  	v23 =	vadd.s32 v25, v4;
	v4 =	vadd.s32 v25, v5;
	v5 =	vshra.s32 v6, $0x1;
	v6 =	vld [tilespmem:s21+$0x3000]  }
0x26: {  	v12 =	vld [tilespmem:s21+$0x3800];
	v15 =	vadd.s32 v25, v10;
	v22 =	vadd.s32 v25, v5;
	v5 =	vshra.s32 v7, $0x1  }
0x27: {  	v40 =	vshra.s32 v28, $0x1;
	v7 =	vld [tilespmem:s21+$0x4000];
	v20 =	vadd.s32 v25, v5;
	v5 =	vshra.s32 v8, $0x1  }
0x28: {  	v3 =	vadd.s32 v25, v3;
	v18 =	vadd.s32 v25, v5;
	v5 =	vshra.s32 v9, $0x1  }
0x29: {  	v9 =	vadd.s32 v25, v27;
	v16 =	vadd.s32 v25, v5;
	v5 =	vshra.s32 v10, $0x1  }
0x2a: {  	v38 =	vld [tilespmem:s21+$0x5800];
	v13 =	vadd.s32 v25, v5;
	v5 =	vshra.s32 v6, $0x1;
	v14 =	vadd.s32 v25, v6  }
0x2b: {  	v37 =	vld [tilespmem:s21+$0x6000];
	v6 =	vadd.s32 v25, v28;
	v11 =	vadd.s32 v25, v5;
	v5 =	vshra.s32 v12, $0x1  }
0x2c: {  	v36 =	vld [tilespmem:s21+$0x6800];
	v28 =	vimm.s32 $0x0;
	v8 =	vadd.s32 v25, v5;
	v5 =	vshra.s32 v7, $0x1  }
0x2d: {  	s22 =	simm.s32 $0x10;
	v35 =	vld [tilespmem:s21+$0x7000];
	v10 =	vadd.s32 v25, v7;
	v7 =	vadd.s32 v25, v5;
	v5 =	vshra.s32 v27, $0x1  }
0x2e: {  	s23 =	simm.s32 $0x20;
	v39 =	vld [tilespmem:s22+$0x0];
	s21 =	sand.u32 $0x7F0, s22;
	v12 =	vadd.s32 v25, v12;
	v27 =	vimm.s32 $0x0;
	v5 =	vadd.s32 v25, v5  }
.LBB2_2:
0x2f: {  	p0 =	sne.s32 s23, $0x7F0;
	v41 =	vld [tilespmem:s21+$0x7800];
	v25 =	vadd.s32 v25, v40;
	v34 =	vadd.s32 v34, v38;
	v38 =	vshra.s32 v38, $0x1  }
0x30: {  	v40 =	vld [tilespmem:s21+$0x800];
	v33 =	vadd.s32 v33, v38;
	v32 =	vadd.s32 v32, v37;
	v37 =	vshra.s32 v37, $0x1  }
0x31: {  	v38 =	vld [tilespmem:s21+$0x1000];
	v31 =	vadd.s32 v31, v37;
	v30 =	vadd.s32 v30, v36;
	v36 =	vshra.s32 v36, $0x1  }
0x32: {  	v37 =	vld [tilespmem:s21+$0x1800];
	v29 =	vadd.s32 v29, v36;
	v28 =	vadd.s32 v28, v35;
	v35 =	vshra.s32 v35, $0x1  }
0x33: {  	v26 =	vadd.s32 v26, v39;
	v36 =	vshra.s32 v39, $0x1;
	v39 =	vld [tilespmem:s21+$0x2000];
	v27 =	vadd.s32 v27, v35  }
0x34: {  	v23 =	vadd.s32 v23, v36;
	v35 =	vld [tilespmem:s21+$0x2800];
	v4 =	vadd.s32 v4, v41;
	v36 =	vshra.s32 v41, $0x1  }
0x35: {  	v24 =	vadd.s32 v24, v40;
	v40 =	vshra.s32 v40, $0x1;
	v41 =	vld [tilespmem:s21+$0x3000];
	v3 =	vadd.s32 v3, v36  }
0x36: {  	v22 =	vadd.s32 v22, v40;
	v21 =	vadd.s32 v21, v38;
	v36 =	vshra.s32 v38, $0x1;
	v40 =	vld [tilespmem:s21+$0x3800]  }
0x37: {  	v20 =	vadd.s32 v20, v36;
	v19 =	vadd.s32 v19, v37;
	v36 =	vshra.s32 v37, $0x1;
	v42 =	vld [tilespmem:s21+$0x4000]  }
0x38: {  	v18 =	vadd.s32 v18, v36;
	v17 =	vadd.s32 v17, v39;
	v36 =	vshra.s32 v39, $0x1;
	v39 =	vld [tilespmem:s21+$0x4800]  }
0x39: {  	v16 =	vadd.s32 v16, v36;
	v15 =	vadd.s32 v15, v35;
	v35 =	vshra.s32 v35, $0x1;
	v43 =	vld [tilespmem:s21+$0x5000]  }
.Ltmp0:
0x3a: {  	v13 =	vadd.s32 v13, v35;
	v14 =	vadd.s32 v14, v41;
	v35 =	vshra.s32 v41, $0x1;
	v38 =	vld [tilespmem:s21+$0x5800];
	(pc) =	sbr.rel @p0 .LBB2_2-.Ltmp0, $4  }
0x3b: {  	v11 =	vadd.s32 v11, v35;
	v12 =	vadd.s32 v12, v40;
	v35 =	vshra.s32 v40, $0x1;
	v37 =	vld [tilespmem:s21+$0x6000]  }
0x3c: {  	v8 =	vadd.s32 v8, v35;
	v10 =	vadd.s32 v10, v42;
	v35 =	vshra.s32 v42, $0x1;
	v36 =	vld [tilespmem:s21+$0x6800]  }
0x3d: {  	s22 =	sadd.s32 $0x10, s22;
	v7 =	vadd.s32 v7, v35;
	v9 =	vadd.s32 v9, v39;
	v40 =	vshra.s32 v39, $0x1;
	v35 =	vld [tilespmem:s21+$0x7000]  }
0x3e: {  	s21 =	sand.u32 $0x7F0, s23;
	s23 =	sadd.s32 $0x10, s23;
	v39 =	vld [tilespmem:s22+$0x0];
	v5 =	vadd.s32 v5, v40;
	v6 =	vadd.s32 v6, v43;
	v40 =	vshra.s32 v43, $0x1  }
0x3f: {  	_ = 	snop  }
0x40: {  	v41 =	vld [tilespmem:s21+$0x800];
	_ =	sdelay $0x1  }
0x41: {  	v42 =	vld [tilespmem:s21+$0x1000]  }
0x42: {  	v54 =	vld [tilespmem:s21+$0x1800];
	v26 =	vadd.s32 v26, v39;
	v52 =	vshra.s32 v39, $0x1  }
0x43: {  	v23 =	vadd.s32 v23, v52;
	(xrf0) =	vadd.scan.msk.s32 $0xffff, v26  }
0x44: {  	v25 =	vadd.s32 v25, v40;
	v57 =	vld [tilespmem:s21+$0x2000];
	v24 =	vadd.s32 v24, v41;
	v55 =	vshra.s32 v41, $0x1;
	(xrf0) =	vadd.scan.msk.s32 $0xffff, v23  }
0x45: {  	v34 =	vadd.s32 v34, v38;
	v59 =	vld [tilespmem:s21+$0x2800];
	v56 =	vshra.s32 v37, $0x1;
	v22 =	vadd.s32 v22, v55;
	(xrf0) =	vadd.scan.msk.s32 $0xffff, v24  }
0x46: {  	v60 =	vld [tilespmem:s21+$0x3800];
	v21 =	vadd.s32 v21, v42;
	(xrf0) =	vadd.scan.msk.s32 $0xffff, v22;
	v22 =	vadd.s32 v30, v36;
	v30 =	vshra.s32 v36, $0x1  }
0x47: {  	v58 =	vshra.s32 v42, $0x1;
	v24 =	vld [tilespmem:s21+$0x7800];
	(xrf0) =	vadd.scan.msk.s32 $0xffff, v21;
	v21 =	vadd.s32 v29, v30;
	v30 =	vshra.s32 v54, $0x1  }
0x48: {  	v53 =	vshra.s32 v38, $0x1;
	v31 =	vadd.s32 v31, v56;
	v20 =	vadd.s32 v20, v58  }
0x49: {  	v19 =	vadd.s32 v19, v54;
	v29 =	vld [tilespmem:s21+$0x3000];
	(xrf0) =	vadd.scan.msk.s32 $0xffff, v20;
	v20 =	vadd.s32 v28, v35;
	v28 =	vshra.s32 v35, $0x1  }
0x4a: {  	v18 =	vadd.s32 v18, v30;
	v30, _, _ =	vpop (xrf0);
	(xrf0) =	vadd.scan.msk.s32 $0xffff, v19;
	v19 =	vadd.s32 v27, v28;
	v28 =	vshra.s32 v57, $0x1  }
0x4b: {  	v26 =	vadd.s32 v33, v53;
	v17 =	vadd.s32 v17, v57;
	v15 =	vadd.s32 v15, v59;
	v27 =	vld [tilespmem:s21+$0x4000]  }
0x4c: {  	v12 =	vadd.s32 v12, v60;
	v4 =	vadd.s32 v4, v24;
	v61, _, _ =	vpop (xrf0);
	(xrf0) =	vadd.scan.msk.s32 $0xffff, v18;
	v18 =	vshra.s32 v24, $0x1;
	v24 =	vld [tilespmem:s21+$0x4800]  }
0x4d: {  	v16 =	vadd.s32 v16, v28;
	v3 =	vadd.s32 v3, v18;
	v18 =	vld [tilespmem:s21+$0x5000];
	v28, _, _ =	vpop (xrf0);
	(xrf0) =	vadd.scan.msk.s32 $0xffff, v17;
	v17 =	vshra.s32 v59, $0x1  }
0x4e: {  	v23 =	vadd.s32 v32, v37;
	v62, _, _ =	vpop (xrf0);
	(xrf0) =	vadd.scan.msk.s32 $0xffff, v16;
	v13 =	vadd.s32 v13, v17;
	v16 =	vshra.s32 v29, $0x1;
	v17 =	vld [tilespmem:s21+$0x5800]  }
0x4f: {  	v14 =	vadd.s32 v14, v29;
	v29, _, _ =	vpop (xrf0);
	(xrf0) =	vadd.scan.msk.s32 $0xffff, v15;
	v11 =	vadd.s32 v11, v16;
	v15 =	vshra.s32 v60, $0x1;
	v16 =	vld [tilespmem:s21+$0x6000]  }
0x50: {  	v10 =	vadd.s32 v10, v27;
	v63, _, _ =	vpop (xrf0);
	(xrf0) =	vadd.scan.msk.s32 $0xffff, v13;
	v8 =	vadd.s32 v8, v15;
	v13 =	vshra.s32 v27, $0x1;
	v15 =	vld [tilespmem:s21+$0x6800]  }
0x51: {  	v9 =	vadd.s32 v9, v24;
	v27, _, _ =	vpop (xrf0);
	(xrf0) =	vadd.scan.msk.s32 $0xffff, v14;
	v7 =	vadd.s32 v7, v13;
	v13 =	vshra.s32 v24, $0x1  }
0x52: {  	v6 =	vadd.s32 v6, v18;
	v14, _, _ =	vpop (xrf0);
	(xrf0) =	vadd.scan.msk.s32 $0xffff, v11;
	v5 =	vadd.s32 v5, v13;
	v13 =	vshra.s32 v18, $0x1  }
0x53: {  	v11 =	vld [tilespmem:s21+$0x7000];
	v18, _, _ =	vpop (xrf0);
	(xrf0) =	vadd.scan.msk.s32 $0xffff, v12;
	v12 =	vadd.s32 v25, v13;
	v13 =	vadd.s32 v34, v17;
	v17 =	vshra.s32 v17, $0x1  }
0x54: {  	v24, _, _ =	vpop (xrf0);
	(xrf0) =	vadd.scan.msk.s32 $0xffff, v8;
	v8 =	vadd.s32 v26, v17;
	v17 =	vadd.s32 v23, v16;
	v16 =	vshra.s32 v16, $0x1  }
0x55: {  	v23, _, _ =	vpop (xrf0);
	(xrf0) =	vadd.scan.msk.s32 $0xffff, v10;
	v10 =	vadd.s32 v31, v16;
	v16 =	vadd.s32 v22, v15;
	v15 =	vshra.s32 v15, $0x1  }
0x56: {  	v22, _, _ =	vpop (xrf0);
	(xrf0) =	vadd.scan.msk.s32 $0xffff, v7;
	v7 =	vadd.s32 v21, v15;
	v21 =	vbroadcast v61, $0xF  }
0x57: {  	v26 =	vbroadcast v28, $0xF;
	v28 =	vbroadcast v62, $0xF;
	v25, _, _ =	vpop (xrf0);
	(xrf0) =	vadd.scan.msk.s32 $0xffff, v9  }
0x58: {  	v15 =	vbroadcast v30, $0xF;
	v9 =	vshra.s32 v11, $0x1;
	v30, _, _ =	vpop (xrf0);
	(xrf0) =	vadd.scan.msk.s32 $0xffff, v5;
	v5 =	vadd.s32 v20, v11  }
0x59: {  	v9 =	vadd.s32 v19, v9;
	v11 =	vbroadcast v29, $0xF;
	v20 =	vbroadcast v63, $0xF;
	v19, _, _ =	vpop (xrf0);
	(xrf0) =	vadd.scan.msk.s32 $0xffff, v6  }
0x5a: {  	v6 =	vsel vm0, v15, v26;
	v15 =	vsel vm0, v21, v28;
	v21, _, _ =	vpop (xrf0);
	(xrf0) =	vadd.scan.msk.s32 $0xffff, v12;
	v12 =	vbroadcast v14, $0xF  }
0x5b: {  	v14, _, _ =	vpop (xrf0);
	(xrf0) =	vadd.scan.msk.s32 $0xffff, v13;
	v13 =	vsel vm1, v15, v20;
	v15 =	vbroadcast v18, $0xF  }
0x5c: {  	v6 =	vsel vm1, v6, v11;
	v11 =	vbroadcast v27, $0xF  }
0x5d: {  	v18 =	vbroadcast v24, $0xF;
	v20, _, _ =	vpop (xrf0);
	(xrf0) =	vadd.scan.msk.s32 $0xffff, v8  }
0x5e: {  	v6 =	vsel vm2, v6, v11;
	v8 =	vsel vm2, v13, v12;
	v11 =	vbroadcast v23, $0xF;
	v12, _, _ =	vpop (xrf0);
	(xrf0) =	vadd.scan.msk.s32 $0xffff, v17  }
0x5f: {  	v13 =	vbroadcast v22, $0xF;
	v6 =	vsel vm3, v6, v15;
	v15, _, _ =	vpop (xrf0);
	(xrf0) =	vadd.scan.msk.s32 $0xffff, v10;
	v10 =	vbroadcast v25, $0xF  }
0x60: {  	v8 =	vsel vm3, v8, v18;
	v6 =	vsel vm4, v6, v11;
	v11 =	vbroadcast v30, $0xF  }
0x61: {  	v8 =	vsel vm4, v8, v13;
	v13 =	vbroadcast v19, $0xF;
	v17, _, _ =	vpop (xrf0);
	(xrf0) =	vadd.scan.msk.s32 $0xffff, v16;
	v16 =	vbroadcast v21, $0xF  }
0x62: {  	v18, _, _ =	vpop (xrf0);
	(xrf0) =	vadd.scan.msk.s32 $0xffff, v7;
	v6 =	vsel vm5, v6, v10;
	v7 =	vsel vm5, v8, v11;
	v8 =	vbroadcast v14, $0xF  }
0x63: {  	v11 =	vbroadcast v20, $0xF;
	v6 =	vsel vm6, v6, v13;
	v10, _, _ =	vpop (xrf0)  }
0x64: {  	v7 =	vsel vm6, v7, v16;
	(xrf0) =	vadd.scan.msk.s32 $0xffff, v5;
	v6 =	vsel vm7, v6, v8;
	v8 =	vbroadcast v12, $0xF;
	v5, _, _ =	vpop (xrf0)  }
0x65: {  	v12 =	vbroadcast v15, $0xF;
	v7 =	vsel vm7, v7, v11;
	(xrf0) =	vadd.scan.msk.s32 $0xffff, v9;
	v9 =	vbroadcast v17, $0xF;
	v13, _, _ =	vpop (xrf0)  }
0x66: {  	v11 =	vbroadcast v18, $0xF;
	v6 =	vsel vm8, v6, v8;
	v8 =	vbroadcast v10, $0xF;
	v14, _, _ =	vpop (xrf0)  }
0x67: {  	(xrf0) =	vadd.scan.msk.s32 $0xffff, v4;
	v7 =	vsel vm8, v7, v12;
	v6 =	vsel vm9, v6, v9;
	v9 =	vbroadcast v13, $0xF;
	v4, _, _ =	vpop (xrf0)  }
0x68: {  	v5 =	vbroadcast v5, $0xF;
	v6 =	vsel vm10, v6, v8;
	v4 =	vbroadcast v4, $0xF  }
0x69: {  	v7 =	vsel vm9, v7, v11;
	(xrf0) =	vadd.scan.msk.s32 $0xffff, v3;
	v8 =	vbroadcast v14, $0xF;
	v10, _, _ =	vpop (xrf0);
	v6 =	vsel vm11, v6, v9  }
0x6a: {  	v5 =	vsel vm10, v7, v5;
	v3, _, _ =	vpop (xrf0);
	v4 =	vsel vm12, v6, v4;
	v6 =	vbroadcast v10, $0xF  }
0x6b: {  	v5 =	vsel vm11, v5, v8;
	v3 =	vbroadcast v3, $0xF  }
0x6c: {  	v9, _, _ =	vpop (xrf0);
	v5 =	vsel vm12, v5, v6  }
0x6d: {  	v7, _, _ =	vpop (xrf0);
	v3 =	vsel vm13, v4, v3;
	v4 =	vbroadcast v9, $0xF  }
0x6e: {  	v3 =	vsel vm14, v3, v7  }
0x6f: {  	v4 =	vsel vm13, v5, v4;
	v3 =	vcvt.s32.f32 v3;
	v5, _, _ =	vpop (xrf0)  }
0x70: {  	v4 =	vsel vm14, v4, v5  }
0x71: {  	v5 =	vsub.f32 $2.048000000e+03, v3;
	v4 =	vcvt.s32.f32 v4;
	_ =	sdelay $0x1  }
0x72: {  	v5 =	vadd.f32 v4, v5;
	_ =	sdelay $0x1  }
0x73: {  	v5 =	vmul.f32 $4.882812500e-04, v5;
	_ =	sdelay $0x1  }
0x74: {  	v6 =	vadd.f32 v5, v5;
	_ =	sdelay $0x1  }
0x75: {  	v6 =	vsub.f32 $0.0e+00, v6;
	_ =	sdelay $0x1  }
0x76: {  	v6 =	vmul.f32 $1.442695020e+00, v6;
	_ =	sdelay $0x1  }
0x77: {  	(erf) = vpow2.f32 v6;
	_ =	sdelay $0x8  }
0x78: {  	v6 =	vpop (erf)  }
0x79: {  	v6 =	vadd.f32 $1.000000000e+00, v6;
	_ =	sdelay $0x1  }
0x7a: {  	v3 =	vsub.f32 v3, v4;
	(erf) = vrcp.f32 v6;
	_ =	sdelay $0x1  }
0x7b: {  	v3 =	vsub.f32 v3, v4;
	_ =	sdelay $0x1  }
0x7c: {  	v3 =	vmul.f32 $4.882812500e-04, v3  }
0x7d: {  	v5 =	vmul.f32 v5, v1  }
0x7e: {  	v4 =	vmul.f32 $4.882812500e-04, v4;
	v3 =	vmul.f32 v3, v2;
	_ =	sdelay $0x1  }
0x7f: {  	v4 =	vmul.f32 v4, v0;
	v3 =	vadd.f32 v3, v5  }
0x80: {  	v5 =	vpop (erf)  }
0x81: {  	v3 =	vadd.f32 v3, v4;
	v4 =	vadd.f32 $1.000000000e+00, v5;
	_ =	sdelay $0x1  }
0x82: {  	v3 =	vmul.f32 v4, v3;
	_ =	sdelay $0x1  }
0x83: {  	v3 =	vsub.f32 $0.0e+00, v3;
	_ =	sdelay $0x1  }
0x84: {  	v3 =	vmul.f32 $1.442695020e+00, v3;
	_ =	sdelay $0x1  }
0x85: {  	(erf) = vpow2.f32 v3;
	_ =	sdelay $0x8  }
0x86: {  	v3 =	vpop (erf)  }
0x87: {  	v3 =	vadd.f32 $1.000000000e+00, v3;
	_ =	sdelay $0x1  }
0x88: {  	(erf) = vrcp.f32 v3;
	_ =	sdelay $0x8  }
0x89: {  	v3 =	vpop (erf)  }
0x8a: {  	v3 =	vmax.f32 v3, $1.000000010e-07  }
0x8b: {  	v3 =	vmin.f32 v3, $9.999998800e-01  }
0x8c: {  	[tilespmem:$0x10200] =	vst v3  }
0x8d: {  	_ =	swait.ge [sflag:s18], $0x8000  }
0x8e: {  	[sflag:s18] =	ssyncset.done $0x0  }
0x8f: {  	s31 =	simm.s32 $0x0;
	s22 =	simm.s32 $0x8000;
	[sflag:s18] =	ssyncadd.s32 $0xFFFF8000  }
0x90: {  	[tilespmem:s31], [sflag:$0x1] =	stream.linear.gather [hbm4b:s6+s31], $0x8000, $0x38;
	[tilespmem:$0x10280] =	vst v63  }
0x91: {  	s21 =	sand.u32 $0x7F0, s31;
	v3 =	vld [tilespmem:s22+$0x0]  }
0x92: {  	v5 =	vld [tilespmem:s21+$0xF800]  }
0x93: {  	v6 =	vld [tilespmem:s21+$0x8800]  }
0x94: {  	v7 =	vld [tilespmem:s21+$0x9000]  }
0x95: {  	v8 =	vld [tilespmem:s21+$0x9800]  }
0x96: {  	v9 =	vld [tilespmem:s21+$0xA000]  }
0x97: {  	v33 =	vimm.s32 $0x0;
	v32 =	vimm.s32 $0x0  }
0x98: {  	v34 =	vimm.s32 $0x0;
	v31 =	vimm.s32 $0x0;
	v29 =	vimm.s32 $0x0;
	v10 =	vld [tilespmem:s21+$0xA800]  }
0x99: {  	v30 =	vimm.s32 $0x0;
	v25 =	vimm.s32 $0x0;
	v28 =	vld [tilespmem:s21+$0xD000];
	v4 =	vshra.s32 v3, $0x1  }
0x9a: {  	v26 =	vadd.s32 v25, v3;
	v3 =	vshra.s32 v5, $0x1;
	v24 =	vadd.s32 v25, v6  }
0x9b: {  	v27 =	vld [tilespmem:s21+$0xC800];
	v21 =	vadd.s32 v25, v7;
	v19 =	vadd.s32 v25, v8;
	v17 =	vadd.s32 v25, v9  }
0x9c: {  	v23 =	vadd.s32 v25, v4;
	v4 =	vadd.s32 v25, v5;
	v5 =	vshra.s32 v6, $0x1;
	v6 =	vld [tilespmem:s21+$0xB000]  }
0x9d: {  	v12 =	vld [tilespmem:s21+$0xB800];
	v15 =	vadd.s32 v25, v10;
	v22 =	vadd.s32 v25, v5;
	v5 =	vshra.s32 v7, $0x1  }
0x9e: {  	v40 =	vshra.s32 v28, $0x1;
	v7 =	vld [tilespmem:s21+$0xC000];
	v20 =	vadd.s32 v25, v5;
	v5 =	vshra.s32 v8, $0x1  }
0x9f: {  	v3 =	vadd.s32 v25, v3;
	v18 =	vadd.s32 v25, v5;
	v5 =	vshra.s32 v9, $0x1  }
0xa0: {  	v9 =	vadd.s32 v25, v27;
	v16 =	vadd.s32 v25, v5;
	v5 =	vshra.s32 v10, $0x1  }
0xa1: {  	v38 =	vld [tilespmem:s21+$0xD800];
	v13 =	vadd.s32 v25, v5;
	v5 =	vshra.s32 v6, $0x1;
	v14 =	vadd.s32 v25, v6  }
0xa2: {  	v37 =	vld [tilespmem:s21+$0xE000];
	v6 =	vadd.s32 v25, v28;
	v11 =	vadd.s32 v25, v5;
	v5 =	vshra.s32 v12, $0x1  }
0xa3: {  	v36 =	vld [tilespmem:s21+$0xE800];
	v28 =	vimm.s32 $0x0;
	v8 =	vadd.s32 v25, v5;
	v5 =	vshra.s32 v7, $0x1  }
0xa4: {  	s23 =	simm.s32 $0x10;
	v35 =	vld [tilespmem:s21+$0xF000];
	s22 =	simm.s32 $0x8010;
	v10 =	vadd.s32 v25, v7;
	v7 =	vadd.s32 v25, v5;
	v5 =	vshra.s32 v27, $0x1  }
0xa5: {  	v39 =	vld [tilespmem:s22+$0x0];
	s21 =	sand.u32 $0x7F0, s23;
	s23 =	simm.s32 $0x20;
	v12 =	vadd.s32 v25, v12;
	v27 =	vimm.s32 $0x0;
	v5 =	vadd.s32 v25, v5  }
.LBB2_4:
0xa6: {  	p0 =	sne.s32 s23, $0x7F0;
	v41 =	vld [tilespmem:s21+$0xF800];
	v25 =	vadd.s32 v25, v40;
	v34 =	vadd.s32 v34, v38;
	v38 =	vshra.s32 v38, $0x1  }
0xa7: {  	v40 =	vld [tilespmem:s21+$0x8800];
	v32 =	vadd.s32 v32, v38;
	v33 =	vadd.s32 v33, v37;
	v37 =	vshra.s32 v37, $0x1  }
0xa8: {  	v38 =	vld [tilespmem:s21+$0x9000];
	v31 =	vadd.s32 v31, v37;
	v30 =	vadd.s32 v30, v36;
	v36 =	vshra.s32 v36, $0x1  }
0xa9: {  	v37 =	vld [tilespmem:s21+$0x9800];
	v29 =	vadd.s32 v29, v36;
	v28 =	vadd.s32 v28, v35;
	v35 =	vshra.s32 v35, $0x1  }
0xaa: {  	v26 =	vadd.s32 v26, v39;
	v36 =	vshra.s32 v39, $0x1;
	v39 =	vld [tilespmem:s21+$0xA000];
	v27 =	vadd.s32 v27, v35  }
0xab: {  	v23 =	vadd.s32 v23, v36;
	v35 =	vld [tilespmem:s21+$0xA800];
	v4 =	vadd.s32 v4, v41;
	v36 =	vshra.s32 v41, $0x1  }
0xac: {  	v24 =	vadd.s32 v24, v40;
	v40 =	vshra.s32 v40, $0x1;
	v41 =	vld [tilespmem:s21+$0xB000];
	v3 =	vadd.s32 v3, v36  }
0xad: {  	v22 =	vadd.s32 v22, v40;
	v21 =	vadd.s32 v21, v38;
	v36 =	vshra.s32 v38, $0x1;
	v40 =	vld [tilespmem:s21+$0xB800]  }
0xae: {  	v20 =	vadd.s32 v20, v36;
	v19 =	vadd.s32 v19, v37;
	v36 =	vshra.s32 v37, $0x1;
	v42 =	vld [tilespmem:s21+$0xC000]  }
0xaf: {  	v18 =	vadd.s32 v18, v36;
	v17 =	vadd.s32 v17, v39;
	v36 =	vshra.s32 v39, $0x1;
	v39 =	vld [tilespmem:s21+$0xC800]  }
0xb0: {  	v16 =	vadd.s32 v16, v36;
	v15 =	vadd.s32 v15, v35;
	v35 =	vshra.s32 v35, $0x1;
	v43 =	vld [tilespmem:s21+$0xD000]  }
.Ltmp1:
0xb1: {  	v13 =	vadd.s32 v13, v35;
	v14 =	vadd.s32 v14, v41;
	v35 =	vshra.s32 v41, $0x1;
	v38 =	vld [tilespmem:s21+$0xD800];
	(pc) =	sbr.rel @p0 .LBB2_4-.Ltmp1, $4  }
0xb2: {  	v11 =	vadd.s32 v11, v35;
	v12 =	vadd.s32 v12, v40;
	v35 =	vshra.s32 v40, $0x1;
	v37 =	vld [tilespmem:s21+$0xE000]  }
0xb3: {  	v8 =	vadd.s32 v8, v35;
	v10 =	vadd.s32 v10, v42;
	v35 =	vshra.s32 v42, $0x1;
	v36 =	vld [tilespmem:s21+$0xE800]  }
0xb4: {  	s22 =	sadd.s32 $0x10, s22;
	v7 =	vadd.s32 v7, v35;
	v9 =	vadd.s32 v9, v39;
	v40 =	vshra.s32 v39, $0x1;
	v35 =	vld [tilespmem:s21+$0xF000]  }
0xb5: {  	s21 =	sand.u32 $0x7F0, s23;
	s23 =	sadd.s32 $0x10, s23;
	v39 =	vld [tilespmem:s22+$0x0];
	v5 =	vadd.s32 v5, v40;
	v6 =	vadd.s32 v6, v43;
	v40 =	vshra.s32 v43, $0x1  }
0xb6: {  	_ = 	snop  }
0xb7: {  	v41 =	vld [tilespmem:s21+$0x8800];
	_ =	sdelay $0x1  }
0xb8: {  	v42 =	vld [tilespmem:s21+$0x9000]  }
0xb9: {  	v54 =	vld [tilespmem:s21+$0x9800];
	v26 =	vadd.s32 v26, v39;
	v52 =	vshra.s32 v39, $0x1  }
0xba: {  	v23 =	vadd.s32 v23, v52;
	(xrf0) =	vadd.scan.msk.s32 $0xffff, v26  }
0xbb: {  	v25 =	vadd.s32 v25, v40;
	v57 =	vld [tilespmem:s21+$0xA000];
	v24 =	vadd.s32 v24, v41;
	v55 =	vshra.s32 v41, $0x1;
	(xrf0) =	vadd.scan.msk.s32 $0xffff, v23  }
0xbc: {  	v34 =	vadd.s32 v34, v38;
	v59 =	vld [tilespmem:s21+$0xA800];
	v56 =	vshra.s32 v37, $0x1;
	v22 =	vadd.s32 v22, v55;
	(xrf0) =	vadd.scan.msk.s32 $0xffff, v24  }
0xbd: {  	v60 =	vld [tilespmem:s21+$0xB800];
	v21 =	vadd.s32 v21, v42;
	(xrf0) =	vadd.scan.msk.s32 $0xffff, v22;
	v22 =	vadd.s32 v30, v36;
	v30 =	vshra.s32 v36, $0x1  }
0xbe: {  	v58 =	vshra.s32 v42, $0x1;
	v24 =	vld [tilespmem:s21+$0xF800];
	(xrf0) =	vadd.scan.msk.s32 $0xffff, v21;
	v21 =	vadd.s32 v29, v30;
	v30 =	vshra.s32 v54, $0x1  }
0xbf: {  	v53 =	vshra.s32 v38, $0x1;
	v31 =	vadd.s32 v31, v56;
	v20 =	vadd.s32 v20, v58  }
0xc0: {  	v19 =	vadd.s32 v19, v54;
	v29 =	vld [tilespmem:s21+$0xB000];
	(xrf0) =	vadd.scan.msk.s32 $0xffff, v20;
	v20 =	vadd.s32 v28, v35;
	v28 =	vshra.s32 v35, $0x1  }
0xc1: {  	v18 =	vadd.s32 v18, v30;
	v30, _, _ =	vpop (xrf0);
	(xrf0) =	vadd.scan.msk.s32 $0xffff, v19;
	v19 =	vadd.s32 v27, v28;
	v28 =	vshra.s32 v57, $0x1  }
0xc2: {  	v26 =	vadd.s32 v32, v53;
	v17 =	vadd.s32 v17, v57;
	v15 =	vadd.s32 v15, v59;
	v27 =	vld [tilespmem:s21+$0xC000]  }
0xc3: {  	v12 =	vadd.s32 v12, v60;
	v4 =	vadd.s32 v4, v24;
	v61, _, _ =	vpop (xrf0);
	(xrf0) =	vadd.scan.msk.s32 $0xffff, v18;
	v18 =	vshra.s32 v24, $0x1;
	v24 =	vld [tilespmem:s21+$0xC800]  }
0xc4: {  	v16 =	vadd.s32 v16, v28;
	v3 =	vadd.s32 v3, v18;
	v18 =	vld [tilespmem:s21+$0xD000];
	v28, _, _ =	vpop (xrf0);
	(xrf0) =	vadd.scan.msk.s32 $0xffff, v17;
	v17 =	vshra.s32 v59, $0x1  }
0xc5: {  	v23 =	vadd.s32 v33, v37;
	v62, _, _ =	vpop (xrf0);
	(xrf0) =	vadd.scan.msk.s32 $0xffff, v16;
	v13 =	vadd.s32 v13, v17;
	v16 =	vshra.s32 v29, $0x1;
	v17 =	vld [tilespmem:s21+$0xD800]  }
0xc6: {  	v14 =	vadd.s32 v14, v29;
	v29, _, _ =	vpop (xrf0);
	(xrf0) =	vadd.scan.msk.s32 $0xffff, v15;
	v11 =	vadd.s32 v11, v16;
	v15 =	vshra.s32 v60, $0x1;
	v16 =	vld [tilespmem:s21+$0xE000]  }
0xc7: {  	v10 =	vadd.s32 v10, v27;
	v63, _, _ =	vpop (xrf0);
	(xrf0) =	vadd.scan.msk.s32 $0xffff, v13;
	v8 =	vadd.s32 v8, v15;
	v13 =	vshra.s32 v27, $0x1;
	v15 =	vld [tilespmem:s21+$0xE800]  }
0xc8: {  	v9 =	vadd.s32 v9, v24;
	v27, _, _ =	vpop (xrf0);
	(xrf0) =	vadd.scan.msk.s32 $0xffff, v14;
	v7 =	vadd.s32 v7, v13;
	v13 =	vshra.s32 v24, $0x1  }
0xc9: {  	v6 =	vadd.s32 v6, v18;
	v14, _, _ =	vpop (xrf0);
	(xrf0) =	vadd.scan.msk.s32 $0xffff, v11;
	v5 =	vadd.s32 v5, v13;
	v13 =	vshra.s32 v18, $0x1  }
0xca: {  	v11 =	vld [tilespmem:s21+$0xF000];
	v18, _, _ =	vpop (xrf0);
	(xrf0) =	vadd.scan.msk.s32 $0xffff, v12;
	v12 =	vadd.s32 v25, v13;
	v13 =	vadd.s32 v34, v17;
	v17 =	vshra.s32 v17, $0x1  }
0xcb: {  	v24, _, _ =	vpop (xrf0);
	(xrf0) =	vadd.scan.msk.s32 $0xffff, v8;
	v8 =	vadd.s32 v26, v17;
	v17 =	vadd.s32 v23, v16;
	v16 =	vshra.s32 v16, $0x1  }
0xcc: {  	v23, _, _ =	vpop (xrf0);
	(xrf0) =	vadd.scan.msk.s32 $0xffff, v10;
	v10 =	vadd.s32 v31, v16;
	v16 =	vadd.s32 v22, v15;
	v15 =	vshra.s32 v15, $0x1  }
0xcd: {  	v22, _, _ =	vpop (xrf0);
	(xrf0) =	vadd.scan.msk.s32 $0xffff, v7;
	v7 =	vadd.s32 v21, v15;
	v21 =	vbroadcast v61, $0xF  }
0xce: {  	v26 =	vbroadcast v28, $0xF;
	v28 =	vbroadcast v62, $0xF;
	v25, _, _ =	vpop (xrf0);
	(xrf0) =	vadd.scan.msk.s32 $0xffff, v9  }
0xcf: {  	v15 =	vbroadcast v30, $0xF;
	v9 =	vshra.s32 v11, $0x1;
	v30, _, _ =	vpop (xrf0);
	(xrf0) =	vadd.scan.msk.s32 $0xffff, v5;
	v5 =	vadd.s32 v20, v11  }
0xd0: {  	v9 =	vadd.s32 v19, v9;
	v11 =	vbroadcast v29, $0xF;
	v20 =	vbroadcast v63, $0xF;
	v19, _, _ =	vpop (xrf0);
	(xrf0) =	vadd.scan.msk.s32 $0xffff, v6  }
0xd1: {  	v6 =	vsel vm0, v15, v26;
	v15 =	vsel vm0, v21, v28;
	v21, _, _ =	vpop (xrf0);
	(xrf0) =	vadd.scan.msk.s32 $0xffff, v12;
	v12 =	vbroadcast v14, $0xF  }
0xd2: {  	v14, _, _ =	vpop (xrf0);
	(xrf0) =	vadd.scan.msk.s32 $0xffff, v13;
	v13 =	vsel vm1, v15, v20;
	v15 =	vbroadcast v18, $0xF  }
0xd3: {  	v6 =	vsel vm1, v6, v11;
	v11 =	vbroadcast v27, $0xF  }
0xd4: {  	v18 =	vbroadcast v24, $0xF;
	v20, _, _ =	vpop (xrf0);
	(xrf0) =	vadd.scan.msk.s32 $0xffff, v8  }
0xd5: {  	v6 =	vsel vm2, v6, v11;
	v8 =	vsel vm2, v13, v12;
	v11 =	vbroadcast v23, $0xF;
	v12, _, _ =	vpop (xrf0);
	(xrf0) =	vadd.scan.msk.s32 $0xffff, v17  }
0xd6: {  	v13 =	vbroadcast v22, $0xF;
	v6 =	vsel vm3, v6, v15;
	v15, _, _ =	vpop (xrf0);
	(xrf0) =	vadd.scan.msk.s32 $0xffff, v10;
	v10 =	vbroadcast v25, $0xF  }
0xd7: {  	v8 =	vsel vm3, v8, v18;
	v6 =	vsel vm4, v6, v11;
	v11 =	vbroadcast v30, $0xF  }
0xd8: {  	v8 =	vsel vm4, v8, v13;
	v13 =	vbroadcast v19, $0xF;
	v17, _, _ =	vpop (xrf0);
	(xrf0) =	vadd.scan.msk.s32 $0xffff, v16;
	v16 =	vbroadcast v21, $0xF  }
0xd9: {  	v18, _, _ =	vpop (xrf0);
	(xrf0) =	vadd.scan.msk.s32 $0xffff, v7;
	v6 =	vsel vm5, v6, v10;
	v7 =	vsel vm5, v8, v11;
	v8 =	vbroadcast v14, $0xF  }
0xda: {  	v11 =	vbroadcast v20, $0xF;
	v6 =	vsel vm6, v6, v13;
	v10, _, _ =	vpop (xrf0)  }
0xdb: {  	v7 =	vsel vm6, v7, v16;
	(xrf0) =	vadd.scan.msk.s32 $0xffff, v5;
	v6 =	vsel vm7, v6, v8;
	v8 =	vbroadcast v12, $0xF;
	v5, _, _ =	vpop (xrf0)  }
0xdc: {  	v12 =	vbroadcast v15, $0xF;
	v7 =	vsel vm7, v7, v11;
	(xrf0) =	vadd.scan.msk.s32 $0xffff, v9;
	v9 =	vbroadcast v17, $0xF;
	v13, _, _ =	vpop (xrf0)  }
0xdd: {  	v11 =	vbroadcast v18, $0xF;
	v6 =	vsel vm8, v6, v8;
	v8 =	vbroadcast v10, $0xF;
	v14, _, _ =	vpop (xrf0)  }
0xde: {  	(xrf0) =	vadd.scan.msk.s32 $0xffff, v4;
	v7 =	vsel vm8, v7, v12;
	v6 =	vsel vm9, v6, v9;
	v9 =	vbroadcast v13, $0xF;
	v4, _, _ =	vpop (xrf0)  }
0xdf: {  	v5 =	vbroadcast v5, $0xF;
	v6 =	vsel vm10, v6, v8;
	v4 =	vbroadcast v4, $0xF  }
0xe0: {  	v7 =	vsel vm9, v7, v11;
	(xrf0) =	vadd.scan.msk.s32 $0xffff, v3;
	v8 =	vbroadcast v14, $0xF;
	v10, _, _ =	vpop (xrf0);
	v6 =	vsel vm11, v6, v9  }
0xe1: {  	v5 =	vsel vm10, v7, v5;
	v3, _, _ =	vpop (xrf0);
	v4 =	vsel vm12, v6, v4;
	v6 =	vbroadcast v10, $0xF  }
0xe2: {  	v5 =	vsel vm11, v5, v8;
	v3 =	vbroadcast v3, $0xF  }
0xe3: {  	v9, _, _ =	vpop (xrf0);
	v5 =	vsel vm12, v5, v6  }
0xe4: {  	v7, _, _ =	vpop (xrf0);
	v3 =	vsel vm13, v4, v3;
	v4 =	vbroadcast v9, $0xF  }
0xe5: {  	v3 =	vsel vm14, v3, v7  }
0xe6: {  	v4 =	vsel vm13, v5, v4;
	v3 =	vcvt.s32.f32 v3;
	v5, _, _ =	vpop (xrf0)  }
0xe7: {  	v4 =	vsel vm14, v4, v5  }
0xe8: {  	v5 =	vsub.f32 $2.048000000e+03, v3;
	v4 =	vcvt.s32.f32 v4;
	_ =	sdelay $0x1  }
0xe9: {  	v5 =	vadd.f32 v4, v5;
	_ =	sdelay $0x1  }
0xea: {  	v5 =	vmul.f32 $4.882812500e-04, v5;
	_ =	sdelay $0x1  }
0xeb: {  	v6 =	vadd.f32 v5, v5;
	_ =	sdelay $0x1  }
0xec: {  	v6 =	vsub.f32 $0.0e+00, v6;
	_ =	sdelay $0x1  }
0xed: {  	v6 =	vmul.f32 $1.442695020e+00, v6;
	_ =	sdelay $0x1  }
0xee: {  	(erf) = vpow2.f32 v6;
	_ =	sdelay $0x8  }
0xef: {  	v6 =	vpop (erf)  }
0xf0: {  	v6 =	vadd.f32 $1.000000000e+00, v6;
	_ =	sdelay $0x1  }
0xf1: {  	v3 =	vsub.f32 v3, v4;
	(erf) = vrcp.f32 v6;
	_ =	sdelay $0x1  }
0xf2: {  	v3 =	vsub.f32 v3, v4;
	_ =	sdelay $0x1  }
0xf3: {  	v3 =	vmul.f32 $4.882812500e-04, v3  }
0xf4: {  	v5 =	vmul.f32 v5, v1  }
0xf5: {  	v4 =	vmul.f32 $4.882812500e-04, v4;
	v3 =	vmul.f32 v3, v2;
	_ =	sdelay $0x1  }
0xf6: {  	v4 =	vmul.f32 v4, v0;
	v3 =	vadd.f32 v3, v5  }
0xf7: {  	v5 =	vpop (erf)  }
0xf8: {  	v3 =	vadd.f32 v3, v4;
	v4 =	vadd.f32 $1.000000000e+00, v5;
	_ =	sdelay $0x1  }
0xf9: {  	v3 =	vmul.f32 v4, v3;
	_ =	sdelay $0x1  }
0xfa: {  	v3 =	vsub.f32 $0.0e+00, v3;
	_ =	sdelay $0x1  }
0xfb: {  	v3 =	vmul.f32 $1.442695020e+00, v3;
	_ =	sdelay $0x1  }
0xfc: {  	(erf) = vpow2.f32 v3;
	_ =	sdelay $0x8  }
0xfd: {  	v3 =	vpop (erf)  }
0xfe: {  	v3 =	vadd.f32 $1.000000000e+00, v3;
	_ =	sdelay $0x1  }
0xff: {  	(erf) = vrcp.f32 v3;
	_ =	sdelay $0x8  }
0x100: {  	v3 =	vpop (erf)  }
0x101: {  	v3 =	vmax.f32 v3, $1.000000010e-07  }
0x102: {  	v3 =	vmin.f32 v3, $9.999998800e-01  }
0x103: {  	[tilespmem:$0x10210] =	vst v3  }
0x104: {  	_ =	swait.ge [sflag:s16], $0x8000  }
0x105: {  	[sflag:s16] =	ssyncset.done $0x0  }
0x106: {  	s31 =	simm.s32 $0x0;
	[sflag:s16] =	ssyncadd.s32 $0xFFFF8000  }
0x107: {  	[tilespmem:s17], [sflag:$0x2] =	stream.linear.gather [hbm4b:s7+s31], $0x8000, $0x38;
	[tilespmem:$0x10280] =	vst v63  }
0x108: {  	s21 =	sand.u32 $0x7F0, s31;
	v3 =	vld [tilespmem:s31+$0x0]  }
0x109: {  	v5 =	vld [tilespmem:s21+$0x7800]  }
0x10a: {  	v6 =	vld [tilespmem:s21+$0x800]  }
0x10b: {  	v7 =	vld [tilespmem:s21+$0x1000]  }
0x10c: {  	v8 =	vld [tilespmem:s21+$0x1800]  }
0x10d: {  	v9 =	vld [tilespmem:s21+$0x2000]  }
0x10e: {  	v32 =	vimm.s32 $0x0;
	v33 =	vimm.s32 $0x0  }
0x10f: {  	v34 =	vimm.s32 $0x0;
	v31 =	vimm.s32 $0x0;
	v29 =	vimm.s32 $0x0;
	v10 =	vld [tilespmem:s21+$0x2800]  }
0x110: {  	v30 =	vimm.s32 $0x0;
	v25 =	vimm.s32 $0x0;
	v28 =	vld [tilespmem:s21+$0x5000];
	v4 =	vshra.s32 v3, $0x1  }
0x111: {  	v26 =	vadd.s32 v25, v3;
	v3 =	vshra.s32 v5, $0x1;
	v24 =	vadd.s32 v25, v6  }
0x112: {  	v27 =	vld [tilespmem:s21+$0x4800];
	v21 =	vadd.s32 v25, v7;
	v19 =	vadd.s32 v25, v8;
	v17 =	vadd.s32 v25, v9  }
0x113: {  	v23 =	vadd.s32 v25, v4;
	v4 =	vadd.s32 v25, v5;
	v5 =	vshra.s32 v6, $0x1;
	v6 =	vld [tilespmem:s21+$0x3000]  }
0x114: {  	v12 =	vld [tilespmem:s21+$0x3800];
	v15 =	vadd.s32 v25, v10;
	v22 =	vadd.s32 v25, v5;
	v5 =	vshra.s32 v7, $0x1  }
0x115: {  	v40 =	vshra.s32 v28, $0x1;
	v7 =	vld [tilespmem:s21+$0x4000];
	v20 =	vadd.s32 v25, v5;
	v5 =	vshra.s32 v8, $0x1  }
0x116: {  	v3 =	vadd.s32 v25, v3;
	v18 =	vadd.s32 v25, v5;
	v5 =	vshra.s32 v9, $0x1  }
0x117: {  	v9 =	vadd.s32 v25, v27;
	v16 =	vadd.s32 v25, v5;
	v5 =	vshra.s32 v10, $0x1  }
0x118: {  	v38 =	vld [tilespmem:s21+$0x5800];
	v13 =	vadd.s32 v25, v5;
	v5 =	vshra.s32 v6, $0x1;
	v14 =	vadd.s32 v25, v6  }
0x119: {  	v37 =	vld [tilespmem:s21+$0x6000];
	v6 =	vadd.s32 v25, v28;
	v11 =	vadd.s32 v25, v5;
	v5 =	vshra.s32 v12, $0x1  }
0x11a: {  	v36 =	vld [tilespmem:s21+$0x6800];
	v28 =	vimm.s32 $0x0;
	v8 =	vadd.s32 v25, v5;
	v5 =	vshra.s32 v7, $0x1  }
0x11b: {  	s22 =	simm.s32 $0x10;
	v35 =	vld [tilespmem:s21+$0x7000];
	v10 =	vadd.s32 v25, v7;
	v7 =	vadd.s32 v25, v5;
	v5 =	vshra.s32 v27, $0x1  }
0x11c: {  	s23 =	simm.s32 $0x20;
	v39 =	vld [tilespmem:s22+$0x0];
	s21 =	sand.u32 $0x7F0, s22;
	v12 =	vadd.s32 v25, v12;
	v27 =	vimm.s32 $0x0;
	v5 =	vadd.s32 v25, v5  }
.LBB2_6:
0x11d: {  	p0 =	sne.s32 s23, $0x7F0;
	v41 =	vld [tilespmem:s21+$0x7800];
	v25 =	vadd.s32 v25, v40;
	v34 =	vadd.s32 v34, v38;
	v38 =	vshra.s32 v38, $0x1  }
0x11e: {  	v40 =	vld [tilespmem:s21+$0x800];
	v33 =	vadd.s32 v33, v38;
	v32 =	vadd.s32 v32, v37;
	v37 =	vshra.s32 v37, $0x1  }
0x11f: {  	v38 =	vld [tilespmem:s21+$0x1000];
	v31 =	vadd.s32 v31, v37;
	v30 =	vadd.s32 v30, v36;
	v36 =	vshra.s32 v36, $0x1  }
0x120: {  	v37 =	vld [tilespmem:s21+$0x1800];
	v29 =	vadd.s32 v29, v36;
	v28 =	vadd.s32 v28, v35;
	v35 =	vshra.s32 v35, $0x1  }
0x121: {  	v26 =	vadd.s32 v26, v39;
	v36 =	vshra.s32 v39, $0x1;
	v39 =	vld [tilespmem:s21+$0x2000];
	v27 =	vadd.s32 v27, v35  }
0x122: {  	v23 =	vadd.s32 v23, v36;
	v35 =	vld [tilespmem:s21+$0x2800];
	v4 =	vadd.s32 v4, v41;
	v36 =	vshra.s32 v41, $0x1  }
0x123: {  	v24 =	vadd.s32 v24, v40;
	v40 =	vshra.s32 v40, $0x1;
	v41 =	vld [tilespmem:s21+$0x3000];
	v3 =	vadd.s32 v3, v36  }
0x124: {  	v22 =	vadd.s32 v22, v40;
	v21 =	vadd.s32 v21, v38;
	v36 =	vshra.s32 v38, $0x1;
	v40 =	vld [tilespmem:s21+$0x3800]  }
0x125: {  	v20 =	vadd.s32 v20, v36;
	v19 =	vadd.s32 v19, v37;
	v36 =	vshra.s32 v37, $0x1;
	v42 =	vld [tilespmem:s21+$0x4000]  }
0x126: {  	v18 =	vadd.s32 v18, v36;
	v17 =	vadd.s32 v17, v39;
	v36 =	vshra.s32 v39, $0x1;
	v39 =	vld [tilespmem:s21+$0x4800]  }
0x127: {  	v16 =	vadd.s32 v16, v36;
	v15 =	vadd.s32 v15, v35;
	v35 =	vshra.s32 v35, $0x1;
	v43 =	vld [tilespmem:s21+$0x5000]  }
.Ltmp2:
0x128: {  	v13 =	vadd.s32 v13, v35;
	v14 =	vadd.s32 v14, v41;
	v35 =	vshra.s32 v41, $0x1;
	v38 =	vld [tilespmem:s21+$0x5800];
	(pc) =	sbr.rel @p0 .LBB2_6-.Ltmp2, $4  }
0x129: {  	v11 =	vadd.s32 v11, v35;
	v12 =	vadd.s32 v12, v40;
	v35 =	vshra.s32 v40, $0x1;
	v37 =	vld [tilespmem:s21+$0x6000]  }
0x12a: {  	v8 =	vadd.s32 v8, v35;
	v10 =	vadd.s32 v10, v42;
	v35 =	vshra.s32 v42, $0x1;
	v36 =	vld [tilespmem:s21+$0x6800]  }
0x12b: {  	s22 =	sadd.s32 $0x10, s22;
	v7 =	vadd.s32 v7, v35;
	v9 =	vadd.s32 v9, v39;
	v40 =	vshra.s32 v39, $0x1;
	v35 =	vld [tilespmem:s21+$0x7000]  }
0x12c: {  	s21 =	sand.u32 $0x7F0, s23;
	s23 =	sadd.s32 $0x10, s23;
	v39 =	vld [tilespmem:s22+$0x0];
	v5 =	vadd.s32 v5, v40;
	v6 =	vadd.s32 v6, v43;
	v40 =	vshra.s32 v43, $0x1  }
0x12d: {  	_ = 	snop  }
0x12e: {  	v41 =	vld [tilespmem:s21+$0x800];
	_ =	sdelay $0x1  }
0x12f: {  	v42 =	vld [tilespmem:s21+$0x1000]  }
0x130: {  	v54 =	vld [tilespmem:s21+$0x1800];
	v26 =	vadd.s32 v26, v39;
	v52 =	vshra.s32 v39, $0x1  }
0x131: {  	v23 =	vadd.s32 v23, v52;
	(xrf0) =	vadd.scan.msk.s32 $0xffff, v26  }
0x132: {  	v25 =	vadd.s32 v25, v40;
	v57 =	vld [tilespmem:s21+$0x2000];
	v24 =	vadd.s32 v24, v41;
	v55 =	vshra.s32 v41, $0x1;
	(xrf0) =	vadd.scan.msk.s32 $0xffff, v23  }
0x133: {  	v34 =	vadd.s32 v34, v38;
	v59 =	vld [tilespmem:s21+$0x2800];
	v56 =	vshra.s32 v37, $0x1;
	v22 =	vadd.s32 v22, v55;
	(xrf0) =	vadd.scan.msk.s32 $0xffff, v24  }
0x134: {  	v60 =	vld [tilespmem:s21+$0x3800];
	v21 =	vadd.s32 v21, v42;
	(xrf0) =	vadd.scan.msk.s32 $0xffff, v22;
	v22 =	vadd.s32 v30, v36;
	v30 =	vshra.s32 v36, $0x1  }
0x135: {  	v58 =	vshra.s32 v42, $0x1;
	v24 =	vld [tilespmem:s21+$0x7800];
	(xrf0) =	vadd.scan.msk.s32 $0xffff, v21;
	v21 =	vadd.s32 v29, v30;
	v30 =	vshra.s32 v54, $0x1  }
0x136: {  	v53 =	vshra.s32 v38, $0x1;
	v31 =	vadd.s32 v31, v56;
	v20 =	vadd.s32 v20, v58  }
0x137: {  	v19 =	vadd.s32 v19, v54;
	v29 =	vld [tilespmem:s21+$0x3000];
	(xrf0) =	vadd.scan.msk.s32 $0xffff, v20;
	v20 =	vadd.s32 v28, v35;
	v28 =	vshra.s32 v35, $0x1  }
0x138: {  	v18 =	vadd.s32 v18, v30;
	v30, _, _ =	vpop (xrf0);
	(xrf0) =	vadd.scan.msk.s32 $0xffff, v19;
	v19 =	vadd.s32 v27, v28;
	v28 =	vshra.s32 v57, $0x1  }
0x139: {  	v26 =	vadd.s32 v33, v53;
	v17 =	vadd.s32 v17, v57;
	v15 =	vadd.s32 v15, v59;
	v27 =	vld [tilespmem:s21+$0x4000]  }
0x13a: {  	v12 =	vadd.s32 v12, v60;
	v4 =	vadd.s32 v4, v24;
	v61, _, _ =	vpop (xrf0);
	(xrf0) =	vadd.scan.msk.s32 $0xffff, v18;
	v18 =	vshra.s32 v24, $0x1;
	v24 =	vld [tilespmem:s21+$0x4800]  }
0x13b: {  	v16 =	vadd.s32 v16, v28;
	v3 =	vadd.s32 v3, v18;
	v18 =	vld [tilespmem:s21+$0x5000];
	v28, _, _ =	vpop (xrf0);
	(xrf0) =	vadd.scan.msk.s32 $0xffff, v17;
	v17 =	vshra.s32 v59, $0x1  }
0x13c: {  	v23 =	vadd.s32 v32, v37;
	v62, _, _ =	vpop (xrf0);
	(xrf0) =	vadd.scan.msk.s32 $0xffff, v16;
	v13 =	vadd.s32 v13, v17;
	v16 =	vshra.s32 v29, $0x1;
	v17 =	vld [tilespmem:s21+$0x5800]  }
0x13d: {  	v14 =	vadd.s32 v14, v29;
	v29, _, _ =	vpop (xrf0);
	(xrf0) =	vadd.scan.msk.s32 $0xffff, v15;
	v11 =	vadd.s32 v11, v16;
	v15 =	vshra.s32 v60, $0x1;
	v16 =	vld [tilespmem:s21+$0x6000]  }
0x13e: {  	v10 =	vadd.s32 v10, v27;
	v63, _, _ =	vpop (xrf0);
	(xrf0) =	vadd.scan.msk.s32 $0xffff, v13;
	v8 =	vadd.s32 v8, v15;
	v13 =	vshra.s32 v27, $0x1;
	v15 =	vld [tilespmem:s21+$0x6800]  }
0x13f: {  	v9 =	vadd.s32 v9, v24;
	v27, _, _ =	vpop (xrf0);
	(xrf0) =	vadd.scan.msk.s32 $0xffff, v14;
	v7 =	vadd.s32 v7, v13;
	v13 =	vshra.s32 v24, $0x1  }
0x140: {  	v6 =	vadd.s32 v6, v18;
	v14, _, _ =	vpop (xrf0);
	(xrf0) =	vadd.scan.msk.s32 $0xffff, v11;
	v5 =	vadd.s32 v5, v13;
	v13 =	vshra.s32 v18, $0x1  }
0x141: {  	v11 =	vld [tilespmem:s21+$0x7000];
	v18, _, _ =	vpop (xrf0);
	(xrf0) =	vadd.scan.msk.s32 $0xffff, v12;
	v12 =	vadd.s32 v25, v13;
	v13 =	vadd.s32 v34, v17;
	v17 =	vshra.s32 v17, $0x1  }
0x142: {  	v24, _, _ =	vpop (xrf0);
	(xrf0) =	vadd.scan.msk.s32 $0xffff, v8;
	v8 =	vadd.s32 v26, v17;
	v17 =	vadd.s32 v23, v16;
	v16 =	vshra.s32 v16, $0x1  }
0x143: {  	v23, _, _ =	vpop (xrf0);
	(xrf0) =	vadd.scan.msk.s32 $0xffff, v10;
	v10 =	vadd.s32 v31, v16;
	v16 =	vadd.s32 v22, v15;
	v15 =	vshra.s32 v15, $0x1  }
0x144: {  	v22, _, _ =	vpop (xrf0);
	(xrf0) =	vadd.scan.msk.s32 $0xffff, v7;
	v7 =	vadd.s32 v21, v15;
	v21 =	vbroadcast v61, $0xF  }
0x145: {  	v26 =	vbroadcast v28, $0xF;
	v28 =	vbroadcast v62, $0xF;
	v25, _, _ =	vpop (xrf0);
	(xrf0) =	vadd.scan.msk.s32 $0xffff, v9  }
0x146: {  	v15 =	vbroadcast v30, $0xF;
	v9 =	vshra.s32 v11, $0x1;
	v30, _, _ =	vpop (xrf0);
	(xrf0) =	vadd.scan.msk.s32 $0xffff, v5;
	v5 =	vadd.s32 v20, v11  }
0x147: {  	v9 =	vadd.s32 v19, v9;
	v11 =	vbroadcast v29, $0xF;
	v20 =	vbroadcast v63, $0xF;
	v19, _, _ =	vpop (xrf0);
	(xrf0) =	vadd.scan.msk.s32 $0xffff, v6  }
0x148: {  	v6 =	vsel vm0, v15, v26;
	v15 =	vsel vm0, v21, v28;
	v21, _, _ =	vpop (xrf0);
	(xrf0) =	vadd.scan.msk.s32 $0xffff, v12;
	v12 =	vbroadcast v14, $0xF  }
0x149: {  	v14, _, _ =	vpop (xrf0);
	(xrf0) =	vadd.scan.msk.s32 $0xffff, v13;
	v13 =	vsel vm1, v15, v20;
	v15 =	vbroadcast v18, $0xF  }
0x14a: {  	v6 =	vsel vm1, v6, v11;
	v11 =	vbroadcast v27, $0xF  }
0x14b: {  	v18 =	vbroadcast v24, $0xF;
	v20, _, _ =	vpop (xrf0);
	(xrf0) =	vadd.scan.msk.s32 $0xffff, v8  }
0x14c: {  	v6 =	vsel vm2, v6, v11;
	v8 =	vsel vm2, v13, v12;
	v11 =	vbroadcast v23, $0xF;
	v12, _, _ =	vpop (xrf0);
	(xrf0) =	vadd.scan.msk.s32 $0xffff, v17  }
0x14d: {  	v13 =	vbroadcast v22, $0xF;
	v6 =	vsel vm3, v6, v15;
	v15, _, _ =	vpop (xrf0);
	(xrf0) =	vadd.scan.msk.s32 $0xffff, v10;
	v10 =	vbroadcast v25, $0xF  }
0x14e: {  	v8 =	vsel vm3, v8, v18;
	v6 =	vsel vm4, v6, v11;
	v11 =	vbroadcast v30, $0xF  }
0x14f: {  	v8 =	vsel vm4, v8, v13;
	v13 =	vbroadcast v19, $0xF;
	v17, _, _ =	vpop (xrf0);
	(xrf0) =	vadd.scan.msk.s32 $0xffff, v16;
	v16 =	vbroadcast v21, $0xF  }
0x150: {  	v18, _, _ =	vpop (xrf0);
	(xrf0) =	vadd.scan.msk.s32 $0xffff, v7;
	v6 =	vsel vm5, v6, v10;
	v7 =	vsel vm5, v8, v11;
	v8 =	vbroadcast v14, $0xF  }
0x151: {  	v11 =	vbroadcast v20, $0xF;
	v6 =	vsel vm6, v6, v13;
	v10, _, _ =	vpop (xrf0)  }
0x152: {  	v7 =	vsel vm6, v7, v16;
	(xrf0) =	vadd.scan.msk.s32 $0xffff, v5;
	v6 =	vsel vm7, v6, v8;
	v8 =	vbroadcast v12, $0xF;
	v5, _, _ =	vpop (xrf0)  }
0x153: {  	v12 =	vbroadcast v15, $0xF;
	v7 =	vsel vm7, v7, v11;
	(xrf0) =	vadd.scan.msk.s32 $0xffff, v9;
	v9 =	vbroadcast v17, $0xF;
	v13, _, _ =	vpop (xrf0)  }
0x154: {  	v11 =	vbroadcast v18, $0xF;
	v6 =	vsel vm8, v6, v8;
	v8 =	vbroadcast v10, $0xF;
	v14, _, _ =	vpop (xrf0)  }
0x155: {  	(xrf0) =	vadd.scan.msk.s32 $0xffff, v4;
	v7 =	vsel vm8, v7, v12;
	v6 =	vsel vm9, v6, v9;
	v9 =	vbroadcast v13, $0xF;
	v4, _, _ =	vpop (xrf0)  }
0x156: {  	v5 =	vbroadcast v5, $0xF;
	v6 =	vsel vm10, v6, v8;
	v4 =	vbroadcast v4, $0xF  }
0x157: {  	v7 =	vsel vm9, v7, v11;
	(xrf0) =	vadd.scan.msk.s32 $0xffff, v3;
	v8 =	vbroadcast v14, $0xF;
	v10, _, _ =	vpop (xrf0);
	v6 =	vsel vm11, v6, v9  }
0x158: {  	v5 =	vsel vm10, v7, v5;
	v3, _, _ =	vpop (xrf0);
	v4 =	vsel vm12, v6, v4;
	v6 =	vbroadcast v10, $0xF  }
0x159: {  	v5 =	vsel vm11, v5, v8;
	v3 =	vbroadcast v3, $0xF  }
0x15a: {  	v9, _, _ =	vpop (xrf0);
	v5 =	vsel vm12, v5, v6  }
0x15b: {  	v7, _, _ =	vpop (xrf0);
	v3 =	vsel vm13, v4, v3;
	v4 =	vbroadcast v9, $0xF  }
0x15c: {  	v3 =	vsel vm14, v3, v7  }
0x15d: {  	v4 =	vsel vm13, v5, v4;
	v3 =	vcvt.s32.f32 v3;
	v5, _, _ =	vpop (xrf0)  }
0x15e: {  	v4 =	vsel vm14, v4, v5  }
0x15f: {  	v5 =	vsub.f32 $2.048000000e+03, v3;
	v4 =	vcvt.s32.f32 v4;
	_ =	sdelay $0x1  }
0x160: {  	v5 =	vadd.f32 v4, v5;
	_ =	sdelay $0x1  }
0x161: {  	v5 =	vmul.f32 $4.882812500e-04, v5;
	_ =	sdelay $0x1  }
0x162: {  	v6 =	vadd.f32 v5, v5;
	_ =	sdelay $0x1  }
0x163: {  	v6 =	vsub.f32 $0.0e+00, v6;
	_ =	sdelay $0x1  }
0x164: {  	v6 =	vmul.f32 $1.442695020e+00, v6;
	_ =	sdelay $0x1  }
0x165: {  	(erf) = vpow2.f32 v6;
	_ =	sdelay $0x8  }
0x166: {  	v6 =	vpop (erf)  }
0x167: {  	v6 =	vadd.f32 $1.000000000e+00, v6;
	_ =	sdelay $0x1  }
0x168: {  	v3 =	vsub.f32 v3, v4;
	(erf) = vrcp.f32 v6;
	_ =	sdelay $0x1  }
0x169: {  	v3 =	vsub.f32 v3, v4;
	_ =	sdelay $0x1  }
0x16a: {  	v3 =	vmul.f32 $4.882812500e-04, v3  }
0x16b: {  	v5 =	vmul.f32 v5, v1  }
0x16c: {  	v4 =	vmul.f32 $4.882812500e-04, v4;
	v3 =	vmul.f32 v3, v2;
	_ =	sdelay $0x1  }
0x16d: {  	v4 =	vmul.f32 v4, v0;
	v3 =	vadd.f32 v3, v5  }
0x16e: {  	v5 =	vpop (erf)  }
0x16f: {  	v3 =	vadd.f32 v3, v4;
	v4 =	vadd.f32 $1.000000000e+00, v5;
	_ =	sdelay $0x1  }
0x170: {  	v3 =	vmul.f32 v4, v3;
	_ =	sdelay $0x1  }
0x171: {  	v3 =	vsub.f32 $0.0e+00, v3;
	_ =	sdelay $0x1  }
0x172: {  	v3 =	vmul.f32 $1.442695020e+00, v3;
	_ =	sdelay $0x1  }
0x173: {  	(erf) = vpow2.f32 v3;
	_ =	sdelay $0x8  }
0x174: {  	v3 =	vpop (erf)  }
0x175: {  	v3 =	vadd.f32 $1.000000000e+00, v3;
	_ =	sdelay $0x1  }
0x176: {  	(erf) = vrcp.f32 v3;
	_ =	sdelay $0x8  }
0x177: {  	v3 =	vpop (erf)  }
0x178: {  	v3 =	vmax.f32 v3, $1.000000010e-07  }
0x179: {  	v3 =	vmin.f32 v3, $9.999998800e-01  }
0x17a: {  	[tilespmem:$0x10220] =	vst v3  }
0x17b: {  	_ =	swait.ge [sflag:s18], $0x8000  }
0x17c: {  	[sflag:s18] =	ssyncset.done $0x0  }
0x17d: {  	s31 =	simm.s32 $0x0;
	s22 =	simm.s32 $0x8000;
	[sflag:s18] =	ssyncadd.s32 $0xFFFF8000  }
0x17e: {  	[tilespmem:s31], [sflag:$0x1] =	stream.linear.gather [hbm4b:s8+s31], $0x8000, $0x38;
	[tilespmem:$0x10280] =	vst v63  }
0x17f: {  	s21 =	sand.u32 $0x7F0, s31;
	v3 =	vld [tilespmem:s22+$0x0]  }
0x180: {  	v5 =	vld [tilespmem:s21+$0xF800]  }
0x181: {  	v6 =	vld [tilespmem:s21+$0x8800]  }
0x182: {  	v7 =	vld [tilespmem:s21+$0x9000]  }
0x183: {  	v8 =	vld [tilespmem:s21+$0x9800]  }
0x184: {  	v9 =	vld [tilespmem:s21+$0xA000]  }
0x185: {  	v33 =	vimm.s32 $0x0;
	v32 =	vimm.s32 $0x0  }
0x186: {  	v34 =	vimm.s32 $0x0;
	v31 =	vimm.s32 $0x0;
	v29 =	vimm.s32 $0x0;
	v10 =	vld [tilespmem:s21+$0xA800]  }
0x187: {  	v30 =	vimm.s32 $0x0;
	v25 =	vimm.s32 $0x0;
	v28 =	vld [tilespmem:s21+$0xD000];
	v4 =	vshra.s32 v3, $0x1  }
0x188: {  	v26 =	vadd.s32 v25, v3;
	v3 =	vshra.s32 v5, $0x1;
	v24 =	vadd.s32 v25, v6  }
0x189: {  	v27 =	vld [tilespmem:s21+$0xC800];
	v21 =	vadd.s32 v25, v7;
	v19 =	vadd.s32 v25, v8;
	v17 =	vadd.s32 v25, v9  }
0x18a: {  	v23 =	vadd.s32 v25, v4;
	v4 =	vadd.s32 v25, v5;
	v5 =	vshra.s32 v6, $0x1;
	v6 =	vld [tilespmem:s21+$0xB000]  }
0x18b: {  	v12 =	vld [tilespmem:s21+$0xB800];
	v15 =	vadd.s32 v25, v10;
	v22 =	vadd.s32 v25, v5;
	v5 =	vshra.s32 v7, $0x1  }
0x18c: {  	v40 =	vshra.s32 v28, $0x1;
	v7 =	vld [tilespmem:s21+$0xC000];
	v20 =	vadd.s32 v25, v5;
	v5 =	vshra.s32 v8, $0x1  }
0x18d: {  	v3 =	vadd.s32 v25, v3;
	v18 =	vadd.s32 v25, v5;
	v5 =	vshra.s32 v9, $0x1  }
0x18e: {  	v9 =	vadd.s32 v25, v27;
	v16 =	vadd.s32 v25, v5;
	v5 =	vshra.s32 v10, $0x1  }
0x18f: {  	v38 =	vld [tilespmem:s21+$0xD800];
	v13 =	vadd.s32 v25, v5;
	v5 =	vshra.s32 v6, $0x1;
	v14 =	vadd.s32 v25, v6  }
0x190: {  	v37 =	vld [tilespmem:s21+$0xE000];
	v6 =	vadd.s32 v25, v28;
	v11 =	vadd.s32 v25, v5;
	v5 =	vshra.s32 v12, $0x1  }
0x191: {  	v36 =	vld [tilespmem:s21+$0xE800];
	v28 =	vimm.s32 $0x0;
	v8 =	vadd.s32 v25, v5;
	v5 =	vshra.s32 v7, $0x1  }
0x192: {  	s23 =	simm.s32 $0x10;
	v35 =	vld [tilespmem:s21+$0xF000];
	s22 =	simm.s32 $0x8010;
	v10 =	vadd.s32 v25, v7;
	v7 =	vadd.s32 v25, v5;
	v5 =	vshra.s32 v27, $0x1  }
0x193: {  	v39 =	vld [tilespmem:s22+$0x0];
	s21 =	sand.u32 $0x7F0, s23;
	s23 =	simm.s32 $0x20;
	v12 =	vadd.s32 v25, v12;
	v27 =	vimm.s32 $0x0;
	v5 =	vadd.s32 v25, v5  }
.LBB2_8:
0x194: {  	p0 =	sne.s32 s23, $0x7F0;
	v41 =	vld [tilespmem:s21+$0xF800];
	v25 =	vadd.s32 v25, v40;
	v34 =	vadd.s32 v34, v38;
	v38 =	vshra.s32 v38, $0x1  }
0x195: {  	v40 =	vld [tilespmem:s21+$0x8800];
	v32 =	vadd.s32 v32, v38;
	v33 =	vadd.s32 v33, v37;
	v37 =	vshra.s32 v37, $0x1  }
0x196: {  	v38 =	vld [tilespmem:s21+$0x9000];
	v31 =	vadd.s32 v31, v37;
	v30 =	vadd.s32 v30, v36;
	v36 =	vshra.s32 v36, $0x1  }
0x197: {  	v37 =	vld [tilespmem:s21+$0x9800];
	v29 =	vadd.s32 v29, v36;
	v28 =	vadd.s32 v28, v35;
	v35 =	vshra.s32 v35, $0x1  }
0x198: {  	v26 =	vadd.s32 v26, v39;
	v36 =	vshra.s32 v39, $0x1;
	v39 =	vld [tilespmem:s21+$0xA000];
	v27 =	vadd.s32 v27, v35  }
0x199: {  	v23 =	vadd.s32 v23, v36;
	v35 =	vld [tilespmem:s21+$0xA800];
	v4 =	vadd.s32 v4, v41;
	v36 =	vshra.s32 v41, $0x1  }
0x19a: {  	v24 =	vadd.s32 v24, v40;
	v40 =	vshra.s32 v40, $0x1;
	v41 =	vld [tilespmem:s21+$0xB000];
	v3 =	vadd.s32 v3, v36  }
0x19b: {  	v22 =	vadd.s32 v22, v40;
	v21 =	vadd.s32 v21, v38;
	v36 =	vshra.s32 v38, $0x1;
	v40 =	vld [tilespmem:s21+$0xB800]  }
0x19c: {  	v20 =	vadd.s32 v20, v36;
	v19 =	vadd.s32 v19, v37;
	v36 =	vshra.s32 v37, $0x1;
	v42 =	vld [tilespmem:s21+$0xC000]  }
0x19d: {  	v18 =	vadd.s32 v18, v36;
	v17 =	vadd.s32 v17, v39;
	v36 =	vshra.s32 v39, $0x1;
	v39 =	vld [tilespmem:s21+$0xC800]  }
0x19e: {  	v16 =	vadd.s32 v16, v36;
	v15 =	vadd.s32 v15, v35;
	v35 =	vshra.s32 v35, $0x1;
	v43 =	vld [tilespmem:s21+$0xD000]  }
.Ltmp3:
0x19f: {  	v13 =	vadd.s32 v13, v35;
	v14 =	vadd.s32 v14, v41;
	v35 =	vshra.s32 v41, $0x1;
	v38 =	vld [tilespmem:s21+$0xD800];
	(pc) =	sbr.rel @p0 .LBB2_8-.Ltmp3, $4  }
0x1a0: {  	v11 =	vadd.s32 v11, v35;
	v12 =	vadd.s32 v12, v40;
	v35 =	vshra.s32 v40, $0x1;
	v37 =	vld [tilespmem:s21+$0xE000]  }
0x1a1: {  	v8 =	vadd.s32 v8, v35;
	v10 =	vadd.s32 v10, v42;
	v35 =	vshra.s32 v42, $0x1;
	v36 =	vld [tilespmem:s21+$0xE800]  }
0x1a2: {  	s22 =	sadd.s32 $0x10, s22;
	v7 =	vadd.s32 v7, v35;
	v9 =	vadd.s32 v9, v39;
	v40 =	vshra.s32 v39, $0x1;
	v35 =	vld [tilespmem:s21+$0xF000]  }
0x1a3: {  	s21 =	sand.u32 $0x7F0, s23;
	s23 =	sadd.s32 $0x10, s23;
	v39 =	vld [tilespmem:s22+$0x0];
	v5 =	vadd.s32 v5, v40;
	v6 =	vadd.s32 v6, v43;
	v40 =	vshra.s32 v43, $0x1  }
0x1a4: {  	_ = 	snop  }
0x1a5: {  	v41 =	vld [tilespmem:s21+$0x8800];
	_ =	sdelay $0x1  }
0x1a6: {  	v42 =	vld [tilespmem:s21+$0x9000]  }
0x1a7: {  	v54 =	vld [tilespmem:s21+$0x9800];
	v26 =	vadd.s32 v26, v39;
	v52 =	vshra.s32 v39, $0x1  }
0x1a8: {  	v23 =	vadd.s32 v23, v52;
	(xrf0) =	vadd.scan.msk.s32 $0xffff, v26  }
0x1a9: {  	v25 =	vadd.s32 v25, v40;
	v57 =	vld [tilespmem:s21+$0xA000];
	v24 =	vadd.s32 v24, v41;
	v55 =	vshra.s32 v41, $0x1;
	(xrf0) =	vadd.scan.msk.s32 $0xffff, v23  }
0x1aa: {  	v34 =	vadd.s32 v34, v38;
	v59 =	vld [tilespmem:s21+$0xA800];
	v56 =	vshra.s32 v37, $0x1;
	v22 =	vadd.s32 v22, v55;
	(xrf0) =	vadd.scan.msk.s32 $0xffff, v24  }
0x1ab: {  	v60 =	vld [tilespmem:s21+$0xB800];
	v21 =	vadd.s32 v21, v42;
	(xrf0) =	vadd.scan.msk.s32 $0xffff, v22;
	v22 =	vadd.s32 v30, v36;
	v30 =	vshra.s32 v36, $0x1  }
0x1ac: {  	v58 =	vshra.s32 v42, $0x1;
	v24 =	vld [tilespmem:s21+$0xF800];
	(xrf0) =	vadd.scan.msk.s32 $0xffff, v21;
	v21 =	vadd.s32 v29, v30;
	v30 =	vshra.s32 v54, $0x1  }
0x1ad: {  	v53 =	vshra.s32 v38, $0x1;
	v31 =	vadd.s32 v31, v56;
	v20 =	vadd.s32 v20, v58  }
0x1ae: {  	v19 =	vadd.s32 v19, v54;
	v29 =	vld [tilespmem:s21+$0xB000];
	(xrf0) =	vadd.scan.msk.s32 $0xffff, v20;
	v20 =	vadd.s32 v28, v35;
	v28 =	vshra.s32 v35, $0x1  }
0x1af: {  	v18 =	vadd.s32 v18, v30;
	v30, _, _ =	vpop (xrf0);
	(xrf0) =	vadd.scan.msk.s32 $0xffff, v19;
	v19 =	vadd.s32 v27, v28;
	v28 =	vshra.s32 v57, $0x1  }
0x1b0: {  	v26 =	vadd.s32 v32, v53;
	v17 =	vadd.s32 v17, v57;
	v15 =	vadd.s32 v15, v59;
	v27 =	vld [tilespmem:s21+$0xC000]  }
0x1b1: {  	v12 =	vadd.s32 v12, v60;
	v4 =	vadd.s32 v4, v24;
	v61, _, _ =	vpop (xrf0);
	(xrf0) =	vadd.scan.msk.s32 $0xffff, v18;
	v18 =	vshra.s32 v24, $0x1;
	v24 =	vld [tilespmem:s21+$0xC800]  }
0x1b2: {  	v16 =	vadd.s32 v16, v28;
	v3 =	vadd.s32 v3, v18;
	v18 =	vld [tilespmem:s21+$0xD000];
	v28, _, _ =	vpop (xrf0);
	(xrf0) =	vadd.scan.msk.s32 $0xffff, v17;
	v17 =	vshra.s32 v59, $0x1  }
0x1b3: {  	v23 =	vadd.s32 v33, v37;
	v62, _, _ =	vpop (xrf0);
	(xrf0) =	vadd.scan.msk.s32 $0xffff, v16;
	v13 =	vadd.s32 v13, v17;
	v16 =	vshra.s32 v29, $0x1;
	v17 =	vld [tilespmem:s21+$0xD800]  }
0x1b4: {  	v14 =	vadd.s32 v14, v29;
	v29, _, _ =	vpop (xrf0);
	(xrf0) =	vadd.scan.msk.s32 $0xffff, v15;
	v11 =	vadd.s32 v11, v16;
	v15 =	vshra.s32 v60, $0x1;
	v16 =	vld [tilespmem:s21+$0xE000]  }
0x1b5: {  	v10 =	vadd.s32 v10, v27;
	v63, _, _ =	vpop (xrf0);
	(xrf0) =	vadd.scan.msk.s32 $0xffff, v13;
	v8 =	vadd.s32 v8, v15;
	v13 =	vshra.s32 v27, $0x1;
	v15 =	vld [tilespmem:s21+$0xE800]  }
0x1b6: {  	v9 =	vadd.s32 v9, v24;
	v27, _, _ =	vpop (xrf0);
	(xrf0) =	vadd.scan.msk.s32 $0xffff, v14;
	v7 =	vadd.s32 v7, v13;
	v13 =	vshra.s32 v24, $0x1  }
0x1b7: {  	v6 =	vadd.s32 v6, v18;
	v14, _, _ =	vpop (xrf0);
	(xrf0) =	vadd.scan.msk.s32 $0xffff, v11;
	v5 =	vadd.s32 v5, v13;
	v13 =	vshra.s32 v18, $0x1  }
0x1b8: {  	v11 =	vld [tilespmem:s21+$0xF000];
	v18, _, _ =	vpop (xrf0);
	(xrf0) =	vadd.scan.msk.s32 $0xffff, v12;
	v12 =	vadd.s32 v25, v13;
	v13 =	vadd.s32 v34, v17;
	v17 =	vshra.s32 v17, $0x1  }
0x1b9: {  	v24, _, _ =	vpop (xrf0);
	(xrf0) =	vadd.scan.msk.s32 $0xffff, v8;
	v8 =	vadd.s32 v26, v17;
	v17 =	vadd.s32 v23, v16;
	v16 =	vshra.s32 v16, $0x1  }
0x1ba: {  	v23, _, _ =	vpop (xrf0);
	(xrf0) =	vadd.scan.msk.s32 $0xffff, v10;
	v10 =	vadd.s32 v31, v16;
	v16 =	vadd.s32 v22, v15;
	v15 =	vshra.s32 v15, $0x1  }
0x1bb: {  	v22, _, _ =	vpop (xrf0);
	(xrf0) =	vadd.scan.msk.s32 $0xffff, v7;
	v7 =	vadd.s32 v21, v15;
	v21 =	vbroadcast v61, $0xF  }
0x1bc: {  	v26 =	vbroadcast v28, $0xF;
	v28 =	vbroadcast v62, $0xF;
	v25, _, _ =	vpop (xrf0);
	(xrf0) =	vadd.scan.msk.s32 $0xffff, v9  }
0x1bd: {  	v15 =	vbroadcast v30, $0xF;
	v9 =	vshra.s32 v11, $0x1;
	v30, _, _ =	vpop (xrf0);
	(xrf0) =	vadd.scan.msk.s32 $0xffff, v5;
	v5 =	vadd.s32 v20, v11  }
0x1be: {  	v9 =	vadd.s32 v19, v9;
	v11 =	vbroadcast v29, $0xF;
	v20 =	vbroadcast v63, $0xF;
	v19, _, _ =	vpop (xrf0);
	(xrf0) =	vadd.scan.msk.s32 $0xffff, v6  }
0x1bf: {  	v6 =	vsel vm0, v15, v26;
	v15 =	vsel vm0, v21, v28;
	v21, _, _ =	vpop (xrf0);
	(xrf0) =	vadd.scan.msk.s32 $0xffff, v12;
	v12 =	vbroadcast v14, $0xF  }
0x1c0: {  	v14, _, _ =	vpop (xrf0);
	(xrf0) =	vadd.scan.msk.s32 $0xffff, v13;
	v13 =	vsel vm1, v15, v20;
	v15 =	vbroadcast v18, $0xF  }
0x1c1: {  	v6 =	vsel vm1, v6, v11;
	v11 =	vbroadcast v27, $0xF  }
0x1c2: {  	v18 =	vbroadcast v24, $0xF;
	v20, _, _ =	vpop (xrf0);
	(xrf0) =	vadd.scan.msk.s32 $0xffff, v8  }
0x1c3: {  	v6 =	vsel vm2, v6, v11;
	v8 =	vsel vm2, v13, v12;
	v11 =	vbroadcast v23, $0xF;
	v12, _, _ =	vpop (xrf0);
	(xrf0) =	vadd.scan.msk.s32 $0xffff, v17  }
0x1c4: {  	v13 =	vbroadcast v22, $0xF;
	v6 =	vsel vm3, v6, v15;
	v15, _, _ =	vpop (xrf0);
	(xrf0) =	vadd.scan.msk.s32 $0xffff, v10;
	v10 =	vbroadcast v25, $0xF  }
0x1c5: {  	v8 =	vsel vm3, v8, v18;
	v6 =	vsel vm4, v6, v11;
	v11 =	vbroadcast v30, $0xF  }
0x1c6: {  	v8 =	vsel vm4, v8, v13;
	v13 =	vbroadcast v19, $0xF;
	v17, _, _ =	vpop (xrf0);
	(xrf0) =	vadd.scan.msk.s32 $0xffff, v16;
	v16 =	vbroadcast v21, $0xF  }
0x1c7: {  	v18, _, _ =	vpop (xrf0);
	(xrf0) =	vadd.scan.msk.s32 $0xffff, v7;
	v6 =	vsel vm5, v6, v10;
	v7 =	vsel vm5, v8, v11;
	v8 =	vbroadcast v14, $0xF  }
0x1c8: {  	v11 =	vbroadcast v20, $0xF;
	v6 =	vsel vm6, v6, v13;
	v10, _, _ =	vpop (xrf0)  }
0x1c9: {  	v7 =	vsel vm6, v7, v16;
	(xrf0) =	vadd.scan.msk.s32 $0xffff, v5;
	v6 =	vsel vm7, v6, v8;
	v8 =	vbroadcast v12, $0xF;
	v5, _, _ =	vpop (xrf0)  }
0x1ca: {  	v12 =	vbroadcast v15, $0xF;
	v7 =	vsel vm7, v7, v11;
	(xrf0) =	vadd.scan.msk.s32 $0xffff, v9;
	v9 =	vbroadcast v17, $0xF;
	v13, _, _ =	vpop (xrf0)  }
0x1cb: {  	v11 =	vbroadcast v18, $0xF;
	v6 =	vsel vm8, v6, v8;
	v8 =	vbroadcast v10, $0xF;
	v14, _, _ =	vpop (xrf0)  }
0x1cc: {  	(xrf0) =	vadd.scan.msk.s32 $0xffff, v4;
	v7 =	vsel vm8, v7, v12;
	v6 =	vsel vm9, v6, v9;
	v9 =	vbroadcast v13, $0xF;
	v4, _, _ =	vpop (xrf0)  }
0x1cd: {  	v5 =	vbroadcast v5, $0xF;
	v6 =	vsel vm10, v6, v8;
	v4 =	vbroadcast v4, $0xF  }
0x1ce: {  	v7 =	vsel vm9, v7, v11;
	(xrf0) =	vadd.scan.msk.s32 $0xffff, v3;
	v8 =	vbroadcast v14, $0xF;
	v10, _, _ =	vpop (xrf0);
	v6 =	vsel vm11, v6, v9  }
0x1cf: {  	v5 =	vsel vm10, v7, v5;
	v3, _, _ =	vpop (xrf0);
	v4 =	vsel vm12, v6, v4;
	v6 =	vbroadcast v10, $0xF  }
0x1d0: {  	v5 =	vsel vm11, v5, v8;
	v3 =	vbroadcast v3, $0xF  }
0x1d1: {  	v9, _, _ =	vpop (xrf0);
	v5 =	vsel vm12, v5, v6  }
0x1d2: {  	v7, _, _ =	vpop (xrf0);
	v3 =	vsel vm13, v4, v3;
	v4 =	vbroadcast v9, $0xF  }
0x1d3: {  	v3 =	vsel vm14, v3, v7  }
0x1d4: {  	v4 =	vsel vm13, v5, v4;
	v3 =	vcvt.s32.f32 v3;
	v5, _, _ =	vpop (xrf0)  }
0x1d5: {  	v4 =	vsel vm14, v4, v5  }
0x1d6: {  	v5 =	vsub.f32 $2.048000000e+03, v3;
	v4 =	vcvt.s32.f32 v4;
	_ =	sdelay $0x1  }
0x1d7: {  	v5 =	vadd.f32 v4, v5;
	_ =	sdelay $0x1  }
0x1d8: {  	v5 =	vmul.f32 $4.882812500e-04, v5;
	_ =	sdelay $0x1  }
0x1d9: {  	v6 =	vadd.f32 v5, v5;
	_ =	sdelay $0x1  }
0x1da: {  	v6 =	vsub.f32 $0.0e+00, v6;
	_ =	sdelay $0x1  }
0x1db: {  	v6 =	vmul.f32 $1.442695020e+00, v6;
	_ =	sdelay $0x1  }
0x1dc: {  	(erf) = vpow2.f32 v6;
	_ =	sdelay $0x8  }
0x1dd: {  	v6 =	vpop (erf)  }
0x1de: {  	v6 =	vadd.f32 $1.000000000e+00, v6;
	_ =	sdelay $0x1  }
0x1df: {  	v3 =	vsub.f32 v3, v4;
	(erf) = vrcp.f32 v6;
	_ =	sdelay $0x1  }
0x1e0: {  	v3 =	vsub.f32 v3, v4;
	_ =	sdelay $0x1  }
0x1e1: {  	v3 =	vmul.f32 $4.882812500e-04, v3  }
0x1e2: {  	v5 =	vmul.f32 v5, v1  }
0x1e3: {  	v4 =	vmul.f32 $4.882812500e-04, v4;
	v3 =	vmul.f32 v3, v2;
	_ =	sdelay $0x1  }
0x1e4: {  	v4 =	vmul.f32 v4, v0;
	v3 =	vadd.f32 v3, v5  }
0x1e5: {  	v5 =	vpop (erf)  }
0x1e6: {  	v3 =	vadd.f32 v3, v4;
	v4 =	vadd.f32 $1.000000000e+00, v5;
	_ =	sdelay $0x1  }
0x1e7: {  	v3 =	vmul.f32 v4, v3;
	_ =	sdelay $0x1  }
0x1e8: {  	v3 =	vsub.f32 $0.0e+00, v3;
	_ =	sdelay $0x1  }
0x1e9: {  	v3 =	vmul.f32 $1.442695020e+00, v3;
	_ =	sdelay $0x1  }
0x1ea: {  	(erf) = vpow2.f32 v3;
	_ =	sdelay $0x8  }
0x1eb: {  	v3 =	vpop (erf)  }
0x1ec: {  	v3 =	vadd.f32 $1.000000000e+00, v3;
	_ =	sdelay $0x1  }
0x1ed: {  	(erf) = vrcp.f32 v3;
	_ =	sdelay $0x8  }
0x1ee: {  	v3 =	vpop (erf)  }
0x1ef: {  	v3 =	vmax.f32 v3, $1.000000010e-07  }
0x1f0: {  	v3 =	vmin.f32 v3, $9.999998800e-01  }
0x1f1: {  	[tilespmem:$0x10230] =	vst v3  }
0x1f2: {  	_ =	swait.ge [sflag:s16], $0x8000  }
0x1f3: {  	[sflag:s16] =	ssyncset.done $0x0  }
0x1f4: {  	s31 =	simm.s32 $0x0;
	[sflag:s16] =	ssyncadd.s32 $0xFFFF8000  }
0x1f5: {  	[tilespmem:s17], [sflag:$0x2] =	stream.linear.gather [hbm4b:s9+s31], $0x8000, $0x38;
	[tilespmem:$0x10280] =	vst v63  }
0x1f6: {  	s21 =	sand.u32 $0x7F0, s31;
	v3 =	vld [tilespmem:s31+$0x0]  }
0x1f7: {  	v5 =	vld [tilespmem:s21+$0x7800]  }
0x1f8: {  	v6 =	vld [tilespmem:s21+$0x800]  }
0x1f9: {  	v7 =	vld [tilespmem:s21+$0x1000]  }
0x1fa: {  	v8 =	vld [tilespmem:s21+$0x1800]  }
0x1fb: {  	v9 =	vld [tilespmem:s21+$0x2000]  }
0x1fc: {  	v32 =	vimm.s32 $0x0;
	v33 =	vimm.s32 $0x0  }
0x1fd: {  	v34 =	vimm.s32 $0x0;
	v31 =	vimm.s32 $0x0;
	v29 =	vimm.s32 $0x0;
	v10 =	vld [tilespmem:s21+$0x2800]  }
0x1fe: {  	v30 =	vimm.s32 $0x0;
	v25 =	vimm.s32 $0x0;
	v28 =	vld [tilespmem:s21+$0x5000];
	v4 =	vshra.s32 v3, $0x1  }
0x1ff: {  	v26 =	vadd.s32 v25, v3;
	v3 =	vshra.s32 v5, $0x1;
	v24 =	vadd.s32 v25, v6  }
0x200: {  	v27 =	vld [tilespmem:s21+$0x4800];
	v21 =	vadd.s32 v25, v7;
	v19 =	vadd.s32 v25, v8;
	v17 =	vadd.s32 v25, v9  }
0x201: {  	v23 =	vadd.s32 v25, v4;
	v4 =	vadd.s32 v25, v5;
	v5 =	vshra.s32 v6, $0x1;
	v6 =	vld [tilespmem:s21+$0x3000]  }
0x202: {  	v12 =	vld [tilespmem:s21+$0x3800];
	v15 =	vadd.s32 v25, v10;
	v22 =	vadd.s32 v25, v5;
	v5 =	vshra.s32 v7, $0x1  }
0x203: {  	v40 =	vshra.s32 v28, $0x1;
	v7 =	vld [tilespmem:s21+$0x4000];
	v20 =	vadd.s32 v25, v5;
	v5 =	vshra.s32 v8, $0x1  }
0x204: {  	v3 =	vadd.s32 v25, v3;
	v18 =	vadd.s32 v25, v5;
	v5 =	vshra.s32 v9, $0x1  }
0x205: {  	v9 =	vadd.s32 v25, v27;
	v16 =	vadd.s32 v25, v5;
	v5 =	vshra.s32 v10, $0x1  }
0x206: {  	v38 =	vld [tilespmem:s21+$0x5800];
	v13 =	vadd.s32 v25, v5;
	v5 =	vshra.s32 v6, $0x1;
	v14 =	vadd.s32 v25, v6  }
0x207: {  	v37 =	vld [tilespmem:s21+$0x6000];
	v6 =	vadd.s32 v25, v28;
	v11 =	vadd.s32 v25, v5;
	v5 =	vshra.s32 v12, $0x1  }
0x208: {  	v36 =	vld [tilespmem:s21+$0x6800];
	v28 =	vimm.s32 $0x0;
	v8 =	vadd.s32 v25, v5;
	v5 =	vshra.s32 v7, $0x1  }
0x209: {  	s22 =	simm.s32 $0x10;
	v35 =	vld [tilespmem:s21+$0x7000];
	v10 =	vadd.s32 v25, v7;
	v7 =	vadd.s32 v25, v5;
	v5 =	vshra.s32 v27, $0x1  }
0x20a: {  	s23 =	simm.s32 $0x20;
	v39 =	vld [tilespmem:s22+$0x0];
	s21 =	sand.u32 $0x7F0, s22;
	v12 =	vadd.s32 v25, v12;
	v27 =	vimm.s32 $0x0;
	v5 =	vadd.s32 v25, v5  }
.LBB2_10:
0x20b: {  	p0 =	sne.s32 s23, $0x7F0;
	v41 =	vld [tilespmem:s21+$0x7800];
	v25 =	vadd.s32 v25, v40;
	v34 =	vadd.s32 v34, v38;
	v38 =	vshra.s32 v38, $0x1  }
0x20c: {  	v40 =	vld [tilespmem:s21+$0x800];
	v33 =	vadd.s32 v33, v38;
	v32 =	vadd.s32 v32, v37;
	v37 =	vshra.s32 v37, $0x1  }
0x20d: {  	v38 =	vld [tilespmem:s21+$0x1000];
	v31 =	vadd.s32 v31, v37;
	v30 =	vadd.s32 v30, v36;
	v36 =	vshra.s32 v36, $0x1  }
0x20e: {  	v37 =	vld [tilespmem:s21+$0x1800];
	v29 =	vadd.s32 v29, v36;
	v28 =	vadd.s32 v28, v35;
	v35 =	vshra.s32 v35, $0x1  }
0x20f: {  	v26 =	vadd.s32 v26, v39;
	v36 =	vshra.s32 v39, $0x1;
	v39 =	vld [tilespmem:s21+$0x2000];
	v27 =	vadd.s32 v27, v35  }
0x210: {  	v23 =	vadd.s32 v23, v36;
	v35 =	vld [tilespmem:s21+$0x2800];
	v4 =	vadd.s32 v4, v41;
	v36 =	vshra.s32 v41, $0x1  }
0x211: {  	v24 =	vadd.s32 v24, v40;
	v40 =	vshra.s32 v40, $0x1;
	v41 =	vld [tilespmem:s21+$0x3000];
	v3 =	vadd.s32 v3, v36  }
0x212: {  	v22 =	vadd.s32 v22, v40;
	v21 =	vadd.s32 v21, v38;
	v36 =	vshra.s32 v38, $0x1;
	v40 =	vld [tilespmem:s21+$0x3800]  }
0x213: {  	v20 =	vadd.s32 v20, v36;
	v19 =	vadd.s32 v19, v37;
	v36 =	vshra.s32 v37, $0x1;
	v42 =	vld [tilespmem:s21+$0x4000]  }
0x214: {  	v18 =	vadd.s32 v18, v36;
	v17 =	vadd.s32 v17, v39;
	v36 =	vshra.s32 v39, $0x1;
	v39 =	vld [tilespmem:s21+$0x4800]  }
0x215: {  	v16 =	vadd.s32 v16, v36;
	v15 =	vadd.s32 v15, v35;
	v35 =	vshra.s32 v35, $0x1;
	v43 =	vld [tilespmem:s21+$0x5000]  }
.Ltmp4:
0x216: {  	v13 =	vadd.s32 v13, v35;
	v14 =	vadd.s32 v14, v41;
	v35 =	vshra.s32 v41, $0x1;
	v38 =	vld [tilespmem:s21+$0x5800];
	(pc) =	sbr.rel @p0 .LBB2_10-.Ltmp4, $4  }
0x217: {  	v11 =	vadd.s32 v11, v35;
	v12 =	vadd.s32 v12, v40;
	v35 =	vshra.s32 v40, $0x1;
	v37 =	vld [tilespmem:s21+$0x6000]  }
0x218: {  	v8 =	vadd.s32 v8, v35;
	v10 =	vadd.s32 v10, v42;
	v35 =	vshra.s32 v42, $0x1;
	v36 =	vld [tilespmem:s21+$0x6800]  }
0x219: {  	s22 =	sadd.s32 $0x10, s22;
	v7 =	vadd.s32 v7, v35;
	v9 =	vadd.s32 v9, v39;
	v40 =	vshra.s32 v39, $0x1;
	v35 =	vld [tilespmem:s21+$0x7000]  }
0x21a: {  	s21 =	sand.u32 $0x7F0, s23;
	s23 =	sadd.s32 $0x10, s23;
	v39 =	vld [tilespmem:s22+$0x0];
	v5 =	vadd.s32 v5, v40;
	v6 =	vadd.s32 v6, v43;
	v40 =	vshra.s32 v43, $0x1  }
0x21b: {  	_ = 	snop  }
0x21c: {  	v41 =	vld [tilespmem:s21+$0x800];
	_ =	sdelay $0x1  }
0x21d: {  	v42 =	vld [tilespmem:s21+$0x1000]  }
0x21e: {  	v54 =	vld [tilespmem:s21+$0x1800];
	v26 =	vadd.s32 v26, v39;
	v52 =	vshra.s32 v39, $0x1  }
0x21f: {  	v23 =	vadd.s32 v23, v52;
	(xrf0) =	vadd.scan.msk.s32 $0xffff, v26  }
0x220: {  	v25 =	vadd.s32 v25, v40;
	v57 =	vld [tilespmem:s21+$0x2000];
	v24 =	vadd.s32 v24, v41;
	v55 =	vshra.s32 v41, $0x1;
	(xrf0) =	vadd.scan.msk.s32 $0xffff, v23  }
0x221: {  	v34 =	vadd.s32 v34, v38;
	v59 =	vld [tilespmem:s21+$0x2800];
	v56 =	vshra.s32 v37, $0x1;
	v22 =	vadd.s32 v22, v55;
	(xrf0) =	vadd.scan.msk.s32 $0xffff, v24  }
0x222: {  	v60 =	vld [tilespmem:s21+$0x3800];
	v21 =	vadd.s32 v21, v42;
	(xrf0) =	vadd.scan.msk.s32 $0xffff, v22;
	v22 =	vadd.s32 v30, v36;
	v30 =	vshra.s32 v36, $0x1  }
0x223: {  	v58 =	vshra.s32 v42, $0x1;
	v24 =	vld [tilespmem:s21+$0x7800];
	(xrf0) =	vadd.scan.msk.s32 $0xffff, v21;
	v21 =	vadd.s32 v29, v30;
	v30 =	vshra.s32 v54, $0x1  }
0x224: {  	v53 =	vshra.s32 v38, $0x1;
	v31 =	vadd.s32 v31, v56;
	v20 =	vadd.s32 v20, v58  }
0x225: {  	v19 =	vadd.s32 v19, v54;
	v29 =	vld [tilespmem:s21+$0x3000];
	(xrf0) =	vadd.scan.msk.s32 $0xffff, v20;
	v20 =	vadd.s32 v28, v35;
	v28 =	vshra.s32 v35, $0x1  }
0x226: {  	v18 =	vadd.s32 v18, v30;
	v30, _, _ =	vpop (xrf0);
	(xrf0) =	vadd.scan.msk.s32 $0xffff, v19;
	v19 =	vadd.s32 v27, v28;
	v28 =	vshra.s32 v57, $0x1  }
0x227: {  	v26 =	vadd.s32 v33, v53;
	v17 =	vadd.s32 v17, v57;
	v15 =	vadd.s32 v15, v59;
	v27 =	vld [tilespmem:s21+$0x4000]  }
0x228: {  	v12 =	vadd.s32 v12, v60;
	v4 =	vadd.s32 v4, v24;
	v61, _, _ =	vpop (xrf0);
	(xrf0) =	vadd.scan.msk.s32 $0xffff, v18;
	v18 =	vshra.s32 v24, $0x1;
	v24 =	vld [tilespmem:s21+$0x4800]  }
0x229: {  	v16 =	vadd.s32 v16, v28;
	v3 =	vadd.s32 v3, v18;
	v18 =	vld [tilespmem:s21+$0x5000];
	v28, _, _ =	vpop (xrf0);
	(xrf0) =	vadd.scan.msk.s32 $0xffff, v17;
	v17 =	vshra.s32 v59, $0x1  }
0x22a: {  	v23 =	vadd.s32 v32, v37;
	v62, _, _ =	vpop (xrf0);
	(xrf0) =	vadd.scan.msk.s32 $0xffff, v16;
	v13 =	vadd.s32 v13, v17;
	v16 =	vshra.s32 v29, $0x1;
	v17 =	vld [tilespmem:s21+$0x5800]  }
0x22b: {  	v14 =	vadd.s32 v14, v29;
	v29, _, _ =	vpop (xrf0);
	(xrf0) =	vadd.scan.msk.s32 $0xffff, v15;
	v11 =	vadd.s32 v11, v16;
	v15 =	vshra.s32 v60, $0x1;
	v16 =	vld [tilespmem:s21+$0x6000]  }
0x22c: {  	v10 =	vadd.s32 v10, v27;
	v63, _, _ =	vpop (xrf0);
	(xrf0) =	vadd.scan.msk.s32 $0xffff, v13;
	v8 =	vadd.s32 v8, v15;
	v13 =	vshra.s32 v27, $0x1;
	v15 =	vld [tilespmem:s21+$0x6800]  }
0x22d: {  	v9 =	vadd.s32 v9, v24;
	v27, _, _ =	vpop (xrf0);
	(xrf0) =	vadd.scan.msk.s32 $0xffff, v14;
	v7 =	vadd.s32 v7, v13;
	v13 =	vshra.s32 v24, $0x1  }
0x22e: {  	v6 =	vadd.s32 v6, v18;
	v14, _, _ =	vpop (xrf0);
	(xrf0) =	vadd.scan.msk.s32 $0xffff, v11;
	v5 =	vadd.s32 v5, v13;
	v13 =	vshra.s32 v18, $0x1  }
0x22f: {  	v11 =	vld [tilespmem:s21+$0x7000];
	v18, _, _ =	vpop (xrf0);
	(xrf0) =	vadd.scan.msk.s32 $0xffff, v12;
	v12 =	vadd.s32 v25, v13;
	v13 =	vadd.s32 v34, v17;
	v17 =	vshra.s32 v17, $0x1  }
0x230: {  	v24, _, _ =	vpop (xrf0);
	(xrf0) =	vadd.scan.msk.s32 $0xffff, v8;
	v8 =	vadd.s32 v26, v17;
	v17 =	vadd.s32 v23, v16;
	v16 =	vshra.s32 v16, $0x1  }
0x231: {  	v23, _, _ =	vpop (xrf0);
	(xrf0) =	vadd.scan.msk.s32 $0xffff, v10;
	v10 =	vadd.s32 v31, v16;
	v16 =	vadd.s32 v22, v15;
	v15 =	vshra.s32 v15, $0x1  }
0x232: {  	v22, _, _ =	vpop (xrf0);
	(xrf0) =	vadd.scan.msk.s32 $0xffff, v7;
	v7 =	vadd.s32 v21, v15;
	v21 =	vbroadcast v61, $0xF  }
0x233: {  	v26 =	vbroadcast v28, $0xF;
	v28 =	vbroadcast v62, $0xF;
	v25, _, _ =	vpop (xrf0);
	(xrf0) =	vadd.scan.msk.s32 $0xffff, v9  }
0x234: {  	v15 =	vbroadcast v30, $0xF;
	v9 =	vshra.s32 v11, $0x1;
	v30, _, _ =	vpop (xrf0);
	(xrf0) =	vadd.scan.msk.s32 $0xffff, v5;
	v5 =	vadd.s32 v20, v11  }
0x235: {  	v9 =	vadd.s32 v19, v9;
	v11 =	vbroadcast v29, $0xF;
	v20 =	vbroadcast v63, $0xF;
	v19, _, _ =	vpop (xrf0);
	(xrf0) =	vadd.scan.msk.s32 $0xffff, v6  }
0x236: {  	v6 =	vsel vm0, v15, v26;
	v15 =	vsel vm0, v21, v28;
	v21, _, _ =	vpop (xrf0);
	(xrf0) =	vadd.scan.msk.s32 $0xffff, v12;
	v12 =	vbroadcast v14, $0xF  }
0x237: {  	v14, _, _ =	vpop (xrf0);
	(xrf0) =	vadd.scan.msk.s32 $0xffff, v13;
	v13 =	vsel vm1, v15, v20;
	v15 =	vbroadcast v18, $0xF  }
0x238: {  	v6 =	vsel vm1, v6, v11;
	v11 =	vbroadcast v27, $0xF  }
0x239: {  	v18 =	vbroadcast v24, $0xF;
	v20, _, _ =	vpop (xrf0);
	(xrf0) =	vadd.scan.msk.s32 $0xffff, v8  }
0x23a: {  	v6 =	vsel vm2, v6, v11;
	v8 =	vsel vm2, v13, v12;
	v11 =	vbroadcast v23, $0xF;
	v12, _, _ =	vpop (xrf0);
	(xrf0) =	vadd.scan.msk.s32 $0xffff, v17  }
0x23b: {  	v13 =	vbroadcast v22, $0xF;
	v6 =	vsel vm3, v6, v15;
	v15, _, _ =	vpop (xrf0);
	(xrf0) =	vadd.scan.msk.s32 $0xffff, v10;
	v10 =	vbroadcast v25, $0xF  }
0x23c: {  	v8 =	vsel vm3, v8, v18;
	v6 =	vsel vm4, v6, v11;
	v11 =	vbroadcast v30, $0xF  }
0x23d: {  	v8 =	vsel vm4, v8, v13;
	v13 =	vbroadcast v19, $0xF;
	v17, _, _ =	vpop (xrf0);
	(xrf0) =	vadd.scan.msk.s32 $0xffff, v16;
	v16 =	vbroadcast v21, $0xF  }
0x23e: {  	v18, _, _ =	vpop (xrf0);
	(xrf0) =	vadd.scan.msk.s32 $0xffff, v7;
	v6 =	vsel vm5, v6, v10;
	v7 =	vsel vm5, v8, v11;
	v8 =	vbroadcast v14, $0xF  }
0x23f: {  	v11 =	vbroadcast v20, $0xF;
	v6 =	vsel vm6, v6, v13;
	v10, _, _ =	vpop (xrf0)  }
0x240: {  	v7 =	vsel vm6, v7, v16;
	(xrf0) =	vadd.scan.msk.s32 $0xffff, v5;
	v6 =	vsel vm7, v6, v8;
	v8 =	vbroadcast v12, $0xF;
	v5, _, _ =	vpop (xrf0)  }
0x241: {  	v12 =	vbroadcast v15, $0xF;
	v7 =	vsel vm7, v7, v11;
	(xrf0) =	vadd.scan.msk.s32 $0xffff, v9;
	v9 =	vbroadcast v17, $0xF;
	v13, _, _ =	vpop (xrf0)  }
0x242: {  	v11 =	vbroadcast v18, $0xF;
	v6 =	vsel vm8, v6, v8;
	v8 =	vbroadcast v10, $0xF;
	v14, _, _ =	vpop (xrf0)  }
0x243: {  	(xrf0) =	vadd.scan.msk.s32 $0xffff, v4;
	v7 =	vsel vm8, v7, v12;
	v6 =	vsel vm9, v6, v9;
	v9 =	vbroadcast v13, $0xF;
	v4, _, _ =	vpop (xrf0)  }
0x244: {  	v5 =	vbroadcast v5, $0xF;
	v6 =	vsel vm10, v6, v8;
	v4 =	vbroadcast v4, $0xF  }
0x245: {  	v7 =	vsel vm9, v7, v11;
	(xrf0) =	vadd.scan.msk.s32 $0xffff, v3;
	v8 =	vbroadcast v14, $0xF;
	v10, _, _ =	vpop (xrf0);
	v6 =	vsel vm11, v6, v9  }
0x246: {  	v5 =	vsel vm10, v7, v5;
	v3, _, _ =	vpop (xrf0);
	v4 =	vsel vm12, v6, v4;
	v6 =	vbroadcast v10, $0xF  }
0x247: {  	v5 =	vsel vm11, v5, v8;
	v3 =	vbroadcast v3, $0xF  }
0x248: {  	v9, _, _ =	vpop (xrf0);
	v5 =	vsel vm12, v5, v6  }
0x249: {  	v7, _, _ =	vpop (xrf0);
	v3 =	vsel vm13, v4, v3;
	v4 =	vbroadcast v9, $0xF  }
0x24a: {  	v3 =	vsel vm14, v3, v7  }
0x24b: {  	v4 =	vsel vm13, v5, v4;
	v3 =	vcvt.s32.f32 v3;
	v5, _, _ =	vpop (xrf0)  }
0x24c: {  	v4 =	vsel vm14, v4, v5  }
0x24d: {  	v5 =	vsub.f32 $2.048000000e+03, v3;
	v4 =	vcvt.s32.f32 v4;
	_ =	sdelay $0x1  }
0x24e: {  	v5 =	vadd.f32 v4, v5;
	_ =	sdelay $0x1  }
0x24f: {  	v5 =	vmul.f32 $4.882812500e-04, v5;
	_ =	sdelay $0x1  }
0x250: {  	v6 =	vadd.f32 v5, v5;
	_ =	sdelay $0x1  }
0x251: {  	v6 =	vsub.f32 $0.0e+00, v6;
	_ =	sdelay $0x1  }
0x252: {  	v6 =	vmul.f32 $1.442695020e+00, v6;
	_ =	sdelay $0x1  }
0x253: {  	(erf) = vpow2.f32 v6;
	_ =	sdelay $0x8  }
0x254: {  	v6 =	vpop (erf)  }
0x255: {  	v6 =	vadd.f32 $1.000000000e+00, v6;
	_ =	sdelay $0x1  }
0x256: {  	v3 =	vsub.f32 v3, v4;
	(erf) = vrcp.f32 v6;
	_ =	sdelay $0x1  }
0x257: {  	v3 =	vsub.f32 v3, v4;
	_ =	sdelay $0x1  }
0x258: {  	v3 =	vmul.f32 $4.882812500e-04, v3  }
0x259: {  	v5 =	vmul.f32 v5, v1  }
0x25a: {  	v4 =	vmul.f32 $4.882812500e-04, v4;
	v3 =	vmul.f32 v3, v2;
	_ =	sdelay $0x1  }
0x25b: {  	v4 =	vmul.f32 v4, v0;
	v3 =	vadd.f32 v3, v5  }
0x25c: {  	v5 =	vpop (erf)  }
0x25d: {  	v3 =	vadd.f32 v3, v4;
	v4 =	vadd.f32 $1.000000000e+00, v5;
	_ =	sdelay $0x1  }
0x25e: {  	v3 =	vmul.f32 v4, v3;
	_ =	sdelay $0x1  }
0x25f: {  	v3 =	vsub.f32 $0.0e+00, v3;
	_ =	sdelay $0x1  }
0x260: {  	v3 =	vmul.f32 $1.442695020e+00, v3;
	_ =	sdelay $0x1  }
0x261: {  	(erf) = vpow2.f32 v3;
	_ =	sdelay $0x8  }
0x262: {  	v3 =	vpop (erf)  }
0x263: {  	v3 =	vadd.f32 $1.000000000e+00, v3;
	_ =	sdelay $0x1  }
0x264: {  	(erf) = vrcp.f32 v3;
	_ =	sdelay $0x8  }
0x265: {  	v3 =	vpop (erf)  }
0x266: {  	v3 =	vmax.f32 v3, $1.000000010e-07  }
0x267: {  	v3 =	vmin.f32 v3, $9.999998800e-01  }
0x268: {  	[tilespmem:$0x10240] =	vst v3  }
0x269: {  	_ =	swait.ge [sflag:s18], $0x8000  }
0x26a: {  	[sflag:s18] =	ssyncset.done $0x0  }
0x26b: {  	s31 =	simm.s32 $0x0;
	s22 =	simm.s32 $0x8000;
	[sflag:s18] =	ssyncadd.s32 $0xFFFF8000  }
0x26c: {  	[tilespmem:s31], [sflag:$0x1] =	stream.linear.gather [hbm4b:s10+s31], $0x8000, $0x38;
	[tilespmem:$0x10280] =	vst v63  }
0x26d: {  	s21 =	sand.u32 $0x7F0, s31;
	v3 =	vld [tilespmem:s22+$0x0]  }
0x26e: {  	v5 =	vld [tilespmem:s21+$0xF800]  }
0x26f: {  	v6 =	vld [tilespmem:s21+$0x8800]  }
0x270: {  	v7 =	vld [tilespmem:s21+$0x9000]  }
0x271: {  	v8 =	vld [tilespmem:s21+$0x9800]  }
0x272: {  	v9 =	vld [tilespmem:s21+$0xA000]  }
0x273: {  	v33 =	vimm.s32 $0x0;
	v32 =	vimm.s32 $0x0  }
0x274: {  	v34 =	vimm.s32 $0x0;
	v31 =	vimm.s32 $0x0;
	v29 =	vimm.s32 $0x0;
	v10 =	vld [tilespmem:s21+$0xA800]  }
0x275: {  	v30 =	vimm.s32 $0x0;
	v25 =	vimm.s32 $0x0;
	v28 =	vld [tilespmem:s21+$0xD000];
	v4 =	vshra.s32 v3, $0x1  }
0x276: {  	v26 =	vadd.s32 v25, v3;
	v3 =	vshra.s32 v5, $0x1;
	v24 =	vadd.s32 v25, v6  }
0x277: {  	v27 =	vld [tilespmem:s21+$0xC800];
	v21 =	vadd.s32 v25, v7;
	v19 =	vadd.s32 v25, v8;
	v17 =	vadd.s32 v25, v9  }
0x278: {  	v23 =	vadd.s32 v25, v4;
	v4 =	vadd.s32 v25, v5;
	v5 =	vshra.s32 v6, $0x1;
	v6 =	vld [tilespmem:s21+$0xB000]  }
0x279: {  	v12 =	vld [tilespmem:s21+$0xB800];
	v15 =	vadd.s32 v25, v10;
	v22 =	vadd.s32 v25, v5;
	v5 =	vshra.s32 v7, $0x1  }
0x27a: {  	v40 =	vshra.s32 v28, $0x1;
	v7 =	vld [tilespmem:s21+$0xC000];
	v20 =	vadd.s32 v25, v5;
	v5 =	vshra.s32 v8, $0x1  }
0x27b: {  	v3 =	vadd.s32 v25, v3;
	v18 =	vadd.s32 v25, v5;
	v5 =	vshra.s32 v9, $0x1  }
0x27c: {  	v9 =	vadd.s32 v25, v27;
	v16 =	vadd.s32 v25, v5;
	v5 =	vshra.s32 v10, $0x1  }
0x27d: {  	v38 =	vld [tilespmem:s21+$0xD800];
	v13 =	vadd.s32 v25, v5;
	v5 =	vshra.s32 v6, $0x1;
	v14 =	vadd.s32 v25, v6  }
0x27e: {  	v37 =	vld [tilespmem:s21+$0xE000];
	v6 =	vadd.s32 v25, v28;
	v11 =	vadd.s32 v25, v5;
	v5 =	vshra.s32 v12, $0x1  }
0x27f: {  	v36 =	vld [tilespmem:s21+$0xE800];
	v28 =	vimm.s32 $0x0;
	v8 =	vadd.s32 v25, v5;
	v5 =	vshra.s32 v7, $0x1  }
0x280: {  	s23 =	simm.s32 $0x10;
	v35 =	vld [tilespmem:s21+$0xF000];
	s22 =	simm.s32 $0x8010;
	v10 =	vadd.s32 v25, v7;
	v7 =	vadd.s32 v25, v5;
	v5 =	vshra.s32 v27, $0x1  }
0x281: {  	v39 =	vld [tilespmem:s22+$0x0];
	s21 =	sand.u32 $0x7F0, s23;
	s23 =	simm.s32 $0x20;
	v12 =	vadd.s32 v25, v12;
	v27 =	vimm.s32 $0x0;
	v5 =	vadd.s32 v25, v5  }
.LBB2_12:
0x282: {  	p0 =	sne.s32 s23, $0x7F0;
	v41 =	vld [tilespmem:s21+$0xF800];
	v25 =	vadd.s32 v25, v40;
	v34 =	vadd.s32 v34, v38;
	v38 =	vshra.s32 v38, $0x1  }
0x283: {  	v40 =	vld [tilespmem:s21+$0x8800];
	v32 =	vadd.s32 v32, v38;
	v33 =	vadd.s32 v33, v37;
	v37 =	vshra.s32 v37, $0x1  }
0x284: {  	v38 =	vld [tilespmem:s21+$0x9000];
	v31 =	vadd.s32 v31, v37;
	v30 =	vadd.s32 v30, v36;
	v36 =	vshra.s32 v36, $0x1  }
0x285: {  	v37 =	vld [tilespmem:s21+$0x9800];
	v29 =	vadd.s32 v29, v36;
	v28 =	vadd.s32 v28, v35;
	v35 =	vshra.s32 v35, $0x1  }
0x286: {  	v26 =	vadd.s32 v26, v39;
	v36 =	vshra.s32 v39, $0x1;
	v39 =	vld [tilespmem:s21+$0xA000];
	v27 =	vadd.s32 v27, v35  }
0x287: {  	v23 =	vadd.s32 v23, v36;
	v35 =	vld [tilespmem:s21+$0xA800];
	v4 =	vadd.s32 v4, v41;
	v36 =	vshra.s32 v41, $0x1  }
0x288: {  	v24 =	vadd.s32 v24, v40;
	v40 =	vshra.s32 v40, $0x1;
	v41 =	vld [tilespmem:s21+$0xB000];
	v3 =	vadd.s32 v3, v36  }
0x289: {  	v22 =	vadd.s32 v22, v40;
	v21 =	vadd.s32 v21, v38;
	v36 =	vshra.s32 v38, $0x1;
	v40 =	vld [tilespmem:s21+$0xB800]  }
0x28a: {  	v20 =	vadd.s32 v20, v36;
	v19 =	vadd.s32 v19, v37;
	v36 =	vshra.s32 v37, $0x1;
	v42 =	vld [tilespmem:s21+$0xC000]  }
0x28b: {  	v18 =	vadd.s32 v18, v36;
	v17 =	vadd.s32 v17, v39;
	v36 =	vshra.s32 v39, $0x1;
	v39 =	vld [tilespmem:s21+$0xC800]  }
0x28c: {  	v16 =	vadd.s32 v16, v36;
	v15 =	vadd.s32 v15, v35;
	v35 =	vshra.s32 v35, $0x1;
	v43 =	vld [tilespmem:s21+$0xD000]  }
.Ltmp5:
0x28d: {  	v13 =	vadd.s32 v13, v35;
	v14 =	vadd.s32 v14, v41;
	v35 =	vshra.s32 v41, $0x1;
	v38 =	vld [tilespmem:s21+$0xD800];
	(pc) =	sbr.rel @p0 .LBB2_12-.Ltmp5, $4  }
0x28e: {  	v11 =	vadd.s32 v11, v35;
	v12 =	vadd.s32 v12, v40;
	v35 =	vshra.s32 v40, $0x1;
	v37 =	vld [tilespmem:s21+$0xE000]  }
0x28f: {  	v8 =	vadd.s32 v8, v35;
	v10 =	vadd.s32 v10, v42;
	v35 =	vshra.s32 v42, $0x1;
	v36 =	vld [tilespmem:s21+$0xE800]  }
0x290: {  	s22 =	sadd.s32 $0x10, s22;
	v7 =	vadd.s32 v7, v35;
	v9 =	vadd.s32 v9, v39;
	v40 =	vshra.s32 v39, $0x1;
	v35 =	vld [tilespmem:s21+$0xF000]  }
0x291: {  	s21 =	sand.u32 $0x7F0, s23;
	s23 =	sadd.s32 $0x10, s23;
	v39 =	vld [tilespmem:s22+$0x0];
	v5 =	vadd.s32 v5, v40;
	v6 =	vadd.s32 v6, v43;
	v40 =	vshra.s32 v43, $0x1  }
0x292: {  	_ = 	snop  }
0x293: {  	v41 =	vld [tilespmem:s21+$0x8800];
	_ =	sdelay $0x1  }
0x294: {  	v42 =	vld [tilespmem:s21+$0x9000]  }
0x295: {  	v54 =	vld [tilespmem:s21+$0x9800];
	v26 =	vadd.s32 v26, v39;
	v52 =	vshra.s32 v39, $0x1  }
0x296: {  	v23 =	vadd.s32 v23, v52;
	(xrf0) =	vadd.scan.msk.s32 $0xffff, v26  }
0x297: {  	v25 =	vadd.s32 v25, v40;
	v57 =	vld [tilespmem:s21+$0xA000];
	v24 =	vadd.s32 v24, v41;
	v55 =	vshra.s32 v41, $0x1;
	(xrf0) =	vadd.scan.msk.s32 $0xffff, v23  }
0x298: {  	v34 =	vadd.s32 v34, v38;
	v59 =	vld [tilespmem:s21+$0xA800];
	v56 =	vshra.s32 v37, $0x1;
	v22 =	vadd.s32 v22, v55;
	(xrf0) =	vadd.scan.msk.s32 $0xffff, v24  }
0x299: {  	v60 =	vld [tilespmem:s21+$0xB800];
	v21 =	vadd.s32 v21, v42;
	(xrf0) =	vadd.scan.msk.s32 $0xffff, v22;
	v22 =	vadd.s32 v30, v36;
	v30 =	vshra.s32 v36, $0x1  }
0x29a: {  	v58 =	vshra.s32 v42, $0x1;
	v24 =	vld [tilespmem:s21+$0xF800];
	(xrf0) =	vadd.scan.msk.s32 $0xffff, v21;
	v21 =	vadd.s32 v29, v30;
	v30 =	vshra.s32 v54, $0x1  }
0x29b: {  	v53 =	vshra.s32 v38, $0x1;
	v31 =	vadd.s32 v31, v56;
	v20 =	vadd.s32 v20, v58  }
0x29c: {  	v19 =	vadd.s32 v19, v54;
	v29 =	vld [tilespmem:s21+$0xB000];
	(xrf0) =	vadd.scan.msk.s32 $0xffff, v20;
	v20 =	vadd.s32 v28, v35;
	v28 =	vshra.s32 v35, $0x1  }
0x29d: {  	v18 =	vadd.s32 v18, v30;
	v30, _, _ =	vpop (xrf0);
	(xrf0) =	vadd.scan.msk.s32 $0xffff, v19;
	v19 =	vadd.s32 v27, v28;
	v28 =	vshra.s32 v57, $0x1  }
0x29e: {  	v26 =	vadd.s32 v32, v53;
	v17 =	vadd.s32 v17, v57;
	v15 =	vadd.s32 v15, v59;
	v27 =	vld [tilespmem:s21+$0xC000]  }
0x29f: {  	v12 =	vadd.s32 v12, v60;
	v4 =	vadd.s32 v4, v24;
	v61, _, _ =	vpop (xrf0);
	(xrf0) =	vadd.scan.msk.s32 $0xffff, v18;
	v18 =	vshra.s32 v24, $0x1;
	v24 =	vld [tilespmem:s21+$0xC800]  }
0x2a0: {  	v16 =	vadd.s32 v16, v28;
	v3 =	vadd.s32 v3, v18;
	v18 =	vld [tilespmem:s21+$0xD000];
	v28, _, _ =	vpop (xrf0);
	(xrf0) =	vadd.scan.msk.s32 $0xffff, v17;
	v17 =	vshra.s32 v59, $0x1  }
0x2a1: {  	v23 =	vadd.s32 v33, v37;
	v62, _, _ =	vpop (xrf0);
	(xrf0) =	vadd.scan.msk.s32 $0xffff, v16;
	v13 =	vadd.s32 v13, v17;
	v16 =	vshra.s32 v29, $0x1;
	v17 =	vld [tilespmem:s21+$0xD800]  }
0x2a2: {  	v14 =	vadd.s32 v14, v29;
	v29, _, _ =	vpop (xrf0);
	(xrf0) =	vadd.scan.msk.s32 $0xffff, v15;
	v11 =	vadd.s32 v11, v16;
	v15 =	vshra.s32 v60, $0x1;
	v16 =	vld [tilespmem:s21+$0xE000]  }
0x2a3: {  	v10 =	vadd.s32 v10, v27;
	v63, _, _ =	vpop (xrf0);
	(xrf0) =	vadd.scan.msk.s32 $0xffff, v13;
	v8 =	vadd.s32 v8, v15;
	v13 =	vshra.s32 v27, $0x1;
	v15 =	vld [tilespmem:s21+$0xE800]  }
0x2a4: {  	v9 =	vadd.s32 v9, v24;
	v27, _, _ =	vpop (xrf0);
	(xrf0) =	vadd.scan.msk.s32 $0xffff, v14;
	v7 =	vadd.s32 v7, v13;
	v13 =	vshra.s32 v24, $0x1  }
0x2a5: {  	v6 =	vadd.s32 v6, v18;
	v14, _, _ =	vpop (xrf0);
	(xrf0) =	vadd.scan.msk.s32 $0xffff, v11;
	v5 =	vadd.s32 v5, v13;
	v13 =	vshra.s32 v18, $0x1  }
0x2a6: {  	v11 =	vld [tilespmem:s21+$0xF000];
	v18, _, _ =	vpop (xrf0);
	(xrf0) =	vadd.scan.msk.s32 $0xffff, v12;
	v12 =	vadd.s32 v25, v13;
	v13 =	vadd.s32 v34, v17;
	v17 =	vshra.s32 v17, $0x1  }
0x2a7: {  	v24, _, _ =	vpop (xrf0);
	(xrf0) =	vadd.scan.msk.s32 $0xffff, v8;
	v8 =	vadd.s32 v26, v17;
	v17 =	vadd.s32 v23, v16;
	v16 =	vshra.s32 v16, $0x1  }
0x2a8: {  	v23, _, _ =	vpop (xrf0);
	(xrf0) =	vadd.scan.msk.s32 $0xffff, v10;
	v10 =	vadd.s32 v31, v16;
	v16 =	vadd.s32 v22, v15;
	v15 =	vshra.s32 v15, $0x1  }
0x2a9: {  	v22, _, _ =	vpop (xrf0);
	(xrf0) =	vadd.scan.msk.s32 $0xffff, v7;
	v7 =	vadd.s32 v21, v15;
	v21 =	vbroadcast v61, $0xF  }
0x2aa: {  	v26 =	vbroadcast v28, $0xF;
	v28 =	vbroadcast v62, $0xF;
	v25, _, _ =	vpop (xrf0);
	(xrf0) =	vadd.scan.msk.s32 $0xffff, v9  }
0x2ab: {  	v15 =	vbroadcast v30, $0xF;
	v9 =	vshra.s32 v11, $0x1;
	v30, _, _ =	vpop (xrf0);
	(xrf0) =	vadd.scan.msk.s32 $0xffff, v5;
	v5 =	vadd.s32 v20, v11  }
0x2ac: {  	v9 =	vadd.s32 v19, v9;
	v11 =	vbroadcast v29, $0xF;
	v20 =	vbroadcast v63, $0xF;
	v19, _, _ =	vpop (xrf0);
	(xrf0) =	vadd.scan.msk.s32 $0xffff, v6  }
0x2ad: {  	v6 =	vsel vm0, v15, v26;
	v15 =	vsel vm0, v21, v28;
	v21, _, _ =	vpop (xrf0);
	(xrf0) =	vadd.scan.msk.s32 $0xffff, v12;
	v12 =	vbroadcast v14, $0xF  }
0x2ae: {  	v14, _, _ =	vpop (xrf0);
	(xrf0) =	vadd.scan.msk.s32 $0xffff, v13;
	v13 =	vsel vm1, v15, v20;
	v15 =	vbroadcast v18, $0xF  }
0x2af: {  	v6 =	vsel vm1, v6, v11;
	v11 =	vbroadcast v27, $0xF  }
0x2b0: {  	v18 =	vbroadcast v24, $0xF;
	v20, _, _ =	vpop (xrf0);
	(xrf0) =	vadd.scan.msk.s32 $0xffff, v8  }
0x2b1: {  	v6 =	vsel vm2, v6, v11;
	v8 =	vsel vm2, v13, v12;
	v11 =	vbroadcast v23, $0xF;
	v12, _, _ =	vpop (xrf0);
	(xrf0) =	vadd.scan.msk.s32 $0xffff, v17  }
0x2b2: {  	v13 =	vbroadcast v22, $0xF;
	v6 =	vsel vm3, v6, v15;
	v15, _, _ =	vpop (xrf0);
	(xrf0) =	vadd.scan.msk.s32 $0xffff, v10;
	v10 =	vbroadcast v25, $0xF  }
0x2b3: {  	v8 =	vsel vm3, v8, v18;
	v6 =	vsel vm4, v6, v11;
	v11 =	vbroadcast v30, $0xF  }
0x2b4: {  	v8 =	vsel vm4, v8, v13;
	v13 =	vbroadcast v19, $0xF;
	v17, _, _ =	vpop (xrf0);
	(xrf0) =	vadd.scan.msk.s32 $0xffff, v16;
	v16 =	vbroadcast v21, $0xF  }
0x2b5: {  	v18, _, _ =	vpop (xrf0);
	(xrf0) =	vadd.scan.msk.s32 $0xffff, v7;
	v6 =	vsel vm5, v6, v10;
	v7 =	vsel vm5, v8, v11;
	v8 =	vbroadcast v14, $0xF  }
0x2b6: {  	v11 =	vbroadcast v20, $0xF;
	v6 =	vsel vm6, v6, v13;
	v10, _, _ =	vpop (xrf0)  }
0x2b7: {  	v7 =	vsel vm6, v7, v16;
	(xrf0) =	vadd.scan.msk.s32 $0xffff, v5;
	v6 =	vsel vm7, v6, v8;
	v8 =	vbroadcast v12, $0xF;
	v5, _, _ =	vpop (xrf0)  }
0x2b8: {  	v12 =	vbroadcast v15, $0xF;
	v7 =	vsel vm7, v7, v11;
	(xrf0) =	vadd.scan.msk.s32 $0xffff, v9;
	v9 =	vbroadcast v17, $0xF;
	v13, _, _ =	vpop (xrf0)  }
0x2b9: {  	v11 =	vbroadcast v18, $0xF;
	v6 =	vsel vm8, v6, v8;
	v8 =	vbroadcast v10, $0xF;
	v14, _, _ =	vpop (xrf0)  }
0x2ba: {  	(xrf0) =	vadd.scan.msk.s32 $0xffff, v4;
	v7 =	vsel vm8, v7, v12;
	v6 =	vsel vm9, v6, v9;
	v9 =	vbroadcast v13, $0xF;
	v4, _, _ =	vpop (xrf0)  }
0x2bb: {  	v5 =	vbroadcast v5, $0xF;
	v6 =	vsel vm10, v6, v8;
	v4 =	vbroadcast v4, $0xF  }
0x2bc: {  	v7 =	vsel vm9, v7, v11;
	(xrf0) =	vadd.scan.msk.s32 $0xffff, v3;
	v8 =	vbroadcast v14, $0xF;
	v10, _, _ =	vpop (xrf0);
	v6 =	vsel vm11, v6, v9  }
0x2bd: {  	v5 =	vsel vm10, v7, v5;
	v3, _, _ =	vpop (xrf0);
	v4 =	vsel vm12, v6, v4;
	v6 =	vbroadcast v10, $0xF  }
0x2be: {  	v5 =	vsel vm11, v5, v8;
	v3 =	vbroadcast v3, $0xF  }
0x2bf: {  	v9, _, _ =	vpop (xrf0);
	v5 =	vsel vm12, v5, v6  }
0x2c0: {  	v7, _, _ =	vpop (xrf0);
	v3 =	vsel vm13, v4, v3;
	v4 =	vbroadcast v9, $0xF  }
0x2c1: {  	v3 =	vsel vm14, v3, v7  }
0x2c2: {  	v4 =	vsel vm13, v5, v4;
	v3 =	vcvt.s32.f32 v3;
	v5, _, _ =	vpop (xrf0)  }
0x2c3: {  	v4 =	vsel vm14, v4, v5  }
0x2c4: {  	v5 =	vsub.f32 $2.048000000e+03, v3;
	v4 =	vcvt.s32.f32 v4;
	_ =	sdelay $0x1  }
0x2c5: {  	v5 =	vadd.f32 v4, v5;
	_ =	sdelay $0x1  }
0x2c6: {  	v5 =	vmul.f32 $4.882812500e-04, v5;
	_ =	sdelay $0x1  }
0x2c7: {  	v6 =	vadd.f32 v5, v5;
	_ =	sdelay $0x1  }
0x2c8: {  	v6 =	vsub.f32 $0.0e+00, v6;
	_ =	sdelay $0x1  }
0x2c9: {  	v6 =	vmul.f32 $1.442695020e+00, v6;
	_ =	sdelay $0x1  }
0x2ca: {  	(erf) = vpow2.f32 v6;
	_ =	sdelay $0x8  }
0x2cb: {  	v6 =	vpop (erf)  }
0x2cc: {  	v6 =	vadd.f32 $1.000000000e+00, v6;
	_ =	sdelay $0x1  }
0x2cd: {  	v3 =	vsub.f32 v3, v4;
	(erf) = vrcp.f32 v6;
	_ =	sdelay $0x1  }
0x2ce: {  	v3 =	vsub.f32 v3, v4;
	_ =	sdelay $0x1  }
0x2cf: {  	v3 =	vmul.f32 $4.882812500e-04, v3  }
0x2d0: {  	v5 =	vmul.f32 v5, v1  }
0x2d1: {  	v4 =	vmul.f32 $4.882812500e-04, v4;
	v3 =	vmul.f32 v3, v2;
	_ =	sdelay $0x1  }
0x2d2: {  	v4 =	vmul.f32 v4, v0;
	v3 =	vadd.f32 v3, v5  }
0x2d3: {  	v5 =	vpop (erf)  }
0x2d4: {  	v3 =	vadd.f32 v3, v4;
	v4 =	vadd.f32 $1.000000000e+00, v5;
	_ =	sdelay $0x1  }
0x2d5: {  	v3 =	vmul.f32 v4, v3;
	_ =	sdelay $0x1  }
0x2d6: {  	v3 =	vsub.f32 $0.0e+00, v3;
	_ =	sdelay $0x1  }
0x2d7: {  	v3 =	vmul.f32 $1.442695020e+00, v3;
	_ =	sdelay $0x1  }
0x2d8: {  	(erf) = vpow2.f32 v3;
	_ =	sdelay $0x8  }
0x2d9: {  	v3 =	vpop (erf)  }
0x2da: {  	v3 =	vadd.f32 $1.000000000e+00, v3;
	_ =	sdelay $0x1  }
0x2db: {  	(erf) = vrcp.f32 v3;
	_ =	sdelay $0x8  }
0x2dc: {  	v3 =	vpop (erf)  }
0x2dd: {  	v3 =	vmax.f32 v3, $1.000000010e-07  }
0x2de: {  	v3 =	vmin.f32 v3, $9.999998800e-01  }
0x2df: {  	[tilespmem:$0x10250] =	vst v3  }
0x2e0: {  	_ =	swait.ge [sflag:s16], $0x8000  }
0x2e1: {  	[sflag:s16] =	ssyncset.done $0x0  }
0x2e2: {  	s31 =	simm.s32 $0x0;
	[sflag:s16] =	ssyncadd.s32 $0xFFFF8000  }
0x2e3: {  	[tilespmem:s17], [sflag:$0x2] =	stream.linear.gather [hbm4b:s11+s31], $0x8000, $0x38;
	[tilespmem:$0x10280] =	vst v63  }
0x2e4: {  	s21 =	sand.u32 $0x7F0, s31;
	v3 =	vld [tilespmem:s31+$0x0]  }
0x2e5: {  	v5 =	vld [tilespmem:s21+$0x7800]  }
0x2e6: {  	v6 =	vld [tilespmem:s21+$0x800]  }
0x2e7: {  	v7 =	vld [tilespmem:s21+$0x1000]  }
0x2e8: {  	v8 =	vld [tilespmem:s21+$0x1800]  }
0x2e9: {  	v9 =	vld [tilespmem:s21+$0x2000]  }
0x2ea: {  	v32 =	vimm.s32 $0x0;
	v33 =	vimm.s32 $0x0  }
0x2eb: {  	v34 =	vimm.s32 $0x0;
	v31 =	vimm.s32 $0x0;
	v29 =	vimm.s32 $0x0;
	v10 =	vld [tilespmem:s21+$0x2800]  }
0x2ec: {  	v30 =	vimm.s32 $0x0;
	v25 =	vimm.s32 $0x0;
	v28 =	vld [tilespmem:s21+$0x5000];
	v4 =	vshra.s32 v3, $0x1  }
0x2ed: {  	v26 =	vadd.s32 v25, v3;
	v3 =	vshra.s32 v5, $0x1;
	v24 =	vadd.s32 v25, v6  }
0x2ee: {  	v27 =	vld [tilespmem:s21+$0x4800];
	v21 =	vadd.s32 v25, v7;
	v19 =	vadd.s32 v25, v8;
	v17 =	vadd.s32 v25, v9  }
0x2ef: {  	v23 =	vadd.s32 v25, v4;
	v4 =	vadd.s32 v25, v5;
	v5 =	vshra.s32 v6, $0x1;
	v6 =	vld [tilespmem:s21+$0x3000]  }
0x2f0: {  	v12 =	vld [tilespmem:s21+$0x3800];
	v15 =	vadd.s32 v25, v10;
	v22 =	vadd.s32 v25, v5;
	v5 =	vshra.s32 v7, $0x1  }
0x2f1: {  	v40 =	vshra.s32 v28, $0x1;
	v7 =	vld [tilespmem:s21+$0x4000];
	v20 =	vadd.s32 v25, v5;
	v5 =	vshra.s32 v8, $0x1  }
0x2f2: {  	v3 =	vadd.s32 v25, v3;
	v18 =	vadd.s32 v25, v5;
	v5 =	vshra.s32 v9, $0x1  }
0x2f3: {  	v9 =	vadd.s32 v25, v27;
	v16 =	vadd.s32 v25, v5;
	v5 =	vshra.s32 v10, $0x1  }
0x2f4: {  	v38 =	vld [tilespmem:s21+$0x5800];
	v13 =	vadd.s32 v25, v5;
	v5 =	vshra.s32 v6, $0x1;
	v14 =	vadd.s32 v25, v6  }
0x2f5: {  	v37 =	vld [tilespmem:s21+$0x6000];
	v6 =	vadd.s32 v25, v28;
	v11 =	vadd.s32 v25, v5;
	v5 =	vshra.s32 v12, $0x1  }
0x2f6: {  	v36 =	vld [tilespmem:s21+$0x6800];
	v28 =	vimm.s32 $0x0;
	v8 =	vadd.s32 v25, v5;
	v5 =	vshra.s32 v7, $0x1  }
0x2f7: {  	s22 =	simm.s32 $0x10;
	v35 =	vld [tilespmem:s21+$0x7000];
	v10 =	vadd.s32 v25, v7;
	v7 =	vadd.s32 v25, v5;
	v5 =	vshra.s32 v27, $0x1  }
0x2f8: {  	s23 =	simm.s32 $0x20;
	v39 =	vld [tilespmem:s22+$0x0];
	s21 =	sand.u32 $0x7F0, s22;
	v12 =	vadd.s32 v25, v12;
	v27 =	vimm.s32 $0x0;
	v5 =	vadd.s32 v25, v5  }
.LBB2_14:
0x2f9: {  	p0 =	sne.s32 s23, $0x7F0;
	v41 =	vld [tilespmem:s21+$0x7800];
	v25 =	vadd.s32 v25, v40;
	v34 =	vadd.s32 v34, v38;
	v38 =	vshra.s32 v38, $0x1  }
0x2fa: {  	v40 =	vld [tilespmem:s21+$0x800];
	v33 =	vadd.s32 v33, v38;
	v32 =	vadd.s32 v32, v37;
	v37 =	vshra.s32 v37, $0x1  }
0x2fb: {  	v38 =	vld [tilespmem:s21+$0x1000];
	v31 =	vadd.s32 v31, v37;
	v30 =	vadd.s32 v30, v36;
	v36 =	vshra.s32 v36, $0x1  }
0x2fc: {  	v37 =	vld [tilespmem:s21+$0x1800];
	v29 =	vadd.s32 v29, v36;
	v28 =	vadd.s32 v28, v35;
	v35 =	vshra.s32 v35, $0x1  }
0x2fd: {  	v26 =	vadd.s32 v26, v39;
	v36 =	vshra.s32 v39, $0x1;
	v39 =	vld [tilespmem:s21+$0x2000];
	v27 =	vadd.s32 v27, v35  }
0x2fe: {  	v23 =	vadd.s32 v23, v36;
	v35 =	vld [tilespmem:s21+$0x2800];
	v4 =	vadd.s32 v4, v41;
	v36 =	vshra.s32 v41, $0x1  }
0x2ff: {  	v24 =	vadd.s32 v24, v40;
	v40 =	vshra.s32 v40, $0x1;
	v41 =	vld [tilespmem:s21+$0x3000];
	v3 =	vadd.s32 v3, v36  }
0x300: {  	v22 =	vadd.s32 v22, v40;
	v21 =	vadd.s32 v21, v38;
	v36 =	vshra.s32 v38, $0x1;
	v40 =	vld [tilespmem:s21+$0x3800]  }
0x301: {  	v20 =	vadd.s32 v20, v36;
	v19 =	vadd.s32 v19, v37;
	v36 =	vshra.s32 v37, $0x1;
	v42 =	vld [tilespmem:s21+$0x4000]  }
0x302: {  	v18 =	vadd.s32 v18, v36;
	v17 =	vadd.s32 v17, v39;
	v36 =	vshra.s32 v39, $0x1;
	v39 =	vld [tilespmem:s21+$0x4800]  }
0x303: {  	v16 =	vadd.s32 v16, v36;
	v15 =	vadd.s32 v15, v35;
	v35 =	vshra.s32 v35, $0x1;
	v43 =	vld [tilespmem:s21+$0x5000]  }
.Ltmp6:
0x304: {  	v13 =	vadd.s32 v13, v35;
	v14 =	vadd.s32 v14, v41;
	v35 =	vshra.s32 v41, $0x1;
	v38 =	vld [tilespmem:s21+$0x5800];
	(pc) =	sbr.rel @p0 .LBB2_14-.Ltmp6, $4  }
0x305: {  	v11 =	vadd.s32 v11, v35;
	v12 =	vadd.s32 v12, v40;
	v35 =	vshra.s32 v40, $0x1;
	v37 =	vld [tilespmem:s21+$0x6000]  }
0x306: {  	v8 =	vadd.s32 v8, v35;
	v10 =	vadd.s32 v10, v42;
	v35 =	vshra.s32 v42, $0x1;
	v36 =	vld [tilespmem:s21+$0x6800]  }
0x307: {  	s22 =	sadd.s32 $0x10, s22;
	v7 =	vadd.s32 v7, v35;
	v9 =	vadd.s32 v9, v39;
	v40 =	vshra.s32 v39, $0x1;
	v35 =	vld [tilespmem:s21+$0x7000]  }
0x308: {  	s21 =	sand.u32 $0x7F0, s23;
	s23 =	sadd.s32 $0x10, s23;
	v39 =	vld [tilespmem:s22+$0x0];
	v5 =	vadd.s32 v5, v40;
	v6 =	vadd.s32 v6, v43;
	v40 =	vshra.s32 v43, $0x1  }
0x309: {  	_ = 	snop  }
0x30a: {  	v41 =	vld [tilespmem:s21+$0x800];
	_ =	sdelay $0x1  }
0x30b: {  	v42 =	vld [tilespmem:s21+$0x1000]  }
0x30c: {  	v54 =	vld [tilespmem:s21+$0x1800];
	v26 =	vadd.s32 v26, v39;
	v52 =	vshra.s32 v39, $0x1  }
0x30d: {  	v23 =	vadd.s32 v23, v52;
	(xrf0) =	vadd.scan.msk.s32 $0xffff, v26  }
0x30e: {  	v25 =	vadd.s32 v25, v40;
	v57 =	vld [tilespmem:s21+$0x2000];
	v24 =	vadd.s32 v24, v41;
	v55 =	vshra.s32 v41, $0x1;
	(xrf0) =	vadd.scan.msk.s32 $0xffff, v23  }
0x30f: {  	v34 =	vadd.s32 v34, v38;
	v59 =	vld [tilespmem:s21+$0x2800];
	v56 =	vshra.s32 v37, $0x1;
	v22 =	vadd.s32 v22, v55;
	(xrf0) =	vadd.scan.msk.s32 $0xffff, v24  }
0x310: {  	v60 =	vld [tilespmem:s21+$0x3800];
	v21 =	vadd.s32 v21, v42;
	(xrf0) =	vadd.scan.msk.s32 $0xffff, v22;
	v22 =	vadd.s32 v30, v36;
	v30 =	vshra.s32 v36, $0x1  }
0x311: {  	v58 =	vshra.s32 v42, $0x1;
	v24 =	vld [tilespmem:s21+$0x7800];
	(xrf0) =	vadd.scan.msk.s32 $0xffff, v21;
	v21 =	vadd.s32 v29, v30;
	v30 =	vshra.s32 v54, $0x1  }
0x312: {  	v53 =	vshra.s32 v38, $0x1;
	v31 =	vadd.s32 v31, v56;
	v20 =	vadd.s32 v20, v58  }
0x313: {  	v19 =	vadd.s32 v19, v54;
	v29 =	vld [tilespmem:s21+$0x3000];
	(xrf0) =	vadd.scan.msk.s32 $0xffff, v20;
	v20 =	vadd.s32 v28, v35;
	v28 =	vshra.s32 v35, $0x1  }
0x314: {  	v18 =	vadd.s32 v18, v30;
	v30, _, _ =	vpop (xrf0);
	(xrf0) =	vadd.scan.msk.s32 $0xffff, v19;
	v19 =	vadd.s32 v27, v28;
	v28 =	vshra.s32 v57, $0x1  }
0x315: {  	v26 =	vadd.s32 v33, v53;
	v17 =	vadd.s32 v17, v57;
	v15 =	vadd.s32 v15, v59;
	v27 =	vld [tilespmem:s21+$0x4000]  }
0x316: {  	v12 =	vadd.s32 v12, v60;
	v4 =	vadd.s32 v4, v24;
	v61, _, _ =	vpop (xrf0);
	(xrf0) =	vadd.scan.msk.s32 $0xffff, v18;
	v18 =	vshra.s32 v24, $0x1;
	v24 =	vld [tilespmem:s21+$0x4800]  }
0x317: {  	v16 =	vadd.s32 v16, v28;
	v3 =	vadd.s32 v3, v18;
	v18 =	vld [tilespmem:s21+$0x5000];
	v28, _, _ =	vpop (xrf0);
	(xrf0) =	vadd.scan.msk.s32 $0xffff, v17;
	v17 =	vshra.s32 v59, $0x1  }
0x318: {  	v23 =	vadd.s32 v32, v37;
	v62, _, _ =	vpop (xrf0);
	(xrf0) =	vadd.scan.msk.s32 $0xffff, v16;
	v13 =	vadd.s32 v13, v17;
	v16 =	vshra.s32 v29, $0x1;
	v17 =	vld [tilespmem:s21+$0x5800]  }
0x319: {  	v14 =	vadd.s32 v14, v29;
	v29, _, _ =	vpop (xrf0);
	(xrf0) =	vadd.scan.msk.s32 $0xffff, v15;
	v11 =	vadd.s32 v11, v16;
	v15 =	vshra.s32 v60, $0x1;
	v16 =	vld [tilespmem:s21+$0x6000]  }
0x31a: {  	v10 =	vadd.s32 v10, v27;
	v63, _, _ =	vpop (xrf0);
	(xrf0) =	vadd.scan.msk.s32 $0xffff, v13;
	v8 =	vadd.s32 v8, v15;
	v13 =	vshra.s32 v27, $0x1;
	v15 =	vld [tilespmem:s21+$0x6800]  }
0x31b: {  	v9 =	vadd.s32 v9, v24;
	v27, _, _ =	vpop (xrf0);
	(xrf0) =	vadd.scan.msk.s32 $0xffff, v14;
	v7 =	vadd.s32 v7, v13;
	v13 =	vshra.s32 v24, $0x1  }
0x31c: {  	v6 =	vadd.s32 v6, v18;
	v14, _, _ =	vpop (xrf0);
	(xrf0) =	vadd.scan.msk.s32 $0xffff, v11;
	v5 =	vadd.s32 v5, v13;
	v13 =	vshra.s32 v18, $0x1  }
0x31d: {  	v11 =	vld [tilespmem:s21+$0x7000];
	v18, _, _ =	vpop (xrf0);
	(xrf0) =	vadd.scan.msk.s32 $0xffff, v12;
	v12 =	vadd.s32 v25, v13;
	v13 =	vadd.s32 v34, v17;
	v17 =	vshra.s32 v17, $0x1  }
0x31e: {  	v24, _, _ =	vpop (xrf0);
	(xrf0) =	vadd.scan.msk.s32 $0xffff, v8;
	v8 =	vadd.s32 v26, v17;
	v17 =	vadd.s32 v23, v16;
	v16 =	vshra.s32 v16, $0x1  }
0x31f: {  	v23, _, _ =	vpop (xrf0);
	(xrf0) =	vadd.scan.msk.s32 $0xffff, v10;
	v10 =	vadd.s32 v31, v16;
	v16 =	vadd.s32 v22, v15;
	v15 =	vshra.s32 v15, $0x1  }
0x320: {  	v22, _, _ =	vpop (xrf0);
	(xrf0) =	vadd.scan.msk.s32 $0xffff, v7;
	v7 =	vadd.s32 v21, v15;
	v21 =	vbroadcast v61, $0xF  }
0x321: {  	v26 =	vbroadcast v28, $0xF;
	v28 =	vbroadcast v62, $0xF;
	v25, _, _ =	vpop (xrf0);
	(xrf0) =	vadd.scan.msk.s32 $0xffff, v9  }
0x322: {  	v15 =	vbroadcast v30, $0xF;
	v9 =	vshra.s32 v11, $0x1;
	v30, _, _ =	vpop (xrf0);
	(xrf0) =	vadd.scan.msk.s32 $0xffff, v5;
	v5 =	vadd.s32 v20, v11  }
0x323: {  	v9 =	vadd.s32 v19, v9;
	v11 =	vbroadcast v29, $0xF;
	v20 =	vbroadcast v63, $0xF;
	v19, _, _ =	vpop (xrf0);
	(xrf0) =	vadd.scan.msk.s32 $0xffff, v6  }
0x324: {  	v6 =	vsel vm0, v15, v26;
	v15 =	vsel vm0, v21, v28;
	v21, _, _ =	vpop (xrf0);
	(xrf0) =	vadd.scan.msk.s32 $0xffff, v12;
	v12 =	vbroadcast v14, $0xF  }
0x325: {  	v14, _, _ =	vpop (xrf0);
	(xrf0) =	vadd.scan.msk.s32 $0xffff, v13;
	v13 =	vsel vm1, v15, v20;
	v15 =	vbroadcast v18, $0xF  }
0x326: {  	v6 =	vsel vm1, v6, v11;
	v11 =	vbroadcast v27, $0xF  }
0x327: {  	v18 =	vbroadcast v24, $0xF;
	v20, _, _ =	vpop (xrf0);
	(xrf0) =	vadd.scan.msk.s32 $0xffff, v8  }
0x328: {  	v6 =	vsel vm2, v6, v11;
	v8 =	vsel vm2, v13, v12;
	v11 =	vbroadcast v23, $0xF;
	v12, _, _ =	vpop (xrf0);
	(xrf0) =	vadd.scan.msk.s32 $0xffff, v17  }
0x329: {  	v13 =	vbroadcast v22, $0xF;
	v6 =	vsel vm3, v6, v15;
	v15, _, _ =	vpop (xrf0);
	(xrf0) =	vadd.scan.msk.s32 $0xffff, v10;
	v10 =	vbroadcast v25, $0xF  }
0x32a: {  	v8 =	vsel vm3, v8, v18;
	v6 =	vsel vm4, v6, v11;
	v11 =	vbroadcast v30, $0xF  }
0x32b: {  	v8 =	vsel vm4, v8, v13;
	v13 =	vbroadcast v19, $0xF;
	v17, _, _ =	vpop (xrf0);
	(xrf0) =	vadd.scan.msk.s32 $0xffff, v16;
	v16 =	vbroadcast v21, $0xF  }
0x32c: {  	v18, _, _ =	vpop (xrf0);
	(xrf0) =	vadd.scan.msk.s32 $0xffff, v7;
	v6 =	vsel vm5, v6, v10;
	v7 =	vsel vm5, v8, v11;
	v8 =	vbroadcast v14, $0xF  }
0x32d: {  	v11 =	vbroadcast v20, $0xF;
	v6 =	vsel vm6, v6, v13;
	v10, _, _ =	vpop (xrf0)  }
0x32e: {  	v7 =	vsel vm6, v7, v16;
	(xrf0) =	vadd.scan.msk.s32 $0xffff, v5;
	v6 =	vsel vm7, v6, v8;
	v8 =	vbroadcast v12, $0xF;
	v5, _, _ =	vpop (xrf0)  }
0x32f: {  	v12 =	vbroadcast v15, $0xF;
	v7 =	vsel vm7, v7, v11;
	(xrf0) =	vadd.scan.msk.s32 $0xffff, v9;
	v9 =	vbroadcast v17, $0xF;
	v13, _, _ =	vpop (xrf0)  }
0x330: {  	v11 =	vbroadcast v18, $0xF;
	v6 =	vsel vm8, v6, v8;
	v8 =	vbroadcast v10, $0xF;
	v14, _, _ =	vpop (xrf0)  }
0x331: {  	(xrf0) =	vadd.scan.msk.s32 $0xffff, v4;
	v7 =	vsel vm8, v7, v12;
	v6 =	vsel vm9, v6, v9;
	v9 =	vbroadcast v13, $0xF;
	v4, _, _ =	vpop (xrf0)  }
0x332: {  	v5 =	vbroadcast v5, $0xF;
	v6 =	vsel vm10, v6, v8;
	v4 =	vbroadcast v4, $0xF  }
0x333: {  	v7 =	vsel vm9, v7, v11;
	(xrf0) =	vadd.scan.msk.s32 $0xffff, v3;
	v8 =	vbroadcast v14, $0xF;
	v10, _, _ =	vpop (xrf0);
	v6 =	vsel vm11, v6, v9  }
0x334: {  	v5 =	vsel vm10, v7, v5;
	v3, _, _ =	vpop (xrf0);
	v4 =	vsel vm12, v6, v4;
	v6 =	vbroadcast v10, $0xF  }
0x335: {  	v5 =	vsel vm11, v5, v8;
	v3 =	vbroadcast v3, $0xF  }
0x336: {  	v9, _, _ =	vpop (xrf0);
	v5 =	vsel vm12, v5, v6  }
0x337: {  	v7, _, _ =	vpop (xrf0);
	v3 =	vsel vm13, v4, v3;
	v4 =	vbroadcast v9, $0xF  }
0x338: {  	v3 =	vsel vm14, v3, v7  }
0x339: {  	v4 =	vsel vm13, v5, v4;
	v3 =	vcvt.s32.f32 v3;
	v5, _, _ =	vpop (xrf0)  }
0x33a: {  	v4 =	vsel vm14, v4, v5  }
0x33b: {  	v5 =	vsub.f32 $2.048000000e+03, v3;
	v4 =	vcvt.s32.f32 v4;
	_ =	sdelay $0x1  }
0x33c: {  	v5 =	vadd.f32 v4, v5;
	_ =	sdelay $0x1  }
0x33d: {  	v5 =	vmul.f32 $4.882812500e-04, v5;
	_ =	sdelay $0x1  }
0x33e: {  	v6 =	vadd.f32 v5, v5;
	_ =	sdelay $0x1  }
0x33f: {  	v6 =	vsub.f32 $0.0e+00, v6;
	_ =	sdelay $0x1  }
0x340: {  	v6 =	vmul.f32 $1.442695020e+00, v6;
	_ =	sdelay $0x1  }
0x341: {  	(erf) = vpow2.f32 v6;
	_ =	sdelay $0x8  }
0x342: {  	v6 =	vpop (erf)  }
0x343: {  	v6 =	vadd.f32 $1.000000000e+00, v6;
	_ =	sdelay $0x1  }
0x344: {  	v3 =	vsub.f32 v3, v4;
	(erf) = vrcp.f32 v6;
	_ =	sdelay $0x1  }
0x345: {  	v3 =	vsub.f32 v3, v4;
	_ =	sdelay $0x1  }
0x346: {  	v3 =	vmul.f32 $4.882812500e-04, v3  }
0x347: {  	v5 =	vmul.f32 v5, v1  }
0x348: {  	v4 =	vmul.f32 $4.882812500e-04, v4;
	v3 =	vmul.f32 v3, v2;
	_ =	sdelay $0x1  }
0x349: {  	v4 =	vmul.f32 v4, v0;
	v3 =	vadd.f32 v3, v5  }
0x34a: {  	v5 =	vpop (erf)  }
0x34b: {  	v3 =	vadd.f32 v3, v4;
	v4 =	vadd.f32 $1.000000000e+00, v5;
	_ =	sdelay $0x1  }
0x34c: {  	v3 =	vmul.f32 v4, v3;
	_ =	sdelay $0x1  }
0x34d: {  	v3 =	vsub.f32 $0.0e+00, v3;
	_ =	sdelay $0x1  }
0x34e: {  	v3 =	vmul.f32 $1.442695020e+00, v3;
	_ =	sdelay $0x1  }
0x34f: {  	(erf) = vpow2.f32 v3;
	_ =	sdelay $0x8  }
0x350: {  	v3 =	vpop (erf)  }
0x351: {  	v3 =	vadd.f32 $1.000000000e+00, v3;
	_ =	sdelay $0x1  }
0x352: {  	(erf) = vrcp.f32 v3;
	_ =	sdelay $0x8  }
0x353: {  	v3 =	vpop (erf)  }
0x354: {  	v3 =	vmax.f32 v3, $1.000000010e-07  }
0x355: {  	v3 =	vmin.f32 v3, $9.999998800e-01  }
0x356: {  	[tilespmem:$0x10260] =	vst v3  }
0x357: {  	_ =	swait.ge [sflag:s18], $0x8000  }
0x358: {  	[sflag:s18] =	ssyncset.done $0x0  }
0x359: {  	s31 =	simm.s32 $0x0;
	s22 =	simm.s32 $0x8000;
	[sflag:s18] =	ssyncadd.s32 $0xFFFF8000  }
0x35a: {  	s21 =	sand.u32 $0x7F0, s31;
	v3 =	vld [tilespmem:s22+$0x0]  }
0x35b: {  	v5 =	vld [tilespmem:s21+$0xF800]  }
0x35c: {  	v6 =	vld [tilespmem:s21+$0x8800]  }
0x35d: {  	v7 =	vld [tilespmem:s21+$0x9000]  }
0x35e: {  	v8 =	vld [tilespmem:s21+$0x9800]  }
0x35f: {  	v9 =	vld [tilespmem:s21+$0xA000]  }
0x360: {  	v33 =	vimm.s32 $0x0;
	v32 =	vimm.s32 $0x0  }
0x361: {  	v34 =	vimm.s32 $0x0;
	v31 =	vimm.s32 $0x0;
	v29 =	vimm.s32 $0x0;
	v10 =	vld [tilespmem:s21+$0xA800]  }
0x362: {  	v30 =	vimm.s32 $0x0;
	v25 =	vimm.s32 $0x0;
	v28 =	vld [tilespmem:s21+$0xD000];
	v4 =	vshra.s32 v3, $0x1  }
0x363: {  	v26 =	vadd.s32 v25, v3;
	v3 =	vshra.s32 v5, $0x1;
	v24 =	vadd.s32 v25, v6  }
0x364: {  	v27 =	vld [tilespmem:s21+$0xC800];
	v21 =	vadd.s32 v25, v7;
	v19 =	vadd.s32 v25, v8;
	v17 =	vadd.s32 v25, v9  }
0x365: {  	v23 =	vadd.s32 v25, v4;
	v4 =	vadd.s32 v25, v5;
	v5 =	vshra.s32 v6, $0x1;
	v6 =	vld [tilespmem:s21+$0xB000]  }
0x366: {  	v12 =	vld [tilespmem:s21+$0xB800];
	v15 =	vadd.s32 v25, v10;
	v22 =	vadd.s32 v25, v5;
	v5 =	vshra.s32 v7, $0x1  }
0x367: {  	v40 =	vshra.s32 v28, $0x1;
	v7 =	vld [tilespmem:s21+$0xC000];
	v20 =	vadd.s32 v25, v5;
	v5 =	vshra.s32 v8, $0x1  }
0x368: {  	v3 =	vadd.s32 v25, v3;
	v18 =	vadd.s32 v25, v5;
	v5 =	vshra.s32 v9, $0x1  }
0x369: {  	v9 =	vadd.s32 v25, v27;
	v16 =	vadd.s32 v25, v5;
	v5 =	vshra.s32 v10, $0x1  }
0x36a: {  	v38 =	vld [tilespmem:s21+$0xD800];
	v13 =	vadd.s32 v25, v5;
	v5 =	vshra.s32 v6, $0x1;
	v14 =	vadd.s32 v25, v6  }
0x36b: {  	v37 =	vld [tilespmem:s21+$0xE000];
	v6 =	vadd.s32 v25, v28;
	v11 =	vadd.s32 v25, v5;
	v5 =	vshra.s32 v12, $0x1  }
0x36c: {  	v36 =	vld [tilespmem:s21+$0xE800];
	v28 =	vimm.s32 $0x0;
	v8 =	vadd.s32 v25, v5;
	v5 =	vshra.s32 v7, $0x1  }
0x36d: {  	s23 =	simm.s32 $0x10;
	v35 =	vld [tilespmem:s21+$0xF000];
	s22 =	simm.s32 $0x8010;
	v10 =	vadd.s32 v25, v7;
	v7 =	vadd.s32 v25, v5;
	v5 =	vshra.s32 v27, $0x1  }
0x36e: {  	v39 =	vld [tilespmem:s22+$0x0];
	s21 =	sand.u32 $0x7F0, s23;
	s23 =	simm.s32 $0x20;
	v12 =	vadd.s32 v25, v12;
	v27 =	vimm.s32 $0x0;
	v5 =	vadd.s32 v25, v5  }
.LBB2_16:
0x36f: {  	p0 =	sne.s32 s23, $0x7F0;
	v41 =	vld [tilespmem:s21+$0xF800];
	v25 =	vadd.s32 v25, v40;
	v34 =	vadd.s32 v34, v38;
	v38 =	vshra.s32 v38, $0x1  }
0x370: {  	v40 =	vld [tilespmem:s21+$0x8800];
	v32 =	vadd.s32 v32, v38;
	v33 =	vadd.s32 v33, v37;
	v37 =	vshra.s32 v37, $0x1  }
0x371: {  	v38 =	vld [tilespmem:s21+$0x9000];
	v31 =	vadd.s32 v31, v37;
	v30 =	vadd.s32 v30, v36;
	v36 =	vshra.s32 v36, $0x1  }
0x372: {  	v37 =	vld [tilespmem:s21+$0x9800];
	v29 =	vadd.s32 v29, v36;
	v28 =	vadd.s32 v28, v35;
	v35 =	vshra.s32 v35, $0x1  }
0x373: {  	v26 =	vadd.s32 v26, v39;
	v36 =	vshra.s32 v39, $0x1;
	v39 =	vld [tilespmem:s21+$0xA000];
	v27 =	vadd.s32 v27, v35  }
0x374: {  	v23 =	vadd.s32 v23, v36;
	v35 =	vld [tilespmem:s21+$0xA800];
	v4 =	vadd.s32 v4, v41;
	v36 =	vshra.s32 v41, $0x1  }
0x375: {  	v24 =	vadd.s32 v24, v40;
	v40 =	vshra.s32 v40, $0x1;
	v41 =	vld [tilespmem:s21+$0xB000];
	v3 =	vadd.s32 v3, v36  }
0x376: {  	v22 =	vadd.s32 v22, v40;
	v21 =	vadd.s32 v21, v38;
	v36 =	vshra.s32 v38, $0x1;
	v40 =	vld [tilespmem:s21+$0xB800]  }
0x377: {  	v20 =	vadd.s32 v20, v36;
	v19 =	vadd.s32 v19, v37;
	v36 =	vshra.s32 v37, $0x1;
	v42 =	vld [tilespmem:s21+$0xC000]  }
0x378: {  	v18 =	vadd.s32 v18, v36;
	v17 =	vadd.s32 v17, v39;
	v36 =	vshra.s32 v39, $0x1;
	v39 =	vld [tilespmem:s21+$0xC800]  }
0x379: {  	v16 =	vadd.s32 v16, v36;
	v15 =	vadd.s32 v15, v35;
	v35 =	vshra.s32 v35, $0x1;
	v43 =	vld [tilespmem:s21+$0xD000]  }
.Ltmp7:
0x37a: {  	v13 =	vadd.s32 v13, v35;
	v14 =	vadd.s32 v14, v41;
	v35 =	vshra.s32 v41, $0x1;
	v38 =	vld [tilespmem:s21+$0xD800];
	(pc) =	sbr.rel @p0 .LBB2_16-.Ltmp7, $4  }
0x37b: {  	v11 =	vadd.s32 v11, v35;
	v12 =	vadd.s32 v12, v40;
	v35 =	vshra.s32 v40, $0x1;
	v37 =	vld [tilespmem:s21+$0xE000]  }
0x37c: {  	v8 =	vadd.s32 v8, v35;
	v10 =	vadd.s32 v10, v42;
	v35 =	vshra.s32 v42, $0x1;
	v36 =	vld [tilespmem:s21+$0xE800]  }
0x37d: {  	s22 =	sadd.s32 $0x10, s22;
	v7 =	vadd.s32 v7, v35;
	v9 =	vadd.s32 v9, v39;
	v40 =	vshra.s32 v39, $0x1;
	v35 =	vld [tilespmem:s21+$0xF000]  }
0x37e: {  	s21 =	sand.u32 $0x7F0, s23;
	s23 =	sadd.s32 $0x10, s23;
	v39 =	vld [tilespmem:s22+$0x0];
	v5 =	vadd.s32 v5, v40;
	v6 =	vadd.s32 v6, v43;
	v40 =	vshra.s32 v43, $0x1  }
0x37f: {  	_ = 	snop  }
0x380: {  	v41 =	vld [tilespmem:s21+$0x8800]  }
0x381: {  	v42 =	vld [tilespmem:s21+$0x9000]  }
0x382: {  	v57 =	vld [tilespmem:s21+$0x9800]  }
0x383: {  	v25 =	vadd.s32 v25, v40;
	v60 =	vld [tilespmem:s21+$0xA000];
	v26 =	vadd.s32 v26, v39;
	v55 =	vshra.s32 v39, $0x1  }
0x384: {  	v34 =	vadd.s32 v34, v38;
	v56 =	vshra.s32 v38, $0x1;
	v61 =	vld [tilespmem:s21+$0xF800];
	v23 =	vadd.s32 v23, v55;
	(xrf0) =	vadd.scan.msk.s32 $0xffff, v26  }
0x385: {  	v38 =	vld [tilespmem:s21+$0xB000];
	v59 =	vshra.s32 v37, $0x1;
	v24 =	vadd.s32 v24, v41;
	v58 =	vshra.s32 v41, $0x1;
	(xrf0) =	vadd.scan.msk.s32 $0xffff, v23  }
0x386: {  	v43 =	vld [tilespmem:s21+$0xC000];
	v31 =	vadd.s32 v31, v59;
	v63 =	vshra.s32 v36, $0x1;
	v22 =	vadd.s32 v22, v58;
	(xrf0) =	vadd.scan.msk.s32 $0xffff, v24  }
0x387: {  	v47 =	vld [tilespmem:s21+$0xC800];
	v26 =	vadd.s32 v32, v56;
	v21 =	vadd.s32 v21, v42;
	v62 =	vshra.s32 v42, $0x1;
	(xrf0) =	vadd.scan.msk.s32 $0xffff, v22  }
0x388: {  	v19 =	vadd.s32 v19, v57;
	v20 =	vadd.s32 v20, v62;
	v22 =	vadd.s32 v30, v36;
	v36 =	vld [tilespmem:s21+$0xA800];
	(xrf0) =	vadd.scan.msk.s32 $0xffff, v21  }
0x389: {  	v49 =	vld [tilespmem:s21+$0xD000];
	v40 =	vshra.s32 v57, $0x1;
	v41 =	vshra.s32 v35, $0x1;
	v17 =	vadd.s32 v17, v60;
	(xrf0) =	vadd.scan.msk.s32 $0xffff, v20  }
0x38a: {  	v52 =	vld [tilespmem:s21+$0xD800];
	v44 =	vshra.s32 v60, $0x1;
	v4 =	vadd.s32 v4, v61;
	v18 =	vadd.s32 v18, v40;
	v30, _, _ =	vpop (xrf0);
	(xrf0) =	vadd.scan.msk.s32 $0xffff, v19  }
0x38b: {  	v46 =	vshra.s32 v61, $0x1;
	v14 =	vadd.s32 v14, v38;
	v51 =	vshra.s32 v38, $0x1;
	v45, _, _ =	vpop (xrf0);
	(xrf0) =	vadd.scan.msk.s32 $0xffff, v18  }
0x38c: {  	v42 =	vld [tilespmem:s21+$0xB800];
	v10 =	vadd.s32 v10, v43;
	v16 =	vadd.s32 v16, v44;
	v20 =	vadd.s32 v28, v35;
	v28, _, _ =	vpop (xrf0);
	(xrf0) =	vadd.scan.msk.s32 $0xffff, v17  }
0x38d: {  	v55 =	vld [tilespmem:s21+$0xE000];
	v56 =	vshra.s32 v43, $0x1;
	v15 =	vadd.s32 v15, v36;
	v48 =	vshra.s32 v36, $0x1;
	v50, _, _ =	vpop (xrf0);
	(xrf0) =	vadd.scan.msk.s32 $0xffff, v16  }
0x38e: {  	v57 =	vld [tilespmem:s21+$0xE800];
	v9 =	vadd.s32 v9, v47;
	v6 =	vadd.s32 v6, v49;
	v13 =	vadd.s32 v13, v48;
	v53, _, _ =	vpop (xrf0);
	(xrf0) =	vadd.scan.msk.s32 $0xffff, v15  }
0x38f: {  	v60 =	vld [tilespmem:s21+$0xF000];
	v61 =	vshra.s32 v49, $0x1;
	v34 =	vadd.s32 v34, v52;
	v23 =	vadd.s32 v33, v37;
	v32, _, _ =	vpop (xrf0);
	(xrf0) =	vadd.scan.msk.s32 $0xffff, v13  }
0x390: {  	v3 =	vadd.s32 v3, v46;
	v11 =	vadd.s32 v11, v51;
	v19 =	vadd.s32 v27, v41;
	v27, _, _ =	vpop (xrf0);
	(xrf0) =	vadd.scan.msk.s32 $0xffff, v14  }
0x391: {  	v58 =	vshra.s32 v47, $0x1;
	v12 =	vadd.s32 v12, v42;
	v54 =	vshra.s32 v42, $0x1;
	v59, _, _ =	vpop (xrf0);
	(xrf0) =	vadd.scan.msk.s32 $0xffff, v11  }
0x392: {  	v7 =	vadd.s32 v7, v56;
	v5 =	vadd.s32 v5, v58;
	v8 =	vadd.s32 v8, v54;
	v62, _, _ =	vpop (xrf0);
	(xrf0) =	vadd.scan.msk.s32 $0xffff, v12  }
0x393: {  	v21 =	vadd.s32 v29, v63;
	v63 =	vadd.s32 v25, v61;
	v38 =	vadd.s32 v23, v55;
	v36, _, _ =	vpop (xrf0);
	(xrf0) =	vadd.scan.msk.s32 $0xffff, v8  }
0x394: {  	v47 =	vshra.s32 v60, $0x1;
	v41 =	vadd.s32 v22, v57;
	v51 =	vadd.s32 v20, v60;
	v39, _, _ =	vpop (xrf0);
	(xrf0) =	vadd.scan.msk.s32 $0xffff, v10  }
0x395: {  	v44 =	vbroadcast v30, $0xF;
	v17 =	vshra.s32 v52, $0x1;
	v45 =	vbroadcast v45, $0xF;
	v42, _, _ =	vpop (xrf0);
	(xrf0) =	vadd.scan.msk.s32 $0xffff, v7  }
0x396: {  	v37 =	vadd.s32 v26, v17;
	v16 =	vshra.s32 v55, $0x1;
	v48 =	vbroadcast v28, $0xF;
	v46, _, _ =	vpop (xrf0);
	(xrf0) =	vadd.scan.msk.s32 $0xffff, v9  }
0x397: {  	v40 =	vadd.s32 v31, v16;
	v15 =	vshra.s32 v57, $0x1;
	v49 =	vbroadcast v50, $0xF;
	v50, _, _ =	vpop (xrf0);
	(xrf0) =	vadd.scan.msk.s32 $0xffff, v5  }
0x398: {  	v43 =	vadd.s32 v21, v15;
	v52 =	vbroadcast v53, $0xF;
	v56 =	vbroadcast v32, $0xF;
	v53, _, _ =	vpop (xrf0);
	(xrf0) =	vadd.scan.msk.s32 $0xffff, v6  }
0x399: {  	v54 =	vsel vm0, v44, v48;
	v55 =	vsel vm0, v45, v49;
	v59 =	vbroadcast v59, $0xF;
	v57, _, _ =	vpop (xrf0);
	(xrf0) =	vadd.scan.msk.s32 $0xffff, v63  }
0x39a: {  	v58 =	vbroadcast v27, $0xF;
	v61 =	vsel vm1, v55, v56;
	v62 =	vbroadcast v62, $0xF;
	v60, _, _ =	vpop (xrf0);
	(xrf0) =	vadd.scan.msk.s32 $0xffff, v34  }
0x39b: {  	v26 =	vsel vm2, v61, v59;
	v27 =	vbroadcast v39, $0xF;
	v9 =	vadd.s32 v19, v47;
	v24, _, _ =	vpop (xrf0);
	(xrf0) =	vadd.scan.msk.s32 $0xffff, v37  }
0x39c: {  	v29 =	vbroadcast v42, $0xF;
	v6 =	vsel vm1, v54, v52;
	v63 =	vbroadcast v36, $0xF;
	v28, _, _ =	vpop (xrf0);
	(xrf0) =	vadd.scan.msk.s32 $0xffff, v38  }
0x39d: {  	v32 =	vbroadcast v46, $0xF;
	v33 =	vbroadcast v50, $0xF;
	v6 =	vsel vm2, v6, v58;
	v31, _, _ =	vpop (xrf0);
	(xrf0) =	vadd.scan.msk.s32 $0xffff, v40  }
0x39e: {  	v35 =	vbroadcast v53, $0xF;
	v6 =	vsel vm3, v6, v62;
	v8 =	vsel vm3, v26, v63;
	v34, _, _ =	vpop (xrf0);
	(xrf0) =	vadd.scan.msk.s32 $0xffff, v41  }
0x39f: {  	v36 =	vbroadcast v57, $0xF;
	v6 =	vsel vm4, v6, v27;
	v8 =	vsel vm4, v8, v29;
	v37, _, _ =	vpop (xrf0);
	(xrf0) =	vadd.scan.msk.s32 $0xffff, v43  }
0x3a0: {  	v39 =	vbroadcast v60, $0xF;
	v6 =	vsel vm5, v6, v32;
	v38 =	vsel vm5, v8, v33;
	v40, _, _ =	vpop (xrf0);
	(xrf0) =	vadd.scan.msk.s32 $0xffff, v51  }
0x3a1: {  	v42 =	vbroadcast v24, $0xF;
	v6 =	vsel vm6, v6, v35;
	v7 =	vsel vm6, v38, v36;
	v41, _, _ =	vpop (xrf0)  }
0x3a2: {  	v6 =	vsel vm7, v6, v39;
	v44 =	vbroadcast v31, $0xF;
	v43 =	vbroadcast v28, $0xF;
	(xrf0) =	vadd.scan.msk.s32 $0xffff, v9;
	v45, _, _ =	vpop (xrf0)  }
0x3a3: {  	v7 =	vsel vm7, v7, v42;
	v46 =	vbroadcast v34, $0xF;
	v47 =	vbroadcast v37, $0xF;
	(xrf0) =	vadd.scan.msk.s32 $0xffff, v4;
	v48, _, _ =	vpop (xrf0)  }
0x3a4: {  	v7 =	vsel vm8, v7, v44;
	v6 =	vsel vm8, v6, v43;
	v50 =	vbroadcast v40, $0xF;
	v49, _, _ =	vpop (xrf0)  }
0x3a5: {  	v6 =	vsel vm9, v6, v46;
	v7 =	vsel vm9, v7, v47;
	v51 =	vbroadcast v45, $0xF;
	(xrf0) =	vadd.scan.msk.s32 $0xffff, v3;
	v52, _, _ =	vpop (xrf0)  }
0x3a6: {  	v5 =	vbroadcast v41, $0xF;
	v6 =	vsel vm10, v6, v50;
	v4 =	vbroadcast v49, $0xF;
	v53, _, _ =	vpop (xrf0)  }
0x3a7: {  	v54 =	vbroadcast v48, $0xF;
	v6 =	vsel vm11, v6, v51;
	v3 =	vbroadcast v53, $0xF  }
0x3a8: {  	v5 =	vsel vm10, v7, v5;
	v56 =	vbroadcast v52, $0xF;
	v55, _, _ =	vpop (xrf0);
	v4 =	vsel vm12, v6, v4  }
0x3a9: {  	v5 =	vsel vm11, v5, v54;
	v57, _, _ =	vpop (xrf0);
	v58 =	vbroadcast v55, $0xF;
	v3 =	vsel vm13, v4, v3  }
0x3aa: {  	v5 =	vsel vm12, v5, v56;
	v3 =	vsel vm14, v3, v57  }
0x3ab: {  	v59, _, _ =	vpop (xrf0);
	v4 =	vsel vm13, v5, v58;
	v3 =	vcvt.s32.f32 v3  }
0x3ac: {  	v4 =	vsel vm14, v4, v59  }
0x3ad: {  	v4 =	vcvt.s32.f32 v4;
	v60 =	vsub.f32 $2.048000000e+03, v3;
	_ =	sdelay $0x1  }
0x3ae: {  	v5 =	vadd.f32 v4, v60;
	_ =	sdelay $0x1  }
0x3af: {  	v5 =	vmul.f32 $4.882812500e-04, v5;
	_ =	sdelay $0x1  }
0x3b0: {  	v61 =	vadd.f32 v5, v5;
	_ =	sdelay $0x1  }
0x3b1: {  	v6 =	vsub.f32 $0.0e+00, v61;
	_ =	sdelay $0x1  }
0x3b2: {  	v6 =	vmul.f32 $1.442695020e+00, v6;
	_ =	sdelay $0x1  }
0x3b3: {  	(erf) = vpow2.f32 v6;
	_ =	sdelay $0x8  }
0x3b4: {  	v6 =	vpop (erf)  }
0x3b5: {  	v6 =	vadd.f32 $1.000000000e+00, v6;
	_ =	sdelay $0x1  }
0x3b6: {  	v3 =	vsub.f32 v3, v4;
	(erf) = vrcp.f32 v6;
	_ =	sdelay $0x1  }
0x3b7: {  	v3 =	vsub.f32 v3, v4;
	_ =	sdelay $0x1  }
0x3b8: {  	v3 =	vmul.f32 $4.882812500e-04, v3  }
0x3b9: {  	v4 =	vmul.f32 $4.882812500e-04, v4  }
0x3ba: {  	v1 =	vmul.f32 v5, v1;
	v2 =	vmul.f32 v3, v2;
	_ =	sdelay $0x1  }
0x3bb: {  	v0 =	vmul.f32 v4, v0;
	v1 =	vadd.f32 v2, v1  }
0x3bc: {  	v62 =	vpop (erf)  }
0x3bd: {  	v0 =	vadd.f32 v1, v0;
	v63 =	vadd.f32 $1.000000000e+00, v62;
	_ =	sdelay $0x1  }
0x3be: {  	v0 =	vmul.f32 v63, v0;
	_ =	sdelay $0x1  }
0x3bf: {  	v0 =	vsub.f32 $0.0e+00, v0;
	_ =	sdelay $0x1  }
0x3c0: {  	v0 =	vmul.f32 $1.442695020e+00, v0;
	_ =	sdelay $0x1  }
0x3c1: {  	(erf) = vpow2.f32 v0;
	_ =	sdelay $0x8  }
0x3c2: {  	v0 =	vpop (erf)  }
0x3c3: {  	v0 =	vadd.f32 $1.000000000e+00, v0;
	_ =	sdelay $0x1  }
0x3c4: {  	(erf) = vrcp.f32 v0;
	_ =	sdelay $0x8  }
0x3c5: {  	v0 =	vpop (erf)  }
0x3c6: {  	s20 =	sadd.s32 $0x1, s20;
	v0 =	vmax.f32 v0, $1.000000010e-07  }
0x3c7: {  	p0 =	sne.s32 s20, s13;
	v0 =	vmin.f32 v0, $9.999998800e-01  }
.Ltmp8:
0x3c8: {  	[tilespmem:$0x10270] =	vst v0;
	(pc) =	sbr.rel @p0 .LBB2_1-.Ltmp8, $4  }
0x3c9: {  	[hbm4b:s12+s3] =	stream.linear.scatter [tilespmem:s19], [sflag:$0x3], $0x80, $0x38;
	[tilespmem:$0x10280] =	vst v63  }
0x3ca: {  	_ =	swait.ge [sflag:s15], $0x80  }
0x3cb: {  	[sflag:s15] =	ssyncset.done $0x0  }
0x3cc: {  	[sflag:s15] =	ssyncadd.s32 $0xFFFFFF80  }
0x3cd: {  	_ =	sfence.sel $0x180000  }
0x3ce: {  	[bflag:$0x0] =	sbarrier.arrive $0xFFFF  }
0x3cf: {  	p0 =	sne.s32 s2, $0x0;
	_ =	strace $0x90000047  }
0x3d0: {  	s0 =	sadd.s32 @!p0 $0x100000, s0;
	[bflag:$0x2] =	sbarrier.arrive $0xFFFF  }
0x3d1: {  	[sflag:s0] =	ssyncadd.tile.s32 @!p0 $0x1;
	_ =	shalt  }
.Lfunc_end2:
_tile_overlayer_lowered:
.L_overlay_start_2:
0x3d2: {  	(tag) =	ssettag $0x2  }
0x3d3: {  	s0 =	rddreg [dreg:$0x0];
	s2 =	stileid.u32  }
0x3d4: {  	s1 =	rddreg [dreg:$0x1];
	p0 =	sne.s32 s2, $0x0  }
0x3d5: {  	s3 =	rddreg [dreg:$0x2];
	[bflag:$0x3] =	sbarrier.arrive $0xFFFF;
	s2 =	simm.s32 @!p0 $0x1C03  }
0x3d6: {  	[timem:s3], [sflag:s2] =	dma.local @!p0 [hbm:s0], s1  }
0x3d7: {  	s0 =	simm.s32 @!p0 $0x3  }
0x3d8: {  	_ =	swait.ge @!p0 [sflag:s0], s1  }
0x3d9: {  	s1 =	ssub.s32 @!p0 $0x0, s1;
	[sflag:s0] =	ssyncset.done @!p0 $0x0  }
0x3da: {  	[sflag:s0] =	ssyncadd.s32 @!p0 s1  }
0x3db: {  	[bflag:$0x3] =	sbarrier.arrive $0xFFFF  }
0x3dc: {  	_ =	shalt  }

</sc_bundles>
